<compile_context>
chip_gen: v7x
topology: tpu7x:2x2x1
jax: 0.10.2.dev20260603
libtpu: 0.0.44.dev20260713+nightly
codegen_flags: <defaults>
</compile_context>

<pallas_src>
import functools

import jax
import jax.numpy as jnp
from jax import lax
from jax.experimental import pallas as pl
from jax.experimental.pallas import tpu as pltpu
from jax.experimental.pallas import tpu_sc as plsc

EPS = 1e-15
MIN_NORM = 1e-15
R = 2.0
T = 1.0

NC, NS, L = 2, 16, 16
NW = NC * NS
D = 128
CHUNK = 80
GROUPS = CHUNK // L
CPB = 50


def _sc_dots(n_edges):
    e_per_w = n_edges // NW
    rows_per_w = e_per_w // CHUNK
    n_blocks = rows_per_w // CPB
    assert e_per_w % CHUNK == 0 and rows_per_w % CPB == 0
    BLK = CPB * CHUNK

    mesh = plsc.VectorSubcoreMesh(core_axis_name="c", subcore_axis_name="s")

    @functools.partial(
        pl.kernel,
        out_type=[jax.ShapeDtypeStruct((n_edges,), jnp.float32)] * 3,
        mesh=mesh,
        compiler_params=pltpu.CompilerParams(needs_layout_passes=False),
        scratch_types=[
            pltpu.VMEM((BLK,), jnp.int32),
            pltpu.VMEM((BLK,), jnp.int32),
            pltpu.VMEM((CHUNK, D), jnp.float32),
            pltpu.VMEM((CHUNK, D), jnp.float32),
            pltpu.VMEM((CHUNK, D), jnp.float32),
            pltpu.VMEM((CHUNK, D), jnp.float32),
            pltpu.VMEM((BLK,), jnp.float32),
            pltpu.VMEM((BLK,), jnp.float32),
            pltpu.VMEM((BLK,), jnp.float32),
            pltpu.SemaphoreType.DMA,
            pltpu.SemaphoreType.DMA,
        ],
    )
    def body(z_hbm, ei_hbm, ej_hbm, x2_hbm, y2_hbm, xy_hbm,
             idx_i, idx_j, ri0, ri1, rj0, rj1, sx2, sy2, sxy, sem0, sem1):
        wid = lax.axis_index("s") * NC + lax.axis_index("c")
        wbase = wid * e_per_w

        def compute_chunk(ri, rj, row):
            def group_body(g, gcarry):
                lanes = lax.iota(jnp.int32, L)
                e_idx = g * L + lanes
                st = pl.ds(row * CHUNK + g * L, L)
                rot = [(lanes + dd) & (L - 1) for dd in range(L)]
                axy = [jnp.zeros((L,), jnp.float32) for _ in range(4)]
                axx = [jnp.zeros((L,), jnp.float32) for _ in range(4)]
                ayy = [jnp.zeros((L,), jnp.float32) for _ in range(4)]
                for d in range(D):
                    k = d & 3
                    d_idx = (d & ~(L - 1)) + rot[d & (L - 1)]
                    xi = plsc.load_gather(ri, [e_idx, d_idx])
                    xj = plsc.load_gather(rj, [e_idx, d_idx])
                    axy[k] = axy[k] + xi * xj
                    axx[k] = axx[k] + xi * xi
                    ayy[k] = ayy[k] + xj * xj
                sxy[st] = (axy[0] + axy[1]) + (axy[2] + axy[3])
                sx2[st] = (axx[0] + axx[1]) + (axx[2] + axx[3])
                sy2[st] = (ayy[0] + ayy[1]) + (ayy[2] + ayy[3])
                return gcarry

            lax.fori_loop(0, GROUPS, group_body, 0)

        def chunk_copies(ri, rj, row):
            sl_i = idx_i.at[pl.ds(row * CHUNK, CHUNK)]
            sl_j = idx_j.at[pl.ds(row * CHUNK, CHUNK)]
            return (
                (z_hbm.at[sl_i], ri),
                (z_hbm.at[sl_j], rj),
            )

        def gather_chunk(ri, rj, row, sem):
            for src, dst in chunk_copies(ri, rj, row):
                pltpu.async_copy(src, dst, sem)

        def wait_chunk(ri, rj, row, sem):
            for src, dst in chunk_copies(ri, rj, row):
                pltpu.make_async_copy(src, dst, sem).wait()

        def blk_body(b, carry):
            base = wbase + b * BLK
            pltpu.sync_copy(ei_hbm.at[pl.ds(base, BLK)], idx_i)
            pltpu.sync_copy(ej_hbm.at[pl.ds(base, BLK)], idx_j)
            gather_chunk(ri0, rj0, 0, sem0)

            def pair_body(t, pcarry):
                r0 = 2 * t
                r1 = r0 + 1
                gather_chunk(ri1, rj1, r1, sem1)
                wait_chunk(ri0, rj0, r0, sem0)
                compute_chunk(ri0, rj0, r0)

                @pl.when(t < CPB // 2 - 1)
                def _():
                    gather_chunk(ri0, rj0, r0 + 2, sem0)

                wait_chunk(ri1, rj1, r1, sem1)
                compute_chunk(ri1, rj1, r1)
                return pcarry

            lax.fori_loop(0, CPB // 2, pair_body, 0)
            pltpu.sync_copy(sx2, x2_hbm.at[pl.ds(base, BLK)])
            pltpu.sync_copy(sy2, y2_hbm.at[pl.ds(base, BLK)])
            pltpu.sync_copy(sxy, xy_hbm.at[pl.ds(base, BLK)])
            return carry

        lax.fori_loop(0, n_blocks, blk_body, 0)

    return body


def _tc_loss_kernel(n_pos_rows, n_pos, n_neg, alpha,
                    x2_ref, y2_ref, xy_ref, out_ref):
    x2 = x2_ref[...]
    y2 = y2_ref[...]
    dot = xy_ref[...]
    a = (1.0 + y2) - 2.0 * dot
    b = 1.0 - x2
    num2 = jnp.maximum(a * a * x2 - 2.0 * a * b * dot + b * b * y2, 0.0)
    den = jnp.maximum((1.0 + x2 * y2) - 2.0 * dot, MIN_NORM)
    norm = jnp.sqrt(num2) / den
    u = jnp.clip(norm, -1.0 + 1e-7, 1.0 - 1e-7)
    dist = jnp.log1p(u) - jnp.log1p(-u)
    d2 = dist * dist
    prob = 1.0 / (jnp.exp((d2 - R) / T) + 1.0)
    pos_terms = -jnp.log(prob + EPS)
    neg_terms = -jnp.log((1.0 - prob) + EPS)
    pos_sum = jnp.sum(pos_terms[:n_pos_rows, :])
    neg_sum = jnp.sum(neg_terms[n_pos_rows:, :])
    out_ref[0, 0] = pos_sum * (alpha / n_pos) + neg_sum / n_neg


def kernel(z, pos_edge_index, neg_edge_index):
    n_pos = pos_edge_index.shape[1]
    n_neg = neg_edge_index.shape[1]
    alpha = n_neg / n_pos
    pe = pos_edge_index.astype(jnp.int32)
    ne = neg_edge_index.astype(jnp.int32)
    n_edges = n_pos + n_neg
    ei = jnp.concatenate([pe[0], ne[0]])
    ej = jnp.concatenate([pe[1], ne[1]])

    zf = z.astype(jnp.float32)

    x2, y2, xy = _sc_dots(n_edges)(zf, ei, ej)

    tc_rows = n_edges // D
    n_pos_rows = n_pos // D
    out = pl.pallas_call(
        functools.partial(_tc_loss_kernel, n_pos_rows, n_pos, n_neg, alpha),
        out_shape=jax.ShapeDtypeStruct((1, 1), jnp.float32),
        out_specs=pl.BlockSpec(memory_space=pltpu.SMEM),
    )(x2.reshape(tc_rows, D), y2.reshape(tc_rows, D), xy.reshape(tc_rows, D))
    return out[0, 0]

# --- scband reference (transcript-rebuilt; emitter-appended) ---
"""Pipeline reference for scband-recon-loss-87797721465129 (READ-ONLY COPY).

The authoritative reference and input builder live on the scoring server;
editing this copy changes nothing except your own understanding.
"""

import jax, jax.numpy as jnp
import numpy as np

EPS = 1e-15
MIN_NORM = 1e-15
R = 2.0
T = 1.0


def artanh(x):
    x = jnp.clip(x, -1.0 + 1e-7, 1.0 - 1e-7)
    return 0.5 * (jnp.log1p(x) - jnp.log1p(-x))


def mobius_add(x, y, c):
    x2 = jnp.sum(x * x, axis=-1, keepdims=True)
    y2 = jnp.sum(y * y, axis=-1, keepdims=True)
    xy = jnp.sum(x * y, axis=-1, keepdims=True)
    num = (1.0 + 2.0 * c * xy + c * y2) * x + (1.0 - c * x2) * y
    denom = 1.0 + 2.0 * c * xy + (c ** 2) * x2 * y2
    return num / jnp.maximum(denom, MIN_NORM)


def poincare_sqdist(p1, p2, c):
    sqrt_c = c ** 0.5
    ma = mobius_add(-p1, p2, c)
    norm = jnp.linalg.norm(ma, ord=2, axis=-1)
    dist_c = artanh(sqrt_c * norm)
    dist = dist_c * 2.0 / sqrt_c
    return dist ** 2


def hyperdecoder(z, edge_index):
    # torch: F.embedding(edge_i, z) == z[edge_i]  (SparseCore gather)
    z_i = jnp.take(z, edge_index[0], axis=0)
    z_j = jnp.take(z, edge_index[1], axis=0)
    dist = poincare_sqdist(z_i, z_j, 1.0)
    # Fermi-Dirac decoder
    return 1.0 / (jnp.exp((dist - R) / T) + 1.0)


def setup_inputs(seed: int = 0) -> dict:
    key = jax.random.key(seed)
    k1, k2, k3 = jax.random.split(key, 3)
    z = jax.random.normal(k1, (10000, 128), dtype=jnp.float32)
    pos_edge_index = jax.random.randint(k2, (2, 320000), 0, 10000)
    neg_edge_index = jax.random.randint(k3, (2, 320000), 0, 10000)
    return {"z": z, "pos_edge_index": pos_edge_index, "neg_edge_index": neg_edge_index}


def reference(z, pos_edge_index, neg_edge_index):
    pos_loss = -jnp.log(hyperdecoder(z, pos_edge_index) + EPS).mean()
    neg_loss = -jnp.log(1.0 - hyperdecoder(z, neg_edge_index) + EPS).mean()
    alpha = neg_edge_index.shape[1] / pos_edge_index.shape[1]
    return pos_loss * alpha + neg_loss

if __name__ == "__main__":
    import jax
    _d = setup_inputs()
    print(jax.jit(kernel)(*tuple(_d.values())))

</pallas_src>

<mosaic_0001>
#map = affine_map<(d0, d1) -> (0, 0)>
#map1 = affine_map<(d0, d1) -> (0)>
module attributes {stable_mosaic.version = 14 : i64} {
  func.func @body(%arg0: i32, %arg1: i32, %arg2: memref<10000x128xf32, #tpu.memory_space<hbm>>, %arg3: memref<640000xi32, #tpu.memory_space<hbm>>, %arg4: memref<640000xi32, #tpu.memory_space<hbm>>, %arg5: memref<640000xf32, #tpu.memory_space<hbm>>, %arg6: memref<640000xf32, #tpu.memory_space<hbm>>, %arg7: memref<640000xf32, #tpu.memory_space<hbm>>, %arg8: memref<4000xi32, #tpu.memory_space<vmem>>, %arg9: memref<4000xi32, #tpu.memory_space<vmem>>, %arg10: memref<80x128xf32, #tpu.memory_space<vmem>>, %arg11: memref<80x128xf32, #tpu.memory_space<vmem>>, %arg12: memref<80x128xf32, #tpu.memory_space<vmem>>, %arg13: memref<80x128xf32, #tpu.memory_space<vmem>>, %arg14: memref<4000xf32, #tpu.memory_space<vmem>>, %arg15: memref<4000xf32, #tpu.memory_space<vmem>>, %arg16: memref<4000xf32, #tpu.memory_space<vmem>>, %arg17: memref<!tpu.dma_semaphore, #tpu.memory_space<semaphore_mem>>, %arg18: memref<!tpu.dma_semaphore, #tpu.memory_space<semaphore_mem>>) attributes {dimension_semantics = [#tpu.dimension_semantics<core_parallel>, #tpu.dimension_semantics<subcore_parallel>], iteration_bounds = array<i64: 2, 16>, scalar_prefetch = 0 : i64, scratch_operands = 11 : i64, tpu.core_type = #tpu.core_type<sc_vector_subcore>, window_params = [{transform_indices = #map}, {transform_indices = #map1}, {transform_indices = #map1}, {transform_indices = #map1}, {transform_indices = #map1}, {transform_indices = #map1}]} {
    %mul3A = arith.constant 2 : i32
    %mul3A_0 = arith.muli %arg1, %mul3A : i32
    %add3A = arith.addi %mul3A_0, %arg0 : i32
    %mul3A_1 = arith.constant 20000 : i32
    %mul3A_2 = arith.muli %add3A, %mul3A_1 : i32
    %scan3A = arith.constant 0 : i32
    %scan3A_3 = arith.constant 0 : i32
    %scan3A_4 = arith.constant 5 : i32
    %scan3A_5 = arith.addi %scan3A_3, %scan3A_4 : i32
    %scan3A_6 = arith.constant 1 : i32
    scf.for %scan3A_8 = %scan3A_3 to %scan3A_5 step %scan3A_6  : i32 {
      %mul3A_9 = arith.constant 4000 : i32
      %mul3A_10 = arith.muli %scan3A_8, %mul3A_9 : i32
      %add3A_11 = arith.addi %mul3A_2, %mul3A_10 : i32
      "tpu.region"() ({
        %run_scoped3A = tpu.sem_alloc : memref<!tpu.dma_semaphore, #tpu.memory_space<semaphore_mem>>
        %dma_start3A_27 = tpu.memref_slice %arg3[%add3A_11] : memref<640000xi32, #tpu.memory_space<hbm>> -> memref<4000xi32, #tpu.memory_space<hbm>>
        %dma_start3A_28 = tpu.memref_slice %arg3[%add3A_11] : memref<640000xi32, #tpu.memory_space<hbm>> -> memref<4000xi32, #tpu.memory_space<hbm>>
        tpu.enqueue_dma source(%dma_start3A_28 : memref<4000xi32, #tpu.memory_space<hbm>>) target(%arg8 : memref<4000xi32, #tpu.memory_space<vmem>>) target_semaphore(%run_scoped3A : memref<!tpu.dma_semaphore, #tpu.memory_space<semaphore_mem>>)
        %dma_wait3A = tpu.memref_slice %arg3[%add3A_11] : memref<640000xi32, #tpu.memory_space<hbm>> -> memref<4000xi32, #tpu.memory_space<hbm>>
        %dma_wait3A_29 = tpu.memref_slice %arg3[%add3A_11] : memref<640000xi32, #tpu.memory_space<hbm>> -> memref<4000xi32, #tpu.memory_space<hbm>>
        tpu.wait_dma2 semaphore(%run_scoped3A : memref<!tpu.dma_semaphore, #tpu.memory_space<semaphore_mem>>) src(%dma_wait3A_29 : memref<4000xi32, #tpu.memory_space<hbm>>) dst(%arg8 : memref<4000xi32, #tpu.memory_space<vmem>>)
        tpu.yield
      }) : () -> ()
      "tpu.region"() ({
        %run_scoped3A = tpu.sem_alloc : memref<!tpu.dma_semaphore, #tpu.memory_space<semaphore_mem>>
        %dma_start3A_27 = tpu.memref_slice %arg4[%add3A_11] : memref<640000xi32, #tpu.memory_space<hbm>> -> memref<4000xi32, #tpu.memory_space<hbm>>
        %dma_start3A_28 = tpu.memref_slice %arg4[%add3A_11] : memref<640000xi32, #tpu.memory_space<hbm>> -> memref<4000xi32, #tpu.memory_space<hbm>>
        tpu.enqueue_dma source(%dma_start3A_28 : memref<4000xi32, #tpu.memory_space<hbm>>) target(%arg9 : memref<4000xi32, #tpu.memory_space<vmem>>) target_semaphore(%run_scoped3A : memref<!tpu.dma_semaphore, #tpu.memory_space<semaphore_mem>>)
        %dma_wait3A = tpu.memref_slice %arg4[%add3A_11] : memref<640000xi32, #tpu.memory_space<hbm>> -> memref<4000xi32, #tpu.memory_space<hbm>>
        %dma_wait3A_29 = tpu.memref_slice %arg4[%add3A_11] : memref<640000xi32, #tpu.memory_space<hbm>> -> memref<4000xi32, #tpu.memory_space<hbm>>
        tpu.wait_dma2 semaphore(%run_scoped3A : memref<!tpu.dma_semaphore, #tpu.memory_space<semaphore_mem>>) src(%dma_wait3A_29 : memref<4000xi32, #tpu.memory_space<hbm>>) dst(%arg9 : memref<4000xi32, #tpu.memory_space<vmem>>)
        tpu.yield
      }) : () -> ()
      %dma_start3A = arith.constant 0 : i32
      %dma_start3A_12 = tpu.memref_slice %arg8[%dma_start3A] : memref<4000xi32, #tpu.memory_space<vmem>> -> memref<80xi32, #tpu.memory_space<vmem>>
      %dma_start3A_13 = arith.constant 0 : i32
      %dma_start3A_14 = arith.constant 0 : i32
      %dma_start3A_15 = tpu.memref_slice %arg2[%dma_start3A_13, %dma_start3A_14] : memref<10000x128xf32, #tpu.memory_space<hbm>> -> memref<10000x128xf32, #tpu.memory_space<hbm>>
      tpu.enqueue_indirect_dma source(%dma_start3A_15 : memref<10000x128xf32, #tpu.memory_space<hbm>>) target(%arg10 : memref<80x128xf32, #tpu.memory_space<vmem>>) offsets(%dma_start3A_12 : memref<80xi32, #tpu.memory_space<vmem>>) semaphore(%arg17 : memref<!tpu.dma_semaphore, #tpu.memory_space<semaphore_mem>>)
      %dma_start3A_16 = arith.constant 0 : i32
      %dma_start3A_17 = tpu.memref_slice %arg9[%dma_start3A_16] : memref<4000xi32, #tpu.memory_space<vmem>> -> memref<80xi32, #tpu.memory_space<vmem>>
      %dma_start3A_18 = arith.constant 0 : i32
      %dma_start3A_19 = arith.constant 0 : i32
      %dma_start3A_20 = tpu.memref_slice %arg2[%dma_start3A_18, %dma_start3A_19] : memref<10000x128xf32, #tpu.memory_space<hbm>> -> memref<10000x128xf32, #tpu.memory_space<hbm>>
      tpu.enqueue_indirect_dma source(%dma_start3A_20 : memref<10000x128xf32, #tpu.memory_space<hbm>>) target(%arg12 : memref<80x128xf32, #tpu.memory_space<vmem>>) offsets(%dma_start3A_17 : memref<80xi32, #tpu.memory_space<vmem>>) semaphore(%arg17 : memref<!tpu.dma_semaphore, #tpu.memory_space<semaphore_mem>>)
      %scan3A_21 = arith.constant 0 : i32
      %scan3A_22 = arith.constant 0 : i32
      %scan3A_23 = arith.constant 25 : i32
      %scan3A_24 = arith.addi %scan3A_22, %scan3A_23 : i32
      %scan3A_25 = arith.constant 1 : i32
      scf.for %scan3A_27 = %scan3A_22 to %scan3A_24 step %scan3A_25  : i32 {
        %mul3A_28 = arith.constant 2 : i32
        %mul3A_29 = arith.muli %mul3A_28, %scan3A_27 : i32
        %add3A_30 = arith.constant 1 : i32
        %add3A_31 = arith.addi %mul3A_29, %add3A_30 : i32
        %mul3A_32 = arith.constant 80 : i32
        %mul3A_33 = arith.muli %add3A_31, %mul3A_32 : i32
        %mul3A_34 = arith.constant 80 : i32
        %mul3A_35 = arith.muli %add3A_31, %mul3A_34 : i32
        %dma_start3A_36 = tpu.memref_slice %arg8[%mul3A_33] : memref<4000xi32, #tpu.memory_space<vmem>> -> memref<80xi32, #tpu.memory_space<vmem>>
        %dma_start3A_37 = arith.constant 0 : i32
        %dma_start3A_38 = arith.constant 0 : i32
        %dma_start3A_39 = tpu.memref_slice %arg2[%dma_start3A_37, %dma_start3A_38] : memref<10000x128xf32, #tpu.memory_space<hbm>> -> memref<10000x128xf32, #tpu.memory_space<hbm>>
        tpu.enqueue_indirect_dma source(%dma_start3A_39 : memref<10000x128xf32, #tpu.memory_space<hbm>>) target(%arg11 : memref<80x128xf32, #tpu.memory_space<vmem>>) offsets(%dma_start3A_36 : memref<80xi32, #tpu.memory_space<vmem>>) semaphore(%arg18 : memref<!tpu.dma_semaphore, #tpu.memory_space<semaphore_mem>>)
        %dma_start3A_40 = tpu.memref_slice %arg9[%mul3A_35] : memref<4000xi32, #tpu.memory_space<vmem>> -> memref<80xi32, #tpu.memory_space<vmem>>
        %dma_start3A_41 = arith.constant 0 : i32
        %dma_start3A_42 = arith.constant 0 : i32
        %dma_start3A_43 = tpu.memref_slice %arg2[%dma_start3A_41, %dma_start3A_42] : memref<10000x128xf32, #tpu.memory_space<hbm>> -> memref<10000x128xf32, #tpu.memory_space<hbm>>
        tpu.enqueue_indirect_dma source(%dma_start3A_43 : memref<10000x128xf32, #tpu.memory_space<hbm>>) target(%arg13 : memref<80x128xf32, #tpu.memory_space<vmem>>) offsets(%dma_start3A_40 : memref<80xi32, #tpu.memory_space<vmem>>) semaphore(%arg18 : memref<!tpu.dma_semaphore, #tpu.memory_space<semaphore_mem>>)
        %mul3A_44 = arith.constant 80 : i32
        %mul3A_45 = arith.muli %mul3A_29, %mul3A_44 : i32
        %mul3A_46 = arith.constant 80 : i32
        %mul3A_47 = arith.muli %mul3A_29, %mul3A_46 : i32
        %dma_wait3A = tpu.memref_slice %arg8[%mul3A_45] : memref<4000xi32, #tpu.memory_space<vmem>> -> memref<80xi32, #tpu.memory_space<vmem>>
        %dma_wait3A_48 = arith.constant 0 : i32
        %dma_wait3A_49 = arith.constant 0 : i32
        %dma_wait3A_50 = tpu.memref_slice %arg2[%dma_wait3A_48, %dma_wait3A_49] : memref<10000x128xf32, #tpu.memory_space<hbm>> -> memref<10000x128xf32, #tpu.memory_space<hbm>>
        tpu.wait_indirect_dma semaphore(%arg17 : memref<!tpu.dma_semaphore, #tpu.memory_space<semaphore_mem>>) src(%dma_wait3A_50 : memref<10000x128xf32, #tpu.memory_space<hbm>>) dst(%arg10 : memref<80x128xf32, #tpu.memory_space<vmem>>)
        %dma_wait3A_51 = tpu.memref_slice %arg9[%mul3A_47] : memref<4000xi32, #tpu.memory_space<vmem>> -> memref<80xi32, #tpu.memory_space<vmem>>
        %dma_wait3A_52 = arith.constant 0 : i32
        %dma_wait3A_53 = arith.constant 0 : i32
        %dma_wait3A_54 = tpu.memref_slice %arg2[%dma_wait3A_52, %dma_wait3A_53] : memref<10000x128xf32, #tpu.memory_space<hbm>> -> memref<10000x128xf32, #tpu.memory_space<hbm>>
        tpu.wait_indirect_dma semaphore(%arg17 : memref<!tpu.dma_semaphore, #tpu.memory_space<semaphore_mem>>) src(%dma_wait3A_54 : memref<10000x128xf32, #tpu.memory_space<hbm>>) dst(%arg12 : memref<80x128xf32, #tpu.memory_space<vmem>>)
        %scan3A_55 = arith.constant 0 : i32
        %scan3A_56 = arith.constant 0 : i32
        %scan3A_57 = arith.constant 5 : i32
        %scan3A_58 = arith.addi %scan3A_56, %scan3A_57 : i32
        %scan3A_59 = arith.constant 1 : i32
        scf.for %scan3A_81 = %scan3A_56 to %scan3A_58 step %scan3A_59  : i32 {
          %iota3A = tpu.iota {dimensions = array<i32: 0>} : vector<16xi32>
          %mul3A_82 = arith.constant 16 : i32
          %mul3A_83 = arith.muli %scan3A_81, %mul3A_82 : i32
          %add3A_84 = vector.broadcast %mul3A_83 : i32 to vector<16xi32>
          %add3A_85 = arith.addi %add3A_84, %iota3A : vector<16xi32>
          %mul3A_86 = arith.constant 80 : i32
          %mul3A_87 = arith.muli %mul3A_29, %mul3A_86 : i32
          %mul3A_88 = arith.constant 16 : i32
          %mul3A_89 = arith.muli %scan3A_81, %mul3A_88 : i32
          %add3A_90 = arith.addi %mul3A_87, %mul3A_89 : i32
          %add3A_91 = arith.constant 0 : i32
          %add3A_92 = vector.broadcast %add3A_91 : i32 to vector<16xi32>
          %add3A_93 = arith.addi %iota3A, %add3A_92 : vector<16xi32>
          %and3A = arith.constant 15 : i32
          %and3A_94 = vector.broadcast %and3A : i32 to vector<16xi32>
          %and3A_95 = arith.andi %add3A_93, %and3A_94 : vector<16xi32>
          %add3A_96 = arith.constant 1 : i32
          %add3A_97 = vector.broadcast %add3A_96 : i32 to vector<16xi32>
          %add3A_98 = arith.addi %iota3A, %add3A_97 : vector<16xi32>
          %and3A_99 = arith.constant 15 : i32
          %and3A_100 = vector.broadcast %and3A_99 : i32 to vector<16xi32>
          %and3A_101 = arith.andi %add3A_98, %and3A_100 : vector<16xi32>
          %add3A_102 = arith.constant 2 : i32
          %add3A_103 = vector.broadcast %add3A_102 : i32 to vector<16xi32>
          %add3A_104 = arith.addi %iota3A, %add3A_103 : vector<16xi32>
          %and3A_105 = arith.constant 15 : i32
          %and3A_106 = vector.broadcast %and3A_105 : i32 to vector<16xi32>
          %and3A_107 = arith.andi %add3A_104, %and3A_106 : vector<16xi32>
          %add3A_108 = arith.constant 3 : i32
          %add3A_109 = vector.broadcast %add3A_108 : i32 to vector<16xi32>
          %add3A_110 = arith.addi %iota3A, %add3A_109 : vector<16xi32>
          %and3A_111 = arith.constant 15 : i32
          %and3A_112 = vector.broadcast %and3A_111 : i32 to vector<16xi32>
          %and3A_113 = arith.andi %add3A_110, %and3A_112 : vector<16xi32>
          %add3A_114 = arith.constant 4 : i32
          %add3A_115 = vector.broadcast %add3A_114 : i32 to vector<16xi32>
          %add3A_116 = arith.addi %iota3A, %add3A_115 : vector<16xi32>
          %and3A_117 = arith.constant 15 : i32
          %and3A_118 = vector.broadcast %and3A_117 : i32 to vector<16xi32>
          %and3A_119 = arith.andi %add3A_116, %and3A_118 : vector<16xi32>
          %add3A_120 = arith.constant 5 : i32
          %add3A_121 = vector.broadcast %add3A_120 : i32 to vector<16xi32>
          %add3A_122 = arith.addi %iota3A, %add3A_121 : vector<16xi32>
          %and3A_123 = arith.constant 15 : i32
          %and3A_124 = vector.broadcast %and3A_123 : i32 to vector<16xi32>
          %and3A_125 = arith.andi %add3A_122, %and3A_124 : vector<16xi32>
          %add3A_126 = arith.constant 6 : i32
          %add3A_127 = vector.broadcast %add3A_126 : i32 to vector<16xi32>
          %add3A_128 = arith.addi %iota3A, %add3A_127 : vector<16xi32>
          %and3A_129 = arith.constant 15 : i32
          %and3A_130 = vector.broadcast %and3A_129 : i32 to vector<16xi32>
          %and3A_131 = arith.andi %add3A_128, %and3A_130 : vector<16xi32>
          %add3A_132 = arith.constant 7 : i32
          %add3A_133 = vector.broadcast %add3A_132 : i32 to vector<16xi32>
          %add3A_134 = arith.addi %iota3A, %add3A_133 : vector<16xi32>
          %and3A_135 = arith.constant 15 : i32
          %and3A_136 = vector.broadcast %and3A_135 : i32 to vector<16xi32>
          %and3A_137 = arith.andi %add3A_134, %and3A_136 : vector<16xi32>
          %add3A_138 = arith.constant 8 : i32
          %add3A_139 = vector.broadcast %add3A_138 : i32 to vector<16xi32>
          %add3A_140 = arith.addi %iota3A, %add3A_139 : vector<16xi32>
          %and3A_141 = arith.constant 15 : i32
          %and3A_142 = vector.broadcast %and3A_141 : i32 to vector<16xi32>
          %and3A_143 = arith.andi %add3A_140, %and3A_142 : vector<16xi32>
          %add3A_144 = arith.constant 9 : i32
          %add3A_145 = vector.broadcast %add3A_144 : i32 to vector<16xi32>
          %add3A_146 = arith.addi %iota3A, %add3A_145 : vector<16xi32>
          %and3A_147 = arith.constant 15 : i32
          %and3A_148 = vector.broadcast %and3A_147 : i32 to vector<16xi32>
          %and3A_149 = arith.andi %add3A_146, %and3A_148 : vector<16xi32>
          %add3A_150 = arith.constant 10 : i32
          %add3A_151 = vector.broadcast %add3A_150 : i32 to vector<16xi32>
          %add3A_152 = arith.addi %iota3A, %add3A_151 : vector<16xi32>
          %and3A_153 = arith.constant 15 : i32
          %and3A_154 = vector.broadcast %and3A_153 : i32 to vector<16xi32>
          %and3A_155 = arith.andi %add3A_152, %and3A_154 : vector<16xi32>
          %add3A_156 = arith.constant 11 : i32
          %add3A_157 = vector.broadcast %add3A_156 : i32 to vector<16xi32>
          %add3A_158 = arith.addi %iota3A, %add3A_157 : vector<16xi32>
          %and3A_159 = arith.constant 15 : i32
          %and3A_160 = vector.broadcast %and3A_159 : i32 to vector<16xi32>
          %and3A_161 = arith.andi %add3A_158, %and3A_160 : vector<16xi32>
          %add3A_162 = arith.constant 12 : i32
          %add3A_163 = vector.broadcast %add3A_162 : i32 to vector<16xi32>
          %add3A_164 = arith.addi %iota3A, %add3A_163 : vector<16xi32>
          %and3A_165 = arith.constant 15 : i32
          %and3A_166 = vector.broadcast %and3A_165 : i32 to vector<16xi32>
          %and3A_167 = arith.andi %add3A_164, %and3A_166 : vector<16xi32>
          %add3A_168 = arith.constant 13 : i32
          %add3A_169 = vector.broadcast %add3A_168 : i32 to vector<16xi32>
          %add3A_170 = arith.addi %iota3A, %add3A_169 : vector<16xi32>
          %and3A_171 = arith.constant 15 : i32
          %and3A_172 = vector.broadcast %and3A_171 : i32 to vector<16xi32>
          %and3A_173 = arith.andi %add3A_170, %and3A_172 : vector<16xi32>
          %add3A_174 = arith.constant 14 : i32
          %add3A_175 = vector.broadcast %add3A_174 : i32 to vector<16xi32>
          %add3A_176 = arith.addi %iota3A, %add3A_175 : vector<16xi32>
          %and3A_177 = arith.constant 15 : i32
          %and3A_178 = vector.broadcast %and3A_177 : i32 to vector<16xi32>
          %and3A_179 = arith.andi %add3A_176, %and3A_178 : vector<16xi32>
          %add3A_180 = arith.constant 15 : i32
          %add3A_181 = vector.broadcast %add3A_180 : i32 to vector<16xi32>
          %add3A_182 = arith.addi %iota3A, %add3A_181 : vector<16xi32>
          %and3A_183 = arith.constant 15 : i32
          %and3A_184 = vector.broadcast %and3A_183 : i32 to vector<16xi32>
          %and3A_185 = arith.andi %add3A_182, %and3A_184 : vector<16xi32>
          %broadcast_in_dim3A = arith.constant 0.000000e+00 : f32
          %broadcast_in_dim3A_186 = vector.broadcast %broadcast_in_dim3A : f32 to vector<16xf32>
          %broadcast_in_dim3A_187 = arith.constant 0.000000e+00 : f32
          %broadcast_in_dim3A_188 = vector.broadcast %broadcast_in_dim3A_187 : f32 to vector<16xf32>
          %broadcast_in_dim3A_189 = arith.constant 0.000000e+00 : f32
          %broadcast_in_dim3A_190 = vector.broadcast %broadcast_in_dim3A_189 : f32 to vector<16xf32>
          %broadcast_in_dim3A_191 = arith.constant 0.000000e+00 : f32
          %broadcast_in_dim3A_192 = vector.broadcast %broadcast_in_dim3A_191 : f32 to vector<16xf32>
          %broadcast_in_dim3A_193 = arith.constant 0.000000e+00 : f32
          %broadcast_in_dim3A_194 = vector.broadcast %broadcast_in_dim3A_193 : f32 to vector<16xf32>
          %broadcast_in_dim3A_195 = arith.constant 0.000000e+00 : f32
          %broadcast_in_dim3A_196 = vector.broadcast %broadcast_in_dim3A_195 : f32 to vector<16xf32>
          %broadcast_in_dim3A_197 = arith.constant 0.000000e+00 : f32
          %broadcast_in_dim3A_198 = vector.broadcast %broadcast_in_dim3A_197 : f32 to vector<16xf32>
          %broadcast_in_dim3A_199 = arith.constant 0.000000e+00 : f32
          %broadcast_in_dim3A_200 = vector.broadcast %broadcast_in_dim3A_199 : f32 to vector<16xf32>
          %broadcast_in_dim3A_201 = arith.constant 0.000000e+00 : f32
          %broadcast_in_dim3A_202 = vector.broadcast %broadcast_in_dim3A_201 : f32 to vector<16xf32>
          %broadcast_in_dim3A_203 = arith.constant 0.000000e+00 : f32
          %broadcast_in_dim3A_204 = vector.broadcast %broadcast_in_dim3A_203 : f32 to vector<16xf32>
          %broadcast_in_dim3A_205 = arith.constant 0.000000e+00 : f32
          %broadcast_in_dim3A_206 = vector.broadcast %broadcast_in_dim3A_205 : f32 to vector<16xf32>
          %broadcast_in_dim3A_207 = arith.constant 0.000000e+00 : f32
          %broadcast_in_dim3A_208 = vector.broadcast %broadcast_in_dim3A_207 : f32 to vector<16xf32>
          %add3A_209 = arith.constant 0 : i32
          %add3A_210 = vector.broadcast %add3A_209 : i32 to vector<16xi32>
          %add3A_211 = arith.addi %add3A_210, %and3A_95 : vector<16xi32>
          %gather3A = tpu.vector_load_idx %arg10[%add3A_85, %add3A_211] : memref<80x128xf32, #tpu.memory_space<vmem>>[vector<16xi32>, vector<16xi32>], vector<16xf32>,
          %gather3A_212 = tpu.vector_load_idx %arg12[%add3A_85, %add3A_211] : memref<80x128xf32, #tpu.memory_space<vmem>>[vector<16xi32>, vector<16xi32>], vector<16xf32>,
          %mul3A_213 = arith.mulf %gather3A, %gather3A_212 : vector<16xf32>
          %add3A_214 = arith.addf %broadcast_in_dim3A_186, %mul3A_213 : vector<16xf32>
          %mul3A_215 = arith.mulf %gather3A, %gather3A : vector<16xf32>
          %add3A_216 = arith.addf %broadcast_in_dim3A_194, %mul3A_215 : vector<16xf32>
          %mul3A_217 = arith.mulf %gather3A_212, %gather3A_212 : vector<16xf32>
          %add3A_218 = arith.addf %broadcast_in_dim3A_202, %mul3A_217 : vector<16xf32>
          %add3A_219 = arith.constant 0 : i32
          %add3A_220 = vector.broadcast %add3A_219 : i32 to vector<16xi32>
          %add3A_221 = arith.addi %add3A_220, %and3A_101 : vector<16xi32>
          %gather3A_222 = tpu.vector_load_idx %arg10[%add3A_85, %add3A_221] : memref<80x128xf32, #tpu.memory_space<vmem>>[vector<16xi32>, vector<16xi32>], vector<16xf32>,
          %gather3A_223 = tpu.vector_load_idx %arg12[%add3A_85, %add3A_221] : memref<80x128xf32, #tpu.memory_space<vmem>>[vector<16xi32>, vector<16xi32>], vector<16xf32>,
          %mul3A_224 = arith.mulf %gather3A_222, %gather3A_223 : vector<16xf32>
          %add3A_225 = arith.addf %broadcast_in_dim3A_188, %mul3A_224 : vector<16xf32>
          %mul3A_226 = arith.mulf %gather3A_222, %gather3A_222 : vector<16xf32>
          %add3A_227 = arith.addf %broadcast_in_dim3A_196, %mul3A_226 : vector<16xf32>
          %mul3A_228 = arith.mulf %gather3A_223, %gather3A_223 : vector<16xf32>
          %add3A_229 = arith.addf %broadcast_in_dim3A_204, %mul3A_228 : vector<16xf32>
          %add3A_230 = arith.constant 0 : i32
          %add3A_231 = vector.broadcast %add3A_230 : i32 to vector<16xi32>
          %add3A_232 = arith.addi %add3A_231, %and3A_107 : vector<16xi32>
          %gather3A_233 = tpu.vector_load_idx %arg10[%add3A_85, %add3A_232] : memref<80x128xf32, #tpu.memory_space<vmem>>[vector<16xi32>, vector<16xi32>], vector<16xf32>,
          %gather3A_234 = tpu.vector_load_idx %arg12[%add3A_85, %add3A_232] : memref<80x128xf32, #tpu.memory_space<vmem>>[vector<16xi32>, vector<16xi32>], vector<16xf32>,
          %mul3A_235 = arith.mulf %gather3A_233, %gather3A_234 : vector<16xf32>
          %add3A_236 = arith.addf %broadcast_in_dim3A_190, %mul3A_235 : vector<16xf32>
          %mul3A_237 = arith.mulf %gather3A_233, %gather3A_233 : vector<16xf32>
          %add3A_238 = arith.addf %broadcast_in_dim3A_198, %mul3A_237 : vector<16xf32>
          %mul3A_239 = arith.mulf %gather3A_234, %gather3A_234 : vector<16xf32>
          %add3A_240 = arith.addf %broadcast_in_dim3A_206, %mul3A_239 : vector<16xf32>
          %add3A_241 = arith.constant 0 : i32
          %add3A_242 = vector.broadcast %add3A_241 : i32 to vector<16xi32>
          %add3A_243 = arith.addi %add3A_242, %and3A_113 : vector<16xi32>
          %gather3A_244 = tpu.vector_load_idx %arg10[%add3A_85, %add3A_243] : memref<80x128xf32, #tpu.memory_space<vmem>>[vector<16xi32>, vector<16xi32>], vector<16xf32>,
          %gather3A_245 = tpu.vector_load_idx %arg12[%add3A_85, %add3A_243] : memref<80x128xf32, #tpu.memory_space<vmem>>[vector<16xi32>, vector<16xi32>], vector<16xf32>,
          %mul3A_246 = arith.mulf %gather3A_244, %gather3A_245 : vector<16xf32>
          %add3A_247 = arith.addf %broadcast_in_dim3A_192, %mul3A_246 : vector<16xf32>
          %mul3A_248 = arith.mulf %gather3A_244, %gather3A_244 : vector<16xf32>
          %add3A_249 = arith.addf %broadcast_in_dim3A_200, %mul3A_248 : vector<16xf32>
          %mul3A_250 = arith.mulf %gather3A_245, %gather3A_245 : vector<16xf32>
          %add3A_251 = arith.addf %broadcast_in_dim3A_208, %mul3A_250 : vector<16xf32>
          %add3A_252 = arith.constant 0 : i32
          %add3A_253 = vector.broadcast %add3A_252 : i32 to vector<16xi32>
          %add3A_254 = arith.addi %add3A_253, %and3A_119 : vector<16xi32>
          %gather3A_255 = tpu.vector_load_idx %arg10[%add3A_85, %add3A_254] : memref<80x128xf32, #tpu.memory_space<vmem>>[vector<16xi32>, vector<16xi32>], vector<16xf32>,
          %gather3A_256 = tpu.vector_load_idx %arg12[%add3A_85, %add3A_254] : memref<80x128xf32, #tpu.memory_space<vmem>>[vector<16xi32>, vector<16xi32>], vector<16xf32>,
          %mul3A_257 = arith.mulf %gather3A_255, %gather3A_256 : vector<16xf32>
          %add3A_258 = arith.addf %add3A_214, %mul3A_257 : vector<16xf32>
          %mul3A_259 = arith.mulf %gather3A_255, %gather3A_255 : vector<16xf32>
          %add3A_260 = arith.addf %add3A_216, %mul3A_259 : vector<16xf32>
          %mul3A_261 = arith.mulf %gather3A_256, %gather3A_256 : vector<16xf32>
          %add3A_262 = arith.addf %add3A_218, %mul3A_261 : vector<16xf32>
          %add3A_263 = arith.constant 0 : i32
          %add3A_264 = vector.broadcast %add3A_263 : i32 to vector<16xi32>
          %add3A_265 = arith.addi %add3A_264, %and3A_125 : vector<16xi32>
          %gather3A_266 = tpu.vector_load_idx %arg10[%add3A_85, %add3A_265] : memref<80x128xf32, #tpu.memory_space<vmem>>[vector<16xi32>, vector<16xi32>], vector<16xf32>,
          %gather3A_267 = tpu.vector_load_idx %arg12[%add3A_85, %add3A_265] : memref<80x128xf32, #tpu.memory_space<vmem>>[vector<16xi32>, vector<16xi32>], vector<16xf32>,
          %mul3A_268 = arith.mulf %gather3A_266, %gather3A_267 : vector<16xf32>
          %add3A_269 = arith.addf %add3A_225, %mul3A_268 : vector<16xf32>
          %mul3A_270 = arith.mulf %gather3A_266, %gather3A_266 : vector<16xf32>
          %add3A_271 = arith.addf %add3A_227, %mul3A_270 : vector<16xf32>
          %mul3A_272 = arith.mulf %gather3A_267, %gather3A_267 : vector<16xf32>
          %add3A_273 = arith.addf %add3A_229, %mul3A_272 : vector<16xf32>
          %add3A_274 = arith.constant 0 : i32
          %add3A_275 = vector.broadcast %add3A_274 : i32 to vector<16xi32>
          %add3A_276 = arith.addi %add3A_275, %and3A_131 : vector<16xi32>
          %gather3A_277 = tpu.vector_load_idx %arg10[%add3A_85, %add3A_276] : memref<80x128xf32, #tpu.memory_space<vmem>>[vector<16xi32>, vector<16xi32>], vector<16xf32>,
          %gather3A_278 = tpu.vector_load_idx %arg12[%add3A_85, %add3A_276] : memref<80x128xf32, #tpu.memory_space<vmem>>[vector<16xi32>, vector<16xi32>], vector<16xf32>,
          %mul3A_279 = arith.mulf %gather3A_277, %gather3A_278 : vector<16xf32>
          %add3A_280 = arith.addf %add3A_236, %mul3A_279 : vector<16xf32>
          %mul3A_281 = arith.mulf %gather3A_277, %gather3A_277 : vector<16xf32>
          %add3A_282 = arith.addf %add3A_238, %mul3A_281 : vector<16xf32>
          %mul3A_283 = arith.mulf %gather3A_278, %gather3A_278 : vector<16xf32>
          %add3A_284 = arith.addf %add3A_240, %mul3A_283 : vector<16xf32>
          %add3A_285 = arith.constant 0 : i32
          %add3A_286 = vector.broadcast %add3A_285 : i32 to vector<16xi32>
          %add3A_287 = arith.addi %add3A_286, %and3A_137 : vector<16xi32>
          %gather3A_288 = tpu.vector_load_idx %arg10[%add3A_85, %add3A_287] : memref<80x128xf32, #tpu.memory_space<vmem>>[vector<16xi32>, vector<16xi32>], vector<16xf32>,
          %gather3A_289 = tpu.vector_load_idx %arg12[%add3A_85, %add3A_287] : memref<80x128xf32, #tpu.memory_space<vmem>>[vector<16xi32>, vector<16xi32>], vector<16xf32>,
          %mul3A_290 = arith.mulf %gather3A_288, %gather3A_289 : vector<16xf32>
          %add3A_291 = arith.addf %add3A_247, %mul3A_290 : vector<16xf32>
          %mul3A_292 = arith.mulf %gather3A_288, %gather3A_288 : vector<16xf32>
          %add3A_293 = arith.addf %add3A_249, %mul3A_292 : vector<16xf32>
          %mul3A_294 = arith.mulf %gather3A_289, %gather3A_289 : vector<16xf32>
          %add3A_295 = arith.addf %add3A_251, %mul3A_294 : vector<16xf32>
          %add3A_296 = arith.constant 0 : i32
          %add3A_297 = vector.broadcast %add3A_296 : i32 to vector<16xi32>
          %add3A_298 = arith.addi %add3A_297, %and3A_143 : vector<16xi32>
          %gather3A_299 = tpu.vector_load_idx %arg10[%add3A_85, %add3A_298] : memref<80x128xf32, #tpu.memory_space<vmem>>[vector<16xi32>, vector<16xi32>], vector<16xf32>,
          %gather3A_300 = tpu.vector_load_idx %arg12[%add3A_85, %add3A_298] : memref<80x128xf32, #tpu.memory_space<vmem>>[vector<16xi32>, vector<16xi32>], vector<16xf32>,
          %mul3A_301 = arith.mulf %gather3A_299, %gather3A_300 : vector<16xf32>
          %add3A_302 = arith.addf %add3A_258, %mul3A_301 : vector<16xf32>
          %mul3A_303 = arith.mulf %gather3A_299, %gather3A_299 : vector<16xf32>
          %add3A_304 = arith.addf %add3A_260, %mul3A_303 : vector<16xf32>
          %mul3A_305 = arith.mulf %gather3A_300, %gather3A_300 : vector<16xf32>
          %add3A_306 = arith.addf %add3A_262, %mul3A_305 : vector<16xf32>
          %add3A_307 = arith.constant 0 : i32
          %add3A_308 = vector.broadcast %add3A_307 : i32 to vector<16xi32>
          %add3A_309 = arith.addi %add3A_308, %and3A_149 : vector<16xi32>
          %gather3A_310 = tpu.vector_load_idx %arg10[%add3A_85, %add3A_309] : memref<80x128xf32, #tpu.memory_space<vmem>>[vector<16xi32>, vector<16xi32>], vector<16xf32>,
          %gather3A_311 = tpu.vector_load_idx %arg12[%add3A_85, %add3A_309] : memref<80x128xf32, #tpu.memory_space<vmem>>[vector<16xi32>, vector<16xi32>], vector<16xf32>,
          %mul3A_312 = arith.mulf %gather3A_310, %gather3A_311 : vector<16xf32>
          %add3A_313 = arith.addf %add3A_269, %mul3A_312 : vector<16xf32>
          %mul3A_314 = arith.mulf %gather3A_310, %gather3A_310 : vector<16xf32>
          %add3A_315 = arith.addf %add3A_271, %mul3A_314 : vector<16xf32>
          %mul3A_316 = arith.mulf %gather3A_311, %gather3A_311 : vector<16xf32>
          %add3A_317 = arith.addf %add3A_273, %mul3A_316 : vector<16xf32>
          %add3A_318 = arith.constant 0 : i32
          %add3A_319 = vector.broadcast %add3A_318 : i32 to vector<16xi32>
          %add3A_320 = arith.addi %add3A_319, %and3A_155 : vector<16xi32>
          %gather3A_321 = tpu.vector_load_idx %arg10[%add3A_85, %add3A_320] : memref<80x128xf32, #tpu.memory_space<vmem>>[vector<16xi32>, vector<16xi32>], vector<16xf32>,
          %gather3A_322 = tpu.vector_load_idx %arg12[%add3A_85, %add3A_320] : memref<80x128xf32, #tpu.memory_space<vmem>>[vector<16xi32>, vector<16xi32>], vector<16xf32>,
          %mul3A_323 = arith.mulf %gather3A_321, %gather3A_322 : vector<16xf32>
          %add3A_324 = arith.addf %add3A_280, %mul3A_323 : vector<16xf32>
          %mul3A_325 = arith.mulf %gather3A_321, %gather3A_321 : vector<16xf32>
          %add3A_326 = arith.addf %add3A_282, %mul3A_325 : vector<16xf32>
          %mul3A_327 = arith.mulf %gather3A_322, %gather3A_322 : vector<16xf32>
          %add3A_328 = arith.addf %add3A_284, %mul3A_327 : vector<16xf32>
          %add3A_329 = arith.constant 0 : i32
          %add3A_330 = vector.broadcast %add3A_329 : i32 to vector<16xi32>
          %add3A_331 = arith.addi %add3A_330, %and3A_161 : vector<16xi32>
          %gather3A_332 = tpu.vector_load_idx %arg10[%add3A_85, %add3A_331] : memref<80x128xf32, #tpu.memory_space<vmem>>[vector<16xi32>, vector<16xi32>], vector<16xf32>,
          %gather3A_333 = tpu.vector_load_idx %arg12[%add3A_85, %add3A_331] : memref<80x128xf32, #tpu.memory_space<vmem>>[vector<16xi32>, vector<16xi32>], vector<16xf32>,
          %mul3A_334 = arith.mulf %gather3A_332, %gather3A_333 : vector<16xf32>
          %add3A_335 = arith.addf %add3A_291, %mul3A_334 : vector<16xf32>
          %mul3A_336 = arith.mulf %gather3A_332, %gather3A_332 : vector<16xf32>
          %add3A_337 = arith.addf %add3A_293, %mul3A_336 : vector<16xf32>
          %mul3A_338 = arith.mulf %gather3A_333, %gather3A_333 : vector<16xf32>
          %add3A_339 = arith.addf %add3A_295, %mul3A_338 : vector<16xf32>
          %add3A_340 = arith.constant 0 : i32
          %add3A_341 = vector.broadcast %add3A_340 : i32 to vector<16xi32>
          %add3A_342 = arith.addi %add3A_341, %and3A_167 : vector<16xi32>
          %gather3A_343 = tpu.vector_load_idx %arg10[%add3A_85, %add3A_342] : memref<80x128xf32, #tpu.memory_space<vmem>>[vector<16xi32>, vector<16xi32>], vector<16xf32>,
          %gather3A_344 = tpu.vector_load_idx %arg12[%add3A_85, %add3A_342] : memref<80x128xf32, #tpu.memory_space<vmem>>[vector<16xi32>, vector<16xi32>], vector<16xf32>,
          %mul3A_345 = arith.mulf %gather3A_343, %gather3A_344 : vector<16xf32>
          %add3A_346 = arith.addf %add3A_302, %mul3A_345 : vector<16xf32>
          %mul3A_347 = arith.mulf %gather3A_343, %gather3A_343 : vector<16xf32>
          %add3A_348 = arith.addf %add3A_304, %mul3A_347 : vector<16xf32>
          %mul3A_349 = arith.mulf %gather3A_344, %gather3A_344 : vector<16xf32>
          %add3A_350 = arith.addf %add3A_306, %mul3A_349 : vector<16xf32>
          %add3A_351 = arith.constant 0 : i32
          %add3A_352 = vector.broadcast %add3A_351 : i32 to vector<16xi32>
          %add3A_353 = arith.addi %add3A_352, %and3A_173 : vector<16xi32>
          %gather3A_354 = tpu.vector_load_idx %arg10[%add3A_85, %add3A_353] : memref<80x128xf32, #tpu.memory_space<vmem>>[vector<16xi32>, vector<16xi32>], vector<16xf32>,
          %gather3A_355 = tpu.vector_load_idx %arg12[%add3A_85, %add3A_353] : memref<80x128xf32, #tpu.memory_space<vmem>>[vector<16xi32>, vector<16xi32>], vector<16xf32>,
          %mul3A_356 = arith.mulf %gather3A_354, %gather3A_355 : vector<16xf32>
          %add3A_357 = arith.addf %add3A_313, %mul3A_356 : vector<16xf32>
          %mul3A_358 = arith.mulf %gather3A_354, %gather3A_354 : vector<16xf32>
          %add3A_359 = arith.addf %add3A_315, %mul3A_358 : vector<16xf32>
          %mul3A_360 = arith.mulf %gather3A_355, %gather3A_355 : vector<16xf32>
          %add3A_361 = arith.addf %add3A_317, %mul3A_360 : vector<16xf32>
          %add3A_362 = arith.constant 0 : i32
          %add3A_363 = vector.broadcast %add3A_362 : i32 to vector<16xi32>
          %add3A_364 = arith.addi %add3A_363, %and3A_179 : vector<16xi32>
          %gather3A_365 = tpu.vector_load_idx %arg10[%add3A_85, %add3A_364] : memref<80x128xf32, #tpu.memory_space<vmem>>[vector<16xi32>, vector<16xi32>], vector<16xf32>,
          %gather3A_366 = tpu.vector_load_idx %arg12[%add3A_85, %add3A_364] : memref<80x128xf32, #tpu.memory_space<vmem>>[vector<16xi32>, vector<16xi32>], vector<16xf32>,
          %mul3A_367 = arith.mulf %gather3A_365, %gather3A_366 : vector<16xf32>
          %add3A_368 = arith.addf %add3A_324, %mul3A_367 : vector<16xf32>
          %mul3A_369 = arith.mulf %gather3A_365, %gather3A_365 : vector<16xf32>
          %add3A_370 = arith.addf %add3A_326, %mul3A_369 : vector<16xf32>
          %mul3A_371 = arith.mulf %gather3A_366, %gather3A_366 : vector<16xf32>
          %add3A_372 = arith.addf %add3A_328, %mul3A_371 : vector<16xf32>
          %add3A_373 = arith.constant 0 : i32
          %add3A_374 = vector.broadcast %add3A_373 : i32 to vector<16xi32>
          %add3A_375 = arith.addi %add3A_374, %and3A_185 : vector<16xi32>
          %gather3A_376 = tpu.vector_load_idx %arg10[%add3A_85, %add3A_375] : memref<80x128xf32, #tpu.memory_space<vmem>>[vector<16xi32>, vector<16xi32>], vector<16xf32>,
          %gather3A_377 = tpu.vector_load_idx %arg12[%add3A_85, %add3A_375] : memref<80x128xf32, #tpu.memory_space<vmem>>[vector<16xi32>, vector<16xi32>], vector<16xf32>,
          %mul3A_378 = arith.mulf %gather3A_376, %gather3A_377 : vector<16xf32>
          %add3A_379 = arith.addf %add3A_335, %mul3A_378 : vector<16xf32>
          %mul3A_380 = arith.mulf %gather3A_376, %gather3A_376 : vector<16xf32>
          %add3A_381 = arith.addf %add3A_337, %mul3A_380 : vector<16xf32>
          %mul3A_382 = arith.mulf %gather3A_377, %gather3A_377 : vector<16xf32>
          %add3A_383 = arith.addf %add3A_339, %mul3A_382 : vector<16xf32>
          %add3A_384 = arith.constant 16 : i32
          %add3A_385 = vector.broadcast %add3A_384 : i32 to vector<16xi32>
          %add3A_386 = arith.addi %add3A_385, %and3A_95 : vector<16xi32>
          %gather3A_387 = tpu.vector_load_idx %arg10[%add3A_85, %add3A_386] : memref<80x128xf32, #tpu.memory_space<vmem>>[vector<16xi32>, vector<16xi32>], vector<16xf32>,
          %gather3A_388 = tpu.vector_load_idx %arg12[%add3A_85, %add3A_386] : memref<80x128xf32, #tpu.memory_space<vmem>>[vector<16xi32>, vector<16xi32>], vector<16xf32>,
          %mul3A_389 = arith.mulf %gather3A_387, %gather3A_388 : vector<16xf32>
          %add3A_390 = arith.addf %add3A_346, %mul3A_389 : vector<16xf32>
          %mul3A_391 = arith.mulf %gather3A_387, %gather3A_387 : vector<16xf32>
          %add3A_392 = arith.addf %add3A_348, %mul3A_391 : vector<16xf32>
          %mul3A_393 = arith.mulf %gather3A_388, %gather3A_388 : vector<16xf32>
          %add3A_394 = arith.addf %add3A_350, %mul3A_393 : vector<16xf32>
          %add3A_395 = arith.constant 16 : i32
          %add3A_396 = vector.broadcast %add3A_395 : i32 to vector<16xi32>
          %add3A_397 = arith.addi %add3A_396, %and3A_101 : vector<16xi32>
          %gather3A_398 = tpu.vector_load_idx %arg10[%add3A_85, %add3A_397] : memref<80x128xf32, #tpu.memory_space<vmem>>[vector<16xi32>, vector<16xi32>], vector<16xf32>,
          %gather3A_399 = tpu.vector_load_idx %arg12[%add3A_85, %add3A_397] : memref<80x128xf32, #tpu.memory_space<vmem>>[vector<16xi32>, vector<16xi32>], vector<16xf32>,
          %mul3A_400 = arith.mulf %gather3A_398, %gather3A_399 : vector<16xf32>
          %add3A_401 = arith.addf %add3A_357, %mul3A_400 : vector<16xf32>
          %mul3A_402 = arith.mulf %gather3A_398, %gather3A_398 : vector<16xf32>
          %add3A_403 = arith.addf %add3A_359, %mul3A_402 : vector<16xf32>
          %mul3A_404 = arith.mulf %gather3A_399, %gather3A_399 : vector<16xf32>
          %add3A_405 = arith.addf %add3A_361, %mul3A_404 : vector<16xf32>
          %add3A_406 = arith.constant 16 : i32
          %add3A_407 = vector.broadcast %add3A_406 : i32 to vector<16xi32>
          %add3A_408 = arith.addi %add3A_407, %and3A_107 : vector<16xi32>
          %gather3A_409 = tpu.vector_load_idx %arg10[%add3A_85, %add3A_408] : memref<80x128xf32, #tpu.memory_space<vmem>>[vector<16xi32>, vector<16xi32>], vector<16xf32>,
          %gather3A_410 = tpu.vector_load_idx %arg12[%add3A_85, %add3A_408] : memref<80x128xf32, #tpu.memory_space<vmem>>[vector<16xi32>, vector<16xi32>], vector<16xf32>,
          %mul3A_411 = arith.mulf %gather3A_409, %gather3A_410 : vector<16xf32>
          %add3A_412 = arith.addf %add3A_368, %mul3A_411 : vector<16xf32>
          %mul3A_413 = arith.mulf %gather3A_409, %gather3A_409 : vector<16xf32>
          %add3A_414 = arith.addf %add3A_370, %mul3A_413 : vector<16xf32>
          %mul3A_415 = arith.mulf %gather3A_410, %gather3A_410 : vector<16xf32>
          %add3A_416 = arith.addf %add3A_372, %mul3A_415 : vector<16xf32>
          %add3A_417 = arith.constant 16 : i32
          %add3A_418 = vector.broadcast %add3A_417 : i32 to vector<16xi32>
          %add3A_419 = arith.addi %add3A_418, %and3A_113 : vector<16xi32>
          %gather3A_420 = tpu.vector_load_idx %arg10[%add3A_85, %add3A_419] : memref<80x128xf32, #tpu.memory_space<vmem>>[vector<16xi32>, vector<16xi32>], vector<16xf32>,
          %gather3A_421 = tpu.vector_load_idx %arg12[%add3A_85, %add3A_419] : memref<80x128xf32, #tpu.memory_space<vmem>>[vector<16xi32>, vector<16xi32>], vector<16xf32>,
          %mul3A_422 = arith.mulf %gather3A_420, %gather3A_421 : vector<16xf32>
          %add3A_423 = arith.addf %add3A_379, %mul3A_422 : vector<16xf32>
          %mul3A_424 = arith.mulf %gather3A_420, %gather3A_420 : vector<16xf32>
          %add3A_425 = arith.addf %add3A_381, %mul3A_424 : vector<16xf32>
          %mul3A_426 = arith.mulf %gather3A_421, %gather3A_421 : vector<16xf32>
          %add3A_427 = arith.addf %add3A_383, %mul3A_426 : vector<16xf32>
          %add3A_428 = arith.constant 16 : i32
          %add3A_429 = vector.broadcast %add3A_428 : i32 to vector<16xi32>
          %add3A_430 = arith.addi %add3A_429, %and3A_119 : vector<16xi32>
          %gather3A_431 = tpu.vector_load_idx %arg10[%add3A_85, %add3A_430] : memref<80x128xf32, #tpu.memory_space<vmem>>[vector<16xi32>, vector<16xi32>], vector<16xf32>,
          %gather3A_432 = tpu.vector_load_idx %arg12[%add3A_85, %add3A_430] : memref<80x128xf32, #tpu.memory_space<vmem>>[vector<16xi32>, vector<16xi32>], vector<16xf32>,
          %mul3A_433 = arith.mulf %gather3A_431, %gather3A_432 : vector<16xf32>
          %add3A_434 = arith.addf %add3A_390, %mul3A_433 : vector<16xf32>
          %mul3A_435 = arith.mulf %gather3A_431, %gather3A_431 : vector<16xf32>
          %add3A_436 = arith.addf %add3A_392, %mul3A_435 : vector<16xf32>
          %mul3A_437 = arith.mulf %gather3A_432, %gather3A_432 : vector<16xf32>
          %add3A_438 = arith.addf %add3A_394, %mul3A_437 : vector<16xf32>
          %add3A_439 = arith.constant 16 : i32
          %add3A_440 = vector.broadcast %add3A_439 : i32 to vector<16xi32>
          %add3A_441 = arith.addi %add3A_440, %and3A_125 : vector<16xi32>
          %gather3A_442 = tpu.vector_load_idx %arg10[%add3A_85, %add3A_441] : memref<80x128xf32, #tpu.memory_space<vmem>>[vector<16xi32>, vector<16xi32>], vector<16xf32>,
          %gather3A_443 = tpu.vector_load_idx %arg12[%add3A_85, %add3A_441] : memref<80x128xf32, #tpu.memory_space<vmem>>[vector<16xi32>, vector<16xi32>], vector<16xf32>,
          %mul3A_444 = arith.mulf %gather3A_442, %gather3A_443 : vector<16xf32>
          %add3A_445 = arith.addf %add3A_401, %mul3A_444 : vector<16xf32>
          %mul3A_446 = arith.mulf %gather3A_442, %gather3A_442 : vector<16xf32>
          %add3A_447 = arith.addf %add3A_403, %mul3A_446 : vector<16xf32>
          %mul3A_448 = arith.mulf %gather3A_443, %gather3A_443 : vector<16xf32>
          %add3A_449 = arith.addf %add3A_405, %mul3A_448 : vector<16xf32>
          %add3A_450 = arith.constant 16 : i32
          %add3A_451 = vector.broadcast %add3A_450 : i32 to vector<16xi32>
          %add3A_452 = arith.addi %add3A_451, %and3A_131 : vector<16xi32>
          %gather3A_453 = tpu.vector_load_idx %arg10[%add3A_85, %add3A_452] : memref<80x128xf32, #tpu.memory_space<vmem>>[vector<16xi32>, vector<16xi32>], vector<16xf32>,
          %gather3A_454 = tpu.vector_load_idx %arg12[%add3A_85, %add3A_452] : memref<80x128xf32, #tpu.memory_space<vmem>>[vector<16xi32>, vector<16xi32>], vector<16xf32>,
          %mul3A_455 = arith.mulf %gather3A_453, %gather3A_454 : vector<16xf32>
          %add3A_456 = arith.addf %add3A_412, %mul3A_455 : vector<16xf32>
          %mul3A_457 = arith.mulf %gather3A_453, %gather3A_453 : vector<16xf32>
          %add3A_458 = arith.addf %add3A_414, %mul3A_457 : vector<16xf32>
          %mul3A_459 = arith.mulf %gather3A_454, %gather3A_454 : vector<16xf32>
          %add3A_460 = arith.addf %add3A_416, %mul3A_459 : vector<16xf32>
          %add3A_461 = arith.constant 16 : i32
          %add3A_462 = vector.broadcast %add3A_461 : i32 to vector<16xi32>
          %add3A_463 = arith.addi %add3A_462, %and3A_137 : vector<16xi32>
          %gather3A_464 = tpu.vector_load_idx %arg10[%add3A_85, %add3A_463] : memref<80x128xf32, #tpu.memory_space<vmem>>[vector<16xi32>, vector<16xi32>], vector<16xf32>,
          %gather3A_465 = tpu.vector_load_idx %arg12[%add3A_85, %add3A_463] : memref<80x128xf32, #tpu.memory_space<vmem>>[vector<16xi32>, vector<16xi32>], vector<16xf32>,
          %mul3A_466 = arith.mulf %gather3A_464, %gather3A_465 : vector<16xf32>
          %add3A_467 = arith.addf %add3A_423, %mul3A_466 : vector<16xf32>
          %mul3A_468 = arith.mulf %gather3A_464, %gather3A_464 : vector<16xf32>
          %add3A_469 = arith.addf %add3A_425, %mul3A_468 : vector<16xf32>
          %mul3A_470 = arith.mulf %gather3A_465, %gather3A_465 : vector<16xf32>
          %add3A_471 = arith.addf %add3A_427, %mul3A_470 : vector<16xf32>
          %add3A_472 = arith.constant 16 : i32
          %add3A_473 = vector.broadcast %add3A_472 : i32 to vector<16xi32>
          %add3A_474 = arith.addi %add3A_473, %and3A_143 : vector<16xi32>
          %gather3A_475 = tpu.vector_load_idx %arg10[%add3A_85, %add3A_474] : memref<80x128xf32, #tpu.memory_space<vmem>>[vector<16xi32>, vector<16xi32>], vector<16xf32>,
          %gather3A_476 = tpu.vector_load_idx %arg12[%add3A_85, %add3A_474] : memref<80x128xf32, #tpu.memory_space<vmem>>[vector<16xi32>, vector<16xi32>], vector<16xf32>,
          %mul3A_477 = arith.mulf %gather3A_475, %gather3A_476 : vector<16xf32>
          %add3A_478 = arith.addf %add3A_434, %mul3A_477 : vector<16xf32>
          %mul3A_479 = arith.mulf %gather3A_475, %gather3A_475 : vector<16xf32>
          %add3A_480 = arith.addf %add3A_436, %mul3A_479 : vector<16xf32>
          %mul3A_481 = arith.mulf %gather3A_476, %gather3A_476 : vector<16xf32>
          %add3A_482 = arith.addf %add3A_438, %mul3A_481 : vector<16xf32>
          %add3A_483 = arith.constant 16 : i32
          %add3A_484 = vector.broadcast %add3A_483 : i32 to vector<16xi32>
          %add3A_485 = arith.addi %add3A_484, %and3A_149 : vector<16xi32>
          %gather3A_486 = tpu.vector_load_idx %arg10[%add3A_85, %add3A_485] : memref<80x128xf32, #tpu.memory_space<vmem>>[vector<16xi32>, vector<16xi32>], vector<16xf32>,
          %gather3A_487 = tpu.vector_load_idx %arg12[%add3A_85, %add3A_485] : memref<80x128xf32, #tpu.memory_space<vmem>>[vector<16xi32>, vector<16xi32>], vector<16xf32>,
          %mul3A_488 = arith.mulf %gather3A_486, %gather3A_487 : vector<16xf32>
          %add3A_489 = arith.addf %add3A_445, %mul3A_488 : vector<16xf32>
          %mul3A_490 = arith.mulf %gather3A_486, %gather3A_486 : vector<16xf32>
          %add3A_491 = arith.addf %add3A_447, %mul3A_490 : vector<16xf32>
          %mul3A_492 = arith.mulf %gather3A_487, %gather3A_487 : vector<16xf32>
          %add3A_493 = arith.addf %add3A_449, %mul3A_492 : vector<16xf32>
          %add3A_494 = arith.constant 16 : i32
          %add3A_495 = vector.broadcast %add3A_494 : i32 to vector<16xi32>
          %add3A_496 = arith.addi %add3A_495, %and3A_155 : vector<16xi32>
          %gather3A_497 = tpu.vector_load_idx %arg10[%add3A_85, %add3A_496] : memref<80x128xf32, #tpu.memory_space<vmem>>[vector<16xi32>, vector<16xi32>], vector<16xf32>,
          %gather3A_498 = tpu.vector_load_idx %arg12[%add3A_85, %add3A_496] : memref<80x128xf32, #tpu.memory_space<vmem>>[vector<16xi32>, vector<16xi32>], vector<16xf32>,
          %mul3A_499 = arith.mulf %gather3A_497, %gather3A_498 : vector<16xf32>
          %add3A_500 = arith.addf %add3A_456, %mul3A_499 : vector<16xf32>
          %mul3A_501 = arith.mulf %gather3A_497, %gather3A_497 : vector<16xf32>
          %add3A_502 = arith.addf %add3A_458, %mul3A_501 : vector<16xf32>
          %mul3A_503 = arith.mulf %gather3A_498, %gather3A_498 : vector<16xf32>
          %add3A_504 = arith.addf %add3A_460, %mul3A_503 : vector<16xf32>
          %add3A_505 = arith.constant 16 : i32
          %add3A_506 = vector.broadcast %add3A_505 : i32 to vector<16xi32>
          %add3A_507 = arith.addi %add3A_506, %and3A_161 : vector<16xi32>
          %gather3A_508 = tpu.vector_load_idx %arg10[%add3A_85, %add3A_507] : memref<80x128xf32, #tpu.memory_space<vmem>>[vector<16xi32>, vector<16xi32>], vector<16xf32>,
          %gather3A_509 = tpu.vector_load_idx %arg12[%add3A_85, %add3A_507] : memref<80x128xf32, #tpu.memory_space<vmem>>[vector<16xi32>, vector<16xi32>], vector<16xf32>,
          %mul3A_510 = arith.mulf %gather3A_508, %gather3A_509 : vector<16xf32>
          %add3A_511 = arith.addf %add3A_467, %mul3A_510 : vector<16xf32>
          %mul3A_512 = arith.mulf %gather3A_508, %gather3A_508 : vector<16xf32>
          %add3A_513 = arith.addf %add3A_469, %mul3A_512 : vector<16xf32>
          %mul3A_514 = arith.mulf %gather3A_509, %gather3A_509 : vector<16xf32>
          %add3A_515 = arith.addf %add3A_471, %mul3A_514 : vector<16xf32>
          %add3A_516 = arith.constant 16 : i32
          %add3A_517 = vector.broadcast %add3A_516 : i32 to vector<16xi32>
          %add3A_518 = arith.addi %add3A_517, %and3A_167 : vector<16xi32>
          %gather3A_519 = tpu.vector_load_idx %arg10[%add3A_85, %add3A_518] : memref<80x128xf32, #tpu.memory_space<vmem>>[vector<16xi32>, vector<16xi32>], vector<16xf32>,
          %gather3A_520 = tpu.vector_load_idx %arg12[%add3A_85, %add3A_518] : memref<80x128xf32, #tpu.memory_space<vmem>>[vector<16xi32>, vector<16xi32>], vector<16xf32>,
          %mul3A_521 = arith.mulf %gather3A_519, %gather3A_520 : vector<16xf32>
          %add3A_522 = arith.addf %add3A_478, %mul3A_521 : vector<16xf32>
          %mul3A_523 = arith.mulf %gather3A_519, %gather3A_519 : vector<16xf32>
          %add3A_524 = arith.addf %add3A_480, %mul3A_523 : vector<16xf32>
          %mul3A_525 = arith.mulf %gather3A_520, %gather3A_520 : vector<16xf32>
          %add3A_526 = arith.addf %add3A_482, %mul3A_525 : vector<16xf32>
          %add3A_527 = arith.constant 16 : i32
          %add3A_528 = vector.broadcast %add3A_527 : i32 to vector<16xi32>
          %add3A_529 = arith.addi %add3A_528, %and3A_173 : vector<16xi32>
          %gather3A_530 = tpu.vector_load_idx %arg10[%add3A_85, %add3A_529] : memref<80x128xf32, #tpu.memory_space<vmem>>[vector<16xi32>, vector<16xi32>], vector<16xf32>,
          %gather3A_531 = tpu.vector_load_idx %arg12[%add3A_85, %add3A_529] : memref<80x128xf32, #tpu.memory_space<vmem>>[vector<16xi32>, vector<16xi32>], vector<16xf32>,
          %mul3A_532 = arith.mulf %gather3A_530, %gather3A_531 : vector<16xf32>
          %add3A_533 = arith.addf %add3A_489, %mul3A_532 : vector<16xf32>
          %mul3A_534 = arith.mulf %gather3A_530, %gather3A_530 : vector<16xf32>
          %add3A_535 = arith.addf %add3A_491, %mul3A_534 : vector<16xf32>
          %mul3A_536 = arith.mulf %gather3A_531, %gather3A_531 : vector<16xf32>
          %add3A_537 = arith.addf %add3A_493, %mul3A_536 : vector<16xf32>
          %add3A_538 = arith.constant 16 : i32
          %add3A_539 = vector.broadcast %add3A_538 : i32 to vector<16xi32>
          %add3A_540 = arith.addi %add3A_539, %and3A_179 : vector<16xi32>
          %gather3A_541 = tpu.vector_load_idx %arg10[%add3A_85, %add3A_540] : memref<80x128xf32, #tpu.memory_space<vmem>>[vector<16xi32>, vector<16xi32>], vector<16xf32>,
          %gather3A_542 = tpu.vector_load_idx %arg12[%add3A_85, %add3A_540] : memref<80x128xf32, #tpu.memory_space<vmem>>[vector<16xi32>, vector<16xi32>], vector<16xf32>,
          %mul3A_543 = arith.mulf %gather3A_541, %gather3A_542 : vector<16xf32>
          %add3A_544 = arith.addf %add3A_500, %mul3A_543 : vector<16xf32>
          %mul3A_545 = arith.mulf %gather3A_541, %gather3A_541 : vector<16xf32>
          %add3A_546 = arith.addf %add3A_502, %mul3A_545 : vector<16xf32>
          %mul3A_547 = arith.mulf %gather3A_542, %gather3A_542 : vector<16xf32>
          %add3A_548 = arith.addf %add3A_504, %mul3A_547 : vector<16xf32>
          %add3A_549 = arith.constant 16 : i32
          %add3A_550 = vector.broadcast %add3A_549 : i32 to vector<16xi32>
          %add3A_551 = arith.addi %add3A_550, %and3A_185 : vector<16xi32>
          %gather3A_552 = tpu.vector_load_idx %arg10[%add3A_85, %add3A_551] : memref<80x128xf32, #tpu.memory_space<vmem>>[vector<16xi32>, vector<16xi32>], vector<16xf32>,
          %gather3A_553 = tpu.vector_load_idx %arg12[%add3A_85, %add3A_551] : memref<80x128xf32, #tpu.memory_space<vmem>>[vector<16xi32>, vector<16xi32>], vector<16xf32>,
          %mul3A_554 = arith.mulf %gather3A_552, %gather3A_553 : vector<16xf32>
          %add3A_555 = arith.addf %add3A_511, %mul3A_554 : vector<16xf32>
          %mul3A_556 = arith.mulf %gather3A_552, %gather3A_552 : vector<16xf32>
          %add3A_557 = arith.addf %add3A_513, %mul3A_556 : vector<16xf32>
          %mul3A_558 = arith.mulf %gather3A_553, %gather3A_553 : vector<16xf32>
          %add3A_559 = arith.addf %add3A_515, %mul3A_558 : vector<16xf32>
          %add3A_560 = arith.constant 32 : i32
          %add3A_561 = vector.broadcast %add3A_560 : i32 to vector<16xi32>
          %add3A_562 = arith.addi %add3A_561, %and3A_95 : vector<16xi32>
          %gather3A_563 = tpu.vector_load_idx %arg10[%add3A_85, %add3A_562] : memref<80x128xf32, #tpu.memory_space<vmem>>[vector<16xi32>, vector<16xi32>], vector<16xf32>,
          %gather3A_564 = tpu.vector_load_idx %arg12[%add3A_85, %add3A_562] : memref<80x128xf32, #tpu.memory_space<vmem>>[vector<16xi32>, vector<16xi32>], vector<16xf32>,
          %mul3A_565 = arith.mulf %gather3A_563, %gather3A_564 : vector<16xf32>
          %add3A_566 = arith.addf %add3A_522, %mul3A_565 : vector<16xf32>
          %mul3A_567 = arith.mulf %gather3A_563, %gather3A_563 : vector<16xf32>
          %add3A_568 = arith.addf %add3A_524, %mul3A_567 : vector<16xf32>
          %mul3A_569 = arith.mulf %gather3A_564, %gather3A_564 : vector<16xf32>
          %add3A_570 = arith.addf %add3A_526, %mul3A_569 : vector<16xf32>
          %add3A_571 = arith.constant 32 : i32
          %add3A_572 = vector.broadcast %add3A_571 : i32 to vector<16xi32>
          %add3A_573 = arith.addi %add3A_572, %and3A_101 : vector<16xi32>
          %gather3A_574 = tpu.vector_load_idx %arg10[%add3A_85, %add3A_573] : memref<80x128xf32, #tpu.memory_space<vmem>>[vector<16xi32>, vector<16xi32>], vector<16xf32>,
          %gather3A_575 = tpu.vector_load_idx %arg12[%add3A_85, %add3A_573] : memref<80x128xf32, #tpu.memory_space<vmem>>[vector<16xi32>, vector<16xi32>], vector<16xf32>,
          %mul3A_576 = arith.mulf %gather3A_574, %gather3A_575 : vector<16xf32>
          %add3A_577 = arith.addf %add3A_533, %mul3A_576 : vector<16xf32>
          %mul3A_578 = arith.mulf %gather3A_574, %gather3A_574 : vector<16xf32>
          %add3A_579 = arith.addf %add3A_535, %mul3A_578 : vector<16xf32>
          %mul3A_580 = arith.mulf %gather3A_575, %gather3A_575 : vector<16xf32>
          %add3A_581 = arith.addf %add3A_537, %mul3A_580 : vector<16xf32>
          %add3A_582 = arith.constant 32 : i32
          %add3A_583 = vector.broadcast %add3A_582 : i32 to vector<16xi32>
          %add3A_584 = arith.addi %add3A_583, %and3A_107 : vector<16xi32>
          %gather3A_585 = tpu.vector_load_idx %arg10[%add3A_85, %add3A_584] : memref<80x128xf32, #tpu.memory_space<vmem>>[vector<16xi32>, vector<16xi32>], vector<16xf32>,
          %gather3A_586 = tpu.vector_load_idx %arg12[%add3A_85, %add3A_584] : memref<80x128xf32, #tpu.memory_space<vmem>>[vector<16xi32>, vector<16xi32>], vector<16xf32>,
          %mul3A_587 = arith.mulf %gather3A_585, %gather3A_586 : vector<16xf32>
          %add3A_588 = arith.addf %add3A_544, %mul3A_587 : vector<16xf32>
          %mul3A_589 = arith.mulf %gather3A_585, %gather3A_585 : vector<16xf32>
          %add3A_590 = arith.addf %add3A_546, %mul3A_589 : vector<16xf32>
          %mul3A_591 = arith.mulf %gather3A_586, %gather3A_586 : vector<16xf32>
          %add3A_592 = arith.addf %add3A_548, %mul3A_591 : vector<16xf32>
          %add3A_593 = arith.constant 32 : i32
          %add3A_594 = vector.broadcast %add3A_593 : i32 to vector<16xi32>
          %add3A_595 = arith.addi %add3A_594, %and3A_113 : vector<16xi32>
          %gather3A_596 = tpu.vector_load_idx %arg10[%add3A_85, %add3A_595] : memref<80x128xf32, #tpu.memory_space<vmem>>[vector<16xi32>, vector<16xi32>], vector<16xf32>,
          %gather3A_597 = tpu.vector_load_idx %arg12[%add3A_85, %add3A_595] : memref<80x128xf32, #tpu.memory_space<vmem>>[vector<16xi32>, vector<16xi32>], vector<16xf32>,
          %mul3A_598 = arith.mulf %gather3A_596, %gather3A_597 : vector<16xf32>
          %add3A_599 = arith.addf %add3A_555, %mul3A_598 : vector<16xf32>
          %mul3A_600 = arith.mulf %gather3A_596, %gather3A_596 : vector<16xf32>
          %add3A_601 = arith.addf %add3A_557, %mul3A_600 : vector<16xf32>
          %mul3A_602 = arith.mulf %gather3A_597, %gather3A_597 : vector<16xf32>
          %add3A_603 = arith.addf %add3A_559, %mul3A_602 : vector<16xf32>
          %add3A_604 = arith.constant 32 : i32
          %add3A_605 = vector.broadcast %add3A_604 : i32 to vector<16xi32>
          %add3A_606 = arith.addi %add3A_605, %and3A_119 : vector<16xi32>
          %gather3A_607 = tpu.vector_load_idx %arg10[%add3A_85, %add3A_606] : memref<80x128xf32, #tpu.memory_space<vmem>>[vector<16xi32>, vector<16xi32>], vector<16xf32>,
          %gather3A_608 = tpu.vector_load_idx %arg12[%add3A_85, %add3A_606] : memref<80x128xf32, #tpu.memory_space<vmem>>[vector<16xi32>, vector<16xi32>], vector<16xf32>,
          %mul3A_609 = arith.mulf %gather3A_607, %gather3A_608 : vector<16xf32>
          %add3A_610 = arith.addf %add3A_566, %mul3A_609 : vector<16xf32>
          %mul3A_611 = arith.mulf %gather3A_607, %gather3A_607 : vector<16xf32>
          %add3A_612 = arith.addf %add3A_568, %mul3A_611 : vector<16xf32>
          %mul3A_613 = arith.mulf %gather3A_608, %gather3A_608 : vector<16xf32>
          %add3A_614 = arith.addf %add3A_570, %mul3A_613 : vector<16xf32>
          %add3A_615 = arith.constant 32 : i32
          %add3A_616 = vector.broadcast %add3A_615 : i32 to vector<16xi32>
          %add3A_617 = arith.addi %add3A_616, %and3A_125 : vector<16xi32>
          %gather3A_618 = tpu.vector_load_idx %arg10[%add3A_85, %add3A_617] : memref<80x128xf32, #tpu.memory_space<vmem>>[vector<16xi32>, vector<16xi32>], vector<16xf32>,
          %gather3A_619 = tpu.vector_load_idx %arg12[%add3A_85, %add3A_617] : memref<80x128xf32, #tpu.memory_space<vmem>>[vector<16xi32>, vector<16xi32>], vector<16xf32>,
          %mul3A_620 = arith.mulf %gather3A_618, %gather3A_619 : vector<16xf32>
          %add3A_621 = arith.addf %add3A_577, %mul3A_620 : vector<16xf32>
          %mul3A_622 = arith.mulf %gather3A_618, %gather3A_618 : vector<16xf32>
          %add3A_623 = arith.addf %add3A_579, %mul3A_622 : vector<16xf32>
          %mul3A_624 = arith.mulf %gather3A_619, %gather3A_619 : vector<16xf32>
          %add3A_625 = arith.addf %add3A_581, %mul3A_624 : vector<16xf32>
          %add3A_626 = arith.constant 32 : i32
          %add3A_627 = vector.broadcast %add3A_626 : i32 to vector<16xi32>
          %add3A_628 = arith.addi %add3A_627, %and3A_131 : vector<16xi32>
          %gather3A_629 = tpu.vector_load_idx %arg10[%add3A_85, %add3A_628] : memref<80x128xf32, #tpu.memory_space<vmem>>[vector<16xi32>, vector<16xi32>], vector<16xf32>,
          %gather3A_630 = tpu.vector_load_idx %arg12[%add3A_85, %add3A_628] : memref<80x128xf32, #tpu.memory_space<vmem>>[vector<16xi32>, vector<16xi32>], vector<16xf32>,
          %mul3A_631 = arith.mulf %gather3A_629, %gather3A_630 : vector<16xf32>
          %add3A_632 = arith.addf %add3A_588, %mul3A_631 : vector<16xf32>
          %mul3A_633 = arith.mulf %gather3A_629, %gather3A_629 : vector<16xf32>
          %add3A_634 = arith.addf %add3A_590, %mul3A_633 : vector<16xf32>
          %mul3A_635 = arith.mulf %gather3A_630, %gather3A_630 : vector<16xf32>
          %add3A_636 = arith.addf %add3A_592, %mul3A_635 : vector<16xf32>
          %add3A_637 = arith.constant 32 : i32
          %add3A_638 = vector.broadcast %add3A_637 : i32 to vector<16xi32>
          %add3A_639 = arith.addi %add3A_638, %and3A_137 : vector<16xi32>
          %gather3A_640 = tpu.vector_load_idx %arg10[%add3A_85, %add3A_639] : memref<80x128xf32, #tpu.memory_space<vmem>>[vector<16xi32>, vector<16xi32>], vector<16xf32>,
          %gather3A_641 = tpu.vector_load_idx %arg12[%add3A_85, %add3A_639] : memref<80x128xf32, #tpu.memory_space<vmem>>[vector<16xi32>, vector<16xi32>], vector<16xf32>,
          %mul3A_642 = arith.mulf %gather3A_640, %gather3A_641 : vector<16xf32>
          %add3A_643 = arith.addf %add3A_599, %mul3A_642 : vector<16xf32>
          %mul3A_644 = arith.mulf %gather3A_640, %gather3A_640 : vector<16xf32>
          %add3A_645 = arith.addf %add3A_601, %mul3A_644 : vector<16xf32>
          %mul3A_646 = arith.mulf %gather3A_641, %gather3A_641 : vector<16xf32>
          %add3A_647 = arith.addf %add3A_603, %mul3A_646 : vector<16xf32>
          %add3A_648 = arith.constant 32 : i32
          %add3A_649 = vector.broadcast %add3A_648 : i32 to vector<16xi32>
          %add3A_650 = arith.addi %add3A_649, %and3A_143 : vector<16xi32>
          %gather3A_651 = tpu.vector_load_idx %arg10[%add3A_85, %add3A_650] : memref<80x128xf32, #tpu.memory_space<vmem>>[vector<16xi32>, vector<16xi32>], vector<16xf32>,
          %gather3A_652 = tpu.vector_load_idx %arg12[%add3A_85, %add3A_650] : memref<80x128xf32, #tpu.memory_space<vmem>>[vector<16xi32>, vector<16xi32>], vector<16xf32>,
          %mul3A_653 = arith.mulf %gather3A_651, %gather3A_652 : vector<16xf32>
          %add3A_654 = arith.addf %add3A_610, %mul3A_653 : vector<16xf32>
          %mul3A_655 = arith.mulf %gather3A_651, %gather3A_651 : vector<16xf32>
          %add3A_656 = arith.addf %add3A_612, %mul3A_655 : vector<16xf32>
          %mul3A_657 = arith.mulf %gather3A_652, %gather3A_652 : vector<16xf32>
          %add3A_658 = arith.addf %add3A_614, %mul3A_657 : vector<16xf32>
          %add3A_659 = arith.constant 32 : i32
          %add3A_660 = vector.broadcast %add3A_659 : i32 to vector<16xi32>
          %add3A_661 = arith.addi %add3A_660, %and3A_149 : vector<16xi32>
          %gather3A_662 = tpu.vector_load_idx %arg10[%add3A_85, %add3A_661] : memref<80x128xf32, #tpu.memory_space<vmem>>[vector<16xi32>, vector<16xi32>], vector<16xf32>,
          %gather3A_663 = tpu.vector_load_idx %arg12[%add3A_85, %add3A_661] : memref<80x128xf32, #tpu.memory_space<vmem>>[vector<16xi32>, vector<16xi32>], vector<16xf32>,
          %mul3A_664 = arith.mulf %gather3A_662, %gather3A_663 : vector<16xf32>
          %add3A_665 = arith.addf %add3A_621, %mul3A_664 : vector<16xf32>
          %mul3A_666 = arith.mulf %gather3A_662, %gather3A_662 : vector<16xf32>
          %add3A_667 = arith.addf %add3A_623, %mul3A_666 : vector<16xf32>
          %mul3A_668 = arith.mulf %gather3A_663, %gather3A_663 : vector<16xf32>
          %add3A_669 = arith.addf %add3A_625, %mul3A_668 : vector<16xf32>
          %add3A_670 = arith.constant 32 : i32
          %add3A_671 = vector.broadcast %add3A_670 : i32 to vector<16xi32>
          %add3A_672 = arith.addi %add3A_671, %and3A_155 : vector<16xi32>
          %gather3A_673 = tpu.vector_load_idx %arg10[%add3A_85, %add3A_672] : memref<80x128xf32, #tpu.memory_space<vmem>>[vector<16xi32>, vector<16xi32>], vector<16xf32>,
          %gather3A_674 = tpu.vector_load_idx %arg12[%add3A_85, %add3A_672] : memref<80x128xf32, #tpu.memory_space<vmem>>[vector<16xi32>, vector<16xi32>], vector<16xf32>,
          %mul3A_675 = arith.mulf %gather3A_673, %gather3A_674 : vector<16xf32>
          %add3A_676 = arith.addf %add3A_632, %mul3A_675 : vector<16xf32>
          %mul3A_677 = arith.mulf %gather3A_673, %gather3A_673 : vector<16xf32>
          %add3A_678 = arith.addf %add3A_634, %mul3A_677 : vector<16xf32>
          %mul3A_679 = arith.mulf %gather3A_674, %gather3A_674 : vector<16xf32>
          %add3A_680 = arith.addf %add3A_636, %mul3A_679 : vector<16xf32>
          %add3A_681 = arith.constant 32 : i32
          %add3A_682 = vector.broadcast %add3A_681 : i32 to vector<16xi32>
          %add3A_683 = arith.addi %add3A_682, %and3A_161 : vector<16xi32>
          %gather3A_684 = tpu.vector_load_idx %arg10[%add3A_85, %add3A_683] : memref<80x128xf32, #tpu.memory_space<vmem>>[vector<16xi32>, vector<16xi32>], vector<16xf32>,
          %gather3A_685 = tpu.vector_load_idx %arg12[%add3A_85, %add3A_683] : memref<80x128xf32, #tpu.memory_space<vmem>>[vector<16xi32>, vector<16xi32>], vector<16xf32>,
          %mul3A_686 = arith.mulf %gather3A_684, %gather3A_685 : vector<16xf32>
          %add3A_687 = arith.addf %add3A_643, %mul3A_686 : vector<16xf32>
          %mul3A_688 = arith.mulf %gather3A_684, %gather3A_684 : vector<16xf32>
          %add3A_689 = arith.addf %add3A_645, %mul3A_688 : vector<16xf32>
          %mul3A_690 = arith.mulf %gather3A_685, %gather3A_685 : vector<16xf32>
          %add3A_691 = arith.addf %add3A_647, %mul3A_690 : vector<16xf32>
          %add3A_692 = arith.constant 32 : i32
          %add3A_693 = vector.broadcast %add3A_692 : i32 to vector<16xi32>
          %add3A_694 = arith.addi %add3A_693, %and3A_167 : vector<16xi32>
          %gather3A_695 = tpu.vector_load_idx %arg10[%add3A_85, %add3A_694] : memref<80x128xf32, #tpu.memory_space<vmem>>[vector<16xi32>, vector<16xi32>], vector<16xf32>,
          %gather3A_696 = tpu.vector_load_idx %arg12[%add3A_85, %add3A_694] : memref<80x128xf32, #tpu.memory_space<vmem>>[vector<16xi32>, vector<16xi32>], vector<16xf32>,
          %mul3A_697 = arith.mulf %gather3A_695, %gather3A_696 : vector<16xf32>
          %add3A_698 = arith.addf %add3A_654, %mul3A_697 : vector<16xf32>
          %mul3A_699 = arith.mulf %gather3A_695, %gather3A_695 : vector<16xf32>
          %add3A_700 = arith.addf %add3A_656, %mul3A_699 : vector<16xf32>
          %mul3A_701 = arith.mulf %gather3A_696, %gather3A_696 : vector<16xf32>
          %add3A_702 = arith.addf %add3A_658, %mul3A_701 : vector<16xf32>
          %add3A_703 = arith.constant 32 : i32
          %add3A_704 = vector.broadcast %add3A_703 : i32 to vector<16xi32>
          %add3A_705 = arith.addi %add3A_704, %and3A_173 : vector<16xi32>
          %gather3A_706 = tpu.vector_load_idx %arg10[%add3A_85, %add3A_705] : memref<80x128xf32, #tpu.memory_space<vmem>>[vector<16xi32>, vector<16xi32>], vector<16xf32>,
          %gather3A_707 = tpu.vector_load_idx %arg12[%add3A_85, %add3A_705] : memref<80x128xf32, #tpu.memory_space<vmem>>[vector<16xi32>, vector<16xi32>], vector<16xf32>,
          %mul3A_708 = arith.mulf %gather3A_706, %gather3A_707 : vector<16xf32>
          %add3A_709 = arith.addf %add3A_665, %mul3A_708 : vector<16xf32>
          %mul3A_710 = arith.mulf %gather3A_706, %gather3A_706 : vector<16xf32>
          %add3A_711 = arith.addf %add3A_667, %mul3A_710 : vector<16xf32>
          %mul3A_712 = arith.mulf %gather3A_707, %gather3A_707 : vector<16xf32>
          %add3A_713 = arith.addf %add3A_669, %mul3A_712 : vector<16xf32>
          %add3A_714 = arith.constant 32 : i32
          %add3A_715 = vector.broadcast %add3A_714 : i32 to vector<16xi32>
          %add3A_716 = arith.addi %add3A_715, %and3A_179 : vector<16xi32>
          %gather3A_717 = tpu.vector_load_idx %arg10[%add3A_85, %add3A_716] : memref<80x128xf32, #tpu.memory_space<vmem>>[vector<16xi32>, vector<16xi32>], vector<16xf32>,
          %gather3A_718 = tpu.vector_load_idx %arg12[%add3A_85, %add3A_716] : memref<80x128xf32, #tpu.memory_space<vmem>>[vector<16xi32>, vector<16xi32>], vector<16xf32>,
          %mul3A_719 = arith.mulf %gather3A_717, %gather3A_718 : vector<16xf32>
          %add3A_720 = arith.addf %add3A_676, %mul3A_719 : vector<16xf32>
          %mul3A_721 = arith.mulf %gather3A_717, %gather3A_717 : vector<16xf32>
          %add3A_722 = arith.addf %add3A_678, %mul3A_721 : vector<16xf32>
          %mul3A_723 = arith.mulf %gather3A_718, %gather3A_718 : vector<16xf32>
          %add3A_724 = arith.addf %add3A_680, %mul3A_723 : vector<16xf32>
          %add3A_725 = arith.constant 32 : i32
          %add3A_726 = vector.broadcast %add3A_725 : i32 to vector<16xi32>
          %add3A_727 = arith.addi %add3A_726, %and3A_185 : vector<16xi32>
          %gather3A_728 = tpu.vector_load_idx %arg10[%add3A_85, %add3A_727] : memref<80x128xf32, #tpu.memory_space<vmem>>[vector<16xi32>, vector<16xi32>], vector<16xf32>,
          %gather3A_729 = tpu.vector_load_idx %arg12[%add3A_85, %add3A_727] : memref<80x128xf32, #tpu.memory_space<vmem>>[vector<16xi32>, vector<16xi32>], vector<16xf32>,
          %mul3A_730 = arith.mulf %gather3A_728, %gather3A_729 : vector<16xf32>
          %add3A_731 = arith.addf %add3A_687, %mul3A_730 : vector<16xf32>
          %mul3A_732 = arith.mulf %gather3A_728, %gather3A_728 : vector<16xf32>
          %add3A_733 = arith.addf %add3A_689, %mul3A_732 : vector<16xf32>
          %mul3A_734 = arith.mulf %gather3A_729, %gather3A_729 : vector<16xf32>
          %add3A_735 = arith.addf %add3A_691, %mul3A_734 : vector<16xf32>
          %add3A_736 = arith.constant 48 : i32
          %add3A_737 = vector.broadcast %add3A_736 : i32 to vector<16xi32>
          %add3A_738 = arith.addi %add3A_737, %and3A_95 : vector<16xi32>
          %gather3A_739 = tpu.vector_load_idx %arg10[%add3A_85, %add3A_738] : memref<80x128xf32, #tpu.memory_space<vmem>>[vector<16xi32>, vector<16xi32>], vector<16xf32>,
          %gather3A_740 = tpu.vector_load_idx %arg12[%add3A_85, %add3A_738] : memref<80x128xf32, #tpu.memory_space<vmem>>[vector<16xi32>, vector<16xi32>], vector<16xf32>,
          %mul3A_741 = arith.mulf %gather3A_739, %gather3A_740 : vector<16xf32>
          %add3A_742 = arith.addf %add3A_698, %mul3A_741 : vector<16xf32>
          %mul3A_743 = arith.mulf %gather3A_739, %gather3A_739 : vector<16xf32>
          %add3A_744 = arith.addf %add3A_700, %mul3A_743 : vector<16xf32>
          %mul3A_745 = arith.mulf %gather3A_740, %gather3A_740 : vector<16xf32>
          %add3A_746 = arith.addf %add3A_702, %mul3A_745 : vector<16xf32>
          %add3A_747 = arith.constant 48 : i32
          %add3A_748 = vector.broadcast %add3A_747 : i32 to vector<16xi32>
          %add3A_749 = arith.addi %add3A_748, %and3A_101 : vector<16xi32>
          %gather3A_750 = tpu.vector_load_idx %arg10[%add3A_85, %add3A_749] : memref<80x128xf32, #tpu.memory_space<vmem>>[vector<16xi32>, vector<16xi32>], vector<16xf32>,
          %gather3A_751 = tpu.vector_load_idx %arg12[%add3A_85, %add3A_749] : memref<80x128xf32, #tpu.memory_space<vmem>>[vector<16xi32>, vector<16xi32>], vector<16xf32>,
          %mul3A_752 = arith.mulf %gather3A_750, %gather3A_751 : vector<16xf32>
          %add3A_753 = arith.addf %add3A_709, %mul3A_752 : vector<16xf32>
          %mul3A_754 = arith.mulf %gather3A_750, %gather3A_750 : vector<16xf32>
          %add3A_755 = arith.addf %add3A_711, %mul3A_754 : vector<16xf32>
          %mul3A_756 = arith.mulf %gather3A_751, %gather3A_751 : vector<16xf32>
          %add3A_757 = arith.addf %add3A_713, %mul3A_756 : vector<16xf32>
          %add3A_758 = arith.constant 48 : i32
          %add3A_759 = vector.broadcast %add3A_758 : i32 to vector<16xi32>
          %add3A_760 = arith.addi %add3A_759, %and3A_107 : vector<16xi32>
          %gather3A_761 = tpu.vector_load_idx %arg10[%add3A_85, %add3A_760] : memref<80x128xf32, #tpu.memory_space<vmem>>[vector<16xi32>, vector<16xi32>], vector<16xf32>,
          %gather3A_762 = tpu.vector_load_idx %arg12[%add3A_85, %add3A_760] : memref<80x128xf32, #tpu.memory_space<vmem>>[vector<16xi32>, vector<16xi32>], vector<16xf32>,
          %mul3A_763 = arith.mulf %gather3A_761, %gather3A_762 : vector<16xf32>
          %add3A_764 = arith.addf %add3A_720, %mul3A_763 : vector<16xf32>
          %mul3A_765 = arith.mulf %gather3A_761, %gather3A_761 : vector<16xf32>
          %add3A_766 = arith.addf %add3A_722, %mul3A_765 : vector<16xf32>
          %mul3A_767 = arith.mulf %gather3A_762, %gather3A_762 : vector<16xf32>
          %add3A_768 = arith.addf %add3A_724, %mul3A_767 : vector<16xf32>
          %add3A_769 = arith.constant 48 : i32
          %add3A_770 = vector.broadcast %add3A_769 : i32 to vector<16xi32>
          %add3A_771 = arith.addi %add3A_770, %and3A_113 : vector<16xi32>
          %gather3A_772 = tpu.vector_load_idx %arg10[%add3A_85, %add3A_771] : memref<80x128xf32, #tpu.memory_space<vmem>>[vector<16xi32>, vector<16xi32>], vector<16xf32>,
          %gather3A_773 = tpu.vector_load_idx %arg12[%add3A_85, %add3A_771] : memref<80x128xf32, #tpu.memory_space<vmem>>[vector<16xi32>, vector<16xi32>], vector<16xf32>,
          %mul3A_774 = arith.mulf %gather3A_772, %gather3A_773 : vector<16xf32>
          %add3A_775 = arith.addf %add3A_731, %mul3A_774 : vector<16xf32>
          %mul3A_776 = arith.mulf %gather3A_772, %gather3A_772 : vector<16xf32>
          %add3A_777 = arith.addf %add3A_733, %mul3A_776 : vector<16xf32>
          %mul3A_778 = arith.mulf %gather3A_773, %gather3A_773 : vector<16xf32>
          %add3A_779 = arith.addf %add3A_735, %mul3A_778 : vector<16xf32>
          %add3A_780 = arith.constant 48 : i32
          %add3A_781 = vector.broadcast %add3A_780 : i32 to vector<16xi32>
          %add3A_782 = arith.addi %add3A_781, %and3A_119 : vector<16xi32>
          %gather3A_783 = tpu.vector_load_idx %arg10[%add3A_85, %add3A_782] : memref<80x128xf32, #tpu.memory_space<vmem>>[vector<16xi32>, vector<16xi32>], vector<16xf32>,
          %gather3A_784 = tpu.vector_load_idx %arg12[%add3A_85, %add3A_782] : memref<80x128xf32, #tpu.memory_space<vmem>>[vector<16xi32>, vector<16xi32>], vector<16xf32>,
          %mul3A_785 = arith.mulf %gather3A_783, %gather3A_784 : vector<16xf32>
          %add3A_786 = arith.addf %add3A_742, %mul3A_785 : vector<16xf32>
          %mul3A_787 = arith.mulf %gather3A_783, %gather3A_783 : vector<16xf32>
          %add3A_788 = arith.addf %add3A_744, %mul3A_787 : vector<16xf32>
          %mul3A_789 = arith.mulf %gather3A_784, %gather3A_784 : vector<16xf32>
          %add3A_790 = arith.addf %add3A_746, %mul3A_789 : vector<16xf32>
          %add3A_791 = arith.constant 48 : i32
          %add3A_792 = vector.broadcast %add3A_791 : i32 to vector<16xi32>
          %add3A_793 = arith.addi %add3A_792, %and3A_125 : vector<16xi32>
          %gather3A_794 = tpu.vector_load_idx %arg10[%add3A_85, %add3A_793] : memref<80x128xf32, #tpu.memory_space<vmem>>[vector<16xi32>, vector<16xi32>], vector<16xf32>,
          %gather3A_795 = tpu.vector_load_idx %arg12[%add3A_85, %add3A_793] : memref<80x128xf32, #tpu.memory_space<vmem>>[vector<16xi32>, vector<16xi32>], vector<16xf32>,
          %mul3A_796 = arith.mulf %gather3A_794, %gather3A_795 : vector<16xf32>
          %add3A_797 = arith.addf %add3A_753, %mul3A_796 : vector<16xf32>
          %mul3A_798 = arith.mulf %gather3A_794, %gather3A_794 : vector<16xf32>
          %add3A_799 = arith.addf %add3A_755, %mul3A_798 : vector<16xf32>
          %mul3A_800 = arith.mulf %gather3A_795, %gather3A_795 : vector<16xf32>
          %add3A_801 = arith.addf %add3A_757, %mul3A_800 : vector<16xf32>
          %add3A_802 = arith.constant 48 : i32
          %add3A_803 = vector.broadcast %add3A_802 : i32 to vector<16xi32>
          %add3A_804 = arith.addi %add3A_803, %and3A_131 : vector<16xi32>
          %gather3A_805 = tpu.vector_load_idx %arg10[%add3A_85, %add3A_804] : memref<80x128xf32, #tpu.memory_space<vmem>>[vector<16xi32>, vector<16xi32>], vector<16xf32>,
          %gather3A_806 = tpu.vector_load_idx %arg12[%add3A_85, %add3A_804] : memref<80x128xf32, #tpu.memory_space<vmem>>[vector<16xi32>, vector<16xi32>], vector<16xf32>,
          %mul3A_807 = arith.mulf %gather3A_805, %gather3A_806 : vector<16xf32>
          %add3A_808 = arith.addf %add3A_764, %mul3A_807 : vector<16xf32>
          %mul3A_809 = arith.mulf %gather3A_805, %gather3A_805 : vector<16xf32>
          %add3A_810 = arith.addf %add3A_766, %mul3A_809 : vector<16xf32>
          %mul3A_811 = arith.mulf %gather3A_806, %gather3A_806 : vector<16xf32>
          %add3A_812 = arith.addf %add3A_768, %mul3A_811 : vector<16xf32>
          %add3A_813 = arith.constant 48 : i32
          %add3A_814 = vector.broadcast %add3A_813 : i32 to vector<16xi32>
          %add3A_815 = arith.addi %add3A_814, %and3A_137 : vector<16xi32>
          %gather3A_816 = tpu.vector_load_idx %arg10[%add3A_85, %add3A_815] : memref<80x128xf32, #tpu.memory_space<vmem>>[vector<16xi32>, vector<16xi32>], vector<16xf32>,
          %gather3A_817 = tpu.vector_load_idx %arg12[%add3A_85, %add3A_815] : memref<80x128xf32, #tpu.memory_space<vmem>>[vector<16xi32>, vector<16xi32>], vector<16xf32>,
          %mul3A_818 = arith.mulf %gather3A_816, %gather3A_817 : vector<16xf32>
          %add3A_819 = arith.addf %add3A_775, %mul3A_818 : vector<16xf32>
          %mul3A_820 = arith.mulf %gather3A_816, %gather3A_816 : vector<16xf32>
          %add3A_821 = arith.addf %add3A_777, %mul3A_820 : vector<16xf32>
          %mul3A_822 = arith.mulf %gather3A_817, %gather3A_817 : vector<16xf32>
          %add3A_823 = arith.addf %add3A_779, %mul3A_822 : vector<16xf32>
          %add3A_824 = arith.constant 48 : i32
          %add3A_825 = vector.broadcast %add3A_824 : i32 to vector<16xi32>
          %add3A_826 = arith.addi %add3A_825, %and3A_143 : vector<16xi32>
          %gather3A_827 = tpu.vector_load_idx %arg10[%add3A_85, %add3A_826] : memref<80x128xf32, #tpu.memory_space<vmem>>[vector<16xi32>, vector<16xi32>], vector<16xf32>,
          %gather3A_828 = tpu.vector_load_idx %arg12[%add3A_85, %add3A_826] : memref<80x128xf32, #tpu.memory_space<vmem>>[vector<16xi32>, vector<16xi32>], vector<16xf32>,
          %mul3A_829 = arith.mulf %gather3A_827, %gather3A_828 : vector<16xf32>
          %add3A_830 = arith.addf %add3A_786, %mul3A_829 : vector<16xf32>
          %mul3A_831 = arith.mulf %gather3A_827, %gather3A_827 : vector<16xf32>
          %add3A_832 = arith.addf %add3A_788, %mul3A_831 : vector<16xf32>
          %mul3A_833 = arith.mulf %gather3A_828, %gather3A_828 : vector<16xf32>
          %add3A_834 = arith.addf %add3A_790, %mul3A_833 : vector<16xf32>
          %add3A_835 = arith.constant 48 : i32
          %add3A_836 = vector.broadcast %add3A_835 : i32 to vector<16xi32>
          %add3A_837 = arith.addi %add3A_836, %and3A_149 : vector<16xi32>
          %gather3A_838 = tpu.vector_load_idx %arg10[%add3A_85, %add3A_837] : memref<80x128xf32, #tpu.memory_space<vmem>>[vector<16xi32>, vector<16xi32>], vector<16xf32>,
          %gather3A_839 = tpu.vector_load_idx %arg12[%add3A_85, %add3A_837] : memref<80x128xf32, #tpu.memory_space<vmem>>[vector<16xi32>, vector<16xi32>], vector<16xf32>,
          %mul3A_840 = arith.mulf %gather3A_838, %gather3A_839 : vector<16xf32>
          %add3A_841 = arith.addf %add3A_797, %mul3A_840 : vector<16xf32>
          %mul3A_842 = arith.mulf %gather3A_838, %gather3A_838 : vector<16xf32>
          %add3A_843 = arith.addf %add3A_799, %mul3A_842 : vector<16xf32>
          %mul3A_844 = arith.mulf %gather3A_839, %gather3A_839 : vector<16xf32>
          %add3A_845 = arith.addf %add3A_801, %mul3A_844 : vector<16xf32>
          %add3A_846 = arith.constant 48 : i32
          %add3A_847 = vector.broadcast %add3A_846 : i32 to vector<16xi32>
          %add3A_848 = arith.addi %add3A_847, %and3A_155 : vector<16xi32>
          %gather3A_849 = tpu.vector_load_idx %arg10[%add3A_85, %add3A_848] : memref<80x128xf32, #tpu.memory_space<vmem>>[vector<16xi32>, vector<16xi32>], vector<16xf32>,
          %gather3A_850 = tpu.vector_load_idx %arg12[%add3A_85, %add3A_848] : memref<80x128xf32, #tpu.memory_space<vmem>>[vector<16xi32>, vector<16xi32>], vector<16xf32>,
          %mul3A_851 = arith.mulf %gather3A_849, %gather3A_850 : vector<16xf32>
          %add3A_852 = arith.addf %add3A_808, %mul3A_851 : vector<16xf32>
          %mul3A_853 = arith.mulf %gather3A_849, %gather3A_849 : vector<16xf32>
          %add3A_854 = arith.addf %add3A_810, %mul3A_853 : vector<16xf32>
          %mul3A_855 = arith.mulf %gather3A_850, %gather3A_850 : vector<16xf32>
          %add3A_856 = arith.addf %add3A_812, %mul3A_855 : vector<16xf32>
          %add3A_857 = arith.constant 48 : i32
          %add3A_858 = vector.broadcast %add3A_857 : i32 to vector<16xi32>
          %add3A_859 = arith.addi %add3A_858, %and3A_161 : vector<16xi32>
          %gather3A_860 = tpu.vector_load_idx %arg10[%add3A_85, %add3A_859] : memref<80x128xf32, #tpu.memory_space<vmem>>[vector<16xi32>, vector<16xi32>], vector<16xf32>,
          %gather3A_861 = tpu.vector_load_idx %arg12[%add3A_85, %add3A_859] : memref<80x128xf32, #tpu.memory_space<vmem>>[vector<16xi32>, vector<16xi32>], vector<16xf32>,
          %mul3A_862 = arith.mulf %gather3A_860, %gather3A_861 : vector<16xf32>
          %add3A_863 = arith.addf %add3A_819, %mul3A_862 : vector<16xf32>
          %mul3A_864 = arith.mulf %gather3A_860, %gather3A_860 : vector<16xf32>
          %add3A_865 = arith.addf %add3A_821, %mul3A_864 : vector<16xf32>
          %mul3A_866 = arith.mulf %gather3A_861, %gather3A_861 : vector<16xf32>
          %add3A_867 = arith.addf %add3A_823, %mul3A_866 : vector<16xf32>
          %add3A_868 = arith.constant 48 : i32
          %add3A_869 = vector.broadcast %add3A_868 : i32 to vector<16xi32>
          %add3A_870 = arith.addi %add3A_869, %and3A_167 : vector<16xi32>
          %gather3A_871 = tpu.vector_load_idx %arg10[%add3A_85, %add3A_870] : memref<80x128xf32, #tpu.memory_space<vmem>>[vector<16xi32>, vector<16xi32>], vector<16xf32>,
          %gather3A_872 = tpu.vector_load_idx %arg12[%add3A_85, %add3A_870] : memref<80x128xf32, #tpu.memory_space<vmem>>[vector<16xi32>, vector<16xi32>], vector<16xf32>,
          %mul3A_873 = arith.mulf %gather3A_871, %gather3A_872 : vector<16xf32>
          %add3A_874 = arith.addf %add3A_830, %mul3A_873 : vector<16xf32>
          %mul3A_875 = arith.mulf %gather3A_871, %gather3A_871 : vector<16xf32>
          %add3A_876 = arith.addf %add3A_832, %mul3A_875 : vector<16xf32>
          %mul3A_877 = arith.mulf %gather3A_872, %gather3A_872 : vector<16xf32>
          %add3A_878 = arith.addf %add3A_834, %mul3A_877 : vector<16xf32>
          %add3A_879 = arith.constant 48 : i32
          %add3A_880 = vector.broadcast %add3A_879 : i32 to vector<16xi32>
          %add3A_881 = arith.addi %add3A_880, %and3A_173 : vector<16xi32>
          %gather3A_882 = tpu.vector_load_idx %arg10[%add3A_85, %add3A_881] : memref<80x128xf32, #tpu.memory_space<vmem>>[vector<16xi32>, vector<16xi32>], vector<16xf32>,
          %gather3A_883 = tpu.vector_load_idx %arg12[%add3A_85, %add3A_881] : memref<80x128xf32, #tpu.memory_space<vmem>>[vector<16xi32>, vector<16xi32>], vector<16xf32>,
          %mul3A_884 = arith.mulf %gather3A_882, %gather3A_883 : vector<16xf32>
          %add3A_885 = arith.addf %add3A_841, %mul3A_884 : vector<16xf32>
          %mul3A_886 = arith.mulf %gather3A_882, %gather3A_882 : vector<16xf32>
          %add3A_887 = arith.addf %add3A_843, %mul3A_886 : vector<16xf32>
          %mul3A_888 = arith.mulf %gather3A_883, %gather3A_883 : vector<16xf32>
          %add3A_889 = arith.addf %add3A_845, %mul3A_888 : vector<16xf32>
          %add3A_890 = arith.constant 48 : i32
          %add3A_891 = vector.broadcast %add3A_890 : i32 to vector<16xi32>
          %add3A_892 = arith.addi %add3A_891, %and3A_179 : vector<16xi32>
          %gather3A_893 = tpu.vector_load_idx %arg10[%add3A_85, %add3A_892] : memref<80x128xf32, #tpu.memory_space<vmem>>[vector<16xi32>, vector<16xi32>], vector<16xf32>,
          %gather3A_894 = tpu.vector_load_idx %arg12[%add3A_85, %add3A_892] : memref<80x128xf32, #tpu.memory_space<vmem>>[vector<16xi32>, vector<16xi32>], vector<16xf32>,
          %mul3A_895 = arith.mulf %gather3A_893, %gather3A_894 : vector<16xf32>
          %add3A_896 = arith.addf %add3A_852, %mul3A_895 : vector<16xf32>
          %mul3A_897 = arith.mulf %gather3A_893, %gather3A_893 : vector<16xf32>
          %add3A_898 = arith.addf %add3A_854, %mul3A_897 : vector<16xf32>
          %mul3A_899 = arith.mulf %gather3A_894, %gather3A_894 : vector<16xf32>
          %add3A_900 = arith.addf %add3A_856, %mul3A_899 : vector<16xf32>
          %add3A_901 = arith.constant 48 : i32
          %add3A_902 = vector.broadcast %add3A_901 : i32 to vector<16xi32>
          %add3A_903 = arith.addi %add3A_902, %and3A_185 : vector<16xi32>
          %gather3A_904 = tpu.vector_load_idx %arg10[%add3A_85, %add3A_903] : memref<80x128xf32, #tpu.memory_space<vmem>>[vector<16xi32>, vector<16xi32>], vector<16xf32>,
          %gather3A_905 = tpu.vector_load_idx %arg12[%add3A_85, %add3A_903] : memref<80x128xf32, #tpu.memory_space<vmem>>[vector<16xi32>, vector<16xi32>], vector<16xf32>,
          %mul3A_906 = arith.mulf %gather3A_904, %gather3A_905 : vector<16xf32>
          %add3A_907 = arith.addf %add3A_863, %mul3A_906 : vector<16xf32>
          %mul3A_908 = arith.mulf %gather3A_904, %gather3A_904 : vector<16xf32>
          %add3A_909 = arith.addf %add3A_865, %mul3A_908 : vector<16xf32>
          %mul3A_910 = arith.mulf %gather3A_905, %gather3A_905 : vector<16xf32>
          %add3A_911 = arith.addf %add3A_867, %mul3A_910 : vector<16xf32>
          %add3A_912 = arith.constant 64 : i32
          %add3A_913 = vector.broadcast %add3A_912 : i32 to vector<16xi32>
          %add3A_914 = arith.addi %add3A_913, %and3A_95 : vector<16xi32>
          %gather3A_915 = tpu.vector_load_idx %arg10[%add3A_85, %add3A_914] : memref<80x128xf32, #tpu.memory_space<vmem>>[vector<16xi32>, vector<16xi32>], vector<16xf32>,
          %gather3A_916 = tpu.vector_load_idx %arg12[%add3A_85, %add3A_914] : memref<80x128xf32, #tpu.memory_space<vmem>>[vector<16xi32>, vector<16xi32>], vector<16xf32>,
          %mul3A_917 = arith.mulf %gather3A_915, %gather3A_916 : vector<16xf32>
          %add3A_918 = arith.addf %add3A_874, %mul3A_917 : vector<16xf32>
          %mul3A_919 = arith.mulf %gather3A_915, %gather3A_915 : vector<16xf32>
          %add3A_920 = arith.addf %add3A_876, %mul3A_919 : vector<16xf32>
          %mul3A_921 = arith.mulf %gather3A_916, %gather3A_916 : vector<16xf32>
          %add3A_922 = arith.addf %add3A_878, %mul3A_921 : vector<16xf32>
          %add3A_923 = arith.constant 64 : i32
          %add3A_924 = vector.broadcast %add3A_923 : i32 to vector<16xi32>
          %add3A_925 = arith.addi %add3A_924, %and3A_101 : vector<16xi32>
          %gather3A_926 = tpu.vector_load_idx %arg10[%add3A_85, %add3A_925] : memref<80x128xf32, #tpu.memory_space<vmem>>[vector<16xi32>, vector<16xi32>], vector<16xf32>,
          %gather3A_927 = tpu.vector_load_idx %arg12[%add3A_85, %add3A_925] : memref<80x128xf32, #tpu.memory_space<vmem>>[vector<16xi32>, vector<16xi32>], vector<16xf32>,
          %mul3A_928 = arith.mulf %gather3A_926, %gather3A_927 : vector<16xf32>
          %add3A_929 = arith.addf %add3A_885, %mul3A_928 : vector<16xf32>
          %mul3A_930 = arith.mulf %gather3A_926, %gather3A_926 : vector<16xf32>
          %add3A_931 = arith.addf %add3A_887, %mul3A_930 : vector<16xf32>
          %mul3A_932 = arith.mulf %gather3A_927, %gather3A_927 : vector<16xf32>
          %add3A_933 = arith.addf %add3A_889, %mul3A_932 : vector<16xf32>
          %add3A_934 = arith.constant 64 : i32
          %add3A_935 = vector.broadcast %add3A_934 : i32 to vector<16xi32>
          %add3A_936 = arith.addi %add3A_935, %and3A_107 : vector<16xi32>
          %gather3A_937 = tpu.vector_load_idx %arg10[%add3A_85, %add3A_936] : memref<80x128xf32, #tpu.memory_space<vmem>>[vector<16xi32>, vector<16xi32>], vector<16xf32>,
          %gather3A_938 = tpu.vector_load_idx %arg12[%add3A_85, %add3A_936] : memref<80x128xf32, #tpu.memory_space<vmem>>[vector<16xi32>, vector<16xi32>], vector<16xf32>,
          %mul3A_939 = arith.mulf %gather3A_937, %gather3A_938 : vector<16xf32>
          %add3A_940 = arith.addf %add3A_896, %mul3A_939 : vector<16xf32>
          %mul3A_941 = arith.mulf %gather3A_937, %gather3A_937 : vector<16xf32>
          %add3A_942 = arith.addf %add3A_898, %mul3A_941 : vector<16xf32>
          %mul3A_943 = arith.mulf %gather3A_938, %gather3A_938 : vector<16xf32>
          %add3A_944 = arith.addf %add3A_900, %mul3A_943 : vector<16xf32>
          %add3A_945 = arith.constant 64 : i32
          %add3A_946 = vector.broadcast %add3A_945 : i32 to vector<16xi32>
          %add3A_947 = arith.addi %add3A_946, %and3A_113 : vector<16xi32>
          %gather3A_948 = tpu.vector_load_idx %arg10[%add3A_85, %add3A_947] : memref<80x128xf32, #tpu.memory_space<vmem>>[vector<16xi32>, vector<16xi32>], vector<16xf32>,
          %gather3A_949 = tpu.vector_load_idx %arg12[%add3A_85, %add3A_947] : memref<80x128xf32, #tpu.memory_space<vmem>>[vector<16xi32>, vector<16xi32>], vector<16xf32>,
          %mul3A_950 = arith.mulf %gather3A_948, %gather3A_949 : vector<16xf32>
          %add3A_951 = arith.addf %add3A_907, %mul3A_950 : vector<16xf32>
          %mul3A_952 = arith.mulf %gather3A_948, %gather3A_948 : vector<16xf32>
          %add3A_953 = arith.addf %add3A_909, %mul3A_952 : vector<16xf32>
          %mul3A_954 = arith.mulf %gather3A_949, %gather3A_949 : vector<16xf32>
          %add3A_955 = arith.addf %add3A_911, %mul3A_954 : vector<16xf32>
          %add3A_956 = arith.constant 64 : i32
          %add3A_957 = vector.broadcast %add3A_956 : i32 to vector<16xi32>
          %add3A_958 = arith.addi %add3A_957, %and3A_119 : vector<16xi32>
          %gather3A_959 = tpu.vector_load_idx %arg10[%add3A_85, %add3A_958] : memref<80x128xf32, #tpu.memory_space<vmem>>[vector<16xi32>, vector<16xi32>], vector<16xf32>,
          %gather3A_960 = tpu.vector_load_idx %arg12[%add3A_85, %add3A_958] : memref<80x128xf32, #tpu.memory_space<vmem>>[vector<16xi32>, vector<16xi32>], vector<16xf32>,
          %mul3A_961 = arith.mulf %gather3A_959, %gather3A_960 : vector<16xf32>
          %add3A_962 = arith.addf %add3A_918, %mul3A_961 : vector<16xf32>
          %mul3A_963 = arith.mulf %gather3A_959, %gather3A_959 : vector<16xf32>
          %add3A_964 = arith.addf %add3A_920, %mul3A_963 : vector<16xf32>
          %mul3A_965 = arith.mulf %gather3A_960, %gather3A_960 : vector<16xf32>
          %add3A_966 = arith.addf %add3A_922, %mul3A_965 : vector<16xf32>
          %add3A_967 = arith.constant 64 : i32
          %add3A_968 = vector.broadcast %add3A_967 : i32 to vector<16xi32>
          %add3A_969 = arith.addi %add3A_968, %and3A_125 : vector<16xi32>
          %gather3A_970 = tpu.vector_load_idx %arg10[%add3A_85, %add3A_969] : memref<80x128xf32, #tpu.memory_space<vmem>>[vector<16xi32>, vector<16xi32>], vector<16xf32>,
          %gather3A_971 = tpu.vector_load_idx %arg12[%add3A_85, %add3A_969] : memref<80x128xf32, #tpu.memory_space<vmem>>[vector<16xi32>, vector<16xi32>], vector<16xf32>,
          %mul3A_972 = arith.mulf %gather3A_970, %gather3A_971 : vector<16xf32>
          %add3A_973 = arith.addf %add3A_929, %mul3A_972 : vector<16xf32>
          %mul3A_974 = arith.mulf %gather3A_970, %gather3A_970 : vector<16xf32>
          %add3A_975 = arith.addf %add3A_931, %mul3A_974 : vector<16xf32>
          %mul3A_976 = arith.mulf %gather3A_971, %gather3A_971 : vector<16xf32>
          %add3A_977 = arith.addf %add3A_933, %mul3A_976 : vector<16xf32>
          %add3A_978 = arith.constant 64 : i32
          %add3A_979 = vector.broadcast %add3A_978 : i32 to vector<16xi32>
          %add3A_980 = arith.addi %add3A_979, %and3A_131 : vector<16xi32>
          %gather3A_981 = tpu.vector_load_idx %arg10[%add3A_85, %add3A_980] : memref<80x128xf32, #tpu.memory_space<vmem>>[vector<16xi32>, vector<16xi32>], vector<16xf32>,
          %gather3A_982 = tpu.vector_load_idx %arg12[%add3A_85, %add3A_980] : memref<80x128xf32, #tpu.memory_space<vmem>>[vector<16xi32>, vector<16xi32>], vector<16xf32>,
          %mul3A_983 = arith.mulf %gather3A_981, %gather3A_982 : vector<16xf32>
          %add3A_984 = arith.addf %add3A_940, %mul3A_983 : vector<16xf32>
          %mul3A_985 = arith.mulf %gather3A_981, %gather3A_981 : vector<16xf32>
          %add3A_986 = arith.addf %add3A_942, %mul3A_985 : vector<16xf32>
          %mul3A_987 = arith.mulf %gather3A_982, %gather3A_982 : vector<16xf32>
          %add3A_988 = arith.addf %add3A_944, %mul3A_987 : vector<16xf32>
          %add3A_989 = arith.constant 64 : i32
          %add3A_990 = vector.broadcast %add3A_989 : i32 to vector<16xi32>
          %add3A_991 = arith.addi %add3A_990, %and3A_137 : vector<16xi32>
          %gather3A_992 = tpu.vector_load_idx %arg10[%add3A_85, %add3A_991] : memref<80x128xf32, #tpu.memory_space<vmem>>[vector<16xi32>, vector<16xi32>], vector<16xf32>,
          %gather3A_993 = tpu.vector_load_idx %arg12[%add3A_85, %add3A_991] : memref<80x128xf32, #tpu.memory_space<vmem>>[vector<16xi32>, vector<16xi32>], vector<16xf32>,
          %mul3A_994 = arith.mulf %gather3A_992, %gather3A_993 : vector<16xf32>
          %add3A_995 = arith.addf %add3A_951, %mul3A_994 : vector<16xf32>
          %mul3A_996 = arith.mulf %gather3A_992, %gather3A_992 : vector<16xf32>
          %add3A_997 = arith.addf %add3A_953, %mul3A_996 : vector<16xf32>
          %mul3A_998 = arith.mulf %gather3A_993, %gather3A_993 : vector<16xf32>
          %add3A_999 = arith.addf %add3A_955, %mul3A_998 : vector<16xf32>
          %add3A_1000 = arith.constant 64 : i32
          %add3A_1001 = vector.broadcast %add3A_1000 : i32 to vector<16xi32>
          %add3A_1002 = arith.addi %add3A_1001, %and3A_143 : vector<16xi32>
          %gather3A_1003 = tpu.vector_load_idx %arg10[%add3A_85, %add3A_1002] : memref<80x128xf32, #tpu.memory_space<vmem>>[vector<16xi32>, vector<16xi32>], vector<16xf32>,
          %gather3A_1004 = tpu.vector_load_idx %arg12[%add3A_85, %add3A_1002] : memref<80x128xf32, #tpu.memory_space<vmem>>[vector<16xi32>, vector<16xi32>], vector<16xf32>,
          %mul3A_1005 = arith.mulf %gather3A_1003, %gather3A_1004 : vector<16xf32>
          %add3A_1006 = arith.addf %add3A_962, %mul3A_1005 : vector<16xf32>
          %mul3A_1007 = arith.mulf %gather3A_1003, %gather3A_1003 : vector<16xf32>
          %add3A_1008 = arith.addf %add3A_964, %mul3A_1007 : vector<16xf32>
          %mul3A_1009 = arith.mulf %gather3A_1004, %gather3A_1004 : vector<16xf32>
          %add3A_1010 = arith.addf %add3A_966, %mul3A_1009 : vector<16xf32>
          %add3A_1011 = arith.constant 64 : i32
          %add3A_1012 = vector.broadcast %add3A_1011 : i32 to vector<16xi32>
          %add3A_1013 = arith.addi %add3A_1012, %and3A_149 : vector<16xi32>
          %gather3A_1014 = tpu.vector_load_idx %arg10[%add3A_85, %add3A_1013] : memref<80x128xf32, #tpu.memory_space<vmem>>[vector<16xi32>, vector<16xi32>], vector<16xf32>,
          %gather3A_1015 = tpu.vector_load_idx %arg12[%add3A_85, %add3A_1013] : memref<80x128xf32, #tpu.memory_space<vmem>>[vector<16xi32>, vector<16xi32>], vector<16xf32>,
          %mul3A_1016 = arith.mulf %gather3A_1014, %gather3A_1015 : vector<16xf32>
          %add3A_1017 = arith.addf %add3A_973, %mul3A_1016 : vector<16xf32>
          %mul3A_1018 = arith.mulf %gather3A_1014, %gather3A_1014 : vector<16xf32>
          %add3A_1019 = arith.addf %add3A_975, %mul3A_1018 : vector<16xf32>
          %mul3A_1020 = arith.mulf %gather3A_1015, %gather3A_1015 : vector<16xf32>
          %add3A_1021 = arith.addf %add3A_977, %mul3A_1020 : vector<16xf32>
          %add3A_1022 = arith.constant 64 : i32
          %add3A_1023 = vector.broadcast %add3A_1022 : i32 to vector<16xi32>
          %add3A_1024 = arith.addi %add3A_1023, %and3A_155 : vector<16xi32>
          %gather3A_1025 = tpu.vector_load_idx %arg10[%add3A_85, %add3A_1024] : memref<80x128xf32, #tpu.memory_space<vmem>>[vector<16xi32>, vector<16xi32>], vector<16xf32>,
          %gather3A_1026 = tpu.vector_load_idx %arg12[%add3A_85, %add3A_1024] : memref<80x128xf32, #tpu.memory_space<vmem>>[vector<16xi32>, vector<16xi32>], vector<16xf32>,
          %mul3A_1027 = arith.mulf %gather3A_1025, %gather3A_1026 : vector<16xf32>
          %add3A_1028 = arith.addf %add3A_984, %mul3A_1027 : vector<16xf32>
          %mul3A_1029 = arith.mulf %gather3A_1025, %gather3A_1025 : vector<16xf32>
          %add3A_1030 = arith.addf %add3A_986, %mul3A_1029 : vector<16xf32>
          %mul3A_1031 = arith.mulf %gather3A_1026, %gather3A_1026 : vector<16xf32>
          %add3A_1032 = arith.addf %add3A_988, %mul3A_1031 : vector<16xf32>
          %add3A_1033 = arith.constant 64 : i32
          %add3A_1034 = vector.broadcast %add3A_1033 : i32 to vector<16xi32>
          %add3A_1035 = arith.addi %add3A_1034, %and3A_161 : vector<16xi32>
          %gather3A_1036 = tpu.vector_load_idx %arg10[%add3A_85, %add3A_1035] : memref<80x128xf32, #tpu.memory_space<vmem>>[vector<16xi32>, vector<16xi32>], vector<16xf32>,
          %gather3A_1037 = tpu.vector_load_idx %arg12[%add3A_85, %add3A_1035] : memref<80x128xf32, #tpu.memory_space<vmem>>[vector<16xi32>, vector<16xi32>], vector<16xf32>,
          %mul3A_1038 = arith.mulf %gather3A_1036, %gather3A_1037 : vector<16xf32>
          %add3A_1039 = arith.addf %add3A_995, %mul3A_1038 : vector<16xf32>
          %mul3A_1040 = arith.mulf %gather3A_1036, %gather3A_1036 : vector<16xf32>
          %add3A_1041 = arith.addf %add3A_997, %mul3A_1040 : vector<16xf32>
          %mul3A_1042 = arith.mulf %gather3A_1037, %gather3A_1037 : vector<16xf32>
          %add3A_1043 = arith.addf %add3A_999, %mul3A_1042 : vector<16xf32>
          %add3A_1044 = arith.constant 64 : i32
          %add3A_1045 = vector.broadcast %add3A_1044 : i32 to vector<16xi32>
          %add3A_1046 = arith.addi %add3A_1045, %and3A_167 : vector<16xi32>
          %gather3A_1047 = tpu.vector_load_idx %arg10[%add3A_85, %add3A_1046] : memref<80x128xf32, #tpu.memory_space<vmem>>[vector<16xi32>, vector<16xi32>], vector<16xf32>,
          %gather3A_1048 = tpu.vector_load_idx %arg12[%add3A_85, %add3A_1046] : memref<80x128xf32, #tpu.memory_space<vmem>>[vector<16xi32>, vector<16xi32>], vector<16xf32>,
          %mul3A_1049 = arith.mulf %gather3A_1047, %gather3A_1048 : vector<16xf32>
          %add3A_1050 = arith.addf %add3A_1006, %mul3A_1049 : vector<16xf32>
          %mul3A_1051 = arith.mulf %gather3A_1047, %gather3A_1047 : vector<16xf32>
          %add3A_1052 = arith.addf %add3A_1008, %mul3A_1051 : vector<16xf32>
          %mul3A_1053 = arith.mulf %gather3A_1048, %gather3A_1048 : vector<16xf32>
          %add3A_1054 = arith.addf %add3A_1010, %mul3A_1053 : vector<16xf32>
          %add3A_1055 = arith.constant 64 : i32
          %add3A_1056 = vector.broadcast %add3A_1055 : i32 to vector<16xi32>
          %add3A_1057 = arith.addi %add3A_1056, %and3A_173 : vector<16xi32>
          %gather3A_1058 = tpu.vector_load_idx %arg10[%add3A_85, %add3A_1057] : memref<80x128xf32, #tpu.memory_space<vmem>>[vector<16xi32>, vector<16xi32>], vector<16xf32>,
          %gather3A_1059 = tpu.vector_load_idx %arg12[%add3A_85, %add3A_1057] : memref<80x128xf32, #tpu.memory_space<vmem>>[vector<16xi32>, vector<16xi32>], vector<16xf32>,
          %mul3A_1060 = arith.mulf %gather3A_1058, %gather3A_1059 : vector<16xf32>
          %add3A_1061 = arith.addf %add3A_1017, %mul3A_1060 : vector<16xf32>
          %mul3A_1062 = arith.mulf %gather3A_1058, %gather3A_1058 : vector<16xf32>
          %add3A_1063 = arith.addf %add3A_1019, %mul3A_1062 : vector<16xf32>
          %mul3A_1064 = arith.mulf %gather3A_1059, %gather3A_1059 : vector<16xf32>
          %add3A_1065 = arith.addf %add3A_1021, %mul3A_1064 : vector<16xf32>
          %add3A_1066 = arith.constant 64 : i32
          %add3A_1067 = vector.broadcast %add3A_1066 : i32 to vector<16xi32>
          %add3A_1068 = arith.addi %add3A_1067, %and3A_179 : vector<16xi32>
          %gather3A_1069 = tpu.vector_load_idx %arg10[%add3A_85, %add3A_1068] : memref<80x128xf32, #tpu.memory_space<vmem>>[vector<16xi32>, vector<16xi32>], vector<16xf32>,
          %gather3A_1070 = tpu.vector_load_idx %arg12[%add3A_85, %add3A_1068] : memref<80x128xf32, #tpu.memory_space<vmem>>[vector<16xi32>, vector<16xi32>], vector<16xf32>,
          %mul3A_1071 = arith.mulf %gather3A_1069, %gather3A_1070 : vector<16xf32>
          %add3A_1072 = arith.addf %add3A_1028, %mul3A_1071 : vector<16xf32>
          %mul3A_1073 = arith.mulf %gather3A_1069, %gather3A_1069 : vector<16xf32>
          %add3A_1074 = arith.addf %add3A_1030, %mul3A_1073 : vector<16xf32>
          %mul3A_1075 = arith.mulf %gather3A_1070, %gather3A_1070 : vector<16xf32>
          %add3A_1076 = arith.addf %add3A_1032, %mul3A_1075 : vector<16xf32>
          %add3A_1077 = arith.constant 64 : i32
          %add3A_1078 = vector.broadcast %add3A_1077 : i32 to vector<16xi32>
          %add3A_1079 = arith.addi %add3A_1078, %and3A_185 : vector<16xi32>
          %gather3A_1080 = tpu.vector_load_idx %arg10[%add3A_85, %add3A_1079] : memref<80x128xf32, #tpu.memory_space<vmem>>[vector<16xi32>, vector<16xi32>], vector<16xf32>,
          %gather3A_1081 = tpu.vector_load_idx %arg12[%add3A_85, %add3A_1079] : memref<80x128xf32, #tpu.memory_space<vmem>>[vector<16xi32>, vector<16xi32>], vector<16xf32>,
          %mul3A_1082 = arith.mulf %gather3A_1080, %gather3A_1081 : vector<16xf32>
          %add3A_1083 = arith.addf %add3A_1039, %mul3A_1082 : vector<16xf32>
          %mul3A_1084 = arith.mulf %gather3A_1080, %gather3A_1080 : vector<16xf32>
          %add3A_1085 = arith.addf %add3A_1041, %mul3A_1084 : vector<16xf32>
          %mul3A_1086 = arith.mulf %gather3A_1081, %gather3A_1081 : vector<16xf32>
          %add3A_1087 = arith.addf %add3A_1043, %mul3A_1086 : vector<16xf32>
          %add3A_1088 = arith.constant 80 : i32
          %add3A_1089 = vector.broadcast %add3A_1088 : i32 to vector<16xi32>
          %add3A_1090 = arith.addi %add3A_1089, %and3A_95 : vector<16xi32>
          %gather3A_1091 = tpu.vector_load_idx %arg10[%add3A_85, %add3A_1090] : memref<80x128xf32, #tpu.memory_space<vmem>>[vector<16xi32>, vector<16xi32>], vector<16xf32>,
          %gather3A_1092 = tpu.vector_load_idx %arg12[%add3A_85, %add3A_1090] : memref<80x128xf32, #tpu.memory_space<vmem>>[vector<16xi32>, vector<16xi32>], vector<16xf32>,
          %mul3A_1093 = arith.mulf %gather3A_1091, %gather3A_1092 : vector<16xf32>
          %add3A_1094 = arith.addf %add3A_1050, %mul3A_1093 : vector<16xf32>
          %mul3A_1095 = arith.mulf %gather3A_1091, %gather3A_1091 : vector<16xf32>
          %add3A_1096 = arith.addf %add3A_1052, %mul3A_1095 : vector<16xf32>
          %mul3A_1097 = arith.mulf %gather3A_1092, %gather3A_1092 : vector<16xf32>
          %add3A_1098 = arith.addf %add3A_1054, %mul3A_1097 : vector<16xf32>
          %add3A_1099 = arith.constant 80 : i32
          %add3A_1100 = vector.broadcast %add3A_1099 : i32 to vector<16xi32>
          %add3A_1101 = arith.addi %add3A_1100, %and3A_101 : vector<16xi32>
          %gather3A_1102 = tpu.vector_load_idx %arg10[%add3A_85, %add3A_1101] : memref<80x128xf32, #tpu.memory_space<vmem>>[vector<16xi32>, vector<16xi32>], vector<16xf32>,
          %gather3A_1103 = tpu.vector_load_idx %arg12[%add3A_85, %add3A_1101] : memref<80x128xf32, #tpu.memory_space<vmem>>[vector<16xi32>, vector<16xi32>], vector<16xf32>,
          %mul3A_1104 = arith.mulf %gather3A_1102, %gather3A_1103 : vector<16xf32>
          %add3A_1105 = arith.addf %add3A_1061, %mul3A_1104 : vector<16xf32>
          %mul3A_1106 = arith.mulf %gather3A_1102, %gather3A_1102 : vector<16xf32>
          %add3A_1107 = arith.addf %add3A_1063, %mul3A_1106 : vector<16xf32>
          %mul3A_1108 = arith.mulf %gather3A_1103, %gather3A_1103 : vector<16xf32>
          %add3A_1109 = arith.addf %add3A_1065, %mul3A_1108 : vector<16xf32>
          %add3A_1110 = arith.constant 80 : i32
          %add3A_1111 = vector.broadcast %add3A_1110 : i32 to vector<16xi32>
          %add3A_1112 = arith.addi %add3A_1111, %and3A_107 : vector<16xi32>
          %gather3A_1113 = tpu.vector_load_idx %arg10[%add3A_85, %add3A_1112] : memref<80x128xf32, #tpu.memory_space<vmem>>[vector<16xi32>, vector<16xi32>], vector<16xf32>,
          %gather3A_1114 = tpu.vector_load_idx %arg12[%add3A_85, %add3A_1112] : memref<80x128xf32, #tpu.memory_space<vmem>>[vector<16xi32>, vector<16xi32>], vector<16xf32>,
          %mul3A_1115 = arith.mulf %gather3A_1113, %gather3A_1114 : vector<16xf32>
          %add3A_1116 = arith.addf %add3A_1072, %mul3A_1115 : vector<16xf32>
          %mul3A_1117 = arith.mulf %gather3A_1113, %gather3A_1113 : vector<16xf32>
          %add3A_1118 = arith.addf %add3A_1074, %mul3A_1117 : vector<16xf32>
          %mul3A_1119 = arith.mulf %gather3A_1114, %gather3A_1114 : vector<16xf32>
          %add3A_1120 = arith.addf %add3A_1076, %mul3A_1119 : vector<16xf32>
          %add3A_1121 = arith.constant 80 : i32
          %add3A_1122 = vector.broadcast %add3A_1121 : i32 to vector<16xi32>
          %add3A_1123 = arith.addi %add3A_1122, %and3A_113 : vector<16xi32>
          %gather3A_1124 = tpu.vector_load_idx %arg10[%add3A_85, %add3A_1123] : memref<80x128xf32, #tpu.memory_space<vmem>>[vector<16xi32>, vector<16xi32>], vector<16xf32>,
          %gather3A_1125 = tpu.vector_load_idx %arg12[%add3A_85, %add3A_1123] : memref<80x128xf32, #tpu.memory_space<vmem>>[vector<16xi32>, vector<16xi32>], vector<16xf32>,
          %mul3A_1126 = arith.mulf %gather3A_1124, %gather3A_1125 : vector<16xf32>
          %add3A_1127 = arith.addf %add3A_1083, %mul3A_1126 : vector<16xf32>
          %mul3A_1128 = arith.mulf %gather3A_1124, %gather3A_1124 : vector<16xf32>
          %add3A_1129 = arith.addf %add3A_1085, %mul3A_1128 : vector<16xf32>
          %mul3A_1130 = arith.mulf %gather3A_1125, %gather3A_1125 : vector<16xf32>
          %add3A_1131 = arith.addf %add3A_1087, %mul3A_1130 : vector<16xf32>
          %add3A_1132 = arith.constant 80 : i32
          %add3A_1133 = vector.broadcast %add3A_1132 : i32 to vector<16xi32>
          %add3A_1134 = arith.addi %add3A_1133, %and3A_119 : vector<16xi32>
          %gather3A_1135 = tpu.vector_load_idx %arg10[%add3A_85, %add3A_1134] : memref<80x128xf32, #tpu.memory_space<vmem>>[vector<16xi32>, vector<16xi32>], vector<16xf32>,
          %gather3A_1136 = tpu.vector_load_idx %arg12[%add3A_85, %add3A_1134] : memref<80x128xf32, #tpu.memory_space<vmem>>[vector<16xi32>, vector<16xi32>], vector<16xf32>,
          %mul3A_1137 = arith.mulf %gather3A_1135, %gather3A_1136 : vector<16xf32>
          %add3A_1138 = arith.addf %add3A_1094, %mul3A_1137 : vector<16xf32>
          %mul3A_1139 = arith.mulf %gather3A_1135, %gather3A_1135 : vector<16xf32>
          %add3A_1140 = arith.addf %add3A_1096, %mul3A_1139 : vector<16xf32>
          %mul3A_1141 = arith.mulf %gather3A_1136, %gather3A_1136 : vector<16xf32>
          %add3A_1142 = arith.addf %add3A_1098, %mul3A_1141 : vector<16xf32>
          %add3A_1143 = arith.constant 80 : i32
          %add3A_1144 = vector.broadcast %add3A_1143 : i32 to vector<16xi32>
          %add3A_1145 = arith.addi %add3A_1144, %and3A_125 : vector<16xi32>
          %gather3A_1146 = tpu.vector_load_idx %arg10[%add3A_85, %add3A_1145] : memref<80x128xf32, #tpu.memory_space<vmem>>[vector<16xi32>, vector<16xi32>], vector<16xf32>,
          %gather3A_1147 = tpu.vector_load_idx %arg12[%add3A_85, %add3A_1145] : memref<80x128xf32, #tpu.memory_space<vmem>>[vector<16xi32>, vector<16xi32>], vector<16xf32>,
          %mul3A_1148 = arith.mulf %gather3A_1146, %gather3A_1147 : vector<16xf32>
          %add3A_1149 = arith.addf %add3A_1105, %mul3A_1148 : vector<16xf32>
          %mul3A_1150 = arith.mulf %gather3A_1146, %gather3A_1146 : vector<16xf32>
          %add3A_1151 = arith.addf %add3A_1107, %mul3A_1150 : vector<16xf32>
          %mul3A_1152 = arith.mulf %gather3A_1147, %gather3A_1147 : vector<16xf32>
          %add3A_1153 = arith.addf %add3A_1109, %mul3A_1152 : vector<16xf32>
          %add3A_1154 = arith.constant 80 : i32
          %add3A_1155 = vector.broadcast %add3A_1154 : i32 to vector<16xi32>
          %add3A_1156 = arith.addi %add3A_1155, %and3A_131 : vector<16xi32>
          %gather3A_1157 = tpu.vector_load_idx %arg10[%add3A_85, %add3A_1156] : memref<80x128xf32, #tpu.memory_space<vmem>>[vector<16xi32>, vector<16xi32>], vector<16xf32>,
          %gather3A_1158 = tpu.vector_load_idx %arg12[%add3A_85, %add3A_1156] : memref<80x128xf32, #tpu.memory_space<vmem>>[vector<16xi32>, vector<16xi32>], vector<16xf32>,
          %mul3A_1159 = arith.mulf %gather3A_1157, %gather3A_1158 : vector<16xf32>
          %add3A_1160 = arith.addf %add3A_1116, %mul3A_1159 : vector<16xf32>
          %mul3A_1161 = arith.mulf %gather3A_1157, %gather3A_1157 : vector<16xf32>
          %add3A_1162 = arith.addf %add3A_1118, %mul3A_1161 : vector<16xf32>
          %mul3A_1163 = arith.mulf %gather3A_1158, %gather3A_1158 : vector<16xf32>
          %add3A_1164 = arith.addf %add3A_1120, %mul3A_1163 : vector<16xf32>
          %add3A_1165 = arith.constant 80 : i32
          %add3A_1166 = vector.broadcast %add3A_1165 : i32 to vector<16xi32>
          %add3A_1167 = arith.addi %add3A_1166, %and3A_137 : vector<16xi32>
          %gather3A_1168 = tpu.vector_load_idx %arg10[%add3A_85, %add3A_1167] : memref<80x128xf32, #tpu.memory_space<vmem>>[vector<16xi32>, vector<16xi32>], vector<16xf32>,
          %gather3A_1169 = tpu.vector_load_idx %arg12[%add3A_85, %add3A_1167] : memref<80x128xf32, #tpu.memory_space<vmem>>[vector<16xi32>, vector<16xi32>], vector<16xf32>,
          %mul3A_1170 = arith.mulf %gather3A_1168, %gather3A_1169 : vector<16xf32>
          %add3A_1171 = arith.addf %add3A_1127, %mul3A_1170 : vector<16xf32>
          %mul3A_1172 = arith.mulf %gather3A_1168, %gather3A_1168 : vector<16xf32>
          %add3A_1173 = arith.addf %add3A_1129, %mul3A_1172 : vector<16xf32>
          %mul3A_1174 = arith.mulf %gather3A_1169, %gather3A_1169 : vector<16xf32>
          %add3A_1175 = arith.addf %add3A_1131, %mul3A_1174 : vector<16xf32>
          %add3A_1176 = arith.constant 80 : i32
          %add3A_1177 = vector.broadcast %add3A_1176 : i32 to vector<16xi32>
          %add3A_1178 = arith.addi %add3A_1177, %and3A_143 : vector<16xi32>
          %gather3A_1179 = tpu.vector_load_idx %arg10[%add3A_85, %add3A_1178] : memref<80x128xf32, #tpu.memory_space<vmem>>[vector<16xi32>, vector<16xi32>], vector<16xf32>,
          %gather3A_1180 = tpu.vector_load_idx %arg12[%add3A_85, %add3A_1178] : memref<80x128xf32, #tpu.memory_space<vmem>>[vector<16xi32>, vector<16xi32>], vector<16xf32>,
          %mul3A_1181 = arith.mulf %gather3A_1179, %gather3A_1180 : vector<16xf32>
          %add3A_1182 = arith.addf %add3A_1138, %mul3A_1181 : vector<16xf32>
          %mul3A_1183 = arith.mulf %gather3A_1179, %gather3A_1179 : vector<16xf32>
          %add3A_1184 = arith.addf %add3A_1140, %mul3A_1183 : vector<16xf32>
          %mul3A_1185 = arith.mulf %gather3A_1180, %gather3A_1180 : vector<16xf32>
          %add3A_1186 = arith.addf %add3A_1142, %mul3A_1185 : vector<16xf32>
          %add3A_1187 = arith.constant 80 : i32
          %add3A_1188 = vector.broadcast %add3A_1187 : i32 to vector<16xi32>
          %add3A_1189 = arith.addi %add3A_1188, %and3A_149 : vector<16xi32>
          %gather3A_1190 = tpu.vector_load_idx %arg10[%add3A_85, %add3A_1189] : memref<80x128xf32, #tpu.memory_space<vmem>>[vector<16xi32>, vector<16xi32>], vector<16xf32>,
          %gather3A_1191 = tpu.vector_load_idx %arg12[%add3A_85, %add3A_1189] : memref<80x128xf32, #tpu.memory_space<vmem>>[vector<16xi32>, vector<16xi32>], vector<16xf32>,
          %mul3A_1192 = arith.mulf %gather3A_1190, %gather3A_1191 : vector<16xf32>
          %add3A_1193 = arith.addf %add3A_1149, %mul3A_1192 : vector<16xf32>
          %mul3A_1194 = arith.mulf %gather3A_1190, %gather3A_1190 : vector<16xf32>
          %add3A_1195 = arith.addf %add3A_1151, %mul3A_1194 : vector<16xf32>
          %mul3A_1196 = arith.mulf %gather3A_1191, %gather3A_1191 : vector<16xf32>
          %add3A_1197 = arith.addf %add3A_1153, %mul3A_1196 : vector<16xf32>
          %add3A_1198 = arith.constant 80 : i32
          %add3A_1199 = vector.broadcast %add3A_1198 : i32 to vector<16xi32>
          %add3A_1200 = arith.addi %add3A_1199, %and3A_155 : vector<16xi32>
          %gather3A_1201 = tpu.vector_load_idx %arg10[%add3A_85, %add3A_1200] : memref<80x128xf32, #tpu.memory_space<vmem>>[vector<16xi32>, vector<16xi32>], vector<16xf32>,
          %gather3A_1202 = tpu.vector_load_idx %arg12[%add3A_85, %add3A_1200] : memref<80x128xf32, #tpu.memory_space<vmem>>[vector<16xi32>, vector<16xi32>], vector<16xf32>,
          %mul3A_1203 = arith.mulf %gather3A_1201, %gather3A_1202 : vector<16xf32>
          %add3A_1204 = arith.addf %add3A_1160, %mul3A_1203 : vector<16xf32>
          %mul3A_1205 = arith.mulf %gather3A_1201, %gather3A_1201 : vector<16xf32>
          %add3A_1206 = arith.addf %add3A_1162, %mul3A_1205 : vector<16xf32>
          %mul3A_1207 = arith.mulf %gather3A_1202, %gather3A_1202 : vector<16xf32>
          %add3A_1208 = arith.addf %add3A_1164, %mul3A_1207 : vector<16xf32>
          %add3A_1209 = arith.constant 80 : i32
          %add3A_1210 = vector.broadcast %add3A_1209 : i32 to vector<16xi32>
          %add3A_1211 = arith.addi %add3A_1210, %and3A_161 : vector<16xi32>
          %gather3A_1212 = tpu.vector_load_idx %arg10[%add3A_85, %add3A_1211] : memref<80x128xf32, #tpu.memory_space<vmem>>[vector<16xi32>, vector<16xi32>], vector<16xf32>,
          %gather3A_1213 = tpu.vector_load_idx %arg12[%add3A_85, %add3A_1211] : memref<80x128xf32, #tpu.memory_space<vmem>>[vector<16xi32>, vector<16xi32>], vector<16xf32>,
          %mul3A_1214 = arith.mulf %gather3A_1212, %gather3A_1213 : vector<16xf32>
          %add3A_1215 = arith.addf %add3A_1171, %mul3A_1214 : vector<16xf32>
          %mul3A_1216 = arith.mulf %gather3A_1212, %gather3A_1212 : vector<16xf32>
          %add3A_1217 = arith.addf %add3A_1173, %mul3A_1216 : vector<16xf32>
          %mul3A_1218 = arith.mulf %gather3A_1213, %gather3A_1213 : vector<16xf32>
          %add3A_1219 = arith.addf %add3A_1175, %mul3A_1218 : vector<16xf32>
          %add3A_1220 = arith.constant 80 : i32
          %add3A_1221 = vector.broadcast %add3A_1220 : i32 to vector<16xi32>
          %add3A_1222 = arith.addi %add3A_1221, %and3A_167 : vector<16xi32>
          %gather3A_1223 = tpu.vector_load_idx %arg10[%add3A_85, %add3A_1222] : memref<80x128xf32, #tpu.memory_space<vmem>>[vector<16xi32>, vector<16xi32>], vector<16xf32>,
          %gather3A_1224 = tpu.vector_load_idx %arg12[%add3A_85, %add3A_1222] : memref<80x128xf32, #tpu.memory_space<vmem>>[vector<16xi32>, vector<16xi32>], vector<16xf32>,
          %mul3A_1225 = arith.mulf %gather3A_1223, %gather3A_1224 : vector<16xf32>
          %add3A_1226 = arith.addf %add3A_1182, %mul3A_1225 : vector<16xf32>
          %mul3A_1227 = arith.mulf %gather3A_1223, %gather3A_1223 : vector<16xf32>
          %add3A_1228 = arith.addf %add3A_1184, %mul3A_1227 : vector<16xf32>
          %mul3A_1229 = arith.mulf %gather3A_1224, %gather3A_1224 : vector<16xf32>
          %add3A_1230 = arith.addf %add3A_1186, %mul3A_1229 : vector<16xf32>
          %add3A_1231 = arith.constant 80 : i32
          %add3A_1232 = vector.broadcast %add3A_1231 : i32 to vector<16xi32>
          %add3A_1233 = arith.addi %add3A_1232, %and3A_173 : vector<16xi32>
          %gather3A_1234 = tpu.vector_load_idx %arg10[%add3A_85, %add3A_1233] : memref<80x128xf32, #tpu.memory_space<vmem>>[vector<16xi32>, vector<16xi32>], vector<16xf32>,
          %gather3A_1235 = tpu.vector_load_idx %arg12[%add3A_85, %add3A_1233] : memref<80x128xf32, #tpu.memory_space<vmem>>[vector<16xi32>, vector<16xi32>], vector<16xf32>,
          %mul3A_1236 = arith.mulf %gather3A_1234, %gather3A_1235 : vector<16xf32>
          %add3A_1237 = arith.addf %add3A_1193, %mul3A_1236 : vector<16xf32>
          %mul3A_1238 = arith.mulf %gather3A_1234, %gather3A_1234 : vector<16xf32>
          %add3A_1239 = arith.addf %add3A_1195, %mul3A_1238 : vector<16xf32>
          %mul3A_1240 = arith.mulf %gather3A_1235, %gather3A_1235 : vector<16xf32>
          %add3A_1241 = arith.addf %add3A_1197, %mul3A_1240 : vector<16xf32>
          %add3A_1242 = arith.constant 80 : i32
          %add3A_1243 = vector.broadcast %add3A_1242 : i32 to vector<16xi32>
          %add3A_1244 = arith.addi %add3A_1243, %and3A_179 : vector<16xi32>
          %gather3A_1245 = tpu.vector_load_idx %arg10[%add3A_85, %add3A_1244] : memref<80x128xf32, #tpu.memory_space<vmem>>[vector<16xi32>, vector<16xi32>], vector<16xf32>,
          %gather3A_1246 = tpu.vector_load_idx %arg12[%add3A_85, %add3A_1244] : memref<80x128xf32, #tpu.memory_space<vmem>>[vector<16xi32>, vector<16xi32>], vector<16xf32>,
          %mul3A_1247 = arith.mulf %gather3A_1245, %gather3A_1246 : vector<16xf32>
          %add3A_1248 = arith.addf %add3A_1204, %mul3A_1247 : vector<16xf32>
          %mul3A_1249 = arith.mulf %gather3A_1245, %gather3A_1245 : vector<16xf32>
          %add3A_1250 = arith.addf %add3A_1206, %mul3A_1249 : vector<16xf32>
          %mul3A_1251 = arith.mulf %gather3A_1246, %gather3A_1246 : vector<16xf32>
          %add3A_1252 = arith.addf %add3A_1208, %mul3A_1251 : vector<16xf32>
          %add3A_1253 = arith.constant 80 : i32
          %add3A_1254 = vector.broadcast %add3A_1253 : i32 to vector<16xi32>
          %add3A_1255 = arith.addi %add3A_1254, %and3A_185 : vector<16xi32>
          %gather3A_1256 = tpu.vector_load_idx %arg10[%add3A_85, %add3A_1255] : memref<80x128xf32, #tpu.memory_space<vmem>>[vector<16xi32>, vector<16xi32>], vector<16xf32>,
          %gather3A_1257 = tpu.vector_load_idx %arg12[%add3A_85, %add3A_1255] : memref<80x128xf32, #tpu.memory_space<vmem>>[vector<16xi32>, vector<16xi32>], vector<16xf32>,
          %mul3A_1258 = arith.mulf %gather3A_1256, %gather3A_1257 : vector<16xf32>
          %add3A_1259 = arith.addf %add3A_1215, %mul3A_1258 : vector<16xf32>
          %mul3A_1260 = arith.mulf %gather3A_1256, %gather3A_1256 : vector<16xf32>
          %add3A_1261 = arith.addf %add3A_1217, %mul3A_1260 : vector<16xf32>
          %mul3A_1262 = arith.mulf %gather3A_1257, %gather3A_1257 : vector<16xf32>
          %add3A_1263 = arith.addf %add3A_1219, %mul3A_1262 : vector<16xf32>
          %add3A_1264 = arith.constant 96 : i32
          %add3A_1265 = vector.broadcast %add3A_1264 : i32 to vector<16xi32>
          %add3A_1266 = arith.addi %add3A_1265, %and3A_95 : vector<16xi32>
          %gather3A_1267 = tpu.vector_load_idx %arg10[%add3A_85, %add3A_1266] : memref<80x128xf32, #tpu.memory_space<vmem>>[vector<16xi32>, vector<16xi32>], vector<16xf32>,
          %gather3A_1268 = tpu.vector_load_idx %arg12[%add3A_85, %add3A_1266] : memref<80x128xf32, #tpu.memory_space<vmem>>[vector<16xi32>, vector<16xi32>], vector<16xf32>,
          %mul3A_1269 = arith.mulf %gather3A_1267, %gather3A_1268 : vector<16xf32>
          %add3A_1270 = arith.addf %add3A_1226, %mul3A_1269 : vector<16xf32>
          %mul3A_1271 = arith.mulf %gather3A_1267, %gather3A_1267 : vector<16xf32>
          %add3A_1272 = arith.addf %add3A_1228, %mul3A_1271 : vector<16xf32>
          %mul3A_1273 = arith.mulf %gather3A_1268, %gather3A_1268 : vector<16xf32>
          %add3A_1274 = arith.addf %add3A_1230, %mul3A_1273 : vector<16xf32>
          %add3A_1275 = arith.constant 96 : i32
          %add3A_1276 = vector.broadcast %add3A_1275 : i32 to vector<16xi32>
          %add3A_1277 = arith.addi %add3A_1276, %and3A_101 : vector<16xi32>
          %gather3A_1278 = tpu.vector_load_idx %arg10[%add3A_85, %add3A_1277] : memref<80x128xf32, #tpu.memory_space<vmem>>[vector<16xi32>, vector<16xi32>], vector<16xf32>,
          %gather3A_1279 = tpu.vector_load_idx %arg12[%add3A_85, %add3A_1277] : memref<80x128xf32, #tpu.memory_space<vmem>>[vector<16xi32>, vector<16xi32>], vector<16xf32>,
          %mul3A_1280 = arith.mulf %gather3A_1278, %gather3A_1279 : vector<16xf32>
          %add3A_1281 = arith.addf %add3A_1237, %mul3A_1280 : vector<16xf32>
          %mul3A_1282 = arith.mulf %gather3A_1278, %gather3A_1278 : vector<16xf32>
          %add3A_1283 = arith.addf %add3A_1239, %mul3A_1282 : vector<16xf32>
          %mul3A_1284 = arith.mulf %gather3A_1279, %gather3A_1279 : vector<16xf32>
          %add3A_1285 = arith.addf %add3A_1241, %mul3A_1284 : vector<16xf32>
          %add3A_1286 = arith.constant 96 : i32
          %add3A_1287 = vector.broadcast %add3A_1286 : i32 to vector<16xi32>
          %add3A_1288 = arith.addi %add3A_1287, %and3A_107 : vector<16xi32>
          %gather3A_1289 = tpu.vector_load_idx %arg10[%add3A_85, %add3A_1288] : memref<80x128xf32, #tpu.memory_space<vmem>>[vector<16xi32>, vector<16xi32>], vector<16xf32>,
          %gather3A_1290 = tpu.vector_load_idx %arg12[%add3A_85, %add3A_1288] : memref<80x128xf32, #tpu.memory_space<vmem>>[vector<16xi32>, vector<16xi32>], vector<16xf32>,
          %mul3A_1291 = arith.mulf %gather3A_1289, %gather3A_1290 : vector<16xf32>
          %add3A_1292 = arith.addf %add3A_1248, %mul3A_1291 : vector<16xf32>
          %mul3A_1293 = arith.mulf %gather3A_1289, %gather3A_1289 : vector<16xf32>
          %add3A_1294 = arith.addf %add3A_1250, %mul3A_1293 : vector<16xf32>
          %mul3A_1295 = arith.mulf %gather3A_1290, %gather3A_1290 : vector<16xf32>
          %add3A_1296 = arith.addf %add3A_1252, %mul3A_1295 : vector<16xf32>
          %add3A_1297 = arith.constant 96 : i32
          %add3A_1298 = vector.broadcast %add3A_1297 : i32 to vector<16xi32>
          %add3A_1299 = arith.addi %add3A_1298, %and3A_113 : vector<16xi32>
          %gather3A_1300 = tpu.vector_load_idx %arg10[%add3A_85, %add3A_1299] : memref<80x128xf32, #tpu.memory_space<vmem>>[vector<16xi32>, vector<16xi32>], vector<16xf32>,
          %gather3A_1301 = tpu.vector_load_idx %arg12[%add3A_85, %add3A_1299] : memref<80x128xf32, #tpu.memory_space<vmem>>[vector<16xi32>, vector<16xi32>], vector<16xf32>,
          %mul3A_1302 = arith.mulf %gather3A_1300, %gather3A_1301 : vector<16xf32>
          %add3A_1303 = arith.addf %add3A_1259, %mul3A_1302 : vector<16xf32>
          %mul3A_1304 = arith.mulf %gather3A_1300, %gather3A_1300 : vector<16xf32>
          %add3A_1305 = arith.addf %add3A_1261, %mul3A_1304 : vector<16xf32>
          %mul3A_1306 = arith.mulf %gather3A_1301, %gather3A_1301 : vector<16xf32>
          %add3A_1307 = arith.addf %add3A_1263, %mul3A_1306 : vector<16xf32>
          %add3A_1308 = arith.constant 96 : i32
          %add3A_1309 = vector.broadcast %add3A_1308 : i32 to vector<16xi32>
          %add3A_1310 = arith.addi %add3A_1309, %and3A_119 : vector<16xi32>
          %gather3A_1311 = tpu.vector_load_idx %arg10[%add3A_85, %add3A_1310] : memref<80x128xf32, #tpu.memory_space<vmem>>[vector<16xi32>, vector<16xi32>], vector<16xf32>,
          %gather3A_1312 = tpu.vector_load_idx %arg12[%add3A_85, %add3A_1310] : memref<80x128xf32, #tpu.memory_space<vmem>>[vector<16xi32>, vector<16xi32>], vector<16xf32>,
          %mul3A_1313 = arith.mulf %gather3A_1311, %gather3A_1312 : vector<16xf32>
          %add3A_1314 = arith.addf %add3A_1270, %mul3A_1313 : vector<16xf32>
          %mul3A_1315 = arith.mulf %gather3A_1311, %gather3A_1311 : vector<16xf32>
          %add3A_1316 = arith.addf %add3A_1272, %mul3A_1315 : vector<16xf32>
          %mul3A_1317 = arith.mulf %gather3A_1312, %gather3A_1312 : vector<16xf32>
          %add3A_1318 = arith.addf %add3A_1274, %mul3A_1317 : vector<16xf32>
          %add3A_1319 = arith.constant 96 : i32
          %add3A_1320 = vector.broadcast %add3A_1319 : i32 to vector<16xi32>
          %add3A_1321 = arith.addi %add3A_1320, %and3A_125 : vector<16xi32>
          %gather3A_1322 = tpu.vector_load_idx %arg10[%add3A_85, %add3A_1321] : memref<80x128xf32, #tpu.memory_space<vmem>>[vector<16xi32>, vector<16xi32>], vector<16xf32>,
          %gather3A_1323 = tpu.vector_load_idx %arg12[%add3A_85, %add3A_1321] : memref<80x128xf32, #tpu.memory_space<vmem>>[vector<16xi32>, vector<16xi32>], vector<16xf32>,
          %mul3A_1324 = arith.mulf %gather3A_1322, %gather3A_1323 : vector<16xf32>
          %add3A_1325 = arith.addf %add3A_1281, %mul3A_1324 : vector<16xf32>
          %mul3A_1326 = arith.mulf %gather3A_1322, %gather3A_1322 : vector<16xf32>
          %add3A_1327 = arith.addf %add3A_1283, %mul3A_1326 : vector<16xf32>
          %mul3A_1328 = arith.mulf %gather3A_1323, %gather3A_1323 : vector<16xf32>
          %add3A_1329 = arith.addf %add3A_1285, %mul3A_1328 : vector<16xf32>
          %add3A_1330 = arith.constant 96 : i32
          %add3A_1331 = vector.broadcast %add3A_1330 : i32 to vector<16xi32>
          %add3A_1332 = arith.addi %add3A_1331, %and3A_131 : vector<16xi32>
          %gather3A_1333 = tpu.vector_load_idx %arg10[%add3A_85, %add3A_1332] : memref<80x128xf32, #tpu.memory_space<vmem>>[vector<16xi32>, vector<16xi32>], vector<16xf32>,
          %gather3A_1334 = tpu.vector_load_idx %arg12[%add3A_85, %add3A_1332] : memref<80x128xf32, #tpu.memory_space<vmem>>[vector<16xi32>, vector<16xi32>], vector<16xf32>,
          %mul3A_1335 = arith.mulf %gather3A_1333, %gather3A_1334 : vector<16xf32>
          %add3A_1336 = arith.addf %add3A_1292, %mul3A_1335 : vector<16xf32>
          %mul3A_1337 = arith.mulf %gather3A_1333, %gather3A_1333 : vector<16xf32>
          %add3A_1338 = arith.addf %add3A_1294, %mul3A_1337 : vector<16xf32>
          %mul3A_1339 = arith.mulf %gather3A_1334, %gather3A_1334 : vector<16xf32>
          %add3A_1340 = arith.addf %add3A_1296, %mul3A_1339 : vector<16xf32>
          %add3A_1341 = arith.constant 96 : i32
          %add3A_1342 = vector.broadcast %add3A_1341 : i32 to vector<16xi32>
          %add3A_1343 = arith.addi %add3A_1342, %and3A_137 : vector<16xi32>
          %gather3A_1344 = tpu.vector_load_idx %arg10[%add3A_85, %add3A_1343] : memref<80x128xf32, #tpu.memory_space<vmem>>[vector<16xi32>, vector<16xi32>], vector<16xf32>,
          %gather3A_1345 = tpu.vector_load_idx %arg12[%add3A_85, %add3A_1343] : memref<80x128xf32, #tpu.memory_space<vmem>>[vector<16xi32>, vector<16xi32>], vector<16xf32>,
          %mul3A_1346 = arith.mulf %gather3A_1344, %gather3A_1345 : vector<16xf32>
          %add3A_1347 = arith.addf %add3A_1303, %mul3A_1346 : vector<16xf32>
          %mul3A_1348 = arith.mulf %gather3A_1344, %gather3A_1344 : vector<16xf32>
          %add3A_1349 = arith.addf %add3A_1305, %mul3A_1348 : vector<16xf32>
          %mul3A_1350 = arith.mulf %gather3A_1345, %gather3A_1345 : vector<16xf32>
          %add3A_1351 = arith.addf %add3A_1307, %mul3A_1350 : vector<16xf32>
          %add3A_1352 = arith.constant 96 : i32
          %add3A_1353 = vector.broadcast %add3A_1352 : i32 to vector<16xi32>
          %add3A_1354 = arith.addi %add3A_1353, %and3A_143 : vector<16xi32>
          %gather3A_1355 = tpu.vector_load_idx %arg10[%add3A_85, %add3A_1354] : memref<80x128xf32, #tpu.memory_space<vmem>>[vector<16xi32>, vector<16xi32>], vector<16xf32>,
          %gather3A_1356 = tpu.vector_load_idx %arg12[%add3A_85, %add3A_1354] : memref<80x128xf32, #tpu.memory_space<vmem>>[vector<16xi32>, vector<16xi32>], vector<16xf32>,
          %mul3A_1357 = arith.mulf %gather3A_1355, %gather3A_1356 : vector<16xf32>
          %add3A_1358 = arith.addf %add3A_1314, %mul3A_1357 : vector<16xf32>
          %mul3A_1359 = arith.mulf %gather3A_1355, %gather3A_1355 : vector<16xf32>
          %add3A_1360 = arith.addf %add3A_1316, %mul3A_1359 : vector<16xf32>
          %mul3A_1361 = arith.mulf %gather3A_1356, %gather3A_1356 : vector<16xf32>
          %add3A_1362 = arith.addf %add3A_1318, %mul3A_1361 : vector<16xf32>
          %add3A_1363 = arith.constant 96 : i32
          %add3A_1364 = vector.broadcast %add3A_1363 : i32 to vector<16xi32>
          %add3A_1365 = arith.addi %add3A_1364, %and3A_149 : vector<16xi32>
          %gather3A_1366 = tpu.vector_load_idx %arg10[%add3A_85, %add3A_1365] : memref<80x128xf32, #tpu.memory_space<vmem>>[vector<16xi32>, vector<16xi32>], vector<16xf32>,
          %gather3A_1367 = tpu.vector_load_idx %arg12[%add3A_85, %add3A_1365] : memref<80x128xf32, #tpu.memory_space<vmem>>[vector<16xi32>, vector<16xi32>], vector<16xf32>,
          %mul3A_1368 = arith.mulf %gather3A_1366, %gather3A_1367 : vector<16xf32>
          %add3A_1369 = arith.addf %add3A_1325, %mul3A_1368 : vector<16xf32>
          %mul3A_1370 = arith.mulf %gather3A_1366, %gather3A_1366 : vector<16xf32>
          %add3A_1371 = arith.addf %add3A_1327, %mul3A_1370 : vector<16xf32>
          %mul3A_1372 = arith.mulf %gather3A_1367, %gather3A_1367 : vector<16xf32>
          %add3A_1373 = arith.addf %add3A_1329, %mul3A_1372 : vector<16xf32>
          %add3A_1374 = arith.constant 96 : i32
          %add3A_1375 = vector.broadcast %add3A_1374 : i32 to vector<16xi32>
          %add3A_1376 = arith.addi %add3A_1375, %and3A_155 : vector<16xi32>
          %gather3A_1377 = tpu.vector_load_idx %arg10[%add3A_85, %add3A_1376] : memref<80x128xf32, #tpu.memory_space<vmem>>[vector<16xi32>, vector<16xi32>], vector<16xf32>,
          %gather3A_1378 = tpu.vector_load_idx %arg12[%add3A_85, %add3A_1376] : memref<80x128xf32, #tpu.memory_space<vmem>>[vector<16xi32>, vector<16xi32>], vector<16xf32>,
          %mul3A_1379 = arith.mulf %gather3A_1377, %gather3A_1378 : vector<16xf32>
          %add3A_1380 = arith.addf %add3A_1336, %mul3A_1379 : vector<16xf32>
          %mul3A_1381 = arith.mulf %gather3A_1377, %gather3A_1377 : vector<16xf32>
          %add3A_1382 = arith.addf %add3A_1338, %mul3A_1381 : vector<16xf32>
          %mul3A_1383 = arith.mulf %gather3A_1378, %gather3A_1378 : vector<16xf32>
          %add3A_1384 = arith.addf %add3A_1340, %mul3A_1383 : vector<16xf32>
          %add3A_1385 = arith.constant 96 : i32
          %add3A_1386 = vector.broadcast %add3A_1385 : i32 to vector<16xi32>
          %add3A_1387 = arith.addi %add3A_1386, %and3A_161 : vector<16xi32>
          %gather3A_1388 = tpu.vector_load_idx %arg10[%add3A_85, %add3A_1387] : memref<80x128xf32, #tpu.memory_space<vmem>>[vector<16xi32>, vector<16xi32>], vector<16xf32>,
          %gather3A_1389 = tpu.vector_load_idx %arg12[%add3A_85, %add3A_1387] : memref<80x128xf32, #tpu.memory_space<vmem>>[vector<16xi32>, vector<16xi32>], vector<16xf32>,
          %mul3A_1390 = arith.mulf %gather3A_1388, %gather3A_1389 : vector<16xf32>
          %add3A_1391 = arith.addf %add3A_1347, %mul3A_1390 : vector<16xf32>
          %mul3A_1392 = arith.mulf %gather3A_1388, %gather3A_1388 : vector<16xf32>
          %add3A_1393 = arith.addf %add3A_1349, %mul3A_1392 : vector<16xf32>
          %mul3A_1394 = arith.mulf %gather3A_1389, %gather3A_1389 : vector<16xf32>
          %add3A_1395 = arith.addf %add3A_1351, %mul3A_1394 : vector<16xf32>
          %add3A_1396 = arith.constant 96 : i32
          %add3A_1397 = vector.broadcast %add3A_1396 : i32 to vector<16xi32>
          %add3A_1398 = arith.addi %add3A_1397, %and3A_167 : vector<16xi32>
          %gather3A_1399 = tpu.vector_load_idx %arg10[%add3A_85, %add3A_1398] : memref<80x128xf32, #tpu.memory_space<vmem>>[vector<16xi32>, vector<16xi32>], vector<16xf32>,
          %gather3A_1400 = tpu.vector_load_idx %arg12[%add3A_85, %add3A_1398] : memref<80x128xf32, #tpu.memory_space<vmem>>[vector<16xi32>, vector<16xi32>], vector<16xf32>,
          %mul3A_1401 = arith.mulf %gather3A_1399, %gather3A_1400 : vector<16xf32>
          %add3A_1402 = arith.addf %add3A_1358, %mul3A_1401 : vector<16xf32>
          %mul3A_1403 = arith.mulf %gather3A_1399, %gather3A_1399 : vector<16xf32>
          %add3A_1404 = arith.addf %add3A_1360, %mul3A_1403 : vector<16xf32>
          %mul3A_1405 = arith.mulf %gather3A_1400, %gather3A_1400 : vector<16xf32>
          %add3A_1406 = arith.addf %add3A_1362, %mul3A_1405 : vector<16xf32>
          %add3A_1407 = arith.constant 96 : i32
          %add3A_1408 = vector.broadcast %add3A_1407 : i32 to vector<16xi32>
          %add3A_1409 = arith.addi %add3A_1408, %and3A_173 : vector<16xi32>
          %gather3A_1410 = tpu.vector_load_idx %arg10[%add3A_85, %add3A_1409] : memref<80x128xf32, #tpu.memory_space<vmem>>[vector<16xi32>, vector<16xi32>], vector<16xf32>,
          %gather3A_1411 = tpu.vector_load_idx %arg12[%add3A_85, %add3A_1409] : memref<80x128xf32, #tpu.memory_space<vmem>>[vector<16xi32>, vector<16xi32>], vector<16xf32>,
          %mul3A_1412 = arith.mulf %gather3A_1410, %gather3A_1411 : vector<16xf32>
          %add3A_1413 = arith.addf %add3A_1369, %mul3A_1412 : vector<16xf32>
          %mul3A_1414 = arith.mulf %gather3A_1410, %gather3A_1410 : vector<16xf32>
          %add3A_1415 = arith.addf %add3A_1371, %mul3A_1414 : vector<16xf32>
          %mul3A_1416 = arith.mulf %gather3A_1411, %gather3A_1411 : vector<16xf32>
          %add3A_1417 = arith.addf %add3A_1373, %mul3A_1416 : vector<16xf32>
          %add3A_1418 = arith.constant 96 : i32
          %add3A_1419 = vector.broadcast %add3A_1418 : i32 to vector<16xi32>
          %add3A_1420 = arith.addi %add3A_1419, %and3A_179 : vector<16xi32>
          %gather3A_1421 = tpu.vector_load_idx %arg10[%add3A_85, %add3A_1420] : memref<80x128xf32, #tpu.memory_space<vmem>>[vector<16xi32>, vector<16xi32>], vector<16xf32>,
          %gather3A_1422 = tpu.vector_load_idx %arg12[%add3A_85, %add3A_1420] : memref<80x128xf32, #tpu.memory_space<vmem>>[vector<16xi32>, vector<16xi32>], vector<16xf32>,
          %mul3A_1423 = arith.mulf %gather3A_1421, %gather3A_1422 : vector<16xf32>
          %add3A_1424 = arith.addf %add3A_1380, %mul3A_1423 : vector<16xf32>
          %mul3A_1425 = arith.mulf %gather3A_1421, %gather3A_1421 : vector<16xf32>
          %add3A_1426 = arith.addf %add3A_1382, %mul3A_1425 : vector<16xf32>
          %mul3A_1427 = arith.mulf %gather3A_1422, %gather3A_1422 : vector<16xf32>
          %add3A_1428 = arith.addf %add3A_1384, %mul3A_1427 : vector<16xf32>
          %add3A_1429 = arith.constant 96 : i32
          %add3A_1430 = vector.broadcast %add3A_1429 : i32 to vector<16xi32>
          %add3A_1431 = arith.addi %add3A_1430, %and3A_185 : vector<16xi32>
          %gather3A_1432 = tpu.vector_load_idx %arg10[%add3A_85, %add3A_1431] : memref<80x128xf32, #tpu.memory_space<vmem>>[vector<16xi32>, vector<16xi32>], vector<16xf32>,
          %gather3A_1433 = tpu.vector_load_idx %arg12[%add3A_85, %add3A_1431] : memref<80x128xf32, #tpu.memory_space<vmem>>[vector<16xi32>, vector<16xi32>], vector<16xf32>,
          %mul3A_1434 = arith.mulf %gather3A_1432, %gather3A_1433 : vector<16xf32>
          %add3A_1435 = arith.addf %add3A_1391, %mul3A_1434 : vector<16xf32>
          %mul3A_1436 = arith.mulf %gather3A_1432, %gather3A_1432 : vector<16xf32>
          %add3A_1437 = arith.addf %add3A_1393, %mul3A_1436 : vector<16xf32>
          %mul3A_1438 = arith.mulf %gather3A_1433, %gather3A_1433 : vector<16xf32>
          %add3A_1439 = arith.addf %add3A_1395, %mul3A_1438 : vector<16xf32>
          %add3A_1440 = arith.constant 112 : i32
          %add3A_1441 = vector.broadcast %add3A_1440 : i32 to vector<16xi32>
          %add3A_1442 = arith.addi %add3A_1441, %and3A_95 : vector<16xi32>
          %gather3A_1443 = tpu.vector_load_idx %arg10[%add3A_85, %add3A_1442] : memref<80x128xf32, #tpu.memory_space<vmem>>[vector<16xi32>, vector<16xi32>], vector<16xf32>,
          %gather3A_1444 = tpu.vector_load_idx %arg12[%add3A_85, %add3A_1442] : memref<80x128xf32, #tpu.memory_space<vmem>>[vector<16xi32>, vector<16xi32>], vector<16xf32>,
          %mul3A_1445 = arith.mulf %gather3A_1443, %gather3A_1444 : vector<16xf32>
          %add3A_1446 = arith.addf %add3A_1402, %mul3A_1445 : vector<16xf32>
          %mul3A_1447 = arith.mulf %gather3A_1443, %gather3A_1443 : vector<16xf32>
          %add3A_1448 = arith.addf %add3A_1404, %mul3A_1447 : vector<16xf32>
          %mul3A_1449 = arith.mulf %gather3A_1444, %gather3A_1444 : vector<16xf32>
          %add3A_1450 = arith.addf %add3A_1406, %mul3A_1449 : vector<16xf32>
          %add3A_1451 = arith.constant 112 : i32
          %add3A_1452 = vector.broadcast %add3A_1451 : i32 to vector<16xi32>
          %add3A_1453 = arith.addi %add3A_1452, %and3A_101 : vector<16xi32>
          %gather3A_1454 = tpu.vector_load_idx %arg10[%add3A_85, %add3A_1453] : memref<80x128xf32, #tpu.memory_space<vmem>>[vector<16xi32>, vector<16xi32>], vector<16xf32>,
          %gather3A_1455 = tpu.vector_load_idx %arg12[%add3A_85, %add3A_1453] : memref<80x128xf32, #tpu.memory_space<vmem>>[vector<16xi32>, vector<16xi32>], vector<16xf32>,
          %mul3A_1456 = arith.mulf %gather3A_1454, %gather3A_1455 : vector<16xf32>
          %add3A_1457 = arith.addf %add3A_1413, %mul3A_1456 : vector<16xf32>
          %mul3A_1458 = arith.mulf %gather3A_1454, %gather3A_1454 : vector<16xf32>
          %add3A_1459 = arith.addf %add3A_1415, %mul3A_1458 : vector<16xf32>
          %mul3A_1460 = arith.mulf %gather3A_1455, %gather3A_1455 : vector<16xf32>
          %add3A_1461 = arith.addf %add3A_1417, %mul3A_1460 : vector<16xf32>
          %add3A_1462 = arith.constant 112 : i32
          %add3A_1463 = vector.broadcast %add3A_1462 : i32 to vector<16xi32>
          %add3A_1464 = arith.addi %add3A_1463, %and3A_107 : vector<16xi32>
          %gather3A_1465 = tpu.vector_load_idx %arg10[%add3A_85, %add3A_1464] : memref<80x128xf32, #tpu.memory_space<vmem>>[vector<16xi32>, vector<16xi32>], vector<16xf32>,
          %gather3A_1466 = tpu.vector_load_idx %arg12[%add3A_85, %add3A_1464] : memref<80x128xf32, #tpu.memory_space<vmem>>[vector<16xi32>, vector<16xi32>], vector<16xf32>,
          %mul3A_1467 = arith.mulf %gather3A_1465, %gather3A_1466 : vector<16xf32>
          %add3A_1468 = arith.addf %add3A_1424, %mul3A_1467 : vector<16xf32>
          %mul3A_1469 = arith.mulf %gather3A_1465, %gather3A_1465 : vector<16xf32>
          %add3A_1470 = arith.addf %add3A_1426, %mul3A_1469 : vector<16xf32>
          %mul3A_1471 = arith.mulf %gather3A_1466, %gather3A_1466 : vector<16xf32>
          %add3A_1472 = arith.addf %add3A_1428, %mul3A_1471 : vector<16xf32>
          %add3A_1473 = arith.constant 112 : i32
          %add3A_1474 = vector.broadcast %add3A_1473 : i32 to vector<16xi32>
          %add3A_1475 = arith.addi %add3A_1474, %and3A_113 : vector<16xi32>
          %gather3A_1476 = tpu.vector_load_idx %arg10[%add3A_85, %add3A_1475] : memref<80x128xf32, #tpu.memory_space<vmem>>[vector<16xi32>, vector<16xi32>], vector<16xf32>,
          %gather3A_1477 = tpu.vector_load_idx %arg12[%add3A_85, %add3A_1475] : memref<80x128xf32, #tpu.memory_space<vmem>>[vector<16xi32>, vector<16xi32>], vector<16xf32>,
          %mul3A_1478 = arith.mulf %gather3A_1476, %gather3A_1477 : vector<16xf32>
          %add3A_1479 = arith.addf %add3A_1435, %mul3A_1478 : vector<16xf32>
          %mul3A_1480 = arith.mulf %gather3A_1476, %gather3A_1476 : vector<16xf32>
          %add3A_1481 = arith.addf %add3A_1437, %mul3A_1480 : vector<16xf32>
          %mul3A_1482 = arith.mulf %gather3A_1477, %gather3A_1477 : vector<16xf32>
          %add3A_1483 = arith.addf %add3A_1439, %mul3A_1482 : vector<16xf32>
          %add3A_1484 = arith.constant 112 : i32
          %add3A_1485 = vector.broadcast %add3A_1484 : i32 to vector<16xi32>
          %add3A_1486 = arith.addi %add3A_1485, %and3A_119 : vector<16xi32>
          %gather3A_1487 = tpu.vector_load_idx %arg10[%add3A_85, %add3A_1486] : memref<80x128xf32, #tpu.memory_space<vmem>>[vector<16xi32>, vector<16xi32>], vector<16xf32>,
          %gather3A_1488 = tpu.vector_load_idx %arg12[%add3A_85, %add3A_1486] : memref<80x128xf32, #tpu.memory_space<vmem>>[vector<16xi32>, vector<16xi32>], vector<16xf32>,
          %mul3A_1489 = arith.mulf %gather3A_1487, %gather3A_1488 : vector<16xf32>
          %add3A_1490 = arith.addf %add3A_1446, %mul3A_1489 : vector<16xf32>
          %mul3A_1491 = arith.mulf %gather3A_1487, %gather3A_1487 : vector<16xf32>
          %add3A_1492 = arith.addf %add3A_1448, %mul3A_1491 : vector<16xf32>
          %mul3A_1493 = arith.mulf %gather3A_1488, %gather3A_1488 : vector<16xf32>
          %add3A_1494 = arith.addf %add3A_1450, %mul3A_1493 : vector<16xf32>
          %add3A_1495 = arith.constant 112 : i32
          %add3A_1496 = vector.broadcast %add3A_1495 : i32 to vector<16xi32>
          %add3A_1497 = arith.addi %add3A_1496, %and3A_125 : vector<16xi32>
          %gather3A_1498 = tpu.vector_load_idx %arg10[%add3A_85, %add3A_1497] : memref<80x128xf32, #tpu.memory_space<vmem>>[vector<16xi32>, vector<16xi32>], vector<16xf32>,
          %gather3A_1499 = tpu.vector_load_idx %arg12[%add3A_85, %add3A_1497] : memref<80x128xf32, #tpu.memory_space<vmem>>[vector<16xi32>, vector<16xi32>], vector<16xf32>,
          %mul3A_1500 = arith.mulf %gather3A_1498, %gather3A_1499 : vector<16xf32>
          %add3A_1501 = arith.addf %add3A_1457, %mul3A_1500 : vector<16xf32>
          %mul3A_1502 = arith.mulf %gather3A_1498, %gather3A_1498 : vector<16xf32>
          %add3A_1503 = arith.addf %add3A_1459, %mul3A_1502 : vector<16xf32>
          %mul3A_1504 = arith.mulf %gather3A_1499, %gather3A_1499 : vector<16xf32>
          %add3A_1505 = arith.addf %add3A_1461, %mul3A_1504 : vector<16xf32>
          %add3A_1506 = arith.constant 112 : i32
          %add3A_1507 = vector.broadcast %add3A_1506 : i32 to vector<16xi32>
          %add3A_1508 = arith.addi %add3A_1507, %and3A_131 : vector<16xi32>
          %gather3A_1509 = tpu.vector_load_idx %arg10[%add3A_85, %add3A_1508] : memref<80x128xf32, #tpu.memory_space<vmem>>[vector<16xi32>, vector<16xi32>], vector<16xf32>,
          %gather3A_1510 = tpu.vector_load_idx %arg12[%add3A_85, %add3A_1508] : memref<80x128xf32, #tpu.memory_space<vmem>>[vector<16xi32>, vector<16xi32>], vector<16xf32>,
          %mul3A_1511 = arith.mulf %gather3A_1509, %gather3A_1510 : vector<16xf32>
          %add3A_1512 = arith.addf %add3A_1468, %mul3A_1511 : vector<16xf32>
          %mul3A_1513 = arith.mulf %gather3A_1509, %gather3A_1509 : vector<16xf32>
          %add3A_1514 = arith.addf %add3A_1470, %mul3A_1513 : vector<16xf32>
          %mul3A_1515 = arith.mulf %gather3A_1510, %gather3A_1510 : vector<16xf32>
          %add3A_1516 = arith.addf %add3A_1472, %mul3A_1515 : vector<16xf32>
          %add3A_1517 = arith.constant 112 : i32
          %add3A_1518 = vector.broadcast %add3A_1517 : i32 to vector<16xi32>
          %add3A_1519 = arith.addi %add3A_1518, %and3A_137 : vector<16xi32>
          %gather3A_1520 = tpu.vector_load_idx %arg10[%add3A_85, %add3A_1519] : memref<80x128xf32, #tpu.memory_space<vmem>>[vector<16xi32>, vector<16xi32>], vector<16xf32>,
          %gather3A_1521 = tpu.vector_load_idx %arg12[%add3A_85, %add3A_1519] : memref<80x128xf32, #tpu.memory_space<vmem>>[vector<16xi32>, vector<16xi32>], vector<16xf32>,
          %mul3A_1522 = arith.mulf %gather3A_1520, %gather3A_1521 : vector<16xf32>
          %add3A_1523 = arith.addf %add3A_1479, %mul3A_1522 : vector<16xf32>
          %mul3A_1524 = arith.mulf %gather3A_1520, %gather3A_1520 : vector<16xf32>
          %add3A_1525 = arith.addf %add3A_1481, %mul3A_1524 : vector<16xf32>
          %mul3A_1526 = arith.mulf %gather3A_1521, %gather3A_1521 : vector<16xf32>
          %add3A_1527 = arith.addf %add3A_1483, %mul3A_1526 : vector<16xf32>
          %add3A_1528 = arith.constant 112 : i32
          %add3A_1529 = vector.broadcast %add3A_1528 : i32 to vector<16xi32>
          %add3A_1530 = arith.addi %add3A_1529, %and3A_143 : vector<16xi32>
          %gather3A_1531 = tpu.vector_load_idx %arg10[%add3A_85, %add3A_1530] : memref<80x128xf32, #tpu.memory_space<vmem>>[vector<16xi32>, vector<16xi32>], vector<16xf32>,
          %gather3A_1532 = tpu.vector_load_idx %arg12[%add3A_85, %add3A_1530] : memref<80x128xf32, #tpu.memory_space<vmem>>[vector<16xi32>, vector<16xi32>], vector<16xf32>,
          %mul3A_1533 = arith.mulf %gather3A_1531, %gather3A_1532 : vector<16xf32>
          %add3A_1534 = arith.addf %add3A_1490, %mul3A_1533 : vector<16xf32>
          %mul3A_1535 = arith.mulf %gather3A_1531, %gather3A_1531 : vector<16xf32>
          %add3A_1536 = arith.addf %add3A_1492, %mul3A_1535 : vector<16xf32>
          %mul3A_1537 = arith.mulf %gather3A_1532, %gather3A_1532 : vector<16xf32>
          %add3A_1538 = arith.addf %add3A_1494, %mul3A_1537 : vector<16xf32>
          %add3A_1539 = arith.constant 112 : i32
          %add3A_1540 = vector.broadcast %add3A_1539 : i32 to vector<16xi32>
          %add3A_1541 = arith.addi %add3A_1540, %and3A_149 : vector<16xi32>
          %gather3A_1542 = tpu.vector_load_idx %arg10[%add3A_85, %add3A_1541] : memref<80x128xf32, #tpu.memory_space<vmem>>[vector<16xi32>, vector<16xi32>], vector<16xf32>,
          %gather3A_1543 = tpu.vector_load_idx %arg12[%add3A_85, %add3A_1541] : memref<80x128xf32, #tpu.memory_space<vmem>>[vector<16xi32>, vector<16xi32>], vector<16xf32>,
          %mul3A_1544 = arith.mulf %gather3A_1542, %gather3A_1543 : vector<16xf32>
          %add3A_1545 = arith.addf %add3A_1501, %mul3A_1544 : vector<16xf32>
          %mul3A_1546 = arith.mulf %gather3A_1542, %gather3A_1542 : vector<16xf32>
          %add3A_1547 = arith.addf %add3A_1503, %mul3A_1546 : vector<16xf32>
          %mul3A_1548 = arith.mulf %gather3A_1543, %gather3A_1543 : vector<16xf32>
          %add3A_1549 = arith.addf %add3A_1505, %mul3A_1548 : vector<16xf32>
          %add3A_1550 = arith.constant 112 : i32
          %add3A_1551 = vector.broadcast %add3A_1550 : i32 to vector<16xi32>
          %add3A_1552 = arith.addi %add3A_1551, %and3A_155 : vector<16xi32>
          %gather3A_1553 = tpu.vector_load_idx %arg10[%add3A_85, %add3A_1552] : memref<80x128xf32, #tpu.memory_space<vmem>>[vector<16xi32>, vector<16xi32>], vector<16xf32>,
          %gather3A_1554 = tpu.vector_load_idx %arg12[%add3A_85, %add3A_1552] : memref<80x128xf32, #tpu.memory_space<vmem>>[vector<16xi32>, vector<16xi32>], vector<16xf32>,
          %mul3A_1555 = arith.mulf %gather3A_1553, %gather3A_1554 : vector<16xf32>
          %add3A_1556 = arith.addf %add3A_1512, %mul3A_1555 : vector<16xf32>
          %mul3A_1557 = arith.mulf %gather3A_1553, %gather3A_1553 : vector<16xf32>
          %add3A_1558 = arith.addf %add3A_1514, %mul3A_1557 : vector<16xf32>
          %mul3A_1559 = arith.mulf %gather3A_1554, %gather3A_1554 : vector<16xf32>
          %add3A_1560 = arith.addf %add3A_1516, %mul3A_1559 : vector<16xf32>
          %add3A_1561 = arith.constant 112 : i32
          %add3A_1562 = vector.broadcast %add3A_1561 : i32 to vector<16xi32>
          %add3A_1563 = arith.addi %add3A_1562, %and3A_161 : vector<16xi32>
          %gather3A_1564 = tpu.vector_load_idx %arg10[%add3A_85, %add3A_1563] : memref<80x128xf32, #tpu.memory_space<vmem>>[vector<16xi32>, vector<16xi32>], vector<16xf32>,
          %gather3A_1565 = tpu.vector_load_idx %arg12[%add3A_85, %add3A_1563] : memref<80x128xf32, #tpu.memory_space<vmem>>[vector<16xi32>, vector<16xi32>], vector<16xf32>,
          %mul3A_1566 = arith.mulf %gather3A_1564, %gather3A_1565 : vector<16xf32>
          %add3A_1567 = arith.addf %add3A_1523, %mul3A_1566 : vector<16xf32>
          %mul3A_1568 = arith.mulf %gather3A_1564, %gather3A_1564 : vector<16xf32>
          %add3A_1569 = arith.addf %add3A_1525, %mul3A_1568 : vector<16xf32>
          %mul3A_1570 = arith.mulf %gather3A_1565, %gather3A_1565 : vector<16xf32>
          %add3A_1571 = arith.addf %add3A_1527, %mul3A_1570 : vector<16xf32>
          %add3A_1572 = arith.constant 112 : i32
          %add3A_1573 = vector.broadcast %add3A_1572 : i32 to vector<16xi32>
          %add3A_1574 = arith.addi %add3A_1573, %and3A_167 : vector<16xi32>
          %gather3A_1575 = tpu.vector_load_idx %arg10[%add3A_85, %add3A_1574] : memref<80x128xf32, #tpu.memory_space<vmem>>[vector<16xi32>, vector<16xi32>], vector<16xf32>,
          %gather3A_1576 = tpu.vector_load_idx %arg12[%add3A_85, %add3A_1574] : memref<80x128xf32, #tpu.memory_space<vmem>>[vector<16xi32>, vector<16xi32>], vector<16xf32>,
          %mul3A_1577 = arith.mulf %gather3A_1575, %gather3A_1576 : vector<16xf32>
          %add3A_1578 = arith.addf %add3A_1534, %mul3A_1577 : vector<16xf32>
          %mul3A_1579 = arith.mulf %gather3A_1575, %gather3A_1575 : vector<16xf32>
          %add3A_1580 = arith.addf %add3A_1536, %mul3A_1579 : vector<16xf32>
          %mul3A_1581 = arith.mulf %gather3A_1576, %gather3A_1576 : vector<16xf32>
          %add3A_1582 = arith.addf %add3A_1538, %mul3A_1581 : vector<16xf32>
          %add3A_1583 = arith.constant 112 : i32
          %add3A_1584 = vector.broadcast %add3A_1583 : i32 to vector<16xi32>
          %add3A_1585 = arith.addi %add3A_1584, %and3A_173 : vector<16xi32>
          %gather3A_1586 = tpu.vector_load_idx %arg10[%add3A_85, %add3A_1585] : memref<80x128xf32, #tpu.memory_space<vmem>>[vector<16xi32>, vector<16xi32>], vector<16xf32>,
          %gather3A_1587 = tpu.vector_load_idx %arg12[%add3A_85, %add3A_1585] : memref<80x128xf32, #tpu.memory_space<vmem>>[vector<16xi32>, vector<16xi32>], vector<16xf32>,
          %mul3A_1588 = arith.mulf %gather3A_1586, %gather3A_1587 : vector<16xf32>
          %add3A_1589 = arith.addf %add3A_1545, %mul3A_1588 : vector<16xf32>
          %mul3A_1590 = arith.mulf %gather3A_1586, %gather3A_1586 : vector<16xf32>
          %add3A_1591 = arith.addf %add3A_1547, %mul3A_1590 : vector<16xf32>
          %mul3A_1592 = arith.mulf %gather3A_1587, %gather3A_1587 : vector<16xf32>
          %add3A_1593 = arith.addf %add3A_1549, %mul3A_1592 : vector<16xf32>
          %add3A_1594 = arith.constant 112 : i32
          %add3A_1595 = vector.broadcast %add3A_1594 : i32 to vector<16xi32>
          %add3A_1596 = arith.addi %add3A_1595, %and3A_179 : vector<16xi32>
          %gather3A_1597 = tpu.vector_load_idx %arg10[%add3A_85, %add3A_1596] : memref<80x128xf32, #tpu.memory_space<vmem>>[vector<16xi32>, vector<16xi32>], vector<16xf32>,
          %gather3A_1598 = tpu.vector_load_idx %arg12[%add3A_85, %add3A_1596] : memref<80x128xf32, #tpu.memory_space<vmem>>[vector<16xi32>, vector<16xi32>], vector<16xf32>,
          %mul3A_1599 = arith.mulf %gather3A_1597, %gather3A_1598 : vector<16xf32>
          %add3A_1600 = arith.addf %add3A_1556, %mul3A_1599 : vector<16xf32>
          %mul3A_1601 = arith.mulf %gather3A_1597, %gather3A_1597 : vector<16xf32>
          %add3A_1602 = arith.addf %add3A_1558, %mul3A_1601 : vector<16xf32>
          %mul3A_1603 = arith.mulf %gather3A_1598, %gather3A_1598 : vector<16xf32>
          %add3A_1604 = arith.addf %add3A_1560, %mul3A_1603 : vector<16xf32>
          %add3A_1605 = arith.constant 112 : i32
          %add3A_1606 = vector.broadcast %add3A_1605 : i32 to vector<16xi32>
          %add3A_1607 = arith.addi %add3A_1606, %and3A_185 : vector<16xi32>
          %gather3A_1608 = tpu.vector_load_idx %arg10[%add3A_85, %add3A_1607] : memref<80x128xf32, #tpu.memory_space<vmem>>[vector<16xi32>, vector<16xi32>], vector<16xf32>,
          %gather3A_1609 = tpu.vector_load_idx %arg12[%add3A_85, %add3A_1607] : memref<80x128xf32, #tpu.memory_space<vmem>>[vector<16xi32>, vector<16xi32>], vector<16xf32>,
          %mul3A_1610 = arith.mulf %gather3A_1608, %gather3A_1609 : vector<16xf32>
          %add3A_1611 = arith.addf %add3A_1567, %mul3A_1610 : vector<16xf32>
          %mul3A_1612 = arith.mulf %gather3A_1608, %gather3A_1608 : vector<16xf32>
          %add3A_1613 = arith.addf %add3A_1569, %mul3A_1612 : vector<16xf32>
          %mul3A_1614 = arith.mulf %gather3A_1609, %gather3A_1609 : vector<16xf32>
          %add3A_1615 = arith.addf %add3A_1571, %mul3A_1614 : vector<16xf32>
          %add3A_1616 = arith.addf %add3A_1578, %add3A_1589 : vector<16xf32>
          %add3A_1617 = arith.addf %add3A_1600, %add3A_1611 : vector<16xf32>
          %add3A_1618 = arith.addf %add3A_1616, %add3A_1617 : vector<16xf32>
          %swap3A = arith.index_cast %add3A_90 : i32 to index
          %swap3A_1619 = tpu.vector_load %arg16[%swap3A] {strides = array<i32>} : memref<4000xf32, #tpu.memory_space<vmem>>, vector<16xf32>,
          tpu.vector_store %arg16[%swap3A], %add3A_1618 {strides = array<i32>} : memref<4000xf32, #tpu.memory_space<vmem>>, vector<16xf32>,
          %add3A_1620 = arith.addf %add3A_1580, %add3A_1591 : vector<16xf32>
          %add3A_1621 = arith.addf %add3A_1602, %add3A_1613 : vector<16xf32>
          %add3A_1622 = arith.addf %add3A_1620, %add3A_1621 : vector<16xf32>
          %swap3A_1623 = arith.index_cast %add3A_90 : i32 to index
          %swap3A_1624 = tpu.vector_load %arg14[%swap3A_1623] {strides = array<i32>} : memref<4000xf32, #tpu.memory_space<vmem>>, vector<16xf32>,
          tpu.vector_store %arg14[%swap3A_1623], %add3A_1622 {strides = array<i32>} : memref<4000xf32, #tpu.memory_space<vmem>>, vector<16xf32>,
          %add3A_1625 = arith.addf %add3A_1582, %add3A_1593 : vector<16xf32>
          %add3A_1626 = arith.addf %add3A_1604, %add3A_1615 : vector<16xf32>
          %add3A_1627 = arith.addf %add3A_1625, %add3A_1626 : vector<16xf32>
          %swap3A_1628 = arith.index_cast %add3A_90 : i32 to index
          %swap3A_1629 = tpu.vector_load %arg15[%swap3A_1628] {strides = array<i32>} : memref<4000xf32, #tpu.memory_space<vmem>>, vector<16xf32>,
          tpu.vector_store %arg15[%swap3A_1628], %add3A_1627 {strides = array<i32>} : memref<4000xf32, #tpu.memory_space<vmem>>, vector<16xf32>,
        }
        %scan3A_60 = arith.constant 5 : i32
        %lt3A = arith.constant 24 : i32
        %lt3A_61 = arith.cmpi slt, %scan3A_27, %lt3A : i32
        %convert_element_type3A = arith.extui %lt3A_61 : i1 to i32
        %cond3A = arith.constant 0 : i32
        %cond3A_62 = arith.cmpi ne, %convert_element_type3A, %cond3A : i32
        scf.if %cond3A_62 {
          %add3A_81 = arith.constant 2 : i32
          %add3A_82 = arith.addi %mul3A_29, %add3A_81 : i32
          %mul3A_83 = arith.constant 80 : i32
          %mul3A_84 = arith.muli %add3A_82, %mul3A_83 : i32
          %mul3A_85 = arith.constant 80 : i32
          %mul3A_86 = arith.muli %add3A_82, %mul3A_85 : i32
          %dma_start3A_87 = tpu.memref_slice %arg8[%mul3A_84] : memref<4000xi32, #tpu.memory_space<vmem>> -> memref<80xi32, #tpu.memory_space<vmem>>
          %dma_start3A_88 = arith.constant 0 : i32
          %dma_start3A_89 = arith.constant 0 : i32
          %dma_start3A_90 = tpu.memref_slice %arg2[%dma_start3A_88, %dma_start3A_89] : memref<10000x128xf32, #tpu.memory_space<hbm>> -> memref<10000x128xf32, #tpu.memory_space<hbm>>
          tpu.enqueue_indirect_dma source(%dma_start3A_90 : memref<10000x128xf32, #tpu.memory_space<hbm>>) target(%arg10 : memref<80x128xf32, #tpu.memory_space<vmem>>) offsets(%dma_start3A_87 : memref<80xi32, #tpu.memory_space<vmem>>) semaphore(%arg17 : memref<!tpu.dma_semaphore, #tpu.memory_space<semaphore_mem>>)
          %dma_start3A_91 = tpu.memref_slice %arg9[%mul3A_86] : memref<4000xi32, #tpu.memory_space<vmem>> -> memref<80xi32, #tpu.memory_space<vmem>>
          %dma_start3A_92 = arith.constant 0 : i32
          %dma_start3A_93 = arith.constant 0 : i32
          %dma_start3A_94 = tpu.memref_slice %arg2[%dma_start3A_92, %dma_start3A_93] : memref<10000x128xf32, #tpu.memory_space<hbm>> -> memref<10000x128xf32, #tpu.memory_space<hbm>>
          tpu.enqueue_indirect_dma source(%dma_start3A_94 : memref<10000x128xf32, #tpu.memory_space<hbm>>) target(%arg12 : memref<80x128xf32, #tpu.memory_space<vmem>>) offsets(%dma_start3A_91 : memref<80xi32, #tpu.memory_space<vmem>>) semaphore(%arg17 : memref<!tpu.dma_semaphore, #tpu.memory_space<semaphore_mem>>)
        } else {
        }
        %mul3A_63 = arith.constant 80 : i32
        %mul3A_64 = arith.muli %add3A_31, %mul3A_63 : i32
        %mul3A_65 = arith.constant 80 : i32
        %mul3A_66 = arith.muli %add3A_31, %mul3A_65 : i32
        %dma_wait3A_67 = tpu.memref_slice %arg8[%mul3A_64] : memref<4000xi32, #tpu.memory_space<vmem>> -> memref<80xi32, #tpu.memory_space<vmem>>
        %dma_wait3A_68 = arith.constant 0 : i32
        %dma_wait3A_69 = arith.constant 0 : i32
        %dma_wait3A_70 = tpu.memref_slice %arg2[%dma_wait3A_68, %dma_wait3A_69] : memref<10000x128xf32, #tpu.memory_space<hbm>> -> memref<10000x128xf32, #tpu.memory_space<hbm>>
        tpu.wait_indirect_dma semaphore(%arg18 : memref<!tpu.dma_semaphore, #tpu.memory_space<semaphore_mem>>) src(%dma_wait3A_70 : memref<10000x128xf32, #tpu.memory_space<hbm>>) dst(%arg11 : memref<80x128xf32, #tpu.memory_space<vmem>>)
        %dma_wait3A_71 = tpu.memref_slice %arg9[%mul3A_66] : memref<4000xi32, #tpu.memory_space<vmem>> -> memref<80xi32, #tpu.memory_space<vmem>>
        %dma_wait3A_72 = arith.constant 0 : i32
        %dma_wait3A_73 = arith.constant 0 : i32
        %dma_wait3A_74 = tpu.memref_slice %arg2[%dma_wait3A_72, %dma_wait3A_73] : memref<10000x128xf32, #tpu.memory_space<hbm>> -> memref<10000x128xf32, #tpu.memory_space<hbm>>
        tpu.wait_indirect_dma semaphore(%arg18 : memref<!tpu.dma_semaphore, #tpu.memory_space<semaphore_mem>>) src(%dma_wait3A_74 : memref<10000x128xf32, #tpu.memory_space<hbm>>) dst(%arg13 : memref<80x128xf32, #tpu.memory_space<vmem>>)
        %scan3A_75 = arith.constant 0 : i32
        %scan3A_76 = arith.constant 0 : i32
        %scan3A_77 = arith.constant 5 : i32
        %scan3A_78 = arith.addi %scan3A_76, %scan3A_77 : i32
        %scan3A_79 = arith.constant 1 : i32
        scf.for %scan3A_81 = %scan3A_76 to %scan3A_78 step %scan3A_79  : i32 {
          %iota3A = tpu.iota {dimensions = array<i32: 0>} : vector<16xi32>
          %mul3A_82 = arith.constant 16 : i32
          %mul3A_83 = arith.muli %scan3A_81, %mul3A_82 : i32
          %add3A_84 = vector.broadcast %mul3A_83 : i32 to vector<16xi32>
          %add3A_85 = arith.addi %add3A_84, %iota3A : vector<16xi32>
          %mul3A_86 = arith.constant 80 : i32
          %mul3A_87 = arith.muli %add3A_31, %mul3A_86 : i32
          %mul3A_88 = arith.constant 16 : i32
          %mul3A_89 = arith.muli %scan3A_81, %mul3A_88 : i32
          %add3A_90 = arith.addi %mul3A_87, %mul3A_89 : i32
          %add3A_91 = arith.constant 0 : i32
          %add3A_92 = vector.broadcast %add3A_91 : i32 to vector<16xi32>
          %add3A_93 = arith.addi %iota3A, %add3A_92 : vector<16xi32>
          %and3A = arith.constant 15 : i32
          %and3A_94 = vector.broadcast %and3A : i32 to vector<16xi32>
          %and3A_95 = arith.andi %add3A_93, %and3A_94 : vector<16xi32>
          %add3A_96 = arith.constant 1 : i32
          %add3A_97 = vector.broadcast %add3A_96 : i32 to vector<16xi32>
          %add3A_98 = arith.addi %iota3A, %add3A_97 : vector<16xi32>
          %and3A_99 = arith.constant 15 : i32
          %and3A_100 = vector.broadcast %and3A_99 : i32 to vector<16xi32>
          %and3A_101 = arith.andi %add3A_98, %and3A_100 : vector<16xi32>
          %add3A_102 = arith.constant 2 : i32
          %add3A_103 = vector.broadcast %add3A_102 : i32 to vector<16xi32>
          %add3A_104 = arith.addi %iota3A, %add3A_103 : vector<16xi32>
          %and3A_105 = arith.constant 15 : i32
          %and3A_106 = vector.broadcast %and3A_105 : i32 to vector<16xi32>
          %and3A_107 = arith.andi %add3A_104, %and3A_106 : vector<16xi32>
          %add3A_108 = arith.constant 3 : i32
          %add3A_109 = vector.broadcast %add3A_108 : i32 to vector<16xi32>
          %add3A_110 = arith.addi %iota3A, %add3A_109 : vector<16xi32>
          %and3A_111 = arith.constant 15 : i32
          %and3A_112 = vector.broadcast %and3A_111 : i32 to vector<16xi32>
          %and3A_113 = arith.andi %add3A_110, %and3A_112 : vector<16xi32>
          %add3A_114 = arith.constant 4 : i32
          %add3A_115 = vector.broadcast %add3A_114 : i32 to vector<16xi32>
          %add3A_116 = arith.addi %iota3A, %add3A_115 : vector<16xi32>
          %and3A_117 = arith.constant 15 : i32
          %and3A_118 = vector.broadcast %and3A_117 : i32 to vector<16xi32>
          %and3A_119 = arith.andi %add3A_116, %and3A_118 : vector<16xi32>
          %add3A_120 = arith.constant 5 : i32
          %add3A_121 = vector.broadcast %add3A_120 : i32 to vector<16xi32>
          %add3A_122 = arith.addi %iota3A, %add3A_121 : vector<16xi32>
          %and3A_123 = arith.constant 15 : i32
          %and3A_124 = vector.broadcast %and3A_123 : i32 to vector<16xi32>
          %and3A_125 = arith.andi %add3A_122, %and3A_124 : vector<16xi32>
          %add3A_126 = arith.constant 6 : i32
          %add3A_127 = vector.broadcast %add3A_126 : i32 to vector<16xi32>
          %add3A_128 = arith.addi %iota3A, %add3A_127 : vector<16xi32>
          %and3A_129 = arith.constant 15 : i32
          %and3A_130 = vector.broadcast %and3A_129 : i32 to vector<16xi32>
          %and3A_131 = arith.andi %add3A_128, %and3A_130 : vector<16xi32>
          %add3A_132 = arith.constant 7 : i32
          %add3A_133 = vector.broadcast %add3A_132 : i32 to vector<16xi32>
          %add3A_134 = arith.addi %iota3A, %add3A_133 : vector<16xi32>
          %and3A_135 = arith.constant 15 : i32
          %and3A_136 = vector.broadcast %and3A_135 : i32 to vector<16xi32>
          %and3A_137 = arith.andi %add3A_134, %and3A_136 : vector<16xi32>
          %add3A_138 = arith.constant 8 : i32
          %add3A_139 = vector.broadcast %add3A_138 : i32 to vector<16xi32>
          %add3A_140 = arith.addi %iota3A, %add3A_139 : vector<16xi32>
          %and3A_141 = arith.constant 15 : i32
          %and3A_142 = vector.broadcast %and3A_141 : i32 to vector<16xi32>
          %and3A_143 = arith.andi %add3A_140, %and3A_142 : vector<16xi32>
          %add3A_144 = arith.constant 9 : i32
          %add3A_145 = vector.broadcast %add3A_144 : i32 to vector<16xi32>
          %add3A_146 = arith.addi %iota3A, %add3A_145 : vector<16xi32>
          %and3A_147 = arith.constant 15 : i32
          %and3A_148 = vector.broadcast %and3A_147 : i32 to vector<16xi32>
          %and3A_149 = arith.andi %add3A_146, %and3A_148 : vector<16xi32>
          %add3A_150 = arith.constant 10 : i32
          %add3A_151 = vector.broadcast %add3A_150 : i32 to vector<16xi32>
          %add3A_152 = arith.addi %iota3A, %add3A_151 : vector<16xi32>
          %and3A_153 = arith.constant 15 : i32
          %and3A_154 = vector.broadcast %and3A_153 : i32 to vector<16xi32>
          %and3A_155 = arith.andi %add3A_152, %and3A_154 : vector<16xi32>
          %add3A_156 = arith.constant 11 : i32
          %add3A_157 = vector.broadcast %add3A_156 : i32 to vector<16xi32>
          %add3A_158 = arith.addi %iota3A, %add3A_157 : vector<16xi32>
          %and3A_159 = arith.constant 15 : i32
          %and3A_160 = vector.broadcast %and3A_159 : i32 to vector<16xi32>
          %and3A_161 = arith.andi %add3A_158, %and3A_160 : vector<16xi32>
          %add3A_162 = arith.constant 12 : i32
          %add3A_163 = vector.broadcast %add3A_162 : i32 to vector<16xi32>
          %add3A_164 = arith.addi %iota3A, %add3A_163 : vector<16xi32>
          %and3A_165 = arith.constant 15 : i32
          %and3A_166 = vector.broadcast %and3A_165 : i32 to vector<16xi32>
          %and3A_167 = arith.andi %add3A_164, %and3A_166 : vector<16xi32>
          %add3A_168 = arith.constant 13 : i32
          %add3A_169 = vector.broadcast %add3A_168 : i32 to vector<16xi32>
          %add3A_170 = arith.addi %iota3A, %add3A_169 : vector<16xi32>
          %and3A_171 = arith.constant 15 : i32
          %and3A_172 = vector.broadcast %and3A_171 : i32 to vector<16xi32>
          %and3A_173 = arith.andi %add3A_170, %and3A_172 : vector<16xi32>
          %add3A_174 = arith.constant 14 : i32
          %add3A_175 = vector.broadcast %add3A_174 : i32 to vector<16xi32>
          %add3A_176 = arith.addi %iota3A, %add3A_175 : vector<16xi32>
          %and3A_177 = arith.constant 15 : i32
          %and3A_178 = vector.broadcast %and3A_177 : i32 to vector<16xi32>
          %and3A_179 = arith.andi %add3A_176, %and3A_178 : vector<16xi32>
          %add3A_180 = arith.constant 15 : i32
          %add3A_181 = vector.broadcast %add3A_180 : i32 to vector<16xi32>
          %add3A_182 = arith.addi %iota3A, %add3A_181 : vector<16xi32>
          %and3A_183 = arith.constant 15 : i32
          %and3A_184 = vector.broadcast %and3A_183 : i32 to vector<16xi32>
          %and3A_185 = arith.andi %add3A_182, %and3A_184 : vector<16xi32>
          %broadcast_in_dim3A = arith.constant 0.000000e+00 : f32
          %broadcast_in_dim3A_186 = vector.broadcast %broadcast_in_dim3A : f32 to vector<16xf32>
          %broadcast_in_dim3A_187 = arith.constant 0.000000e+00 : f32
          %broadcast_in_dim3A_188 = vector.broadcast %broadcast_in_dim3A_187 : f32 to vector<16xf32>
          %broadcast_in_dim3A_189 = arith.constant 0.000000e+00 : f32
          %broadcast_in_dim3A_190 = vector.broadcast %broadcast_in_dim3A_189 : f32 to vector<16xf32>
          %broadcast_in_dim3A_191 = arith.constant 0.000000e+00 : f32
          %broadcast_in_dim3A_192 = vector.broadcast %broadcast_in_dim3A_191 : f32 to vector<16xf32>
          %broadcast_in_dim3A_193 = arith.constant 0.000000e+00 : f32
          %broadcast_in_dim3A_194 = vector.broadcast %broadcast_in_dim3A_193 : f32 to vector<16xf32>
          %broadcast_in_dim3A_195 = arith.constant 0.000000e+00 : f32
          %broadcast_in_dim3A_196 = vector.broadcast %broadcast_in_dim3A_195 : f32 to vector<16xf32>
          %broadcast_in_dim3A_197 = arith.constant 0.000000e+00 : f32
          %broadcast_in_dim3A_198 = vector.broadcast %broadcast_in_dim3A_197 : f32 to vector<16xf32>
          %broadcast_in_dim3A_199 = arith.constant 0.000000e+00 : f32
          %broadcast_in_dim3A_200 = vector.broadcast %broadcast_in_dim3A_199 : f32 to vector<16xf32>
          %broadcast_in_dim3A_201 = arith.constant 0.000000e+00 : f32
          %broadcast_in_dim3A_202 = vector.broadcast %broadcast_in_dim3A_201 : f32 to vector<16xf32>
          %broadcast_in_dim3A_203 = arith.constant 0.000000e+00 : f32
          %broadcast_in_dim3A_204 = vector.broadcast %broadcast_in_dim3A_203 : f32 to vector<16xf32>
          %broadcast_in_dim3A_205 = arith.constant 0.000000e+00 : f32
          %broadcast_in_dim3A_206 = vector.broadcast %broadcast_in_dim3A_205 : f32 to vector<16xf32>
          %broadcast_in_dim3A_207 = arith.constant 0.000000e+00 : f32
          %broadcast_in_dim3A_208 = vector.broadcast %broadcast_in_dim3A_207 : f32 to vector<16xf32>
          %add3A_209 = arith.constant 0 : i32
          %add3A_210 = vector.broadcast %add3A_209 : i32 to vector<16xi32>
          %add3A_211 = arith.addi %add3A_210, %and3A_95 : vector<16xi32>
          %gather3A = tpu.vector_load_idx %arg11[%add3A_85, %add3A_211] : memref<80x128xf32, #tpu.memory_space<vmem>>[vector<16xi32>, vector<16xi32>], vector<16xf32>,
          %gather3A_212 = tpu.vector_load_idx %arg13[%add3A_85, %add3A_211] : memref<80x128xf32, #tpu.memory_space<vmem>>[vector<16xi32>, vector<16xi32>], vector<16xf32>,
          %mul3A_213 = arith.mulf %gather3A, %gather3A_212 : vector<16xf32>
          %add3A_214 = arith.addf %broadcast_in_dim3A_186, %mul3A_213 : vector<16xf32>
          %mul3A_215 = arith.mulf %gather3A, %gather3A : vector<16xf32>
          %add3A_216 = arith.addf %broadcast_in_dim3A_194, %mul3A_215 : vector<16xf32>
          %mul3A_217 = arith.mulf %gather3A_212, %gather3A_212 : vector<16xf32>
          %add3A_218 = arith.addf %broadcast_in_dim3A_202, %mul3A_217 : vector<16xf32>
          %add3A_219 = arith.constant 0 : i32
          %add3A_220 = vector.broadcast %add3A_219 : i32 to vector<16xi32>
          %add3A_221 = arith.addi %add3A_220, %and3A_101 : vector<16xi32>
          %gather3A_222 = tpu.vector_load_idx %arg11[%add3A_85, %add3A_221] : memref<80x128xf32, #tpu.memory_space<vmem>>[vector<16xi32>, vector<16xi32>], vector<16xf32>,
          %gather3A_223 = tpu.vector_load_idx %arg13[%add3A_85, %add3A_221] : memref<80x128xf32, #tpu.memory_space<vmem>>[vector<16xi32>, vector<16xi32>], vector<16xf32>,
          %mul3A_224 = arith.mulf %gather3A_222, %gather3A_223 : vector<16xf32>
          %add3A_225 = arith.addf %broadcast_in_dim3A_188, %mul3A_224 : vector<16xf32>
          %mul3A_226 = arith.mulf %gather3A_222, %gather3A_222 : vector<16xf32>
          %add3A_227 = arith.addf %broadcast_in_dim3A_196, %mul3A_226 : vector<16xf32>
          %mul3A_228 = arith.mulf %gather3A_223, %gather3A_223 : vector<16xf32>
          %add3A_229 = arith.addf %broadcast_in_dim3A_204, %mul3A_228 : vector<16xf32>
          %add3A_230 = arith.constant 0 : i32
          %add3A_231 = vector.broadcast %add3A_230 : i32 to vector<16xi32>
          %add3A_232 = arith.addi %add3A_231, %and3A_107 : vector<16xi32>
          %gather3A_233 = tpu.vector_load_idx %arg11[%add3A_85, %add3A_232] : memref<80x128xf32, #tpu.memory_space<vmem>>[vector<16xi32>, vector<16xi32>], vector<16xf32>,
          %gather3A_234 = tpu.vector_load_idx %arg13[%add3A_85, %add3A_232] : memref<80x128xf32, #tpu.memory_space<vmem>>[vector<16xi32>, vector<16xi32>], vector<16xf32>,
          %mul3A_235 = arith.mulf %gather3A_233, %gather3A_234 : vector<16xf32>
          %add3A_236 = arith.addf %broadcast_in_dim3A_190, %mul3A_235 : vector<16xf32>
          %mul3A_237 = arith.mulf %gather3A_233, %gather3A_233 : vector<16xf32>
          %add3A_238 = arith.addf %broadcast_in_dim3A_198, %mul3A_237 : vector<16xf32>
          %mul3A_239 = arith.mulf %gather3A_234, %gather3A_234 : vector<16xf32>
          %add3A_240 = arith.addf %broadcast_in_dim3A_206, %mul3A_239 : vector<16xf32>
          %add3A_241 = arith.constant 0 : i32
          %add3A_242 = vector.broadcast %add3A_241 : i32 to vector<16xi32>
          %add3A_243 = arith.addi %add3A_242, %and3A_113 : vector<16xi32>
          %gather3A_244 = tpu.vector_load_idx %arg11[%add3A_85, %add3A_243] : memref<80x128xf32, #tpu.memory_space<vmem>>[vector<16xi32>, vector<16xi32>], vector<16xf32>,
          %gather3A_245 = tpu.vector_load_idx %arg13[%add3A_85, %add3A_243] : memref<80x128xf32, #tpu.memory_space<vmem>>[vector<16xi32>, vector<16xi32>], vector<16xf32>,
          %mul3A_246 = arith.mulf %gather3A_244, %gather3A_245 : vector<16xf32>
          %add3A_247 = arith.addf %broadcast_in_dim3A_192, %mul3A_246 : vector<16xf32>
          %mul3A_248 = arith.mulf %gather3A_244, %gather3A_244 : vector<16xf32>
          %add3A_249 = arith.addf %broadcast_in_dim3A_200, %mul3A_248 : vector<16xf32>
          %mul3A_250 = arith.mulf %gather3A_245, %gather3A_245 : vector<16xf32>
          %add3A_251 = arith.addf %broadcast_in_dim3A_208, %mul3A_250 : vector<16xf32>
          %add3A_252 = arith.constant 0 : i32
          %add3A_253 = vector.broadcast %add3A_252 : i32 to vector<16xi32>
          %add3A_254 = arith.addi %add3A_253, %and3A_119 : vector<16xi32>
          %gather3A_255 = tpu.vector_load_idx %arg11[%add3A_85, %add3A_254] : memref<80x128xf32, #tpu.memory_space<vmem>>[vector<16xi32>, vector<16xi32>], vector<16xf32>,
          %gather3A_256 = tpu.vector_load_idx %arg13[%add3A_85, %add3A_254] : memref<80x128xf32, #tpu.memory_space<vmem>>[vector<16xi32>, vector<16xi32>], vector<16xf32>,
          %mul3A_257 = arith.mulf %gather3A_255, %gather3A_256 : vector<16xf32>
          %add3A_258 = arith.addf %add3A_214, %mul3A_257 : vector<16xf32>
          %mul3A_259 = arith.mulf %gather3A_255, %gather3A_255 : vector<16xf32>
          %add3A_260 = arith.addf %add3A_216, %mul3A_259 : vector<16xf32>
          %mul3A_261 = arith.mulf %gather3A_256, %gather3A_256 : vector<16xf32>
          %add3A_262 = arith.addf %add3A_218, %mul3A_261 : vector<16xf32>
          %add3A_263 = arith.constant 0 : i32
          %add3A_264 = vector.broadcast %add3A_263 : i32 to vector<16xi32>
          %add3A_265 = arith.addi %add3A_264, %and3A_125 : vector<16xi32>
          %gather3A_266 = tpu.vector_load_idx %arg11[%add3A_85, %add3A_265] : memref<80x128xf32, #tpu.memory_space<vmem>>[vector<16xi32>, vector<16xi32>], vector<16xf32>,
          %gather3A_267 = tpu.vector_load_idx %arg13[%add3A_85, %add3A_265] : memref<80x128xf32, #tpu.memory_space<vmem>>[vector<16xi32>, vector<16xi32>], vector<16xf32>,
          %mul3A_268 = arith.mulf %gather3A_266, %gather3A_267 : vector<16xf32>
          %add3A_269 = arith.addf %add3A_225, %mul3A_268 : vector<16xf32>
          %mul3A_270 = arith.mulf %gather3A_266, %gather3A_266 : vector<16xf32>
          %add3A_271 = arith.addf %add3A_227, %mul3A_270 : vector<16xf32>
          %mul3A_272 = arith.mulf %gather3A_267, %gather3A_267 : vector<16xf32>
          %add3A_273 = arith.addf %add3A_229, %mul3A_272 : vector<16xf32>
          %add3A_274 = arith.constant 0 : i32
          %add3A_275 = vector.broadcast %add3A_274 : i32 to vector<16xi32>
          %add3A_276 = arith.addi %add3A_275, %and3A_131 : vector<16xi32>
          %gather3A_277 = tpu.vector_load_idx %arg11[%add3A_85, %add3A_276] : memref<80x128xf32, #tpu.memory_space<vmem>>[vector<16xi32>, vector<16xi32>], vector<16xf32>,
          %gather3A_278 = tpu.vector_load_idx %arg13[%add3A_85, %add3A_276] : memref<80x128xf32, #tpu.memory_space<vmem>>[vector<16xi32>, vector<16xi32>], vector<16xf32>,
          %mul3A_279 = arith.mulf %gather3A_277, %gather3A_278 : vector<16xf32>
          %add3A_280 = arith.addf %add3A_236, %mul3A_279 : vector<16xf32>
          %mul3A_281 = arith.mulf %gather3A_277, %gather3A_277 : vector<16xf32>
          %add3A_282 = arith.addf %add3A_238, %mul3A_281 : vector<16xf32>
          %mul3A_283 = arith.mulf %gather3A_278, %gather3A_278 : vector<16xf32>
          %add3A_284 = arith.addf %add3A_240, %mul3A_283 : vector<16xf32>
          %add3A_285 = arith.constant 0 : i32
          %add3A_286 = vector.broadcast %add3A_285 : i32 to vector<16xi32>
          %add3A_287 = arith.addi %add3A_286, %and3A_137 : vector<16xi32>
          %gather3A_288 = tpu.vector_load_idx %arg11[%add3A_85, %add3A_287] : memref<80x128xf32, #tpu.memory_space<vmem>>[vector<16xi32>, vector<16xi32>], vector<16xf32>,
          %gather3A_289 = tpu.vector_load_idx %arg13[%add3A_85, %add3A_287] : memref<80x128xf32, #tpu.memory_space<vmem>>[vector<16xi32>, vector<16xi32>], vector<16xf32>,
          %mul3A_290 = arith.mulf %gather3A_288, %gather3A_289 : vector<16xf32>
          %add3A_291 = arith.addf %add3A_247, %mul3A_290 : vector<16xf32>
          %mul3A_292 = arith.mulf %gather3A_288, %gather3A_288 : vector<16xf32>
          %add3A_293 = arith.addf %add3A_249, %mul3A_292 : vector<16xf32>
          %mul3A_294 = arith.mulf %gather3A_289, %gather3A_289 : vector<16xf32>
          %add3A_295 = arith.addf %add3A_251, %mul3A_294 : vector<16xf32>
          %add3A_296 = arith.constant 0 : i32
          %add3A_297 = vector.broadcast %add3A_296 : i32 to vector<16xi32>
          %add3A_298 = arith.addi %add3A_297, %and3A_143 : vector<16xi32>
          %gather3A_299 = tpu.vector_load_idx %arg11[%add3A_85, %add3A_298] : memref<80x128xf32, #tpu.memory_space<vmem>>[vector<16xi32>, vector<16xi32>], vector<16xf32>,
          %gather3A_300 = tpu.vector_load_idx %arg13[%add3A_85, %add3A_298] : memref<80x128xf32, #tpu.memory_space<vmem>>[vector<16xi32>, vector<16xi32>], vector<16xf32>,
          %mul3A_301 = arith.mulf %gather3A_299, %gather3A_300 : vector<16xf32>
          %add3A_302 = arith.addf %add3A_258, %mul3A_301 : vector<16xf32>
          %mul3A_303 = arith.mulf %gather3A_299, %gather3A_299 : vector<16xf32>
          %add3A_304 = arith.addf %add3A_260, %mul3A_303 : vector<16xf32>
          %mul3A_305 = arith.mulf %gather3A_300, %gather3A_300 : vector<16xf32>
          %add3A_306 = arith.addf %add3A_262, %mul3A_305 : vector<16xf32>
          %add3A_307 = arith.constant 0 : i32
          %add3A_308 = vector.broadcast %add3A_307 : i32 to vector<16xi32>
          %add3A_309 = arith.addi %add3A_308, %and3A_149 : vector<16xi32>
          %gather3A_310 = tpu.vector_load_idx %arg11[%add3A_85, %add3A_309] : memref<80x128xf32, #tpu.memory_space<vmem>>[vector<16xi32>, vector<16xi32>], vector<16xf32>,
          %gather3A_311 = tpu.vector_load_idx %arg13[%add3A_85, %add3A_309] : memref<80x128xf32, #tpu.memory_space<vmem>>[vector<16xi32>, vector<16xi32>], vector<16xf32>,
          %mul3A_312 = arith.mulf %gather3A_310, %gather3A_311 : vector<16xf32>
          %add3A_313 = arith.addf %add3A_269, %mul3A_312 : vector<16xf32>
          %mul3A_314 = arith.mulf %gather3A_310, %gather3A_310 : vector<16xf32>
          %add3A_315 = arith.addf %add3A_271, %mul3A_314 : vector<16xf32>
          %mul3A_316 = arith.mulf %gather3A_311, %gather3A_311 : vector<16xf32>
          %add3A_317 = arith.addf %add3A_273, %mul3A_316 : vector<16xf32>
          %add3A_318 = arith.constant 0 : i32
          %add3A_319 = vector.broadcast %add3A_318 : i32 to vector<16xi32>
          %add3A_320 = arith.addi %add3A_319, %and3A_155 : vector<16xi32>
          %gather3A_321 = tpu.vector_load_idx %arg11[%add3A_85, %add3A_320] : memref<80x128xf32, #tpu.memory_space<vmem>>[vector<16xi32>, vector<16xi32>], vector<16xf32>,
          %gather3A_322 = tpu.vector_load_idx %arg13[%add3A_85, %add3A_320] : memref<80x128xf32, #tpu.memory_space<vmem>>[vector<16xi32>, vector<16xi32>], vector<16xf32>,
          %mul3A_323 = arith.mulf %gather3A_321, %gather3A_322 : vector<16xf32>
          %add3A_324 = arith.addf %add3A_280, %mul3A_323 : vector<16xf32>
          %mul3A_325 = arith.mulf %gather3A_321, %gather3A_321 : vector<16xf32>
          %add3A_326 = arith.addf %add3A_282, %mul3A_325 : vector<16xf32>
          %mul3A_327 = arith.mulf %gather3A_322, %gather3A_322 : vector<16xf32>
          %add3A_328 = arith.addf %add3A_284, %mul3A_327 : vector<16xf32>
          %add3A_329 = arith.constant 0 : i32
          %add3A_330 = vector.broadcast %add3A_329 : i32 to vector<16xi32>
          %add3A_331 = arith.addi %add3A_330, %and3A_161 : vector<16xi32>
          %gather3A_332 = tpu.vector_load_idx %arg11[%add3A_85, %add3A_331] : memref<80x128xf32, #tpu.memory_space<vmem>>[vector<16xi32>, vector<16xi32>], vector<16xf32>,
          %gather3A_333 = tpu.vector_load_idx %arg13[%add3A_85, %add3A_331] : memref<80x128xf32, #tpu.memory_space<vmem>>[vector<16xi32>, vector<16xi32>], vector<16xf32>,
          %mul3A_334 = arith.mulf %gather3A_332, %gather3A_333 : vector<16xf32>
          %add3A_335 = arith.addf %add3A_291, %mul3A_334 : vector<16xf32>
          %mul3A_336 = arith.mulf %gather3A_332, %gather3A_332 : vector<16xf32>
          %add3A_337 = arith.addf %add3A_293, %mul3A_336 : vector<16xf32>
          %mul3A_338 = arith.mulf %gather3A_333, %gather3A_333 : vector<16xf32>
          %add3A_339 = arith.addf %add3A_295, %mul3A_338 : vector<16xf32>
          %add3A_340 = arith.constant 0 : i32
          %add3A_341 = vector.broadcast %add3A_340 : i32 to vector<16xi32>
          %add3A_342 = arith.addi %add3A_341, %and3A_167 : vector<16xi32>
          %gather3A_343 = tpu.vector_load_idx %arg11[%add3A_85, %add3A_342] : memref<80x128xf32, #tpu.memory_space<vmem>>[vector<16xi32>, vector<16xi32>], vector<16xf32>,
          %gather3A_344 = tpu.vector_load_idx %arg13[%add3A_85, %add3A_342] : memref<80x128xf32, #tpu.memory_space<vmem>>[vector<16xi32>, vector<16xi32>], vector<16xf32>,
          %mul3A_345 = arith.mulf %gather3A_343, %gather3A_344 : vector<16xf32>
          %add3A_346 = arith.addf %add3A_302, %mul3A_345 : vector<16xf32>
          %mul3A_347 = arith.mulf %gather3A_343, %gather3A_343 : vector<16xf32>
          %add3A_348 = arith.addf %add3A_304, %mul3A_347 : vector<16xf32>
          %mul3A_349 = arith.mulf %gather3A_344, %gather3A_344 : vector<16xf32>
          %add3A_350 = arith.addf %add3A_306, %mul3A_349 : vector<16xf32>
          %add3A_351 = arith.constant 0 : i32
          %add3A_352 = vector.broadcast %add3A_351 : i32 to vector<16xi32>
          %add3A_353 = arith.addi %add3A_352, %and3A_173 : vector<16xi32>
          %gather3A_354 = tpu.vector_load_idx %arg11[%add3A_85, %add3A_353] : memref<80x128xf32, #tpu.memory_space<vmem>>[vector<16xi32>, vector<16xi32>], vector<16xf32>,
          %gather3A_355 = tpu.vector_load_idx %arg13[%add3A_85, %add3A_353] : memref<80x128xf32, #tpu.memory_space<vmem>>[vector<16xi32>, vector<16xi32>], vector<16xf32>,
          %mul3A_356 = arith.mulf %gather3A_354, %gather3A_355 : vector<16xf32>
          %add3A_357 = arith.addf %add3A_313, %mul3A_356 : vector<16xf32>
          %mul3A_358 = arith.mulf %gather3A_354, %gather3A_354 : vector<16xf32>
          %add3A_359 = arith.addf %add3A_315, %mul3A_358 : vector<16xf32>
          %mul3A_360 = arith.mulf %gather3A_355, %gather3A_355 : vector<16xf32>
          %add3A_361 = arith.addf %add3A_317, %mul3A_360 : vector<16xf32>
          %add3A_362 = arith.constant 0 : i32
          %add3A_363 = vector.broadcast %add3A_362 : i32 to vector<16xi32>
          %add3A_364 = arith.addi %add3A_363, %and3A_179 : vector<16xi32>
          %gather3A_365 = tpu.vector_load_idx %arg11[%add3A_85, %add3A_364] : memref<80x128xf32, #tpu.memory_space<vmem>>[vector<16xi32>, vector<16xi32>], vector<16xf32>,
          %gather3A_366 = tpu.vector_load_idx %arg13[%add3A_85, %add3A_364] : memref<80x128xf32, #tpu.memory_space<vmem>>[vector<16xi32>, vector<16xi32>], vector<16xf32>,
          %mul3A_367 = arith.mulf %gather3A_365, %gather3A_366 : vector<16xf32>
          %add3A_368 = arith.addf %add3A_324, %mul3A_367 : vector<16xf32>
          %mul3A_369 = arith.mulf %gather3A_365, %gather3A_365 : vector<16xf32>
          %add3A_370 = arith.addf %add3A_326, %mul3A_369 : vector<16xf32>
          %mul3A_371 = arith.mulf %gather3A_366, %gather3A_366 : vector<16xf32>
          %add3A_372 = arith.addf %add3A_328, %mul3A_371 : vector<16xf32>
          %add3A_373 = arith.constant 0 : i32
          %add3A_374 = vector.broadcast %add3A_373 : i32 to vector<16xi32>
          %add3A_375 = arith.addi %add3A_374, %and3A_185 : vector<16xi32>
          %gather3A_376 = tpu.vector_load_idx %arg11[%add3A_85, %add3A_375] : memref<80x128xf32, #tpu.memory_space<vmem>>[vector<16xi32>, vector<16xi32>], vector<16xf32>,
          %gather3A_377 = tpu.vector_load_idx %arg13[%add3A_85, %add3A_375] : memref<80x128xf32, #tpu.memory_space<vmem>>[vector<16xi32>, vector<16xi32>], vector<16xf32>,
          %mul3A_378 = arith.mulf %gather3A_376, %gather3A_377 : vector<16xf32>
          %add3A_379 = arith.addf %add3A_335, %mul3A_378 : vector<16xf32>
          %mul3A_380 = arith.mulf %gather3A_376, %gather3A_376 : vector<16xf32>
          %add3A_381 = arith.addf %add3A_337, %mul3A_380 : vector<16xf32>
          %mul3A_382 = arith.mulf %gather3A_377, %gather3A_377 : vector<16xf32>
          %add3A_383 = arith.addf %add3A_339, %mul3A_382 : vector<16xf32>
          %add3A_384 = arith.constant 16 : i32
          %add3A_385 = vector.broadcast %add3A_384 : i32 to vector<16xi32>
          %add3A_386 = arith.addi %add3A_385, %and3A_95 : vector<16xi32>
          %gather3A_387 = tpu.vector_load_idx %arg11[%add3A_85, %add3A_386] : memref<80x128xf32, #tpu.memory_space<vmem>>[vector<16xi32>, vector<16xi32>], vector<16xf32>,
          %gather3A_388 = tpu.vector_load_idx %arg13[%add3A_85, %add3A_386] : memref<80x128xf32, #tpu.memory_space<vmem>>[vector<16xi32>, vector<16xi32>], vector<16xf32>,
          %mul3A_389 = arith.mulf %gather3A_387, %gather3A_388 : vector<16xf32>
          %add3A_390 = arith.addf %add3A_346, %mul3A_389 : vector<16xf32>
          %mul3A_391 = arith.mulf %gather3A_387, %gather3A_387 : vector<16xf32>
          %add3A_392 = arith.addf %add3A_348, %mul3A_391 : vector<16xf32>
          %mul3A_393 = arith.mulf %gather3A_388, %gather3A_388 : vector<16xf32>
          %add3A_394 = arith.addf %add3A_350, %mul3A_393 : vector<16xf32>
          %add3A_395 = arith.constant 16 : i32
          %add3A_396 = vector.broadcast %add3A_395 : i32 to vector<16xi32>
          %add3A_397 = arith.addi %add3A_396, %and3A_101 : vector<16xi32>
          %gather3A_398 = tpu.vector_load_idx %arg11[%add3A_85, %add3A_397] : memref<80x128xf32, #tpu.memory_space<vmem>>[vector<16xi32>, vector<16xi32>], vector<16xf32>,
          %gather3A_399 = tpu.vector_load_idx %arg13[%add3A_85, %add3A_397] : memref<80x128xf32, #tpu.memory_space<vmem>>[vector<16xi32>, vector<16xi32>], vector<16xf32>,
          %mul3A_400 = arith.mulf %gather3A_398, %gather3A_399 : vector<16xf32>
          %add3A_401 = arith.addf %add3A_357, %mul3A_400 : vector<16xf32>
          %mul3A_402 = arith.mulf %gather3A_398, %gather3A_398 : vector<16xf32>
          %add3A_403 = arith.addf %add3A_359, %mul3A_402 : vector<16xf32>
          %mul3A_404 = arith.mulf %gather3A_399, %gather3A_399 : vector<16xf32>
          %add3A_405 = arith.addf %add3A_361, %mul3A_404 : vector<16xf32>
          %add3A_406 = arith.constant 16 : i32
          %add3A_407 = vector.broadcast %add3A_406 : i32 to vector<16xi32>
          %add3A_408 = arith.addi %add3A_407, %and3A_107 : vector<16xi32>
          %gather3A_409 = tpu.vector_load_idx %arg11[%add3A_85, %add3A_408] : memref<80x128xf32, #tpu.memory_space<vmem>>[vector<16xi32>, vector<16xi32>], vector<16xf32>,
          %gather3A_410 = tpu.vector_load_idx %arg13[%add3A_85, %add3A_408] : memref<80x128xf32, #tpu.memory_space<vmem>>[vector<16xi32>, vector<16xi32>], vector<16xf32>,
          %mul3A_411 = arith.mulf %gather3A_409, %gather3A_410 : vector<16xf32>
          %add3A_412 = arith.addf %add3A_368, %mul3A_411 : vector<16xf32>
          %mul3A_413 = arith.mulf %gather3A_409, %gather3A_409 : vector<16xf32>
          %add3A_414 = arith.addf %add3A_370, %mul3A_413 : vector<16xf32>
          %mul3A_415 = arith.mulf %gather3A_410, %gather3A_410 : vector<16xf32>
          %add3A_416 = arith.addf %add3A_372, %mul3A_415 : vector<16xf32>
          %add3A_417 = arith.constant 16 : i32
          %add3A_418 = vector.broadcast %add3A_417 : i32 to vector<16xi32>
          %add3A_419 = arith.addi %add3A_418, %and3A_113 : vector<16xi32>
          %gather3A_420 = tpu.vector_load_idx %arg11[%add3A_85, %add3A_419] : memref<80x128xf32, #tpu.memory_space<vmem>>[vector<16xi32>, vector<16xi32>], vector<16xf32>,
          %gather3A_421 = tpu.vector_load_idx %arg13[%add3A_85, %add3A_419] : memref<80x128xf32, #tpu.memory_space<vmem>>[vector<16xi32>, vector<16xi32>], vector<16xf32>,
          %mul3A_422 = arith.mulf %gather3A_420, %gather3A_421 : vector<16xf32>
          %add3A_423 = arith.addf %add3A_379, %mul3A_422 : vector<16xf32>
          %mul3A_424 = arith.mulf %gather3A_420, %gather3A_420 : vector<16xf32>
          %add3A_425 = arith.addf %add3A_381, %mul3A_424 : vector<16xf32>
          %mul3A_426 = arith.mulf %gather3A_421, %gather3A_421 : vector<16xf32>
          %add3A_427 = arith.addf %add3A_383, %mul3A_426 : vector<16xf32>
          %add3A_428 = arith.constant 16 : i32
          %add3A_429 = vector.broadcast %add3A_428 : i32 to vector<16xi32>
          %add3A_430 = arith.addi %add3A_429, %and3A_119 : vector<16xi32>
          %gather3A_431 = tpu.vector_load_idx %arg11[%add3A_85, %add3A_430] : memref<80x128xf32, #tpu.memory_space<vmem>>[vector<16xi32>, vector<16xi32>], vector<16xf32>,
          %gather3A_432 = tpu.vector_load_idx %arg13[%add3A_85, %add3A_430] : memref<80x128xf32, #tpu.memory_space<vmem>>[vector<16xi32>, vector<16xi32>], vector<16xf32>,
          %mul3A_433 = arith.mulf %gather3A_431, %gather3A_432 : vector<16xf32>
          %add3A_434 = arith.addf %add3A_390, %mul3A_433 : vector<16xf32>
          %mul3A_435 = arith.mulf %gather3A_431, %gather3A_431 : vector<16xf32>
          %add3A_436 = arith.addf %add3A_392, %mul3A_435 : vector<16xf32>
          %mul3A_437 = arith.mulf %gather3A_432, %gather3A_432 : vector<16xf32>
          %add3A_438 = arith.addf %add3A_394, %mul3A_437 : vector<16xf32>
          %add3A_439 = arith.constant 16 : i32
          %add3A_440 = vector.broadcast %add3A_439 : i32 to vector<16xi32>
          %add3A_441 = arith.addi %add3A_440, %and3A_125 : vector<16xi32>
          %gather3A_442 = tpu.vector_load_idx %arg11[%add3A_85, %add3A_441] : memref<80x128xf32, #tpu.memory_space<vmem>>[vector<16xi32>, vector<16xi32>], vector<16xf32>,
          %gather3A_443 = tpu.vector_load_idx %arg13[%add3A_85, %add3A_441] : memref<80x128xf32, #tpu.memory_space<vmem>>[vector<16xi32>, vector<16xi32>], vector<16xf32>,
          %mul3A_444 = arith.mulf %gather3A_442, %gather3A_443 : vector<16xf32>
          %add3A_445 = arith.addf %add3A_401, %mul3A_444 : vector<16xf32>
          %mul3A_446 = arith.mulf %gather3A_442, %gather3A_442 : vector<16xf32>
          %add3A_447 = arith.addf %add3A_403, %mul3A_446 : vector<16xf32>
          %mul3A_448 = arith.mulf %gather3A_443, %gather3A_443 : vector<16xf32>
          %add3A_449 = arith.addf %add3A_405, %mul3A_448 : vector<16xf32>
          %add3A_450 = arith.constant 16 : i32
          %add3A_451 = vector.broadcast %add3A_450 : i32 to vector<16xi32>
          %add3A_452 = arith.addi %add3A_451, %and3A_131 : vector<16xi32>
          %gather3A_453 = tpu.vector_load_idx %arg11[%add3A_85, %add3A_452] : memref<80x128xf32, #tpu.memory_space<vmem>>[vector<16xi32>, vector<16xi32>], vector<16xf32>,
          %gather3A_454 = tpu.vector_load_idx %arg13[%add3A_85, %add3A_452] : memref<80x128xf32, #tpu.memory_space<vmem>>[vector<16xi32>, vector<16xi32>], vector<16xf32>,
          %mul3A_455 = arith.mulf %gather3A_453, %gather3A_454 : vector<16xf32>
          %add3A_456 = arith.addf %add3A_412, %mul3A_455 : vector<16xf32>
          %mul3A_457 = arith.mulf %gather3A_453, %gather3A_453 : vector<16xf32>
          %add3A_458 = arith.addf %add3A_414, %mul3A_457 : vector<16xf32>
          %mul3A_459 = arith.mulf %gather3A_454, %gather3A_454 : vector<16xf32>
          %add3A_460 = arith.addf %add3A_416, %mul3A_459 : vector<16xf32>
          %add3A_461 = arith.constant 16 : i32
          %add3A_462 = vector.broadcast %add3A_461 : i32 to vector<16xi32>
          %add3A_463 = arith.addi %add3A_462, %and3A_137 : vector<16xi32>
          %gather3A_464 = tpu.vector_load_idx %arg11[%add3A_85, %add3A_463] : memref<80x128xf32, #tpu.memory_space<vmem>>[vector<16xi32>, vector<16xi32>], vector<16xf32>,
          %gather3A_465 = tpu.vector_load_idx %arg13[%add3A_85, %add3A_463] : memref<80x128xf32, #tpu.memory_space<vmem>>[vector<16xi32>, vector<16xi32>], vector<16xf32>,
          %mul3A_466 = arith.mulf %gather3A_464, %gather3A_465 : vector<16xf32>
          %add3A_467 = arith.addf %add3A_423, %mul3A_466 : vector<16xf32>
          %mul3A_468 = arith.mulf %gather3A_464, %gather3A_464 : vector<16xf32>
          %add3A_469 = arith.addf %add3A_425, %mul3A_468 : vector<16xf32>
          %mul3A_470 = arith.mulf %gather3A_465, %gather3A_465 : vector<16xf32>
          %add3A_471 = arith.addf %add3A_427, %mul3A_470 : vector<16xf32>
          %add3A_472 = arith.constant 16 : i32
          %add3A_473 = vector.broadcast %add3A_472 : i32 to vector<16xi32>
          %add3A_474 = arith.addi %add3A_473, %and3A_143 : vector<16xi32>
          %gather3A_475 = tpu.vector_load_idx %arg11[%add3A_85, %add3A_474] : memref<80x128xf32, #tpu.memory_space<vmem>>[vector<16xi32>, vector<16xi32>], vector<16xf32>,
          %gather3A_476 = tpu.vector_load_idx %arg13[%add3A_85, %add3A_474] : memref<80x128xf32, #tpu.memory_space<vmem>>[vector<16xi32>, vector<16xi32>], vector<16xf32>,
          %mul3A_477 = arith.mulf %gather3A_475, %gather3A_476 : vector<16xf32>
          %add3A_478 = arith.addf %add3A_434, %mul3A_477 : vector<16xf32>
          %mul3A_479 = arith.mulf %gather3A_475, %gather3A_475 : vector<16xf32>
          %add3A_480 = arith.addf %add3A_436, %mul3A_479 : vector<16xf32>
          %mul3A_481 = arith.mulf %gather3A_476, %gather3A_476 : vector<16xf32>
          %add3A_482 = arith.addf %add3A_438, %mul3A_481 : vector<16xf32>
          %add3A_483 = arith.constant 16 : i32
          %add3A_484 = vector.broadcast %add3A_483 : i32 to vector<16xi32>
          %add3A_485 = arith.addi %add3A_484, %and3A_149 : vector<16xi32>
          %gather3A_486 = tpu.vector_load_idx %arg11[%add3A_85, %add3A_485] : memref<80x128xf32, #tpu.memory_space<vmem>>[vector<16xi32>, vector<16xi32>], vector<16xf32>,
          %gather3A_487 = tpu.vector_load_idx %arg13[%add3A_85, %add3A_485] : memref<80x128xf32, #tpu.memory_space<vmem>>[vector<16xi32>, vector<16xi32>], vector<16xf32>,
          %mul3A_488 = arith.mulf %gather3A_486, %gather3A_487 : vector<16xf32>
          %add3A_489 = arith.addf %add3A_445, %mul3A_488 : vector<16xf32>
          %mul3A_490 = arith.mulf %gather3A_486, %gather3A_486 : vector<16xf32>
          %add3A_491 = arith.addf %add3A_447, %mul3A_490 : vector<16xf32>
          %mul3A_492 = arith.mulf %gather3A_487, %gather3A_487 : vector<16xf32>
          %add3A_493 = arith.addf %add3A_449, %mul3A_492 : vector<16xf32>
          %add3A_494 = arith.constant 16 : i32
          %add3A_495 = vector.broadcast %add3A_494 : i32 to vector<16xi32>
          %add3A_496 = arith.addi %add3A_495, %and3A_155 : vector<16xi32>
          %gather3A_497 = tpu.vector_load_idx %arg11[%add3A_85, %add3A_496] : memref<80x128xf32, #tpu.memory_space<vmem>>[vector<16xi32>, vector<16xi32>], vector<16xf32>,
          %gather3A_498 = tpu.vector_load_idx %arg13[%add3A_85, %add3A_496] : memref<80x128xf32, #tpu.memory_space<vmem>>[vector<16xi32>, vector<16xi32>], vector<16xf32>,
          %mul3A_499 = arith.mulf %gather3A_497, %gather3A_498 : vector<16xf32>
          %add3A_500 = arith.addf %add3A_456, %mul3A_499 : vector<16xf32>
          %mul3A_501 = arith.mulf %gather3A_497, %gather3A_497 : vector<16xf32>
          %add3A_502 = arith.addf %add3A_458, %mul3A_501 : vector<16xf32>
          %mul3A_503 = arith.mulf %gather3A_498, %gather3A_498 : vector<16xf32>
          %add3A_504 = arith.addf %add3A_460, %mul3A_503 : vector<16xf32>
          %add3A_505 = arith.constant 16 : i32
          %add3A_506 = vector.broadcast %add3A_505 : i32 to vector<16xi32>
          %add3A_507 = arith.addi %add3A_506, %and3A_161 : vector<16xi32>
          %gather3A_508 = tpu.vector_load_idx %arg11[%add3A_85, %add3A_507] : memref<80x128xf32, #tpu.memory_space<vmem>>[vector<16xi32>, vector<16xi32>], vector<16xf32>,
          %gather3A_509 = tpu.vector_load_idx %arg13[%add3A_85, %add3A_507] : memref<80x128xf32, #tpu.memory_space<vmem>>[vector<16xi32>, vector<16xi32>], vector<16xf32>,
          %mul3A_510 = arith.mulf %gather3A_508, %gather3A_509 : vector<16xf32>
          %add3A_511 = arith.addf %add3A_467, %mul3A_510 : vector<16xf32>
          %mul3A_512 = arith.mulf %gather3A_508, %gather3A_508 : vector<16xf32>
          %add3A_513 = arith.addf %add3A_469, %mul3A_512 : vector<16xf32>
          %mul3A_514 = arith.mulf %gather3A_509, %gather3A_509 : vector<16xf32>
          %add3A_515 = arith.addf %add3A_471, %mul3A_514 : vector<16xf32>
          %add3A_516 = arith.constant 16 : i32
          %add3A_517 = vector.broadcast %add3A_516 : i32 to vector<16xi32>
          %add3A_518 = arith.addi %add3A_517, %and3A_167 : vector<16xi32>
          %gather3A_519 = tpu.vector_load_idx %arg11[%add3A_85, %add3A_518] : memref<80x128xf32, #tpu.memory_space<vmem>>[vector<16xi32>, vector<16xi32>], vector<16xf32>,
          %gather3A_520 = tpu.vector_load_idx %arg13[%add3A_85, %add3A_518] : memref<80x128xf32, #tpu.memory_space<vmem>>[vector<16xi32>, vector<16xi32>], vector<16xf32>,
          %mul3A_521 = arith.mulf %gather3A_519, %gather3A_520 : vector<16xf32>
          %add3A_522 = arith.addf %add3A_478, %mul3A_521 : vector<16xf32>
          %mul3A_523 = arith.mulf %gather3A_519, %gather3A_519 : vector<16xf32>
          %add3A_524 = arith.addf %add3A_480, %mul3A_523 : vector<16xf32>
          %mul3A_525 = arith.mulf %gather3A_520, %gather3A_520 : vector<16xf32>
          %add3A_526 = arith.addf %add3A_482, %mul3A_525 : vector<16xf32>
          %add3A_527 = arith.constant 16 : i32
          %add3A_528 = vector.broadcast %add3A_527 : i32 to vector<16xi32>
          %add3A_529 = arith.addi %add3A_528, %and3A_173 : vector<16xi32>
          %gather3A_530 = tpu.vector_load_idx %arg11[%add3A_85, %add3A_529] : memref<80x128xf32, #tpu.memory_space<vmem>>[vector<16xi32>, vector<16xi32>], vector<16xf32>,
          %gather3A_531 = tpu.vector_load_idx %arg13[%add3A_85, %add3A_529] : memref<80x128xf32, #tpu.memory_space<vmem>>[vector<16xi32>, vector<16xi32>], vector<16xf32>,
          %mul3A_532 = arith.mulf %gather3A_530, %gather3A_531 : vector<16xf32>
          %add3A_533 = arith.addf %add3A_489, %mul3A_532 : vector<16xf32>
          %mul3A_534 = arith.mulf %gather3A_530, %gather3A_530 : vector<16xf32>
          %add3A_535 = arith.addf %add3A_491, %mul3A_534 : vector<16xf32>
          %mul3A_536 = arith.mulf %gather3A_531, %gather3A_531 : vector<16xf32>
          %add3A_537 = arith.addf %add3A_493, %mul3A_536 : vector<16xf32>
          %add3A_538 = arith.constant 16 : i32
          %add3A_539 = vector.broadcast %add3A_538 : i32 to vector<16xi32>
          %add3A_540 = arith.addi %add3A_539, %and3A_179 : vector<16xi32>
          %gather3A_541 = tpu.vector_load_idx %arg11[%add3A_85, %add3A_540] : memref<80x128xf32, #tpu.memory_space<vmem>>[vector<16xi32>, vector<16xi32>], vector<16xf32>,
          %gather3A_542 = tpu.vector_load_idx %arg13[%add3A_85, %add3A_540] : memref<80x128xf32, #tpu.memory_space<vmem>>[vector<16xi32>, vector<16xi32>], vector<16xf32>,
          %mul3A_543 = arith.mulf %gather3A_541, %gather3A_542 : vector<16xf32>
          %add3A_544 = arith.addf %add3A_500, %mul3A_543 : vector<16xf32>
          %mul3A_545 = arith.mulf %gather3A_541, %gather3A_541 : vector<16xf32>
          %add3A_546 = arith.addf %add3A_502, %mul3A_545 : vector<16xf32>
          %mul3A_547 = arith.mulf %gather3A_542, %gather3A_542 : vector<16xf32>
          %add3A_548 = arith.addf %add3A_504, %mul3A_547 : vector<16xf32>
          %add3A_549 = arith.constant 16 : i32
          %add3A_550 = vector.broadcast %add3A_549 : i32 to vector<16xi32>
          %add3A_551 = arith.addi %add3A_550, %and3A_185 : vector<16xi32>
          %gather3A_552 = tpu.vector_load_idx %arg11[%add3A_85, %add3A_551] : memref<80x128xf32, #tpu.memory_space<vmem>>[vector<16xi32>, vector<16xi32>], vector<16xf32>,
          %gather3A_553 = tpu.vector_load_idx %arg13[%add3A_85, %add3A_551] : memref<80x128xf32, #tpu.memory_space<vmem>>[vector<16xi32>, vector<16xi32>], vector<16xf32>,
          %mul3A_554 = arith.mulf %gather3A_552, %gather3A_553 : vector<16xf32>
          %add3A_555 = arith.addf %add3A_511, %mul3A_554 : vector<16xf32>
          %mul3A_556 = arith.mulf %gather3A_552, %gather3A_552 : vector<16xf32>
          %add3A_557 = arith.addf %add3A_513, %mul3A_556 : vector<16xf32>
          %mul3A_558 = arith.mulf %gather3A_553, %gather3A_553 : vector<16xf32>
          %add3A_559 = arith.addf %add3A_515, %mul3A_558 : vector<16xf32>
          %add3A_560 = arith.constant 32 : i32
          %add3A_561 = vector.broadcast %add3A_560 : i32 to vector<16xi32>
          %add3A_562 = arith.addi %add3A_561, %and3A_95 : vector<16xi32>
          %gather3A_563 = tpu.vector_load_idx %arg11[%add3A_85, %add3A_562] : memref<80x128xf32, #tpu.memory_space<vmem>>[vector<16xi32>, vector<16xi32>], vector<16xf32>,
          %gather3A_564 = tpu.vector_load_idx %arg13[%add3A_85, %add3A_562] : memref<80x128xf32, #tpu.memory_space<vmem>>[vector<16xi32>, vector<16xi32>], vector<16xf32>,
          %mul3A_565 = arith.mulf %gather3A_563, %gather3A_564 : vector<16xf32>
          %add3A_566 = arith.addf %add3A_522, %mul3A_565 : vector<16xf32>
          %mul3A_567 = arith.mulf %gather3A_563, %gather3A_563 : vector<16xf32>
          %add3A_568 = arith.addf %add3A_524, %mul3A_567 : vector<16xf32>
          %mul3A_569 = arith.mulf %gather3A_564, %gather3A_564 : vector<16xf32>
          %add3A_570 = arith.addf %add3A_526, %mul3A_569 : vector<16xf32>
          %add3A_571 = arith.constant 32 : i32
          %add3A_572 = vector.broadcast %add3A_571 : i32 to vector<16xi32>
          %add3A_573 = arith.addi %add3A_572, %and3A_101 : vector<16xi32>
          %gather3A_574 = tpu.vector_load_idx %arg11[%add3A_85, %add3A_573] : memref<80x128xf32, #tpu.memory_space<vmem>>[vector<16xi32>, vector<16xi32>], vector<16xf32>,
          %gather3A_575 = tpu.vector_load_idx %arg13[%add3A_85, %add3A_573] : memref<80x128xf32, #tpu.memory_space<vmem>>[vector<16xi32>, vector<16xi32>], vector<16xf32>,
          %mul3A_576 = arith.mulf %gather3A_574, %gather3A_575 : vector<16xf32>
          %add3A_577 = arith.addf %add3A_533, %mul3A_576 : vector<16xf32>
          %mul3A_578 = arith.mulf %gather3A_574, %gather3A_574 : vector<16xf32>
          %add3A_579 = arith.addf %add3A_535, %mul3A_578 : vector<16xf32>
          %mul3A_580 = arith.mulf %gather3A_575, %gather3A_575 : vector<16xf32>
          %add3A_581 = arith.addf %add3A_537, %mul3A_580 : vector<16xf32>
          %add3A_582 = arith.constant 32 : i32
          %add3A_583 = vector.broadcast %add3A_582 : i32 to vector<16xi32>
          %add3A_584 = arith.addi %add3A_583, %and3A_107 : vector<16xi32>
          %gather3A_585 = tpu.vector_load_idx %arg11[%add3A_85, %add3A_584] : memref<80x128xf32, #tpu.memory_space<vmem>>[vector<16xi32>, vector<16xi32>], vector<16xf32>,
          %gather3A_586 = tpu.vector_load_idx %arg13[%add3A_85, %add3A_584] : memref<80x128xf32, #tpu.memory_space<vmem>>[vector<16xi32>, vector<16xi32>], vector<16xf32>,
          %mul3A_587 = arith.mulf %gather3A_585, %gather3A_586 : vector<16xf32>
          %add3A_588 = arith.addf %add3A_544, %mul3A_587 : vector<16xf32>
          %mul3A_589 = arith.mulf %gather3A_585, %gather3A_585 : vector<16xf32>
          %add3A_590 = arith.addf %add3A_546, %mul3A_589 : vector<16xf32>
          %mul3A_591 = arith.mulf %gather3A_586, %gather3A_586 : vector<16xf32>
          %add3A_592 = arith.addf %add3A_548, %mul3A_591 : vector<16xf32>
          %add3A_593 = arith.constant 32 : i32
          %add3A_594 = vector.broadcast %add3A_593 : i32 to vector<16xi32>
          %add3A_595 = arith.addi %add3A_594, %and3A_113 : vector<16xi32>
          %gather3A_596 = tpu.vector_load_idx %arg11[%add3A_85, %add3A_595] : memref<80x128xf32, #tpu.memory_space<vmem>>[vector<16xi32>, vector<16xi32>], vector<16xf32>,
          %gather3A_597 = tpu.vector_load_idx %arg13[%add3A_85, %add3A_595] : memref<80x128xf32, #tpu.memory_space<vmem>>[vector<16xi32>, vector<16xi32>], vector<16xf32>,
          %mul3A_598 = arith.mulf %gather3A_596, %gather3A_597 : vector<16xf32>
          %add3A_599 = arith.addf %add3A_555, %mul3A_598 : vector<16xf32>
          %mul3A_600 = arith.mulf %gather3A_596, %gather3A_596 : vector<16xf32>
          %add3A_601 = arith.addf %add3A_557, %mul3A_600 : vector<16xf32>
          %mul3A_602 = arith.mulf %gather3A_597, %gather3A_597 : vector<16xf32>
          %add3A_603 = arith.addf %add3A_559, %mul3A_602 : vector<16xf32>
          %add3A_604 = arith.constant 32 : i32
          %add3A_605 = vector.broadcast %add3A_604 : i32 to vector<16xi32>
          %add3A_606 = arith.addi %add3A_605, %and3A_119 : vector<16xi32>
          %gather3A_607 = tpu.vector_load_idx %arg11[%add3A_85, %add3A_606] : memref<80x128xf32, #tpu.memory_space<vmem>>[vector<16xi32>, vector<16xi32>], vector<16xf32>,
          %gather3A_608 = tpu.vector_load_idx %arg13[%add3A_85, %add3A_606] : memref<80x128xf32, #tpu.memory_space<vmem>>[vector<16xi32>, vector<16xi32>], vector<16xf32>,
          %mul3A_609 = arith.mulf %gather3A_607, %gather3A_608 : vector<16xf32>
          %add3A_610 = arith.addf %add3A_566, %mul3A_609 : vector<16xf32>
          %mul3A_611 = arith.mulf %gather3A_607, %gather3A_607 : vector<16xf32>
          %add3A_612 = arith.addf %add3A_568, %mul3A_611 : vector<16xf32>
          %mul3A_613 = arith.mulf %gather3A_608, %gather3A_608 : vector<16xf32>
          %add3A_614 = arith.addf %add3A_570, %mul3A_613 : vector<16xf32>
          %add3A_615 = arith.constant 32 : i32
          %add3A_616 = vector.broadcast %add3A_615 : i32 to vector<16xi32>
          %add3A_617 = arith.addi %add3A_616, %and3A_125 : vector<16xi32>
          %gather3A_618 = tpu.vector_load_idx %arg11[%add3A_85, %add3A_617] : memref<80x128xf32, #tpu.memory_space<vmem>>[vector<16xi32>, vector<16xi32>], vector<16xf32>,
          %gather3A_619 = tpu.vector_load_idx %arg13[%add3A_85, %add3A_617] : memref<80x128xf32, #tpu.memory_space<vmem>>[vector<16xi32>, vector<16xi32>], vector<16xf32>,
          %mul3A_620 = arith.mulf %gather3A_618, %gather3A_619 : vector<16xf32>
          %add3A_621 = arith.addf %add3A_577, %mul3A_620 : vector<16xf32>
          %mul3A_622 = arith.mulf %gather3A_618, %gather3A_618 : vector<16xf32>
          %add3A_623 = arith.addf %add3A_579, %mul3A_622 : vector<16xf32>
          %mul3A_624 = arith.mulf %gather3A_619, %gather3A_619 : vector<16xf32>
          %add3A_625 = arith.addf %add3A_581, %mul3A_624 : vector<16xf32>
          %add3A_626 = arith.constant 32 : i32
          %add3A_627 = vector.broadcast %add3A_626 : i32 to vector<16xi32>
          %add3A_628 = arith.addi %add3A_627, %and3A_131 : vector<16xi32>
          %gather3A_629 = tpu.vector_load_idx %arg11[%add3A_85, %add3A_628] : memref<80x128xf32, #tpu.memory_space<vmem>>[vector<16xi32>, vector<16xi32>], vector<16xf32>,
          %gather3A_630 = tpu.vector_load_idx %arg13[%add3A_85, %add3A_628] : memref<80x128xf32, #tpu.memory_space<vmem>>[vector<16xi32>, vector<16xi32>], vector<16xf32>,
          %mul3A_631 = arith.mulf %gather3A_629, %gather3A_630 : vector<16xf32>
          %add3A_632 = arith.addf %add3A_588, %mul3A_631 : vector<16xf32>
          %mul3A_633 = arith.mulf %gather3A_629, %gather3A_629 : vector<16xf32>
          %add3A_634 = arith.addf %add3A_590, %mul3A_633 : vector<16xf32>
          %mul3A_635 = arith.mulf %gather3A_630, %gather3A_630 : vector<16xf32>
          %add3A_636 = arith.addf %add3A_592, %mul3A_635 : vector<16xf32>
          %add3A_637 = arith.constant 32 : i32
          %add3A_638 = vector.broadcast %add3A_637 : i32 to vector<16xi32>
          %add3A_639 = arith.addi %add3A_638, %and3A_137 : vector<16xi32>
          %gather3A_640 = tpu.vector_load_idx %arg11[%add3A_85, %add3A_639] : memref<80x128xf32, #tpu.memory_space<vmem>>[vector<16xi32>, vector<16xi32>], vector<16xf32>,
          %gather3A_641 = tpu.vector_load_idx %arg13[%add3A_85, %add3A_639] : memref<80x128xf32, #tpu.memory_space<vmem>>[vector<16xi32>, vector<16xi32>], vector<16xf32>,
          %mul3A_642 = arith.mulf %gather3A_640, %gather3A_641 : vector<16xf32>
          %add3A_643 = arith.addf %add3A_599, %mul3A_642 : vector<16xf32>
          %mul3A_644 = arith.mulf %gather3A_640, %gather3A_640 : vector<16xf32>
          %add3A_645 = arith.addf %add3A_601, %mul3A_644 : vector<16xf32>
          %mul3A_646 = arith.mulf %gather3A_641, %gather3A_641 : vector<16xf32>
          %add3A_647 = arith.addf %add3A_603, %mul3A_646 : vector<16xf32>
          %add3A_648 = arith.constant 32 : i32
          %add3A_649 = vector.broadcast %add3A_648 : i32 to vector<16xi32>
          %add3A_650 = arith.addi %add3A_649, %and3A_143 : vector<16xi32>
          %gather3A_651 = tpu.vector_load_idx %arg11[%add3A_85, %add3A_650] : memref<80x128xf32, #tpu.memory_space<vmem>>[vector<16xi32>, vector<16xi32>], vector<16xf32>,
          %gather3A_652 = tpu.vector_load_idx %arg13[%add3A_85, %add3A_650] : memref<80x128xf32, #tpu.memory_space<vmem>>[vector<16xi32>, vector<16xi32>], vector<16xf32>,
          %mul3A_653 = arith.mulf %gather3A_651, %gather3A_652 : vector<16xf32>
          %add3A_654 = arith.addf %add3A_610, %mul3A_653 : vector<16xf32>
          %mul3A_655 = arith.mulf %gather3A_651, %gather3A_651 : vector<16xf32>
          %add3A_656 = arith.addf %add3A_612, %mul3A_655 : vector<16xf32>
          %mul3A_657 = arith.mulf %gather3A_652, %gather3A_652 : vector<16xf32>
          %add3A_658 = arith.addf %add3A_614, %mul3A_657 : vector<16xf32>
          %add3A_659 = arith.constant 32 : i32
          %add3A_660 = vector.broadcast %add3A_659 : i32 to vector<16xi32>
          %add3A_661 = arith.addi %add3A_660, %and3A_149 : vector<16xi32>
          %gather3A_662 = tpu.vector_load_idx %arg11[%add3A_85, %add3A_661] : memref<80x128xf32, #tpu.memory_space<vmem>>[vector<16xi32>, vector<16xi32>], vector<16xf32>,
          %gather3A_663 = tpu.vector_load_idx %arg13[%add3A_85, %add3A_661] : memref<80x128xf32, #tpu.memory_space<vmem>>[vector<16xi32>, vector<16xi32>], vector<16xf32>,
          %mul3A_664 = arith.mulf %gather3A_662, %gather3A_663 : vector<16xf32>
          %add3A_665 = arith.addf %add3A_621, %mul3A_664 : vector<16xf32>
          %mul3A_666 = arith.mulf %gather3A_662, %gather3A_662 : vector<16xf32>
          %add3A_667 = arith.addf %add3A_623, %mul3A_666 : vector<16xf32>
          %mul3A_668 = arith.mulf %gather3A_663, %gather3A_663 : vector<16xf32>
          %add3A_669 = arith.addf %add3A_625, %mul3A_668 : vector<16xf32>
          %add3A_670 = arith.constant 32 : i32
          %add3A_671 = vector.broadcast %add3A_670 : i32 to vector<16xi32>
          %add3A_672 = arith.addi %add3A_671, %and3A_155 : vector<16xi32>
          %gather3A_673 = tpu.vector_load_idx %arg11[%add3A_85, %add3A_672] : memref<80x128xf32, #tpu.memory_space<vmem>>[vector<16xi32>, vector<16xi32>], vector<16xf32>,
          %gather3A_674 = tpu.vector_load_idx %arg13[%add3A_85, %add3A_672] : memref<80x128xf32, #tpu.memory_space<vmem>>[vector<16xi32>, vector<16xi32>], vector<16xf32>,
          %mul3A_675 = arith.mulf %gather3A_673, %gather3A_674 : vector<16xf32>
          %add3A_676 = arith.addf %add3A_632, %mul3A_675 : vector<16xf32>
          %mul3A_677 = arith.mulf %gather3A_673, %gather3A_673 : vector<16xf32>
          %add3A_678 = arith.addf %add3A_634, %mul3A_677 : vector<16xf32>
          %mul3A_679 = arith.mulf %gather3A_674, %gather3A_674 : vector<16xf32>
          %add3A_680 = arith.addf %add3A_636, %mul3A_679 : vector<16xf32>
          %add3A_681 = arith.constant 32 : i32
          %add3A_682 = vector.broadcast %add3A_681 : i32 to vector<16xi32>
          %add3A_683 = arith.addi %add3A_682, %and3A_161 : vector<16xi32>
          %gather3A_684 = tpu.vector_load_idx %arg11[%add3A_85, %add3A_683] : memref<80x128xf32, #tpu.memory_space<vmem>>[vector<16xi32>, vector<16xi32>], vector<16xf32>,
          %gather3A_685 = tpu.vector_load_idx %arg13[%add3A_85, %add3A_683] : memref<80x128xf32, #tpu.memory_space<vmem>>[vector<16xi32>, vector<16xi32>], vector<16xf32>,
          %mul3A_686 = arith.mulf %gather3A_684, %gather3A_685 : vector<16xf32>
          %add3A_687 = arith.addf %add3A_643, %mul3A_686 : vector<16xf32>
          %mul3A_688 = arith.mulf %gather3A_684, %gather3A_684 : vector<16xf32>
          %add3A_689 = arith.addf %add3A_645, %mul3A_688 : vector<16xf32>
          %mul3A_690 = arith.mulf %gather3A_685, %gather3A_685 : vector<16xf32>
          %add3A_691 = arith.addf %add3A_647, %mul3A_690 : vector<16xf32>
          %add3A_692 = arith.constant 32 : i32
          %add3A_693 = vector.broadcast %add3A_692 : i32 to vector<16xi32>
          %add3A_694 = arith.addi %add3A_693, %and3A_167 : vector<16xi32>
          %gather3A_695 = tpu.vector_load_idx %arg11[%add3A_85, %add3A_694] : memref<80x128xf32, #tpu.memory_space<vmem>>[vector<16xi32>, vector<16xi32>], vector<16xf32>,
          %gather3A_696 = tpu.vector_load_idx %arg13[%add3A_85, %add3A_694] : memref<80x128xf32, #tpu.memory_space<vmem>>[vector<16xi32>, vector<16xi32>], vector<16xf32>,
          %mul3A_697 = arith.mulf %gather3A_695, %gather3A_696 : vector<16xf32>
          %add3A_698 = arith.addf %add3A_654, %mul3A_697 : vector<16xf32>
          %mul3A_699 = arith.mulf %gather3A_695, %gather3A_695 : vector<16xf32>
          %add3A_700 = arith.addf %add3A_656, %mul3A_699 : vector<16xf32>
          %mul3A_701 = arith.mulf %gather3A_696, %gather3A_696 : vector<16xf32>
          %add3A_702 = arith.addf %add3A_658, %mul3A_701 : vector<16xf32>
          %add3A_703 = arith.constant 32 : i32
          %add3A_704 = vector.broadcast %add3A_703 : i32 to vector<16xi32>
          %add3A_705 = arith.addi %add3A_704, %and3A_173 : vector<16xi32>
          %gather3A_706 = tpu.vector_load_idx %arg11[%add3A_85, %add3A_705] : memref<80x128xf32, #tpu.memory_space<vmem>>[vector<16xi32>, vector<16xi32>], vector<16xf32>,
          %gather3A_707 = tpu.vector_load_idx %arg13[%add3A_85, %add3A_705] : memref<80x128xf32, #tpu.memory_space<vmem>>[vector<16xi32>, vector<16xi32>], vector<16xf32>,
          %mul3A_708 = arith.mulf %gather3A_706, %gather3A_707 : vector<16xf32>
          %add3A_709 = arith.addf %add3A_665, %mul3A_708 : vector<16xf32>
          %mul3A_710 = arith.mulf %gather3A_706, %gather3A_706 : vector<16xf32>
          %add3A_711 = arith.addf %add3A_667, %mul3A_710 : vector<16xf32>
          %mul3A_712 = arith.mulf %gather3A_707, %gather3A_707 : vector<16xf32>
          %add3A_713 = arith.addf %add3A_669, %mul3A_712 : vector<16xf32>
          %add3A_714 = arith.constant 32 : i32
          %add3A_715 = vector.broadcast %add3A_714 : i32 to vector<16xi32>
          %add3A_716 = arith.addi %add3A_715, %and3A_179 : vector<16xi32>
          %gather3A_717 = tpu.vector_load_idx %arg11[%add3A_85, %add3A_716] : memref<80x128xf32, #tpu.memory_space<vmem>>[vector<16xi32>, vector<16xi32>], vector<16xf32>,
          %gather3A_718 = tpu.vector_load_idx %arg13[%add3A_85, %add3A_716] : memref<80x128xf32, #tpu.memory_space<vmem>>[vector<16xi32>, vector<16xi32>], vector<16xf32>,
          %mul3A_719 = arith.mulf %gather3A_717, %gather3A_718 : vector<16xf32>
          %add3A_720 = arith.addf %add3A_676, %mul3A_719 : vector<16xf32>
          %mul3A_721 = arith.mulf %gather3A_717, %gather3A_717 : vector<16xf32>
          %add3A_722 = arith.addf %add3A_678, %mul3A_721 : vector<16xf32>
          %mul3A_723 = arith.mulf %gather3A_718, %gather3A_718 : vector<16xf32>
          %add3A_724 = arith.addf %add3A_680, %mul3A_723 : vector<16xf32>
          %add3A_725 = arith.constant 32 : i32
          %add3A_726 = vector.broadcast %add3A_725 : i32 to vector<16xi32>
          %add3A_727 = arith.addi %add3A_726, %and3A_185 : vector<16xi32>
          %gather3A_728 = tpu.vector_load_idx %arg11[%add3A_85, %add3A_727] : memref<80x128xf32, #tpu.memory_space<vmem>>[vector<16xi32>, vector<16xi32>], vector<16xf32>,
          %gather3A_729 = tpu.vector_load_idx %arg13[%add3A_85, %add3A_727] : memref<80x128xf32, #tpu.memory_space<vmem>>[vector<16xi32>, vector<16xi32>], vector<16xf32>,
          %mul3A_730 = arith.mulf %gather3A_728, %gather3A_729 : vector<16xf32>
          %add3A_731 = arith.addf %add3A_687, %mul3A_730 : vector<16xf32>
          %mul3A_732 = arith.mulf %gather3A_728, %gather3A_728 : vector<16xf32>
          %add3A_733 = arith.addf %add3A_689, %mul3A_732 : vector<16xf32>
          %mul3A_734 = arith.mulf %gather3A_729, %gather3A_729 : vector<16xf32>
          %add3A_735 = arith.addf %add3A_691, %mul3A_734 : vector<16xf32>
          %add3A_736 = arith.constant 48 : i32
          %add3A_737 = vector.broadcast %add3A_736 : i32 to vector<16xi32>
          %add3A_738 = arith.addi %add3A_737, %and3A_95 : vector<16xi32>
          %gather3A_739 = tpu.vector_load_idx %arg11[%add3A_85, %add3A_738] : memref<80x128xf32, #tpu.memory_space<vmem>>[vector<16xi32>, vector<16xi32>], vector<16xf32>,
          %gather3A_740 = tpu.vector_load_idx %arg13[%add3A_85, %add3A_738] : memref<80x128xf32, #tpu.memory_space<vmem>>[vector<16xi32>, vector<16xi32>], vector<16xf32>,
          %mul3A_741 = arith.mulf %gather3A_739, %gather3A_740 : vector<16xf32>
          %add3A_742 = arith.addf %add3A_698, %mul3A_741 : vector<16xf32>
          %mul3A_743 = arith.mulf %gather3A_739, %gather3A_739 : vector<16xf32>
          %add3A_744 = arith.addf %add3A_700, %mul3A_743 : vector<16xf32>
          %mul3A_745 = arith.mulf %gather3A_740, %gather3A_740 : vector<16xf32>
          %add3A_746 = arith.addf %add3A_702, %mul3A_745 : vector<16xf32>
          %add3A_747 = arith.constant 48 : i32
          %add3A_748 = vector.broadcast %add3A_747 : i32 to vector<16xi32>
          %add3A_749 = arith.addi %add3A_748, %and3A_101 : vector<16xi32>
          %gather3A_750 = tpu.vector_load_idx %arg11[%add3A_85, %add3A_749] : memref<80x128xf32, #tpu.memory_space<vmem>>[vector<16xi32>, vector<16xi32>], vector<16xf32>,
          %gather3A_751 = tpu.vector_load_idx %arg13[%add3A_85, %add3A_749] : memref<80x128xf32, #tpu.memory_space<vmem>>[vector<16xi32>, vector<16xi32>], vector<16xf32>,
          %mul3A_752 = arith.mulf %gather3A_750, %gather3A_751 : vector<16xf32>
          %add3A_753 = arith.addf %add3A_709, %mul3A_752 : vector<16xf32>
          %mul3A_754 = arith.mulf %gather3A_750, %gather3A_750 : vector<16xf32>
          %add3A_755 = arith.addf %add3A_711, %mul3A_754 : vector<16xf32>
          %mul3A_756 = arith.mulf %gather3A_751, %gather3A_751 : vector<16xf32>
          %add3A_757 = arith.addf %add3A_713, %mul3A_756 : vector<16xf32>
          %add3A_758 = arith.constant 48 : i32
          %add3A_759 = vector.broadcast %add3A_758 : i32 to vector<16xi32>
          %add3A_760 = arith.addi %add3A_759, %and3A_107 : vector<16xi32>
          %gather3A_761 = tpu.vector_load_idx %arg11[%add3A_85, %add3A_760] : memref<80x128xf32, #tpu.memory_space<vmem>>[vector<16xi32>, vector<16xi32>], vector<16xf32>,
          %gather3A_762 = tpu.vector_load_idx %arg13[%add3A_85, %add3A_760] : memref<80x128xf32, #tpu.memory_space<vmem>>[vector<16xi32>, vector<16xi32>], vector<16xf32>,
          %mul3A_763 = arith.mulf %gather3A_761, %gather3A_762 : vector<16xf32>
          %add3A_764 = arith.addf %add3A_720, %mul3A_763 : vector<16xf32>
          %mul3A_765 = arith.mulf %gather3A_761, %gather3A_761 : vector<16xf32>
          %add3A_766 = arith.addf %add3A_722, %mul3A_765 : vector<16xf32>
          %mul3A_767 = arith.mulf %gather3A_762, %gather3A_762 : vector<16xf32>
          %add3A_768 = arith.addf %add3A_724, %mul3A_767 : vector<16xf32>
          %add3A_769 = arith.constant 48 : i32
          %add3A_770 = vector.broadcast %add3A_769 : i32 to vector<16xi32>
          %add3A_771 = arith.addi %add3A_770, %and3A_113 : vector<16xi32>
          %gather3A_772 = tpu.vector_load_idx %arg11[%add3A_85, %add3A_771] : memref<80x128xf32, #tpu.memory_space<vmem>>[vector<16xi32>, vector<16xi32>], vector<16xf32>,
          %gather3A_773 = tpu.vector_load_idx %arg13[%add3A_85, %add3A_771] : memref<80x128xf32, #tpu.memory_space<vmem>>[vector<16xi32>, vector<16xi32>], vector<16xf32>,
          %mul3A_774 = arith.mulf %gather3A_772, %gather3A_773 : vector<16xf32>
          %add3A_775 = arith.addf %add3A_731, %mul3A_774 : vector<16xf32>
          %mul3A_776 = arith.mulf %gather3A_772, %gather3A_772 : vector<16xf32>
          %add3A_777 = arith.addf %add3A_733, %mul3A_776 : vector<16xf32>
          %mul3A_778 = arith.mulf %gather3A_773, %gather3A_773 : vector<16xf32>
          %add3A_779 = arith.addf %add3A_735, %mul3A_778 : vector<16xf32>
          %add3A_780 = arith.constant 48 : i32
          %add3A_781 = vector.broadcast %add3A_780 : i32 to vector<16xi32>
          %add3A_782 = arith.addi %add3A_781, %and3A_119 : vector<16xi32>
          %gather3A_783 = tpu.vector_load_idx %arg11[%add3A_85, %add3A_782] : memref<80x128xf32, #tpu.memory_space<vmem>>[vector<16xi32>, vector<16xi32>], vector<16xf32>,
          %gather3A_784 = tpu.vector_load_idx %arg13[%add3A_85, %add3A_782] : memref<80x128xf32, #tpu.memory_space<vmem>>[vector<16xi32>, vector<16xi32>], vector<16xf32>,
          %mul3A_785 = arith.mulf %gather3A_783, %gather3A_784 : vector<16xf32>
          %add3A_786 = arith.addf %add3A_742, %mul3A_785 : vector<16xf32>
          %mul3A_787 = arith.mulf %gather3A_783, %gather3A_783 : vector<16xf32>
          %add3A_788 = arith.addf %add3A_744, %mul3A_787 : vector<16xf32>
          %mul3A_789 = arith.mulf %gather3A_784, %gather3A_784 : vector<16xf32>
          %add3A_790 = arith.addf %add3A_746, %mul3A_789 : vector<16xf32>
          %add3A_791 = arith.constant 48 : i32
          %add3A_792 = vector.broadcast %add3A_791 : i32 to vector<16xi32>
          %add3A_793 = arith.addi %add3A_792, %and3A_125 : vector<16xi32>
          %gather3A_794 = tpu.vector_load_idx %arg11[%add3A_85, %add3A_793] : memref<80x128xf32, #tpu.memory_space<vmem>>[vector<16xi32>, vector<16xi32>], vector<16xf32>,
          %gather3A_795 = tpu.vector_load_idx %arg13[%add3A_85, %add3A_793] : memref<80x128xf32, #tpu.memory_space<vmem>>[vector<16xi32>, vector<16xi32>], vector<16xf32>,
          %mul3A_796 = arith.mulf %gather3A_794, %gather3A_795 : vector<16xf32>
          %add3A_797 = arith.addf %add3A_753, %mul3A_796 : vector<16xf32>
          %mul3A_798 = arith.mulf %gather3A_794, %gather3A_794 : vector<16xf32>
          %add3A_799 = arith.addf %add3A_755, %mul3A_798 : vector<16xf32>
          %mul3A_800 = arith.mulf %gather3A_795, %gather3A_795 : vector<16xf32>
          %add3A_801 = arith.addf %add3A_757, %mul3A_800 : vector<16xf32>
          %add3A_802 = arith.constant 48 : i32
          %add3A_803 = vector.broadcast %add3A_802 : i32 to vector<16xi32>
          %add3A_804 = arith.addi %add3A_803, %and3A_131 : vector<16xi32>
          %gather3A_805 = tpu.vector_load_idx %arg11[%add3A_85, %add3A_804] : memref<80x128xf32, #tpu.memory_space<vmem>>[vector<16xi32>, vector<16xi32>], vector<16xf32>,
          %gather3A_806 = tpu.vector_load_idx %arg13[%add3A_85, %add3A_804] : memref<80x128xf32, #tpu.memory_space<vmem>>[vector<16xi32>, vector<16xi32>], vector<16xf32>,
          %mul3A_807 = arith.mulf %gather3A_805, %gather3A_806 : vector<16xf32>
          %add3A_808 = arith.addf %add3A_764, %mul3A_807 : vector<16xf32>
          %mul3A_809 = arith.mulf %gather3A_805, %gather3A_805 : vector<16xf32>
          %add3A_810 = arith.addf %add3A_766, %mul3A_809 : vector<16xf32>
          %mul3A_811 = arith.mulf %gather3A_806, %gather3A_806 : vector<16xf32>
          %add3A_812 = arith.addf %add3A_768, %mul3A_811 : vector<16xf32>
          %add3A_813 = arith.constant 48 : i32
          %add3A_814 = vector.broadcast %add3A_813 : i32 to vector<16xi32>
          %add3A_815 = arith.addi %add3A_814, %and3A_137 : vector<16xi32>
          %gather3A_816 = tpu.vector_load_idx %arg11[%add3A_85, %add3A_815] : memref<80x128xf32, #tpu.memory_space<vmem>>[vector<16xi32>, vector<16xi32>], vector<16xf32>,
          %gather3A_817 = tpu.vector_load_idx %arg13[%add3A_85, %add3A_815] : memref<80x128xf32, #tpu.memory_space<vmem>>[vector<16xi32>, vector<16xi32>], vector<16xf32>,
          %mul3A_818 = arith.mulf %gather3A_816, %gather3A_817 : vector<16xf32>
          %add3A_819 = arith.addf %add3A_775, %mul3A_818 : vector<16xf32>
          %mul3A_820 = arith.mulf %gather3A_816, %gather3A_816 : vector<16xf32>
          %add3A_821 = arith.addf %add3A_777, %mul3A_820 : vector<16xf32>
          %mul3A_822 = arith.mulf %gather3A_817, %gather3A_817 : vector<16xf32>
          %add3A_823 = arith.addf %add3A_779, %mul3A_822 : vector<16xf32>
          %add3A_824 = arith.constant 48 : i32
          %add3A_825 = vector.broadcast %add3A_824 : i32 to vector<16xi32>
          %add3A_826 = arith.addi %add3A_825, %and3A_143 : vector<16xi32>
          %gather3A_827 = tpu.vector_load_idx %arg11[%add3A_85, %add3A_826] : memref<80x128xf32, #tpu.memory_space<vmem>>[vector<16xi32>, vector<16xi32>], vector<16xf32>,
          %gather3A_828 = tpu.vector_load_idx %arg13[%add3A_85, %add3A_826] : memref<80x128xf32, #tpu.memory_space<vmem>>[vector<16xi32>, vector<16xi32>], vector<16xf32>,
          %mul3A_829 = arith.mulf %gather3A_827, %gather3A_828 : vector<16xf32>
          %add3A_830 = arith.addf %add3A_786, %mul3A_829 : vector<16xf32>
          %mul3A_831 = arith.mulf %gather3A_827, %gather3A_827 : vector<16xf32>
          %add3A_832 = arith.addf %add3A_788, %mul3A_831 : vector<16xf32>
          %mul3A_833 = arith.mulf %gather3A_828, %gather3A_828 : vector<16xf32>
          %add3A_834 = arith.addf %add3A_790, %mul3A_833 : vector<16xf32>
          %add3A_835 = arith.constant 48 : i32
          %add3A_836 = vector.broadcast %add3A_835 : i32 to vector<16xi32>
          %add3A_837 = arith.addi %add3A_836, %and3A_149 : vector<16xi32>
          %gather3A_838 = tpu.vector_load_idx %arg11[%add3A_85, %add3A_837] : memref<80x128xf32, #tpu.memory_space<vmem>>[vector<16xi32>, vector<16xi32>], vector<16xf32>,
          %gather3A_839 = tpu.vector_load_idx %arg13[%add3A_85, %add3A_837] : memref<80x128xf32, #tpu.memory_space<vmem>>[vector<16xi32>, vector<16xi32>], vector<16xf32>,
          %mul3A_840 = arith.mulf %gather3A_838, %gather3A_839 : vector<16xf32>
          %add3A_841 = arith.addf %add3A_797, %mul3A_840 : vector<16xf32>
          %mul3A_842 = arith.mulf %gather3A_838, %gather3A_838 : vector<16xf32>
          %add3A_843 = arith.addf %add3A_799, %mul3A_842 : vector<16xf32>
          %mul3A_844 = arith.mulf %gather3A_839, %gather3A_839 : vector<16xf32>
          %add3A_845 = arith.addf %add3A_801, %mul3A_844 : vector<16xf32>
          %add3A_846 = arith.constant 48 : i32
          %add3A_847 = vector.broadcast %add3A_846 : i32 to vector<16xi32>
          %add3A_848 = arith.addi %add3A_847, %and3A_155 : vector<16xi32>
          %gather3A_849 = tpu.vector_load_idx %arg11[%add3A_85, %add3A_848] : memref<80x128xf32, #tpu.memory_space<vmem>>[vector<16xi32>, vector<16xi32>], vector<16xf32>,
          %gather3A_850 = tpu.vector_load_idx %arg13[%add3A_85, %add3A_848] : memref<80x128xf32, #tpu.memory_space<vmem>>[vector<16xi32>, vector<16xi32>], vector<16xf32>,
          %mul3A_851 = arith.mulf %gather3A_849, %gather3A_850 : vector<16xf32>
          %add3A_852 = arith.addf %add3A_808, %mul3A_851 : vector<16xf32>
          %mul3A_853 = arith.mulf %gather3A_849, %gather3A_849 : vector<16xf32>
          %add3A_854 = arith.addf %add3A_810, %mul3A_853 : vector<16xf32>
          %mul3A_855 = arith.mulf %gather3A_850, %gather3A_850 : vector<16xf32>
          %add3A_856 = arith.addf %add3A_812, %mul3A_855 : vector<16xf32>
          %add3A_857 = arith.constant 48 : i32
          %add3A_858 = vector.broadcast %add3A_857 : i32 to vector<16xi32>
          %add3A_859 = arith.addi %add3A_858, %and3A_161 : vector<16xi32>
          %gather3A_860 = tpu.vector_load_idx %arg11[%add3A_85, %add3A_859] : memref<80x128xf32, #tpu.memory_space<vmem>>[vector<16xi32>, vector<16xi32>], vector<16xf32>,
          %gather3A_861 = tpu.vector_load_idx %arg13[%add3A_85, %add3A_859] : memref<80x128xf32, #tpu.memory_space<vmem>>[vector<16xi32>, vector<16xi32>], vector<16xf32>,
          %mul3A_862 = arith.mulf %gather3A_860, %gather3A_861 : vector<16xf32>
          %add3A_863 = arith.addf %add3A_819, %mul3A_862 : vector<16xf32>
          %mul3A_864 = arith.mulf %gather3A_860, %gather3A_860 : vector<16xf32>
          %add3A_865 = arith.addf %add3A_821, %mul3A_864 : vector<16xf32>
          %mul3A_866 = arith.mulf %gather3A_861, %gather3A_861 : vector<16xf32>
          %add3A_867 = arith.addf %add3A_823, %mul3A_866 : vector<16xf32>
          %add3A_868 = arith.constant 48 : i32
          %add3A_869 = vector.broadcast %add3A_868 : i32 to vector<16xi32>
          %add3A_870 = arith.addi %add3A_869, %and3A_167 : vector<16xi32>
          %gather3A_871 = tpu.vector_load_idx %arg11[%add3A_85, %add3A_870] : memref<80x128xf32, #tpu.memory_space<vmem>>[vector<16xi32>, vector<16xi32>], vector<16xf32>,
          %gather3A_872 = tpu.vector_load_idx %arg13[%add3A_85, %add3A_870] : memref<80x128xf32, #tpu.memory_space<vmem>>[vector<16xi32>, vector<16xi32>], vector<16xf32>,
          %mul3A_873 = arith.mulf %gather3A_871, %gather3A_872 : vector<16xf32>
          %add3A_874 = arith.addf %add3A_830, %mul3A_873 : vector<16xf32>
          %mul3A_875 = arith.mulf %gather3A_871, %gather3A_871 : vector<16xf32>
          %add3A_876 = arith.addf %add3A_832, %mul3A_875 : vector<16xf32>
          %mul3A_877 = arith.mulf %gather3A_872, %gather3A_872 : vector<16xf32>
          %add3A_878 = arith.addf %add3A_834, %mul3A_877 : vector<16xf32>
          %add3A_879 = arith.constant 48 : i32
          %add3A_880 = vector.broadcast %add3A_879 : i32 to vector<16xi32>
          %add3A_881 = arith.addi %add3A_880, %and3A_173 : vector<16xi32>
          %gather3A_882 = tpu.vector_load_idx %arg11[%add3A_85, %add3A_881] : memref<80x128xf32, #tpu.memory_space<vmem>>[vector<16xi32>, vector<16xi32>], vector<16xf32>,
          %gather3A_883 = tpu.vector_load_idx %arg13[%add3A_85, %add3A_881] : memref<80x128xf32, #tpu.memory_space<vmem>>[vector<16xi32>, vector<16xi32>], vector<16xf32>,
          %mul3A_884 = arith.mulf %gather3A_882, %gather3A_883 : vector<16xf32>
          %add3A_885 = arith.addf %add3A_841, %mul3A_884 : vector<16xf32>
          %mul3A_886 = arith.mulf %gather3A_882, %gather3A_882 : vector<16xf32>
          %add3A_887 = arith.addf %add3A_843, %mul3A_886 : vector<16xf32>
          %mul3A_888 = arith.mulf %gather3A_883, %gather3A_883 : vector<16xf32>
          %add3A_889 = arith.addf %add3A_845, %mul3A_888 : vector<16xf32>
          %add3A_890 = arith.constant 48 : i32
          %add3A_891 = vector.broadcast %add3A_890 : i32 to vector<16xi32>
          %add3A_892 = arith.addi %add3A_891, %and3A_179 : vector<16xi32>
          %gather3A_893 = tpu.vector_load_idx %arg11[%add3A_85, %add3A_892] : memref<80x128xf32, #tpu.memory_space<vmem>>[vector<16xi32>, vector<16xi32>], vector<16xf32>,
          %gather3A_894 = tpu.vector_load_idx %arg13[%add3A_85, %add3A_892] : memref<80x128xf32, #tpu.memory_space<vmem>>[vector<16xi32>, vector<16xi32>], vector<16xf32>,
          %mul3A_895 = arith.mulf %gather3A_893, %gather3A_894 : vector<16xf32>
          %add3A_896 = arith.addf %add3A_852, %mul3A_895 : vector<16xf32>
          %mul3A_897 = arith.mulf %gather3A_893, %gather3A_893 : vector<16xf32>
          %add3A_898 = arith.addf %add3A_854, %mul3A_897 : vector<16xf32>
          %mul3A_899 = arith.mulf %gather3A_894, %gather3A_894 : vector<16xf32>
          %add3A_900 = arith.addf %add3A_856, %mul3A_899 : vector<16xf32>
          %add3A_901 = arith.constant 48 : i32
          %add3A_902 = vector.broadcast %add3A_901 : i32 to vector<16xi32>
          %add3A_903 = arith.addi %add3A_902, %and3A_185 : vector<16xi32>
          %gather3A_904 = tpu.vector_load_idx %arg11[%add3A_85, %add3A_903] : memref<80x128xf32, #tpu.memory_space<vmem>>[vector<16xi32>, vector<16xi32>], vector<16xf32>,
          %gather3A_905 = tpu.vector_load_idx %arg13[%add3A_85, %add3A_903] : memref<80x128xf32, #tpu.memory_space<vmem>>[vector<16xi32>, vector<16xi32>], vector<16xf32>,
          %mul3A_906 = arith.mulf %gather3A_904, %gather3A_905 : vector<16xf32>
          %add3A_907 = arith.addf %add3A_863, %mul3A_906 : vector<16xf32>
          %mul3A_908 = arith.mulf %gather3A_904, %gather3A_904 : vector<16xf32>
          %add3A_909 = arith.addf %add3A_865, %mul3A_908 : vector<16xf32>
          %mul3A_910 = arith.mulf %gather3A_905, %gather3A_905 : vector<16xf32>
          %add3A_911 = arith.addf %add3A_867, %mul3A_910 : vector<16xf32>
          %add3A_912 = arith.constant 64 : i32
          %add3A_913 = vector.broadcast %add3A_912 : i32 to vector<16xi32>
          %add3A_914 = arith.addi %add3A_913, %and3A_95 : vector<16xi32>
          %gather3A_915 = tpu.vector_load_idx %arg11[%add3A_85, %add3A_914] : memref<80x128xf32, #tpu.memory_space<vmem>>[vector<16xi32>, vector<16xi32>], vector<16xf32>,
          %gather3A_916 = tpu.vector_load_idx %arg13[%add3A_85, %add3A_914] : memref<80x128xf32, #tpu.memory_space<vmem>>[vector<16xi32>, vector<16xi32>], vector<16xf32>,
          %mul3A_917 = arith.mulf %gather3A_915, %gather3A_916 : vector<16xf32>
          %add3A_918 = arith.addf %add3A_874, %mul3A_917 : vector<16xf32>
          %mul3A_919 = arith.mulf %gather3A_915, %gather3A_915 : vector<16xf32>
          %add3A_920 = arith.addf %add3A_876, %mul3A_919 : vector<16xf32>
          %mul3A_921 = arith.mulf %gather3A_916, %gather3A_916 : vector<16xf32>
          %add3A_922 = arith.addf %add3A_878, %mul3A_921 : vector<16xf32>
          %add3A_923 = arith.constant 64 : i32
          %add3A_924 = vector.broadcast %add3A_923 : i32 to vector<16xi32>
          %add3A_925 = arith.addi %add3A_924, %and3A_101 : vector<16xi32>
          %gather3A_926 = tpu.vector_load_idx %arg11[%add3A_85, %add3A_925] : memref<80x128xf32, #tpu.memory_space<vmem>>[vector<16xi32>, vector<16xi32>], vector<16xf32>,
          %gather3A_927 = tpu.vector_load_idx %arg13[%add3A_85, %add3A_925] : memref<80x128xf32, #tpu.memory_space<vmem>>[vector<16xi32>, vector<16xi32>], vector<16xf32>,
          %mul3A_928 = arith.mulf %gather3A_926, %gather3A_927 : vector<16xf32>
          %add3A_929 = arith.addf %add3A_885, %mul3A_928 : vector<16xf32>
          %mul3A_930 = arith.mulf %gather3A_926, %gather3A_926 : vector<16xf32>
          %add3A_931 = arith.addf %add3A_887, %mul3A_930 : vector<16xf32>
          %mul3A_932 = arith.mulf %gather3A_927, %gather3A_927 : vector<16xf32>
          %add3A_933 = arith.addf %add3A_889, %mul3A_932 : vector<16xf32>
          %add3A_934 = arith.constant 64 : i32
          %add3A_935 = vector.broadcast %add3A_934 : i32 to vector<16xi32>
          %add3A_936 = arith.addi %add3A_935, %and3A_107 : vector<16xi32>
          %gather3A_937 = tpu.vector_load_idx %arg11[%add3A_85, %add3A_936] : memref<80x128xf32, #tpu.memory_space<vmem>>[vector<16xi32>, vector<16xi32>], vector<16xf32>,
          %gather3A_938 = tpu.vector_load_idx %arg13[%add3A_85, %add3A_936] : memref<80x128xf32, #tpu.memory_space<vmem>>[vector<16xi32>, vector<16xi32>], vector<16xf32>,
          %mul3A_939 = arith.mulf %gather3A_937, %gather3A_938 : vector<16xf32>
          %add3A_940 = arith.addf %add3A_896, %mul3A_939 : vector<16xf32>
          %mul3A_941 = arith.mulf %gather3A_937, %gather3A_937 : vector<16xf32>
          %add3A_942 = arith.addf %add3A_898, %mul3A_941 : vector<16xf32>
          %mul3A_943 = arith.mulf %gather3A_938, %gather3A_938 : vector<16xf32>
          %add3A_944 = arith.addf %add3A_900, %mul3A_943 : vector<16xf32>
          %add3A_945 = arith.constant 64 : i32
          %add3A_946 = vector.broadcast %add3A_945 : i32 to vector<16xi32>
          %add3A_947 = arith.addi %add3A_946, %and3A_113 : vector<16xi32>
          %gather3A_948 = tpu.vector_load_idx %arg11[%add3A_85, %add3A_947] : memref<80x128xf32, #tpu.memory_space<vmem>>[vector<16xi32>, vector<16xi32>], vector<16xf32>,
          %gather3A_949 = tpu.vector_load_idx %arg13[%add3A_85, %add3A_947] : memref<80x128xf32, #tpu.memory_space<vmem>>[vector<16xi32>, vector<16xi32>], vector<16xf32>,
          %mul3A_950 = arith.mulf %gather3A_948, %gather3A_949 : vector<16xf32>
          %add3A_951 = arith.addf %add3A_907, %mul3A_950 : vector<16xf32>
          %mul3A_952 = arith.mulf %gather3A_948, %gather3A_948 : vector<16xf32>
          %add3A_953 = arith.addf %add3A_909, %mul3A_952 : vector<16xf32>
          %mul3A_954 = arith.mulf %gather3A_949, %gather3A_949 : vector<16xf32>
          %add3A_955 = arith.addf %add3A_911, %mul3A_954 : vector<16xf32>
          %add3A_956 = arith.constant 64 : i32
          %add3A_957 = vector.broadcast %add3A_956 : i32 to vector<16xi32>
          %add3A_958 = arith.addi %add3A_957, %and3A_119 : vector<16xi32>
          %gather3A_959 = tpu.vector_load_idx %arg11[%add3A_85, %add3A_958] : memref<80x128xf32, #tpu.memory_space<vmem>>[vector<16xi32>, vector<16xi32>], vector<16xf32>,
          %gather3A_960 = tpu.vector_load_idx %arg13[%add3A_85, %add3A_958] : memref<80x128xf32, #tpu.memory_space<vmem>>[vector<16xi32>, vector<16xi32>], vector<16xf32>,
          %mul3A_961 = arith.mulf %gather3A_959, %gather3A_960 : vector<16xf32>
          %add3A_962 = arith.addf %add3A_918, %mul3A_961 : vector<16xf32>
          %mul3A_963 = arith.mulf %gather3A_959, %gather3A_959 : vector<16xf32>
          %add3A_964 = arith.addf %add3A_920, %mul3A_963 : vector<16xf32>
          %mul3A_965 = arith.mulf %gather3A_960, %gather3A_960 : vector<16xf32>
          %add3A_966 = arith.addf %add3A_922, %mul3A_965 : vector<16xf32>
          %add3A_967 = arith.constant 64 : i32
          %add3A_968 = vector.broadcast %add3A_967 : i32 to vector<16xi32>
          %add3A_969 = arith.addi %add3A_968, %and3A_125 : vector<16xi32>
          %gather3A_970 = tpu.vector_load_idx %arg11[%add3A_85, %add3A_969] : memref<80x128xf32, #tpu.memory_space<vmem>>[vector<16xi32>, vector<16xi32>], vector<16xf32>,
          %gather3A_971 = tpu.vector_load_idx %arg13[%add3A_85, %add3A_969] : memref<80x128xf32, #tpu.memory_space<vmem>>[vector<16xi32>, vector<16xi32>], vector<16xf32>,
          %mul3A_972 = arith.mulf %gather3A_970, %gather3A_971 : vector<16xf32>
          %add3A_973 = arith.addf %add3A_929, %mul3A_972 : vector<16xf32>
          %mul3A_974 = arith.mulf %gather3A_970, %gather3A_970 : vector<16xf32>
          %add3A_975 = arith.addf %add3A_931, %mul3A_974 : vector<16xf32>
          %mul3A_976 = arith.mulf %gather3A_971, %gather3A_971 : vector<16xf32>
          %add3A_977 = arith.addf %add3A_933, %mul3A_976 : vector<16xf32>
          %add3A_978 = arith.constant 64 : i32
          %add3A_979 = vector.broadcast %add3A_978 : i32 to vector<16xi32>
          %add3A_980 = arith.addi %add3A_979, %and3A_131 : vector<16xi32>
          %gather3A_981 = tpu.vector_load_idx %arg11[%add3A_85, %add3A_980] : memref<80x128xf32, #tpu.memory_space<vmem>>[vector<16xi32>, vector<16xi32>], vector<16xf32>,
          %gather3A_982 = tpu.vector_load_idx %arg13[%add3A_85, %add3A_980] : memref<80x128xf32, #tpu.memory_space<vmem>>[vector<16xi32>, vector<16xi32>], vector<16xf32>,
          %mul3A_983 = arith.mulf %gather3A_981, %gather3A_982 : vector<16xf32>
          %add3A_984 = arith.addf %add3A_940, %mul3A_983 : vector<16xf32>
          %mul3A_985 = arith.mulf %gather3A_981, %gather3A_981 : vector<16xf32>
          %add3A_986 = arith.addf %add3A_942, %mul3A_985 : vector<16xf32>
          %mul3A_987 = arith.mulf %gather3A_982, %gather3A_982 : vector<16xf32>
          %add3A_988 = arith.addf %add3A_944, %mul3A_987 : vector<16xf32>
          %add3A_989 = arith.constant 64 : i32
          %add3A_990 = vector.broadcast %add3A_989 : i32 to vector<16xi32>
          %add3A_991 = arith.addi %add3A_990, %and3A_137 : vector<16xi32>
          %gather3A_992 = tpu.vector_load_idx %arg11[%add3A_85, %add3A_991] : memref<80x128xf32, #tpu.memory_space<vmem>>[vector<16xi32>, vector<16xi32>], vector<16xf32>,
          %gather3A_993 = tpu.vector_load_idx %arg13[%add3A_85, %add3A_991] : memref<80x128xf32, #tpu.memory_space<vmem>>[vector<16xi32>, vector<16xi32>], vector<16xf32>,
          %mul3A_994 = arith.mulf %gather3A_992, %gather3A_993 : vector<16xf32>
          %add3A_995 = arith.addf %add3A_951, %mul3A_994 : vector<16xf32>
          %mul3A_996 = arith.mulf %gather3A_992, %gather3A_992 : vector<16xf32>
          %add3A_997 = arith.addf %add3A_953, %mul3A_996 : vector<16xf32>
          %mul3A_998 = arith.mulf %gather3A_993, %gather3A_993 : vector<16xf32>
          %add3A_999 = arith.addf %add3A_955, %mul3A_998 : vector<16xf32>
          %add3A_1000 = arith.constant 64 : i32
          %add3A_1001 = vector.broadcast %add3A_1000 : i32 to vector<16xi32>
          %add3A_1002 = arith.addi %add3A_1001, %and3A_143 : vector<16xi32>
          %gather3A_1003 = tpu.vector_load_idx %arg11[%add3A_85, %add3A_1002] : memref<80x128xf32, #tpu.memory_space<vmem>>[vector<16xi32>, vector<16xi32>], vector<16xf32>,
          %gather3A_1004 = tpu.vector_load_idx %arg13[%add3A_85, %add3A_1002] : memref<80x128xf32, #tpu.memory_space<vmem>>[vector<16xi32>, vector<16xi32>], vector<16xf32>,
          %mul3A_1005 = arith.mulf %gather3A_1003, %gather3A_1004 : vector<16xf32>
          %add3A_1006 = arith.addf %add3A_962, %mul3A_1005 : vector<16xf32>
          %mul3A_1007 = arith.mulf %gather3A_1003, %gather3A_1003 : vector<16xf32>
          %add3A_1008 = arith.addf %add3A_964, %mul3A_1007 : vector<16xf32>
          %mul3A_1009 = arith.mulf %gather3A_1004, %gather3A_1004 : vector<16xf32>
          %add3A_1010 = arith.addf %add3A_966, %mul3A_1009 : vector<16xf32>
          %add3A_1011 = arith.constant 64 : i32
          %add3A_1012 = vector.broadcast %add3A_1011 : i32 to vector<16xi32>
          %add3A_1013 = arith.addi %add3A_1012, %and3A_149 : vector<16xi32>
          %gather3A_1014 = tpu.vector_load_idx %arg11[%add3A_85, %add3A_1013] : memref<80x128xf32, #tpu.memory_space<vmem>>[vector<16xi32>, vector<16xi32>], vector<16xf32>,
          %gather3A_1015 = tpu.vector_load_idx %arg13[%add3A_85, %add3A_1013] : memref<80x128xf32, #tpu.memory_space<vmem>>[vector<16xi32>, vector<16xi32>], vector<16xf32>,
          %mul3A_1016 = arith.mulf %gather3A_1014, %gather3A_1015 : vector<16xf32>
          %add3A_1017 = arith.addf %add3A_973, %mul3A_1016 : vector<16xf32>
          %mul3A_1018 = arith.mulf %gather3A_1014, %gather3A_1014 : vector<16xf32>
          %add3A_1019 = arith.addf %add3A_975, %mul3A_1018 : vector<16xf32>
          %mul3A_1020 = arith.mulf %gather3A_1015, %gather3A_1015 : vector<16xf32>
          %add3A_1021 = arith.addf %add3A_977, %mul3A_1020 : vector<16xf32>
          %add3A_1022 = arith.constant 64 : i32
          %add3A_1023 = vector.broadcast %add3A_1022 : i32 to vector<16xi32>
          %add3A_1024 = arith.addi %add3A_1023, %and3A_155 : vector<16xi32>
          %gather3A_1025 = tpu.vector_load_idx %arg11[%add3A_85, %add3A_1024] : memref<80x128xf32, #tpu.memory_space<vmem>>[vector<16xi32>, vector<16xi32>], vector<16xf32>,
          %gather3A_1026 = tpu.vector_load_idx %arg13[%add3A_85, %add3A_1024] : memref<80x128xf32, #tpu.memory_space<vmem>>[vector<16xi32>, vector<16xi32>], vector<16xf32>,
          %mul3A_1027 = arith.mulf %gather3A_1025, %gather3A_1026 : vector<16xf32>
          %add3A_1028 = arith.addf %add3A_984, %mul3A_1027 : vector<16xf32>
          %mul3A_1029 = arith.mulf %gather3A_1025, %gather3A_1025 : vector<16xf32>
          %add3A_1030 = arith.addf %add3A_986, %mul3A_1029 : vector<16xf32>
          %mul3A_1031 = arith.mulf %gather3A_1026, %gather3A_1026 : vector<16xf32>
          %add3A_1032 = arith.addf %add3A_988, %mul3A_1031 : vector<16xf32>
          %add3A_1033 = arith.constant 64 : i32
          %add3A_1034 = vector.broadcast %add3A_1033 : i32 to vector<16xi32>
          %add3A_1035 = arith.addi %add3A_1034, %and3A_161 : vector<16xi32>
          %gather3A_1036 = tpu.vector_load_idx %arg11[%add3A_85, %add3A_1035] : memref<80x128xf32, #tpu.memory_space<vmem>>[vector<16xi32>, vector<16xi32>], vector<16xf32>,
          %gather3A_1037 = tpu.vector_load_idx %arg13[%add3A_85, %add3A_1035] : memref<80x128xf32, #tpu.memory_space<vmem>>[vector<16xi32>, vector<16xi32>], vector<16xf32>,
          %mul3A_1038 = arith.mulf %gather3A_1036, %gather3A_1037 : vector<16xf32>
          %add3A_1039 = arith.addf %add3A_995, %mul3A_1038 : vector<16xf32>
          %mul3A_1040 = arith.mulf %gather3A_1036, %gather3A_1036 : vector<16xf32>
          %add3A_1041 = arith.addf %add3A_997, %mul3A_1040 : vector<16xf32>
          %mul3A_1042 = arith.mulf %gather3A_1037, %gather3A_1037 : vector<16xf32>
          %add3A_1043 = arith.addf %add3A_999, %mul3A_1042 : vector<16xf32>
          %add3A_1044 = arith.constant 64 : i32
          %add3A_1045 = vector.broadcast %add3A_1044 : i32 to vector<16xi32>
          %add3A_1046 = arith.addi %add3A_1045, %and3A_167 : vector<16xi32>
          %gather3A_1047 = tpu.vector_load_idx %arg11[%add3A_85, %add3A_1046] : memref<80x128xf32, #tpu.memory_space<vmem>>[vector<16xi32>, vector<16xi32>], vector<16xf32>,
          %gather3A_1048 = tpu.vector_load_idx %arg13[%add3A_85, %add3A_1046] : memref<80x128xf32, #tpu.memory_space<vmem>>[vector<16xi32>, vector<16xi32>], vector<16xf32>,
          %mul3A_1049 = arith.mulf %gather3A_1047, %gather3A_1048 : vector<16xf32>
          %add3A_1050 = arith.addf %add3A_1006, %mul3A_1049 : vector<16xf32>
          %mul3A_1051 = arith.mulf %gather3A_1047, %gather3A_1047 : vector<16xf32>
          %add3A_1052 = arith.addf %add3A_1008, %mul3A_1051 : vector<16xf32>
          %mul3A_1053 = arith.mulf %gather3A_1048, %gather3A_1048 : vector<16xf32>
          %add3A_1054 = arith.addf %add3A_1010, %mul3A_1053 : vector<16xf32>
          %add3A_1055 = arith.constant 64 : i32
          %add3A_1056 = vector.broadcast %add3A_1055 : i32 to vector<16xi32>
          %add3A_1057 = arith.addi %add3A_1056, %and3A_173 : vector<16xi32>
          %gather3A_1058 = tpu.vector_load_idx %arg11[%add3A_85, %add3A_1057] : memref<80x128xf32, #tpu.memory_space<vmem>>[vector<16xi32>, vector<16xi32>], vector<16xf32>,
          %gather3A_1059 = tpu.vector_load_idx %arg13[%add3A_85, %add3A_1057] : memref<80x128xf32, #tpu.memory_space<vmem>>[vector<16xi32>, vector<16xi32>], vector<16xf32>,
          %mul3A_1060 = arith.mulf %gather3A_1058, %gather3A_1059 : vector<16xf32>
          %add3A_1061 = arith.addf %add3A_1017, %mul3A_1060 : vector<16xf32>
          %mul3A_1062 = arith.mulf %gather3A_1058, %gather3A_1058 : vector<16xf32>
          %add3A_1063 = arith.addf %add3A_1019, %mul3A_1062 : vector<16xf32>
          %mul3A_1064 = arith.mulf %gather3A_1059, %gather3A_1059 : vector<16xf32>
          %add3A_1065 = arith.addf %add3A_1021, %mul3A_1064 : vector<16xf32>
          %add3A_1066 = arith.constant 64 : i32
          %add3A_1067 = vector.broadcast %add3A_1066 : i32 to vector<16xi32>
          %add3A_1068 = arith.addi %add3A_1067, %and3A_179 : vector<16xi32>
          %gather3A_1069 = tpu.vector_load_idx %arg11[%add3A_85, %add3A_1068] : memref<80x128xf32, #tpu.memory_space<vmem>>[vector<16xi32>, vector<16xi32>], vector<16xf32>,
          %gather3A_1070 = tpu.vector_load_idx %arg13[%add3A_85, %add3A_1068] : memref<80x128xf32, #tpu.memory_space<vmem>>[vector<16xi32>, vector<16xi32>], vector<16xf32>,
          %mul3A_1071 = arith.mulf %gather3A_1069, %gather3A_1070 : vector<16xf32>
          %add3A_1072 = arith.addf %add3A_1028, %mul3A_1071 : vector<16xf32>
          %mul3A_1073 = arith.mulf %gather3A_1069, %gather3A_1069 : vector<16xf32>
          %add3A_1074 = arith.addf %add3A_1030, %mul3A_1073 : vector<16xf32>
          %mul3A_1075 = arith.mulf %gather3A_1070, %gather3A_1070 : vector<16xf32>
          %add3A_1076 = arith.addf %add3A_1032, %mul3A_1075 : vector<16xf32>
          %add3A_1077 = arith.constant 64 : i32
          %add3A_1078 = vector.broadcast %add3A_1077 : i32 to vector<16xi32>
          %add3A_1079 = arith.addi %add3A_1078, %and3A_185 : vector<16xi32>
          %gather3A_1080 = tpu.vector_load_idx %arg11[%add3A_85, %add3A_1079] : memref<80x128xf32, #tpu.memory_space<vmem>>[vector<16xi32>, vector<16xi32>], vector<16xf32>,
          %gather3A_1081 = tpu.vector_load_idx %arg13[%add3A_85, %add3A_1079] : memref<80x128xf32, #tpu.memory_space<vmem>>[vector<16xi32>, vector<16xi32>], vector<16xf32>,
          %mul3A_1082 = arith.mulf %gather3A_1080, %gather3A_1081 : vector<16xf32>
          %add3A_1083 = arith.addf %add3A_1039, %mul3A_1082 : vector<16xf32>
          %mul3A_1084 = arith.mulf %gather3A_1080, %gather3A_1080 : vector<16xf32>
          %add3A_1085 = arith.addf %add3A_1041, %mul3A_1084 : vector<16xf32>
          %mul3A_1086 = arith.mulf %gather3A_1081, %gather3A_1081 : vector<16xf32>
          %add3A_1087 = arith.addf %add3A_1043, %mul3A_1086 : vector<16xf32>
          %add3A_1088 = arith.constant 80 : i32
          %add3A_1089 = vector.broadcast %add3A_1088 : i32 to vector<16xi32>
          %add3A_1090 = arith.addi %add3A_1089, %and3A_95 : vector<16xi32>
          %gather3A_1091 = tpu.vector_load_idx %arg11[%add3A_85, %add3A_1090] : memref<80x128xf32, #tpu.memory_space<vmem>>[vector<16xi32>, vector<16xi32>], vector<16xf32>,
          %gather3A_1092 = tpu.vector_load_idx %arg13[%add3A_85, %add3A_1090] : memref<80x128xf32, #tpu.memory_space<vmem>>[vector<16xi32>, vector<16xi32>], vector<16xf32>,
          %mul3A_1093 = arith.mulf %gather3A_1091, %gather3A_1092 : vector<16xf32>
          %add3A_1094 = arith.addf %add3A_1050, %mul3A_1093 : vector<16xf32>
          %mul3A_1095 = arith.mulf %gather3A_1091, %gather3A_1091 : vector<16xf32>
          %add3A_1096 = arith.addf %add3A_1052, %mul3A_1095 : vector<16xf32>
          %mul3A_1097 = arith.mulf %gather3A_1092, %gather3A_1092 : vector<16xf32>
          %add3A_1098 = arith.addf %add3A_1054, %mul3A_1097 : vector<16xf32>
          %add3A_1099 = arith.constant 80 : i32
          %add3A_1100 = vector.broadcast %add3A_1099 : i32 to vector<16xi32>
          %add3A_1101 = arith.addi %add3A_1100, %and3A_101 : vector<16xi32>
          %gather3A_1102 = tpu.vector_load_idx %arg11[%add3A_85, %add3A_1101] : memref<80x128xf32, #tpu.memory_space<vmem>>[vector<16xi32>, vector<16xi32>], vector<16xf32>,
          %gather3A_1103 = tpu.vector_load_idx %arg13[%add3A_85, %add3A_1101] : memref<80x128xf32, #tpu.memory_space<vmem>>[vector<16xi32>, vector<16xi32>], vector<16xf32>,
          %mul3A_1104 = arith.mulf %gather3A_1102, %gather3A_1103 : vector<16xf32>
          %add3A_1105 = arith.addf %add3A_1061, %mul3A_1104 : vector<16xf32>
          %mul3A_1106 = arith.mulf %gather3A_1102, %gather3A_1102 : vector<16xf32>
          %add3A_1107 = arith.addf %add3A_1063, %mul3A_1106 : vector<16xf32>
          %mul3A_1108 = arith.mulf %gather3A_1103, %gather3A_1103 : vector<16xf32>
          %add3A_1109 = arith.addf %add3A_1065, %mul3A_1108 : vector<16xf32>
          %add3A_1110 = arith.constant 80 : i32
          %add3A_1111 = vector.broadcast %add3A_1110 : i32 to vector<16xi32>
          %add3A_1112 = arith.addi %add3A_1111, %and3A_107 : vector<16xi32>
          %gather3A_1113 = tpu.vector_load_idx %arg11[%add3A_85, %add3A_1112] : memref<80x128xf32, #tpu.memory_space<vmem>>[vector<16xi32>, vector<16xi32>], vector<16xf32>,
          %gather3A_1114 = tpu.vector_load_idx %arg13[%add3A_85, %add3A_1112] : memref<80x128xf32, #tpu.memory_space<vmem>>[vector<16xi32>, vector<16xi32>], vector<16xf32>,
          %mul3A_1115 = arith.mulf %gather3A_1113, %gather3A_1114 : vector<16xf32>
          %add3A_1116 = arith.addf %add3A_1072, %mul3A_1115 : vector<16xf32>
          %mul3A_1117 = arith.mulf %gather3A_1113, %gather3A_1113 : vector<16xf32>
          %add3A_1118 = arith.addf %add3A_1074, %mul3A_1117 : vector<16xf32>
          %mul3A_1119 = arith.mulf %gather3A_1114, %gather3A_1114 : vector<16xf32>
          %add3A_1120 = arith.addf %add3A_1076, %mul3A_1119 : vector<16xf32>
          %add3A_1121 = arith.constant 80 : i32
          %add3A_1122 = vector.broadcast %add3A_1121 : i32 to vector<16xi32>
          %add3A_1123 = arith.addi %add3A_1122, %and3A_113 : vector<16xi32>
          %gather3A_1124 = tpu.vector_load_idx %arg11[%add3A_85, %add3A_1123] : memref<80x128xf32, #tpu.memory_space<vmem>>[vector<16xi32>, vector<16xi32>], vector<16xf32>,
          %gather3A_1125 = tpu.vector_load_idx %arg13[%add3A_85, %add3A_1123] : memref<80x128xf32, #tpu.memory_space<vmem>>[vector<16xi32>, vector<16xi32>], vector<16xf32>,
          %mul3A_1126 = arith.mulf %gather3A_1124, %gather3A_1125 : vector<16xf32>
          %add3A_1127 = arith.addf %add3A_1083, %mul3A_1126 : vector<16xf32>
          %mul3A_1128 = arith.mulf %gather3A_1124, %gather3A_1124 : vector<16xf32>
          %add3A_1129 = arith.addf %add3A_1085, %mul3A_1128 : vector<16xf32>
          %mul3A_1130 = arith.mulf %gather3A_1125, %gather3A_1125 : vector<16xf32>
          %add3A_1131 = arith.addf %add3A_1087, %mul3A_1130 : vector<16xf32>
          %add3A_1132 = arith.constant 80 : i32
          %add3A_1133 = vector.broadcast %add3A_1132 : i32 to vector<16xi32>
          %add3A_1134 = arith.addi %add3A_1133, %and3A_119 : vector<16xi32>
          %gather3A_1135 = tpu.vector_load_idx %arg11[%add3A_85, %add3A_1134] : memref<80x128xf32, #tpu.memory_space<vmem>>[vector<16xi32>, vector<16xi32>], vector<16xf32>,
          %gather3A_1136 = tpu.vector_load_idx %arg13[%add3A_85, %add3A_1134] : memref<80x128xf32, #tpu.memory_space<vmem>>[vector<16xi32>, vector<16xi32>], vector<16xf32>,
          %mul3A_1137 = arith.mulf %gather3A_1135, %gather3A_1136 : vector<16xf32>
          %add3A_1138 = arith.addf %add3A_1094, %mul3A_1137 : vector<16xf32>
          %mul3A_1139 = arith.mulf %gather3A_1135, %gather3A_1135 : vector<16xf32>
          %add3A_1140 = arith.addf %add3A_1096, %mul3A_1139 : vector<16xf32>
          %mul3A_1141 = arith.mulf %gather3A_1136, %gather3A_1136 : vector<16xf32>
          %add3A_1142 = arith.addf %add3A_1098, %mul3A_1141 : vector<16xf32>
          %add3A_1143 = arith.constant 80 : i32
          %add3A_1144 = vector.broadcast %add3A_1143 : i32 to vector<16xi32>
          %add3A_1145 = arith.addi %add3A_1144, %and3A_125 : vector<16xi32>
          %gather3A_1146 = tpu.vector_load_idx %arg11[%add3A_85, %add3A_1145] : memref<80x128xf32, #tpu.memory_space<vmem>>[vector<16xi32>, vector<16xi32>], vector<16xf32>,
          %gather3A_1147 = tpu.vector_load_idx %arg13[%add3A_85, %add3A_1145] : memref<80x128xf32, #tpu.memory_space<vmem>>[vector<16xi32>, vector<16xi32>], vector<16xf32>,
          %mul3A_1148 = arith.mulf %gather3A_1146, %gather3A_1147 : vector<16xf32>
          %add3A_1149 = arith.addf %add3A_1105, %mul3A_1148 : vector<16xf32>
          %mul3A_1150 = arith.mulf %gather3A_1146, %gather3A_1146 : vector<16xf32>
          %add3A_1151 = arith.addf %add3A_1107, %mul3A_1150 : vector<16xf32>
          %mul3A_1152 = arith.mulf %gather3A_1147, %gather3A_1147 : vector<16xf32>
          %add3A_1153 = arith.addf %add3A_1109, %mul3A_1152 : vector<16xf32>
          %add3A_1154 = arith.constant 80 : i32
          %add3A_1155 = vector.broadcast %add3A_1154 : i32 to vector<16xi32>
          %add3A_1156 = arith.addi %add3A_1155, %and3A_131 : vector<16xi32>
          %gather3A_1157 = tpu.vector_load_idx %arg11[%add3A_85, %add3A_1156] : memref<80x128xf32, #tpu.memory_space<vmem>>[vector<16xi32>, vector<16xi32>], vector<16xf32>,
          %gather3A_1158 = tpu.vector_load_idx %arg13[%add3A_85, %add3A_1156] : memref<80x128xf32, #tpu.memory_space<vmem>>[vector<16xi32>, vector<16xi32>], vector<16xf32>,
          %mul3A_1159 = arith.mulf %gather3A_1157, %gather3A_1158 : vector<16xf32>
          %add3A_1160 = arith.addf %add3A_1116, %mul3A_1159 : vector<16xf32>
          %mul3A_1161 = arith.mulf %gather3A_1157, %gather3A_1157 : vector<16xf32>
          %add3A_1162 = arith.addf %add3A_1118, %mul3A_1161 : vector<16xf32>
          %mul3A_1163 = arith.mulf %gather3A_1158, %gather3A_1158 : vector<16xf32>
          %add3A_1164 = arith.addf %add3A_1120, %mul3A_1163 : vector<16xf32>
          %add3A_1165 = arith.constant 80 : i32
          %add3A_1166 = vector.broadcast %add3A_1165 : i32 to vector<16xi32>
          %add3A_1167 = arith.addi %add3A_1166, %and3A_137 : vector<16xi32>
          %gather3A_1168 = tpu.vector_load_idx %arg11[%add3A_85, %add3A_1167] : memref<80x128xf32, #tpu.memory_space<vmem>>[vector<16xi32>, vector<16xi32>], vector<16xf32>,
          %gather3A_1169 = tpu.vector_load_idx %arg13[%add3A_85, %add3A_1167] : memref<80x128xf32, #tpu.memory_space<vmem>>[vector<16xi32>, vector<16xi32>], vector<16xf32>,
          %mul3A_1170 = arith.mulf %gather3A_1168, %gather3A_1169 : vector<16xf32>
          %add3A_1171 = arith.addf %add3A_1127, %mul3A_1170 : vector<16xf32>
          %mul3A_1172 = arith.mulf %gather3A_1168, %gather3A_1168 : vector<16xf32>
          %add3A_1173 = arith.addf %add3A_1129, %mul3A_1172 : vector<16xf32>
          %mul3A_1174 = arith.mulf %gather3A_1169, %gather3A_1169 : vector<16xf32>
          %add3A_1175 = arith.addf %add3A_1131, %mul3A_1174 : vector<16xf32>
          %add3A_1176 = arith.constant 80 : i32
          %add3A_1177 = vector.broadcast %add3A_1176 : i32 to vector<16xi32>
          %add3A_1178 = arith.addi %add3A_1177, %and3A_143 : vector<16xi32>
          %gather3A_1179 = tpu.vector_load_idx %arg11[%add3A_85, %add3A_1178] : memref<80x128xf32, #tpu.memory_space<vmem>>[vector<16xi32>, vector<16xi32>], vector<16xf32>,
          %gather3A_1180 = tpu.vector_load_idx %arg13[%add3A_85, %add3A_1178] : memref<80x128xf32, #tpu.memory_space<vmem>>[vector<16xi32>, vector<16xi32>], vector<16xf32>,
          %mul3A_1181 = arith.mulf %gather3A_1179, %gather3A_1180 : vector<16xf32>
          %add3A_1182 = arith.addf %add3A_1138, %mul3A_1181 : vector<16xf32>
          %mul3A_1183 = arith.mulf %gather3A_1179, %gather3A_1179 : vector<16xf32>
          %add3A_1184 = arith.addf %add3A_1140, %mul3A_1183 : vector<16xf32>
          %mul3A_1185 = arith.mulf %gather3A_1180, %gather3A_1180 : vector<16xf32>
          %add3A_1186 = arith.addf %add3A_1142, %mul3A_1185 : vector<16xf32>
          %add3A_1187 = arith.constant 80 : i32
          %add3A_1188 = vector.broadcast %add3A_1187 : i32 to vector<16xi32>
          %add3A_1189 = arith.addi %add3A_1188, %and3A_149 : vector<16xi32>
          %gather3A_1190 = tpu.vector_load_idx %arg11[%add3A_85, %add3A_1189] : memref<80x128xf32, #tpu.memory_space<vmem>>[vector<16xi32>, vector<16xi32>], vector<16xf32>,
          %gather3A_1191 = tpu.vector_load_idx %arg13[%add3A_85, %add3A_1189] : memref<80x128xf32, #tpu.memory_space<vmem>>[vector<16xi32>, vector<16xi32>], vector<16xf32>,
          %mul3A_1192 = arith.mulf %gather3A_1190, %gather3A_1191 : vector<16xf32>
          %add3A_1193 = arith.addf %add3A_1149, %mul3A_1192 : vector<16xf32>
          %mul3A_1194 = arith.mulf %gather3A_1190, %gather3A_1190 : vector<16xf32>
          %add3A_1195 = arith.addf %add3A_1151, %mul3A_1194 : vector<16xf32>
          %mul3A_1196 = arith.mulf %gather3A_1191, %gather3A_1191 : vector<16xf32>
          %add3A_1197 = arith.addf %add3A_1153, %mul3A_1196 : vector<16xf32>
          %add3A_1198 = arith.constant 80 : i32
          %add3A_1199 = vector.broadcast %add3A_1198 : i32 to vector<16xi32>
          %add3A_1200 = arith.addi %add3A_1199, %and3A_155 : vector<16xi32>
          %gather3A_1201 = tpu.vector_load_idx %arg11[%add3A_85, %add3A_1200] : memref<80x128xf32, #tpu.memory_space<vmem>>[vector<16xi32>, vector<16xi32>], vector<16xf32>,
          %gather3A_1202 = tpu.vector_load_idx %arg13[%add3A_85, %add3A_1200] : memref<80x128xf32, #tpu.memory_space<vmem>>[vector<16xi32>, vector<16xi32>], vector<16xf32>,
          %mul3A_1203 = arith.mulf %gather3A_1201, %gather3A_1202 : vector<16xf32>
          %add3A_1204 = arith.addf %add3A_1160, %mul3A_1203 : vector<16xf32>
          %mul3A_1205 = arith.mulf %gather3A_1201, %gather3A_1201 : vector<16xf32>
          %add3A_1206 = arith.addf %add3A_1162, %mul3A_1205 : vector<16xf32>
          %mul3A_1207 = arith.mulf %gather3A_1202, %gather3A_1202 : vector<16xf32>
          %add3A_1208 = arith.addf %add3A_1164, %mul3A_1207 : vector<16xf32>
          %add3A_1209 = arith.constant 80 : i32
          %add3A_1210 = vector.broadcast %add3A_1209 : i32 to vector<16xi32>
          %add3A_1211 = arith.addi %add3A_1210, %and3A_161 : vector<16xi32>
          %gather3A_1212 = tpu.vector_load_idx %arg11[%add3A_85, %add3A_1211] : memref<80x128xf32, #tpu.memory_space<vmem>>[vector<16xi32>, vector<16xi32>], vector<16xf32>,
          %gather3A_1213 = tpu.vector_load_idx %arg13[%add3A_85, %add3A_1211] : memref<80x128xf32, #tpu.memory_space<vmem>>[vector<16xi32>, vector<16xi32>], vector<16xf32>,
          %mul3A_1214 = arith.mulf %gather3A_1212, %gather3A_1213 : vector<16xf32>
          %add3A_1215 = arith.addf %add3A_1171, %mul3A_1214 : vector<16xf32>
          %mul3A_1216 = arith.mulf %gather3A_1212, %gather3A_1212 : vector<16xf32>
          %add3A_1217 = arith.addf %add3A_1173, %mul3A_1216 : vector<16xf32>
          %mul3A_1218 = arith.mulf %gather3A_1213, %gather3A_1213 : vector<16xf32>
          %add3A_1219 = arith.addf %add3A_1175, %mul3A_1218 : vector<16xf32>
          %add3A_1220 = arith.constant 80 : i32
          %add3A_1221 = vector.broadcast %add3A_1220 : i32 to vector<16xi32>
          %add3A_1222 = arith.addi %add3A_1221, %and3A_167 : vector<16xi32>
          %gather3A_1223 = tpu.vector_load_idx %arg11[%add3A_85, %add3A_1222] : memref<80x128xf32, #tpu.memory_space<vmem>>[vector<16xi32>, vector<16xi32>], vector<16xf32>,
          %gather3A_1224 = tpu.vector_load_idx %arg13[%add3A_85, %add3A_1222] : memref<80x128xf32, #tpu.memory_space<vmem>>[vector<16xi32>, vector<16xi32>], vector<16xf32>,
          %mul3A_1225 = arith.mulf %gather3A_1223, %gather3A_1224 : vector<16xf32>
          %add3A_1226 = arith.addf %add3A_1182, %mul3A_1225 : vector<16xf32>
          %mul3A_1227 = arith.mulf %gather3A_1223, %gather3A_1223 : vector<16xf32>
          %add3A_1228 = arith.addf %add3A_1184, %mul3A_1227 : vector<16xf32>
          %mul3A_1229 = arith.mulf %gather3A_1224, %gather3A_1224 : vector<16xf32>
          %add3A_1230 = arith.addf %add3A_1186, %mul3A_1229 : vector<16xf32>
          %add3A_1231 = arith.constant 80 : i32
          %add3A_1232 = vector.broadcast %add3A_1231 : i32 to vector<16xi32>
          %add3A_1233 = arith.addi %add3A_1232, %and3A_173 : vector<16xi32>
          %gather3A_1234 = tpu.vector_load_idx %arg11[%add3A_85, %add3A_1233] : memref<80x128xf32, #tpu.memory_space<vmem>>[vector<16xi32>, vector<16xi32>], vector<16xf32>,
          %gather3A_1235 = tpu.vector_load_idx %arg13[%add3A_85, %add3A_1233] : memref<80x128xf32, #tpu.memory_space<vmem>>[vector<16xi32>, vector<16xi32>], vector<16xf32>,
          %mul3A_1236 = arith.mulf %gather3A_1234, %gather3A_1235 : vector<16xf32>
          %add3A_1237 = arith.addf %add3A_1193, %mul3A_1236 : vector<16xf32>
          %mul3A_1238 = arith.mulf %gather3A_1234, %gather3A_1234 : vector<16xf32>
          %add3A_1239 = arith.addf %add3A_1195, %mul3A_1238 : vector<16xf32>
          %mul3A_1240 = arith.mulf %gather3A_1235, %gather3A_1235 : vector<16xf32>
          %add3A_1241 = arith.addf %add3A_1197, %mul3A_1240 : vector<16xf32>
          %add3A_1242 = arith.constant 80 : i32
          %add3A_1243 = vector.broadcast %add3A_1242 : i32 to vector<16xi32>
          %add3A_1244 = arith.addi %add3A_1243, %and3A_179 : vector<16xi32>
          %gather3A_1245 = tpu.vector_load_idx %arg11[%add3A_85, %add3A_1244] : memref<80x128xf32, #tpu.memory_space<vmem>>[vector<16xi32>, vector<16xi32>], vector<16xf32>,
          %gather3A_1246 = tpu.vector_load_idx %arg13[%add3A_85, %add3A_1244] : memref<80x128xf32, #tpu.memory_space<vmem>>[vector<16xi32>, vector<16xi32>], vector<16xf32>,
          %mul3A_1247 = arith.mulf %gather3A_1245, %gather3A_1246 : vector<16xf32>
          %add3A_1248 = arith.addf %add3A_1204, %mul3A_1247 : vector<16xf32>
          %mul3A_1249 = arith.mulf %gather3A_1245, %gather3A_1245 : vector<16xf32>
          %add3A_1250 = arith.addf %add3A_1206, %mul3A_1249 : vector<16xf32>
          %mul3A_1251 = arith.mulf %gather3A_1246, %gather3A_1246 : vector<16xf32>
          %add3A_1252 = arith.addf %add3A_1208, %mul3A_1251 : vector<16xf32>
          %add3A_1253 = arith.constant 80 : i32
          %add3A_1254 = vector.broadcast %add3A_1253 : i32 to vector<16xi32>
          %add3A_1255 = arith.addi %add3A_1254, %and3A_185 : vector<16xi32>
          %gather3A_1256 = tpu.vector_load_idx %arg11[%add3A_85, %add3A_1255] : memref<80x128xf32, #tpu.memory_space<vmem>>[vector<16xi32>, vector<16xi32>], vector<16xf32>,
          %gather3A_1257 = tpu.vector_load_idx %arg13[%add3A_85, %add3A_1255] : memref<80x128xf32, #tpu.memory_space<vmem>>[vector<16xi32>, vector<16xi32>], vector<16xf32>,
          %mul3A_1258 = arith.mulf %gather3A_1256, %gather3A_1257 : vector<16xf32>
          %add3A_1259 = arith.addf %add3A_1215, %mul3A_1258 : vector<16xf32>
          %mul3A_1260 = arith.mulf %gather3A_1256, %gather3A_1256 : vector<16xf32>
          %add3A_1261 = arith.addf %add3A_1217, %mul3A_1260 : vector<16xf32>
          %mul3A_1262 = arith.mulf %gather3A_1257, %gather3A_1257 : vector<16xf32>
          %add3A_1263 = arith.addf %add3A_1219, %mul3A_1262 : vector<16xf32>
          %add3A_1264 = arith.constant 96 : i32
          %add3A_1265 = vector.broadcast %add3A_1264 : i32 to vector<16xi32>
          %add3A_1266 = arith.addi %add3A_1265, %and3A_95 : vector<16xi32>
          %gather3A_1267 = tpu.vector_load_idx %arg11[%add3A_85, %add3A_1266] : memref<80x128xf32, #tpu.memory_space<vmem>>[vector<16xi32>, vector<16xi32>], vector<16xf32>,
          %gather3A_1268 = tpu.vector_load_idx %arg13[%add3A_85, %add3A_1266] : memref<80x128xf32, #tpu.memory_space<vmem>>[vector<16xi32>, vector<16xi32>], vector<16xf32>,
          %mul3A_1269 = arith.mulf %gather3A_1267, %gather3A_1268 : vector<16xf32>
          %add3A_1270 = arith.addf %add3A_1226, %mul3A_1269 : vector<16xf32>
          %mul3A_1271 = arith.mulf %gather3A_1267, %gather3A_1267 : vector<16xf32>
          %add3A_1272 = arith.addf %add3A_1228, %mul3A_1271 : vector<16xf32>
          %mul3A_1273 = arith.mulf %gather3A_1268, %gather3A_1268 : vector<16xf32>
          %add3A_1274 = arith.addf %add3A_1230, %mul3A_1273 : vector<16xf32>
          %add3A_1275 = arith.constant 96 : i32
          %add3A_1276 = vector.broadcast %add3A_1275 : i32 to vector<16xi32>
          %add3A_1277 = arith.addi %add3A_1276, %and3A_101 : vector<16xi32>
          %gather3A_1278 = tpu.vector_load_idx %arg11[%add3A_85, %add3A_1277] : memref<80x128xf32, #tpu.memory_space<vmem>>[vector<16xi32>, vector<16xi32>], vector<16xf32>,
          %gather3A_1279 = tpu.vector_load_idx %arg13[%add3A_85, %add3A_1277] : memref<80x128xf32, #tpu.memory_space<vmem>>[vector<16xi32>, vector<16xi32>], vector<16xf32>,
          %mul3A_1280 = arith.mulf %gather3A_1278, %gather3A_1279 : vector<16xf32>
          %add3A_1281 = arith.addf %add3A_1237, %mul3A_1280 : vector<16xf32>
          %mul3A_1282 = arith.mulf %gather3A_1278, %gather3A_1278 : vector<16xf32>
          %add3A_1283 = arith.addf %add3A_1239, %mul3A_1282 : vector<16xf32>
          %mul3A_1284 = arith.mulf %gather3A_1279, %gather3A_1279 : vector<16xf32>
          %add3A_1285 = arith.addf %add3A_1241, %mul3A_1284 : vector<16xf32>
          %add3A_1286 = arith.constant 96 : i32
          %add3A_1287 = vector.broadcast %add3A_1286 : i32 to vector<16xi32>
          %add3A_1288 = arith.addi %add3A_1287, %and3A_107 : vector<16xi32>
          %gather3A_1289 = tpu.vector_load_idx %arg11[%add3A_85, %add3A_1288] : memref<80x128xf32, #tpu.memory_space<vmem>>[vector<16xi32>, vector<16xi32>], vector<16xf32>,
          %gather3A_1290 = tpu.vector_load_idx %arg13[%add3A_85, %add3A_1288] : memref<80x128xf32, #tpu.memory_space<vmem>>[vector<16xi32>, vector<16xi32>], vector<16xf32>,
          %mul3A_1291 = arith.mulf %gather3A_1289, %gather3A_1290 : vector<16xf32>
          %add3A_1292 = arith.addf %add3A_1248, %mul3A_1291 : vector<16xf32>
          %mul3A_1293 = arith.mulf %gather3A_1289, %gather3A_1289 : vector<16xf32>
          %add3A_1294 = arith.addf %add3A_1250, %mul3A_1293 : vector<16xf32>
          %mul3A_1295 = arith.mulf %gather3A_1290, %gather3A_1290 : vector<16xf32>
          %add3A_1296 = arith.addf %add3A_1252, %mul3A_1295 : vector<16xf32>
          %add3A_1297 = arith.constant 96 : i32
          %add3A_1298 = vector.broadcast %add3A_1297 : i32 to vector<16xi32>
          %add3A_1299 = arith.addi %add3A_1298, %and3A_113 : vector<16xi32>
          %gather3A_1300 = tpu.vector_load_idx %arg11[%add3A_85, %add3A_1299] : memref<80x128xf32, #tpu.memory_space<vmem>>[vector<16xi32>, vector<16xi32>], vector<16xf32>,
          %gather3A_1301 = tpu.vector_load_idx %arg13[%add3A_85, %add3A_1299] : memref<80x128xf32, #tpu.memory_space<vmem>>[vector<16xi32>, vector<16xi32>], vector<16xf32>,
          %mul3A_1302 = arith.mulf %gather3A_1300, %gather3A_1301 : vector<16xf32>
          %add3A_1303 = arith.addf %add3A_1259, %mul3A_1302 : vector<16xf32>
          %mul3A_1304 = arith.mulf %gather3A_1300, %gather3A_1300 : vector<16xf32>
          %add3A_1305 = arith.addf %add3A_1261, %mul3A_1304 : vector<16xf32>
          %mul3A_1306 = arith.mulf %gather3A_1301, %gather3A_1301 : vector<16xf32>
          %add3A_1307 = arith.addf %add3A_1263, %mul3A_1306 : vector<16xf32>
          %add3A_1308 = arith.constant 96 : i32
          %add3A_1309 = vector.broadcast %add3A_1308 : i32 to vector<16xi32>
          %add3A_1310 = arith.addi %add3A_1309, %and3A_119 : vector<16xi32>
          %gather3A_1311 = tpu.vector_load_idx %arg11[%add3A_85, %add3A_1310] : memref<80x128xf32, #tpu.memory_space<vmem>>[vector<16xi32>, vector<16xi32>], vector<16xf32>,
          %gather3A_1312 = tpu.vector_load_idx %arg13[%add3A_85, %add3A_1310] : memref<80x128xf32, #tpu.memory_space<vmem>>[vector<16xi32>, vector<16xi32>], vector<16xf32>,
          %mul3A_1313 = arith.mulf %gather3A_1311, %gather3A_1312 : vector<16xf32>
          %add3A_1314 = arith.addf %add3A_1270, %mul3A_1313 : vector<16xf32>
          %mul3A_1315 = arith.mulf %gather3A_1311, %gather3A_1311 : vector<16xf32>
          %add3A_1316 = arith.addf %add3A_1272, %mul3A_1315 : vector<16xf32>
          %mul3A_1317 = arith.mulf %gather3A_1312, %gather3A_1312 : vector<16xf32>
          %add3A_1318 = arith.addf %add3A_1274, %mul3A_1317 : vector<16xf32>
          %add3A_1319 = arith.constant 96 : i32
          %add3A_1320 = vector.broadcast %add3A_1319 : i32 to vector<16xi32>
          %add3A_1321 = arith.addi %add3A_1320, %and3A_125 : vector<16xi32>
          %gather3A_1322 = tpu.vector_load_idx %arg11[%add3A_85, %add3A_1321] : memref<80x128xf32, #tpu.memory_space<vmem>>[vector<16xi32>, vector<16xi32>], vector<16xf32>,
          %gather3A_1323 = tpu.vector_load_idx %arg13[%add3A_85, %add3A_1321] : memref<80x128xf32, #tpu.memory_space<vmem>>[vector<16xi32>, vector<16xi32>], vector<16xf32>,
          %mul3A_1324 = arith.mulf %gather3A_1322, %gather3A_1323 : vector<16xf32>
          %add3A_1325 = arith.addf %add3A_1281, %mul3A_1324 : vector<16xf32>
          %mul3A_1326 = arith.mulf %gather3A_1322, %gather3A_1322 : vector<16xf32>
          %add3A_1327 = arith.addf %add3A_1283, %mul3A_1326 : vector<16xf32>
          %mul3A_1328 = arith.mulf %gather3A_1323, %gather3A_1323 : vector<16xf32>
          %add3A_1329 = arith.addf %add3A_1285, %mul3A_1328 : vector<16xf32>
          %add3A_1330 = arith.constant 96 : i32
          %add3A_1331 = vector.broadcast %add3A_1330 : i32 to vector<16xi32>
          %add3A_1332 = arith.addi %add3A_1331, %and3A_131 : vector<16xi32>
          %gather3A_1333 = tpu.vector_load_idx %arg11[%add3A_85, %add3A_1332] : memref<80x128xf32, #tpu.memory_space<vmem>>[vector<16xi32>, vector<16xi32>], vector<16xf32>,
          %gather3A_1334 = tpu.vector_load_idx %arg13[%add3A_85, %add3A_1332] : memref<80x128xf32, #tpu.memory_space<vmem>>[vector<16xi32>, vector<16xi32>], vector<16xf32>,
          %mul3A_1335 = arith.mulf %gather3A_1333, %gather3A_1334 : vector<16xf32>
          %add3A_1336 = arith.addf %add3A_1292, %mul3A_1335 : vector<16xf32>
          %mul3A_1337 = arith.mulf %gather3A_1333, %gather3A_1333 : vector<16xf32>
          %add3A_1338 = arith.addf %add3A_1294, %mul3A_1337 : vector<16xf32>
          %mul3A_1339 = arith.mulf %gather3A_1334, %gather3A_1334 : vector<16xf32>
          %add3A_1340 = arith.addf %add3A_1296, %mul3A_1339 : vector<16xf32>
          %add3A_1341 = arith.constant 96 : i32
          %add3A_1342 = vector.broadcast %add3A_1341 : i32 to vector<16xi32>
          %add3A_1343 = arith.addi %add3A_1342, %and3A_137 : vector<16xi32>
          %gather3A_1344 = tpu.vector_load_idx %arg11[%add3A_85, %add3A_1343] : memref<80x128xf32, #tpu.memory_space<vmem>>[vector<16xi32>, vector<16xi32>], vector<16xf32>,
          %gather3A_1345 = tpu.vector_load_idx %arg13[%add3A_85, %add3A_1343] : memref<80x128xf32, #tpu.memory_space<vmem>>[vector<16xi32>, vector<16xi32>], vector<16xf32>,
          %mul3A_1346 = arith.mulf %gather3A_1344, %gather3A_1345 : vector<16xf32>
          %add3A_1347 = arith.addf %add3A_1303, %mul3A_1346 : vector<16xf32>
          %mul3A_1348 = arith.mulf %gather3A_1344, %gather3A_1344 : vector<16xf32>
          %add3A_1349 = arith.addf %add3A_1305, %mul3A_1348 : vector<16xf32>
          %mul3A_1350 = arith.mulf %gather3A_1345, %gather3A_1345 : vector<16xf32>
          %add3A_1351 = arith.addf %add3A_1307, %mul3A_1350 : vector<16xf32>
          %add3A_1352 = arith.constant 96 : i32
          %add3A_1353 = vector.broadcast %add3A_1352 : i32 to vector<16xi32>
          %add3A_1354 = arith.addi %add3A_1353, %and3A_143 : vector<16xi32>
          %gather3A_1355 = tpu.vector_load_idx %arg11[%add3A_85, %add3A_1354] : memref<80x128xf32, #tpu.memory_space<vmem>>[vector<16xi32>, vector<16xi32>], vector<16xf32>,
          %gather3A_1356 = tpu.vector_load_idx %arg13[%add3A_85, %add3A_1354] : memref<80x128xf32, #tpu.memory_space<vmem>>[vector<16xi32>, vector<16xi32>], vector<16xf32>,
          %mul3A_1357 = arith.mulf %gather3A_1355, %gather3A_1356 : vector<16xf32>
          %add3A_1358 = arith.addf %add3A_1314, %mul3A_1357 : vector<16xf32>
          %mul3A_1359 = arith.mulf %gather3A_1355, %gather3A_1355 : vector<16xf32>
          %add3A_1360 = arith.addf %add3A_1316, %mul3A_1359 : vector<16xf32>
          %mul3A_1361 = arith.mulf %gather3A_1356, %gather3A_1356 : vector<16xf32>
          %add3A_1362 = arith.addf %add3A_1318, %mul3A_1361 : vector<16xf32>
          %add3A_1363 = arith.constant 96 : i32
          %add3A_1364 = vector.broadcast %add3A_1363 : i32 to vector<16xi32>
          %add3A_1365 = arith.addi %add3A_1364, %and3A_149 : vector<16xi32>
          %gather3A_1366 = tpu.vector_load_idx %arg11[%add3A_85, %add3A_1365] : memref<80x128xf32, #tpu.memory_space<vmem>>[vector<16xi32>, vector<16xi32>], vector<16xf32>,
          %gather3A_1367 = tpu.vector_load_idx %arg13[%add3A_85, %add3A_1365] : memref<80x128xf32, #tpu.memory_space<vmem>>[vector<16xi32>, vector<16xi32>], vector<16xf32>,
          %mul3A_1368 = arith.mulf %gather3A_1366, %gather3A_1367 : vector<16xf32>
          %add3A_1369 = arith.addf %add3A_1325, %mul3A_1368 : vector<16xf32>
          %mul3A_1370 = arith.mulf %gather3A_1366, %gather3A_1366 : vector<16xf32>
          %add3A_1371 = arith.addf %add3A_1327, %mul3A_1370 : vector<16xf32>
          %mul3A_1372 = arith.mulf %gather3A_1367, %gather3A_1367 : vector<16xf32>
          %add3A_1373 = arith.addf %add3A_1329, %mul3A_1372 : vector<16xf32>
          %add3A_1374 = arith.constant 96 : i32
          %add3A_1375 = vector.broadcast %add3A_1374 : i32 to vector<16xi32>
          %add3A_1376 = arith.addi %add3A_1375, %and3A_155 : vector<16xi32>
          %gather3A_1377 = tpu.vector_load_idx %arg11[%add3A_85, %add3A_1376] : memref<80x128xf32, #tpu.memory_space<vmem>>[vector<16xi32>, vector<16xi32>], vector<16xf32>,
          %gather3A_1378 = tpu.vector_load_idx %arg13[%add3A_85, %add3A_1376] : memref<80x128xf32, #tpu.memory_space<vmem>>[vector<16xi32>, vector<16xi32>], vector<16xf32>,
          %mul3A_1379 = arith.mulf %gather3A_1377, %gather3A_1378 : vector<16xf32>
          %add3A_1380 = arith.addf %add3A_1336, %mul3A_1379 : vector<16xf32>
          %mul3A_1381 = arith.mulf %gather3A_1377, %gather3A_1377 : vector<16xf32>
          %add3A_1382 = arith.addf %add3A_1338, %mul3A_1381 : vector<16xf32>
          %mul3A_1383 = arith.mulf %gather3A_1378, %gather3A_1378 : vector<16xf32>
          %add3A_1384 = arith.addf %add3A_1340, %mul3A_1383 : vector<16xf32>
          %add3A_1385 = arith.constant 96 : i32
          %add3A_1386 = vector.broadcast %add3A_1385 : i32 to vector<16xi32>
          %add3A_1387 = arith.addi %add3A_1386, %and3A_161 : vector<16xi32>
          %gather3A_1388 = tpu.vector_load_idx %arg11[%add3A_85, %add3A_1387] : memref<80x128xf32, #tpu.memory_space<vmem>>[vector<16xi32>, vector<16xi32>], vector<16xf32>,
          %gather3A_1389 = tpu.vector_load_idx %arg13[%add3A_85, %add3A_1387] : memref<80x128xf32, #tpu.memory_space<vmem>>[vector<16xi32>, vector<16xi32>], vector<16xf32>,
          %mul3A_1390 = arith.mulf %gather3A_1388, %gather3A_1389 : vector<16xf32>
          %add3A_1391 = arith.addf %add3A_1347, %mul3A_1390 : vector<16xf32>
          %mul3A_1392 = arith.mulf %gather3A_1388, %gather3A_1388 : vector<16xf32>
          %add3A_1393 = arith.addf %add3A_1349, %mul3A_1392 : vector<16xf32>
          %mul3A_1394 = arith.mulf %gather3A_1389, %gather3A_1389 : vector<16xf32>
          %add3A_1395 = arith.addf %add3A_1351, %mul3A_1394 : vector<16xf32>
          %add3A_1396 = arith.constant 96 : i32
          %add3A_1397 = vector.broadcast %add3A_1396 : i32 to vector<16xi32>
          %add3A_1398 = arith.addi %add3A_1397, %and3A_167 : vector<16xi32>
          %gather3A_1399 = tpu.vector_load_idx %arg11[%add3A_85, %add3A_1398] : memref<80x128xf32, #tpu.memory_space<vmem>>[vector<16xi32>, vector<16xi32>], vector<16xf32>,
          %gather3A_1400 = tpu.vector_load_idx %arg13[%add3A_85, %add3A_1398] : memref<80x128xf32, #tpu.memory_space<vmem>>[vector<16xi32>, vector<16xi32>], vector<16xf32>,
          %mul3A_1401 = arith.mulf %gather3A_1399, %gather3A_1400 : vector<16xf32>
          %add3A_1402 = arith.addf %add3A_1358, %mul3A_1401 : vector<16xf32>
          %mul3A_1403 = arith.mulf %gather3A_1399, %gather3A_1399 : vector<16xf32>
          %add3A_1404 = arith.addf %add3A_1360, %mul3A_1403 : vector<16xf32>
          %mul3A_1405 = arith.mulf %gather3A_1400, %gather3A_1400 : vector<16xf32>
          %add3A_1406 = arith.addf %add3A_1362, %mul3A_1405 : vector<16xf32>
          %add3A_1407 = arith.constant 96 : i32
          %add3A_1408 = vector.broadcast %add3A_1407 : i32 to vector<16xi32>
          %add3A_1409 = arith.addi %add3A_1408, %and3A_173 : vector<16xi32>
          %gather3A_1410 = tpu.vector_load_idx %arg11[%add3A_85, %add3A_1409] : memref<80x128xf32, #tpu.memory_space<vmem>>[vector<16xi32>, vector<16xi32>], vector<16xf32>,
          %gather3A_1411 = tpu.vector_load_idx %arg13[%add3A_85, %add3A_1409] : memref<80x128xf32, #tpu.memory_space<vmem>>[vector<16xi32>, vector<16xi32>], vector<16xf32>,
          %mul3A_1412 = arith.mulf %gather3A_1410, %gather3A_1411 : vector<16xf32>
          %add3A_1413 = arith.addf %add3A_1369, %mul3A_1412 : vector<16xf32>
          %mul3A_1414 = arith.mulf %gather3A_1410, %gather3A_1410 : vector<16xf32>
          %add3A_1415 = arith.addf %add3A_1371, %mul3A_1414 : vector<16xf32>
          %mul3A_1416 = arith.mulf %gather3A_1411, %gather3A_1411 : vector<16xf32>
          %add3A_1417 = arith.addf %add3A_1373, %mul3A_1416 : vector<16xf32>
          %add3A_1418 = arith.constant 96 : i32
          %add3A_1419 = vector.broadcast %add3A_1418 : i32 to vector<16xi32>
          %add3A_1420 = arith.addi %add3A_1419, %and3A_179 : vector<16xi32>
          %gather3A_1421 = tpu.vector_load_idx %arg11[%add3A_85, %add3A_1420] : memref<80x128xf32, #tpu.memory_space<vmem>>[vector<16xi32>, vector<16xi32>], vector<16xf32>,
          %gather3A_1422 = tpu.vector_load_idx %arg13[%add3A_85, %add3A_1420] : memref<80x128xf32, #tpu.memory_space<vmem>>[vector<16xi32>, vector<16xi32>], vector<16xf32>,
          %mul3A_1423 = arith.mulf %gather3A_1421, %gather3A_1422 : vector<16xf32>
          %add3A_1424 = arith.addf %add3A_1380, %mul3A_1423 : vector<16xf32>
          %mul3A_1425 = arith.mulf %gather3A_1421, %gather3A_1421 : vector<16xf32>
          %add3A_1426 = arith.addf %add3A_1382, %mul3A_1425 : vector<16xf32>
          %mul3A_1427 = arith.mulf %gather3A_1422, %gather3A_1422 : vector<16xf32>
          %add3A_1428 = arith.addf %add3A_1384, %mul3A_1427 : vector<16xf32>
          %add3A_1429 = arith.constant 96 : i32
          %add3A_1430 = vector.broadcast %add3A_1429 : i32 to vector<16xi32>
          %add3A_1431 = arith.addi %add3A_1430, %and3A_185 : vector<16xi32>
          %gather3A_1432 = tpu.vector_load_idx %arg11[%add3A_85, %add3A_1431] : memref<80x128xf32, #tpu.memory_space<vmem>>[vector<16xi32>, vector<16xi32>], vector<16xf32>,
          %gather3A_1433 = tpu.vector_load_idx %arg13[%add3A_85, %add3A_1431] : memref<80x128xf32, #tpu.memory_space<vmem>>[vector<16xi32>, vector<16xi32>], vector<16xf32>,
          %mul3A_1434 = arith.mulf %gather3A_1432, %gather3A_1433 : vector<16xf32>
          %add3A_1435 = arith.addf %add3A_1391, %mul3A_1434 : vector<16xf32>
          %mul3A_1436 = arith.mulf %gather3A_1432, %gather3A_1432 : vector<16xf32>
          %add3A_1437 = arith.addf %add3A_1393, %mul3A_1436 : vector<16xf32>
          %mul3A_1438 = arith.mulf %gather3A_1433, %gather3A_1433 : vector<16xf32>
          %add3A_1439 = arith.addf %add3A_1395, %mul3A_1438 : vector<16xf32>
          %add3A_1440 = arith.constant 112 : i32
          %add3A_1441 = vector.broadcast %add3A_1440 : i32 to vector<16xi32>
          %add3A_1442 = arith.addi %add3A_1441, %and3A_95 : vector<16xi32>
          %gather3A_1443 = tpu.vector_load_idx %arg11[%add3A_85, %add3A_1442] : memref<80x128xf32, #tpu.memory_space<vmem>>[vector<16xi32>, vector<16xi32>], vector<16xf32>,
          %gather3A_1444 = tpu.vector_load_idx %arg13[%add3A_85, %add3A_1442] : memref<80x128xf32, #tpu.memory_space<vmem>>[vector<16xi32>, vector<16xi32>], vector<16xf32>,
          %mul3A_1445 = arith.mulf %gather3A_1443, %gather3A_1444 : vector<16xf32>
          %add3A_1446 = arith.addf %add3A_1402, %mul3A_1445 : vector<16xf32>
          %mul3A_1447 = arith.mulf %gather3A_1443, %gather3A_1443 : vector<16xf32>
          %add3A_1448 = arith.addf %add3A_1404, %mul3A_1447 : vector<16xf32>
          %mul3A_1449 = arith.mulf %gather3A_1444, %gather3A_1444 : vector<16xf32>
          %add3A_1450 = arith.addf %add3A_1406, %mul3A_1449 : vector<16xf32>
          %add3A_1451 = arith.constant 112 : i32
          %add3A_1452 = vector.broadcast %add3A_1451 : i32 to vector<16xi32>
          %add3A_1453 = arith.addi %add3A_1452, %and3A_101 : vector<16xi32>
          %gather3A_1454 = tpu.vector_load_idx %arg11[%add3A_85, %add3A_1453] : memref<80x128xf32, #tpu.memory_space<vmem>>[vector<16xi32>, vector<16xi32>], vector<16xf32>,
          %gather3A_1455 = tpu.vector_load_idx %arg13[%add3A_85, %add3A_1453] : memref<80x128xf32, #tpu.memory_space<vmem>>[vector<16xi32>, vector<16xi32>], vector<16xf32>,
          %mul3A_1456 = arith.mulf %gather3A_1454, %gather3A_1455 : vector<16xf32>
          %add3A_1457 = arith.addf %add3A_1413, %mul3A_1456 : vector<16xf32>
          %mul3A_1458 = arith.mulf %gather3A_1454, %gather3A_1454 : vector<16xf32>
          %add3A_1459 = arith.addf %add3A_1415, %mul3A_1458 : vector<16xf32>
          %mul3A_1460 = arith.mulf %gather3A_1455, %gather3A_1455 : vector<16xf32>
          %add3A_1461 = arith.addf %add3A_1417, %mul3A_1460 : vector<16xf32>
          %add3A_1462 = arith.constant 112 : i32
          %add3A_1463 = vector.broadcast %add3A_1462 : i32 to vector<16xi32>
          %add3A_1464 = arith.addi %add3A_1463, %and3A_107 : vector<16xi32>
          %gather3A_1465 = tpu.vector_load_idx %arg11[%add3A_85, %add3A_1464] : memref<80x128xf32, #tpu.memory_space<vmem>>[vector<16xi32>, vector<16xi32>], vector<16xf32>,
          %gather3A_1466 = tpu.vector_load_idx %arg13[%add3A_85, %add3A_1464] : memref<80x128xf32, #tpu.memory_space<vmem>>[vector<16xi32>, vector<16xi32>], vector<16xf32>,
          %mul3A_1467 = arith.mulf %gather3A_1465, %gather3A_1466 : vector<16xf32>
          %add3A_1468 = arith.addf %add3A_1424, %mul3A_1467 : vector<16xf32>
          %mul3A_1469 = arith.mulf %gather3A_1465, %gather3A_1465 : vector<16xf32>
          %add3A_1470 = arith.addf %add3A_1426, %mul3A_1469 : vector<16xf32>
          %mul3A_1471 = arith.mulf %gather3A_1466, %gather3A_1466 : vector<16xf32>
          %add3A_1472 = arith.addf %add3A_1428, %mul3A_1471 : vector<16xf32>
          %add3A_1473 = arith.constant 112 : i32
          %add3A_1474 = vector.broadcast %add3A_1473 : i32 to vector<16xi32>
          %add3A_1475 = arith.addi %add3A_1474, %and3A_113 : vector<16xi32>
          %gather3A_1476 = tpu.vector_load_idx %arg11[%add3A_85, %add3A_1475] : memref<80x128xf32, #tpu.memory_space<vmem>>[vector<16xi32>, vector<16xi32>], vector<16xf32>,
          %gather3A_1477 = tpu.vector_load_idx %arg13[%add3A_85, %add3A_1475] : memref<80x128xf32, #tpu.memory_space<vmem>>[vector<16xi32>, vector<16xi32>], vector<16xf32>,
          %mul3A_1478 = arith.mulf %gather3A_1476, %gather3A_1477 : vector<16xf32>
          %add3A_1479 = arith.addf %add3A_1435, %mul3A_1478 : vector<16xf32>
          %mul3A_1480 = arith.mulf %gather3A_1476, %gather3A_1476 : vector<16xf32>
          %add3A_1481 = arith.addf %add3A_1437, %mul3A_1480 : vector<16xf32>
          %mul3A_1482 = arith.mulf %gather3A_1477, %gather3A_1477 : vector<16xf32>
          %add3A_1483 = arith.addf %add3A_1439, %mul3A_1482 : vector<16xf32>
          %add3A_1484 = arith.constant 112 : i32
          %add3A_1485 = vector.broadcast %add3A_1484 : i32 to vector<16xi32>
          %add3A_1486 = arith.addi %add3A_1485, %and3A_119 : vector<16xi32>
          %gather3A_1487 = tpu.vector_load_idx %arg11[%add3A_85, %add3A_1486] : memref<80x128xf32, #tpu.memory_space<vmem>>[vector<16xi32>, vector<16xi32>], vector<16xf32>,
          %gather3A_1488 = tpu.vector_load_idx %arg13[%add3A_85, %add3A_1486] : memref<80x128xf32, #tpu.memory_space<vmem>>[vector<16xi32>, vector<16xi32>], vector<16xf32>,
          %mul3A_1489 = arith.mulf %gather3A_1487, %gather3A_1488 : vector<16xf32>
          %add3A_1490 = arith.addf %add3A_1446, %mul3A_1489 : vector<16xf32>
          %mul3A_1491 = arith.mulf %gather3A_1487, %gather3A_1487 : vector<16xf32>
          %add3A_1492 = arith.addf %add3A_1448, %mul3A_1491 : vector<16xf32>
          %mul3A_1493 = arith.mulf %gather3A_1488, %gather3A_1488 : vector<16xf32>
          %add3A_1494 = arith.addf %add3A_1450, %mul3A_1493 : vector<16xf32>
          %add3A_1495 = arith.constant 112 : i32
          %add3A_1496 = vector.broadcast %add3A_1495 : i32 to vector<16xi32>
          %add3A_1497 = arith.addi %add3A_1496, %and3A_125 : vector<16xi32>
          %gather3A_1498 = tpu.vector_load_idx %arg11[%add3A_85, %add3A_1497] : memref<80x128xf32, #tpu.memory_space<vmem>>[vector<16xi32>, vector<16xi32>], vector<16xf32>,
          %gather3A_1499 = tpu.vector_load_idx %arg13[%add3A_85, %add3A_1497] : memref<80x128xf32, #tpu.memory_space<vmem>>[vector<16xi32>, vector<16xi32>], vector<16xf32>,
          %mul3A_1500 = arith.mulf %gather3A_1498, %gather3A_1499 : vector<16xf32>
          %add3A_1501 = arith.addf %add3A_1457, %mul3A_1500 : vector<16xf32>
          %mul3A_1502 = arith.mulf %gather3A_1498, %gather3A_1498 : vector<16xf32>
          %add3A_1503 = arith.addf %add3A_1459, %mul3A_1502 : vector<16xf32>
          %mul3A_1504 = arith.mulf %gather3A_1499, %gather3A_1499 : vector<16xf32>
          %add3A_1505 = arith.addf %add3A_1461, %mul3A_1504 : vector<16xf32>
          %add3A_1506 = arith.constant 112 : i32
          %add3A_1507 = vector.broadcast %add3A_1506 : i32 to vector<16xi32>
          %add3A_1508 = arith.addi %add3A_1507, %and3A_131 : vector<16xi32>
          %gather3A_1509 = tpu.vector_load_idx %arg11[%add3A_85, %add3A_1508] : memref<80x128xf32, #tpu.memory_space<vmem>>[vector<16xi32>, vector<16xi32>], vector<16xf32>,
          %gather3A_1510 = tpu.vector_load_idx %arg13[%add3A_85, %add3A_1508] : memref<80x128xf32, #tpu.memory_space<vmem>>[vector<16xi32>, vector<16xi32>], vector<16xf32>,
          %mul3A_1511 = arith.mulf %gather3A_1509, %gather3A_1510 : vector<16xf32>
          %add3A_1512 = arith.addf %add3A_1468, %mul3A_1511 : vector<16xf32>
          %mul3A_1513 = arith.mulf %gather3A_1509, %gather3A_1509 : vector<16xf32>
          %add3A_1514 = arith.addf %add3A_1470, %mul3A_1513 : vector<16xf32>
          %mul3A_1515 = arith.mulf %gather3A_1510, %gather3A_1510 : vector<16xf32>
          %add3A_1516 = arith.addf %add3A_1472, %mul3A_1515 : vector<16xf32>
          %add3A_1517 = arith.constant 112 : i32
          %add3A_1518 = vector.broadcast %add3A_1517 : i32 to vector<16xi32>
          %add3A_1519 = arith.addi %add3A_1518, %and3A_137 : vector<16xi32>
          %gather3A_1520 = tpu.vector_load_idx %arg11[%add3A_85, %add3A_1519] : memref<80x128xf32, #tpu.memory_space<vmem>>[vector<16xi32>, vector<16xi32>], vector<16xf32>,
          %gather3A_1521 = tpu.vector_load_idx %arg13[%add3A_85, %add3A_1519] : memref<80x128xf32, #tpu.memory_space<vmem>>[vector<16xi32>, vector<16xi32>], vector<16xf32>,
          %mul3A_1522 = arith.mulf %gather3A_1520, %gather3A_1521 : vector<16xf32>
          %add3A_1523 = arith.addf %add3A_1479, %mul3A_1522 : vector<16xf32>
          %mul3A_1524 = arith.mulf %gather3A_1520, %gather3A_1520 : vector<16xf32>
          %add3A_1525 = arith.addf %add3A_1481, %mul3A_1524 : vector<16xf32>
          %mul3A_1526 = arith.mulf %gather3A_1521, %gather3A_1521 : vector<16xf32>
          %add3A_1527 = arith.addf %add3A_1483, %mul3A_1526 : vector<16xf32>
          %add3A_1528 = arith.constant 112 : i32
          %add3A_1529 = vector.broadcast %add3A_1528 : i32 to vector<16xi32>
          %add3A_1530 = arith.addi %add3A_1529, %and3A_143 : vector<16xi32>
          %gather3A_1531 = tpu.vector_load_idx %arg11[%add3A_85, %add3A_1530] : memref<80x128xf32, #tpu.memory_space<vmem>>[vector<16xi32>, vector<16xi32>], vector<16xf32>,
          %gather3A_1532 = tpu.vector_load_idx %arg13[%add3A_85, %add3A_1530] : memref<80x128xf32, #tpu.memory_space<vmem>>[vector<16xi32>, vector<16xi32>], vector<16xf32>,
          %mul3A_1533 = arith.mulf %gather3A_1531, %gather3A_1532 : vector<16xf32>
          %add3A_1534 = arith.addf %add3A_1490, %mul3A_1533 : vector<16xf32>
          %mul3A_1535 = arith.mulf %gather3A_1531, %gather3A_1531 : vector<16xf32>
          %add3A_1536 = arith.addf %add3A_1492, %mul3A_1535 : vector<16xf32>
          %mul3A_1537 = arith.mulf %gather3A_1532, %gather3A_1532 : vector<16xf32>
          %add3A_1538 = arith.addf %add3A_1494, %mul3A_1537 : vector<16xf32>
          %add3A_1539 = arith.constant 112 : i32
          %add3A_1540 = vector.broadcast %add3A_1539 : i32 to vector<16xi32>
          %add3A_1541 = arith.addi %add3A_1540, %and3A_149 : vector<16xi32>
          %gather3A_1542 = tpu.vector_load_idx %arg11[%add3A_85, %add3A_1541] : memref<80x128xf32, #tpu.memory_space<vmem>>[vector<16xi32>, vector<16xi32>], vector<16xf32>,
          %gather3A_1543 = tpu.vector_load_idx %arg13[%add3A_85, %add3A_1541] : memref<80x128xf32, #tpu.memory_space<vmem>>[vector<16xi32>, vector<16xi32>], vector<16xf32>,
          %mul3A_1544 = arith.mulf %gather3A_1542, %gather3A_1543 : vector<16xf32>
          %add3A_1545 = arith.addf %add3A_1501, %mul3A_1544 : vector<16xf32>
          %mul3A_1546 = arith.mulf %gather3A_1542, %gather3A_1542 : vector<16xf32>
          %add3A_1547 = arith.addf %add3A_1503, %mul3A_1546 : vector<16xf32>
          %mul3A_1548 = arith.mulf %gather3A_1543, %gather3A_1543 : vector<16xf32>
          %add3A_1549 = arith.addf %add3A_1505, %mul3A_1548 : vector<16xf32>
          %add3A_1550 = arith.constant 112 : i32
          %add3A_1551 = vector.broadcast %add3A_1550 : i32 to vector<16xi32>
          %add3A_1552 = arith.addi %add3A_1551, %and3A_155 : vector<16xi32>
          %gather3A_1553 = tpu.vector_load_idx %arg11[%add3A_85, %add3A_1552] : memref<80x128xf32, #tpu.memory_space<vmem>>[vector<16xi32>, vector<16xi32>], vector<16xf32>,
          %gather3A_1554 = tpu.vector_load_idx %arg13[%add3A_85, %add3A_1552] : memref<80x128xf32, #tpu.memory_space<vmem>>[vector<16xi32>, vector<16xi32>], vector<16xf32>,
          %mul3A_1555 = arith.mulf %gather3A_1553, %gather3A_1554 : vector<16xf32>
          %add3A_1556 = arith.addf %add3A_1512, %mul3A_1555 : vector<16xf32>
          %mul3A_1557 = arith.mulf %gather3A_1553, %gather3A_1553 : vector<16xf32>
          %add3A_1558 = arith.addf %add3A_1514, %mul3A_1557 : vector<16xf32>
          %mul3A_1559 = arith.mulf %gather3A_1554, %gather3A_1554 : vector<16xf32>
          %add3A_1560 = arith.addf %add3A_1516, %mul3A_1559 : vector<16xf32>
          %add3A_1561 = arith.constant 112 : i32
          %add3A_1562 = vector.broadcast %add3A_1561 : i32 to vector<16xi32>
          %add3A_1563 = arith.addi %add3A_1562, %and3A_161 : vector<16xi32>
          %gather3A_1564 = tpu.vector_load_idx %arg11[%add3A_85, %add3A_1563] : memref<80x128xf32, #tpu.memory_space<vmem>>[vector<16xi32>, vector<16xi32>], vector<16xf32>,
          %gather3A_1565 = tpu.vector_load_idx %arg13[%add3A_85, %add3A_1563] : memref<80x128xf32, #tpu.memory_space<vmem>>[vector<16xi32>, vector<16xi32>], vector<16xf32>,
          %mul3A_1566 = arith.mulf %gather3A_1564, %gather3A_1565 : vector<16xf32>
          %add3A_1567 = arith.addf %add3A_1523, %mul3A_1566 : vector<16xf32>
          %mul3A_1568 = arith.mulf %gather3A_1564, %gather3A_1564 : vector<16xf32>
          %add3A_1569 = arith.addf %add3A_1525, %mul3A_1568 : vector<16xf32>
          %mul3A_1570 = arith.mulf %gather3A_1565, %gather3A_1565 : vector<16xf32>
          %add3A_1571 = arith.addf %add3A_1527, %mul3A_1570 : vector<16xf32>
          %add3A_1572 = arith.constant 112 : i32
          %add3A_1573 = vector.broadcast %add3A_1572 : i32 to vector<16xi32>
          %add3A_1574 = arith.addi %add3A_1573, %and3A_167 : vector<16xi32>
          %gather3A_1575 = tpu.vector_load_idx %arg11[%add3A_85, %add3A_1574] : memref<80x128xf32, #tpu.memory_space<vmem>>[vector<16xi32>, vector<16xi32>], vector<16xf32>,
          %gather3A_1576 = tpu.vector_load_idx %arg13[%add3A_85, %add3A_1574] : memref<80x128xf32, #tpu.memory_space<vmem>>[vector<16xi32>, vector<16xi32>], vector<16xf32>,
          %mul3A_1577 = arith.mulf %gather3A_1575, %gather3A_1576 : vector<16xf32>
          %add3A_1578 = arith.addf %add3A_1534, %mul3A_1577 : vector<16xf32>
          %mul3A_1579 = arith.mulf %gather3A_1575, %gather3A_1575 : vector<16xf32>
          %add3A_1580 = arith.addf %add3A_1536, %mul3A_1579 : vector<16xf32>
          %mul3A_1581 = arith.mulf %gather3A_1576, %gather3A_1576 : vector<16xf32>
          %add3A_1582 = arith.addf %add3A_1538, %mul3A_1581 : vector<16xf32>
          %add3A_1583 = arith.constant 112 : i32
          %add3A_1584 = vector.broadcast %add3A_1583 : i32 to vector<16xi32>
          %add3A_1585 = arith.addi %add3A_1584, %and3A_173 : vector<16xi32>
          %gather3A_1586 = tpu.vector_load_idx %arg11[%add3A_85, %add3A_1585] : memref<80x128xf32, #tpu.memory_space<vmem>>[vector<16xi32>, vector<16xi32>], vector<16xf32>,
          %gather3A_1587 = tpu.vector_load_idx %arg13[%add3A_85, %add3A_1585] : memref<80x128xf32, #tpu.memory_space<vmem>>[vector<16xi32>, vector<16xi32>], vector<16xf32>,
          %mul3A_1588 = arith.mulf %gather3A_1586, %gather3A_1587 : vector<16xf32>
          %add3A_1589 = arith.addf %add3A_1545, %mul3A_1588 : vector<16xf32>
          %mul3A_1590 = arith.mulf %gather3A_1586, %gather3A_1586 : vector<16xf32>
          %add3A_1591 = arith.addf %add3A_1547, %mul3A_1590 : vector<16xf32>
          %mul3A_1592 = arith.mulf %gather3A_1587, %gather3A_1587 : vector<16xf32>
          %add3A_1593 = arith.addf %add3A_1549, %mul3A_1592 : vector<16xf32>
          %add3A_1594 = arith.constant 112 : i32
          %add3A_1595 = vector.broadcast %add3A_1594 : i32 to vector<16xi32>
          %add3A_1596 = arith.addi %add3A_1595, %and3A_179 : vector<16xi32>
          %gather3A_1597 = tpu.vector_load_idx %arg11[%add3A_85, %add3A_1596] : memref<80x128xf32, #tpu.memory_space<vmem>>[vector<16xi32>, vector<16xi32>], vector<16xf32>,
          %gather3A_1598 = tpu.vector_load_idx %arg13[%add3A_85, %add3A_1596] : memref<80x128xf32, #tpu.memory_space<vmem>>[vector<16xi32>, vector<16xi32>], vector<16xf32>,
          %mul3A_1599 = arith.mulf %gather3A_1597, %gather3A_1598 : vector<16xf32>
          %add3A_1600 = arith.addf %add3A_1556, %mul3A_1599 : vector<16xf32>
          %mul3A_1601 = arith.mulf %gather3A_1597, %gather3A_1597 : vector<16xf32>
          %add3A_1602 = arith.addf %add3A_1558, %mul3A_1601 : vector<16xf32>
          %mul3A_1603 = arith.mulf %gather3A_1598, %gather3A_1598 : vector<16xf32>
          %add3A_1604 = arith.addf %add3A_1560, %mul3A_1603 : vector<16xf32>
          %add3A_1605 = arith.constant 112 : i32
          %add3A_1606 = vector.broadcast %add3A_1605 : i32 to vector<16xi32>
          %add3A_1607 = arith.addi %add3A_1606, %and3A_185 : vector<16xi32>
          %gather3A_1608 = tpu.vector_load_idx %arg11[%add3A_85, %add3A_1607] : memref<80x128xf32, #tpu.memory_space<vmem>>[vector<16xi32>, vector<16xi32>], vector<16xf32>,
          %gather3A_1609 = tpu.vector_load_idx %arg13[%add3A_85, %add3A_1607] : memref<80x128xf32, #tpu.memory_space<vmem>>[vector<16xi32>, vector<16xi32>], vector<16xf32>,
          %mul3A_1610 = arith.mulf %gather3A_1608, %gather3A_1609 : vector<16xf32>
          %add3A_1611 = arith.addf %add3A_1567, %mul3A_1610 : vector<16xf32>
          %mul3A_1612 = arith.mulf %gather3A_1608, %gather3A_1608 : vector<16xf32>
          %add3A_1613 = arith.addf %add3A_1569, %mul3A_1612 : vector<16xf32>
          %mul3A_1614 = arith.mulf %gather3A_1609, %gather3A_1609 : vector<16xf32>
          %add3A_1615 = arith.addf %add3A_1571, %mul3A_1614 : vector<16xf32>
          %add3A_1616 = arith.addf %add3A_1578, %add3A_1589 : vector<16xf32>
          %add3A_1617 = arith.addf %add3A_1600, %add3A_1611 : vector<16xf32>
          %add3A_1618 = arith.addf %add3A_1616, %add3A_1617 : vector<16xf32>
          %swap3A = arith.index_cast %add3A_90 : i32 to index
          %swap3A_1619 = tpu.vector_load %arg16[%swap3A] {strides = array<i32>} : memref<4000xf32, #tpu.memory_space<vmem>>, vector<16xf32>,
          tpu.vector_store %arg16[%swap3A], %add3A_1618 {strides = array<i32>} : memref<4000xf32, #tpu.memory_space<vmem>>, vector<16xf32>,
          %add3A_1620 = arith.addf %add3A_1580, %add3A_1591 : vector<16xf32>
          %add3A_1621 = arith.addf %add3A_1602, %add3A_1613 : vector<16xf32>
          %add3A_1622 = arith.addf %add3A_1620, %add3A_1621 : vector<16xf32>
          %swap3A_1623 = arith.index_cast %add3A_90 : i32 to index
          %swap3A_1624 = tpu.vector_load %arg14[%swap3A_1623] {strides = array<i32>} : memref<4000xf32, #tpu.memory_space<vmem>>, vector<16xf32>,
          tpu.vector_store %arg14[%swap3A_1623], %add3A_1622 {strides = array<i32>} : memref<4000xf32, #tpu.memory_space<vmem>>, vector<16xf32>,
          %add3A_1625 = arith.addf %add3A_1582, %add3A_1593 : vector<16xf32>
          %add3A_1626 = arith.addf %add3A_1604, %add3A_1615 : vector<16xf32>
          %add3A_1627 = arith.addf %add3A_1625, %add3A_1626 : vector<16xf32>
          %swap3A_1628 = arith.index_cast %add3A_90 : i32 to index
          %swap3A_1629 = tpu.vector_load %arg15[%swap3A_1628] {strides = array<i32>} : memref<4000xf32, #tpu.memory_space<vmem>>, vector<16xf32>,
          tpu.vector_store %arg15[%swap3A_1628], %add3A_1627 {strides = array<i32>} : memref<4000xf32, #tpu.memory_space<vmem>>, vector<16xf32>,
        }
        %scan3A_80 = arith.constant 5 : i32
      }
      %scan3A_26 = arith.constant 25 : i32
      "tpu.region"() ({
        %run_scoped3A = tpu.sem_alloc : memref<!tpu.dma_semaphore, #tpu.memory_space<semaphore_mem>>
        %dma_start3A_27 = tpu.memref_slice %arg5[%add3A_11] : memref<640000xf32, #tpu.memory_space<hbm>> -> memref<4000xf32, #tpu.memory_space<hbm>>
        %dma_start3A_28 = tpu.memref_slice %arg5[%add3A_11] : memref<640000xf32, #tpu.memory_space<hbm>> -> memref<4000xf32, #tpu.memory_space<hbm>>
        tpu.enqueue_dma source(%arg14 : memref<4000xf32, #tpu.memory_space<vmem>>) target(%dma_start3A_28 : memref<4000xf32, #tpu.memory_space<hbm>>) target_semaphore(%run_scoped3A : memref<!tpu.dma_semaphore, #tpu.memory_space<semaphore_mem>>)
        %dma_wait3A = tpu.memref_slice %arg5[%add3A_11] : memref<640000xf32, #tpu.memory_space<hbm>> -> memref<4000xf32, #tpu.memory_space<hbm>>
        %dma_wait3A_29 = tpu.memref_slice %arg5[%add3A_11] : memref<640000xf32, #tpu.memory_space<hbm>> -> memref<4000xf32, #tpu.memory_space<hbm>>
        tpu.wait_dma2 semaphore(%run_scoped3A : memref<!tpu.dma_semaphore, #tpu.memory_space<semaphore_mem>>) src(%arg14 : memref<4000xf32, #tpu.memory_space<vmem>>) dst(%dma_wait3A_29 : memref<4000xf32, #tpu.memory_space<hbm>>)
        tpu.yield
      }) : () -> ()
      "tpu.region"() ({
        %run_scoped3A = tpu.sem_alloc : memref<!tpu.dma_semaphore, #tpu.memory_space<semaphore_mem>>
        %dma_start3A_27 = tpu.memref_slice %arg6[%add3A_11] : memref<640000xf32, #tpu.memory_space<hbm>> -> memref<4000xf32, #tpu.memory_space<hbm>>
        %dma_start3A_28 = tpu.memref_slice %arg6[%add3A_11] : memref<640000xf32, #tpu.memory_space<hbm>> -> memref<4000xf32, #tpu.memory_space<hbm>>
        tpu.enqueue_dma source(%arg15 : memref<4000xf32, #tpu.memory_space<vmem>>) target(%dma_start3A_28 : memref<4000xf32, #tpu.memory_space<hbm>>) target_semaphore(%run_scoped3A : memref<!tpu.dma_semaphore, #tpu.memory_space<semaphore_mem>>)
        %dma_wait3A = tpu.memref_slice %arg6[%add3A_11] : memref<640000xf32, #tpu.memory_space<hbm>> -> memref<4000xf32, #tpu.memory_space<hbm>>
        %dma_wait3A_29 = tpu.memref_slice %arg6[%add3A_11] : memref<640000xf32, #tpu.memory_space<hbm>> -> memref<4000xf32, #tpu.memory_space<hbm>>
        tpu.wait_dma2 semaphore(%run_scoped3A : memref<!tpu.dma_semaphore, #tpu.memory_space<semaphore_mem>>) src(%arg15 : memref<4000xf32, #tpu.memory_space<vmem>>) dst(%dma_wait3A_29 : memref<4000xf32, #tpu.memory_space<hbm>>)
        tpu.yield
      }) : () -> ()
      "tpu.region"() ({
        %run_scoped3A = tpu.sem_alloc : memref<!tpu.dma_semaphore, #tpu.memory_space<semaphore_mem>>
        %dma_start3A_27 = tpu.memref_slice %arg7[%add3A_11] : memref<640000xf32, #tpu.memory_space<hbm>> -> memref<4000xf32, #tpu.memory_space<hbm>>
        %dma_start3A_28 = tpu.memref_slice %arg7[%add3A_11] : memref<640000xf32, #tpu.memory_space<hbm>> -> memref<4000xf32, #tpu.memory_space<hbm>>
        tpu.enqueue_dma source(%arg16 : memref<4000xf32, #tpu.memory_space<vmem>>) target(%dma_start3A_28 : memref<4000xf32, #tpu.memory_space<hbm>>) target_semaphore(%run_scoped3A : memref<!tpu.dma_semaphore, #tpu.memory_space<semaphore_mem>>)
        %dma_wait3A = tpu.memref_slice %arg7[%add3A_11] : memref<640000xf32, #tpu.memory_space<hbm>> -> memref<4000xf32, #tpu.memory_space<hbm>>
        %dma_wait3A_29 = tpu.memref_slice %arg7[%add3A_11] : memref<640000xf32, #tpu.memory_space<hbm>> -> memref<4000xf32, #tpu.memory_space<hbm>>
        tpu.wait_dma2 semaphore(%run_scoped3A : memref<!tpu.dma_semaphore, #tpu.memory_space<semaphore_mem>>) src(%arg16 : memref<4000xf32, #tpu.memory_space<vmem>>) dst(%dma_wait3A_29 : memref<4000xf32, #tpu.memory_space<hbm>>)
        tpu.yield
      }) : () -> ()
    }
    %scan3A_7 = arith.constant 5 : i32
    return
  }
}

module attributes {stable_mosaic.version = 14 : i64} {
  func.func @_tc_loss_kernel(%arg0: memref<5000x128xf32, #tpu.memory_space<vmem>>, %arg1: memref<5000x128xf32, #tpu.memory_space<vmem>>, %arg2: memref<5000x128xf32, #tpu.memory_space<vmem>>, %arg3: memref<1x1xf32, #tpu.memory_space<smem>>) attributes {dimension_semantics = [], scalar_prefetch = 0 : i64, scratch_operands = 0 : i64, tpu.core_type = #tpu.core_type<tc>} {
    %get3A = arith.constant 0 : index
    %get3A_0 = arith.constant 0 : index
    %get3A_1 = vector.load %arg0[%get3A, %get3A_0] : memref<5000x128xf32, #tpu.memory_space<vmem>>, vector<5000x128xf32>
    %get3A_2 = arith.constant 0 : index
    %get3A_3 = arith.constant 0 : index
    %get3A_4 = vector.load %arg1[%get3A_2, %get3A_3] : memref<5000x128xf32, #tpu.memory_space<vmem>>, vector<5000x128xf32>
    %get3A_5 = arith.constant 0 : index
    %get3A_6 = arith.constant 0 : index
    %get3A_7 = vector.load %arg2[%get3A_5, %get3A_6] : memref<5000x128xf32, #tpu.memory_space<vmem>>, vector<5000x128xf32>
    %add3A = arith.constant 1.000000e+00 : f32
    %add3A_8 = vector.broadcast %add3A : f32 to vector<5000x128xf32>
    %add3A_9 = arith.addf %add3A_8, %get3A_4 : vector<5000x128xf32>
    %mul3A = arith.constant 2.000000e+00 : f32
    %mul3A_10 = vector.broadcast %mul3A : f32 to vector<5000x128xf32>
    %mul3A_11 = arith.mulf %mul3A_10, %get3A_7 : vector<5000x128xf32>
    %sub3A = arith.subf %add3A_9, %mul3A_11 : vector<5000x128xf32>
    %sub3A_12 = arith.constant 1.000000e+00 : f32
    %sub3A_13 = vector.broadcast %sub3A_12 : f32 to vector<5000x128xf32>
    %sub3A_14 = arith.subf %sub3A_13, %get3A_1 : vector<5000x128xf32>
    %mul3A_15 = arith.mulf %sub3A, %sub3A : vector<5000x128xf32>
    %mul3A_16 = arith.mulf %mul3A_15, %get3A_1 : vector<5000x128xf32>
    %mul3A_17 = arith.constant 2.000000e+00 : f32
    %mul3A_18 = vector.broadcast %mul3A_17 : f32 to vector<5000x128xf32>
    %mul3A_19 = arith.mulf %mul3A_18, %sub3A : vector<5000x128xf32>
    %mul3A_20 = arith.mulf %mul3A_19, %sub3A_14 : vector<5000x128xf32>
    %mul3A_21 = arith.mulf %mul3A_20, %get3A_7 : vector<5000x128xf32>
    %sub3A_22 = arith.subf %mul3A_16, %mul3A_21 : vector<5000x128xf32>
    %mul3A_23 = arith.mulf %sub3A_14, %sub3A_14 : vector<5000x128xf32>
    %mul3A_24 = arith.mulf %mul3A_23, %get3A_4 : vector<5000x128xf32>
    %add3A_25 = arith.addf %sub3A_22, %mul3A_24 : vector<5000x128xf32>
    %max3A = arith.constant 0.000000e+00 : f32
    %max3A_26 = vector.broadcast %max3A : f32 to vector<5000x128xf32>
    %max3A_27 = arith.maximumf %add3A_25, %max3A_26 : vector<5000x128xf32>
    %mul3A_28 = arith.mulf %get3A_1, %get3A_4 : vector<5000x128xf32>
    %add3A_29 = arith.constant 1.000000e+00 : f32
    %add3A_30 = vector.broadcast %add3A_29 : f32 to vector<5000x128xf32>
    %add3A_31 = arith.addf %add3A_30, %mul3A_28 : vector<5000x128xf32>
    %mul3A_32 = arith.constant 2.000000e+00 : f32
    %mul3A_33 = vector.broadcast %mul3A_32 : f32 to vector<5000x128xf32>
    %mul3A_34 = arith.mulf %mul3A_33, %get3A_7 : vector<5000x128xf32>
    %sub3A_35 = arith.subf %add3A_31, %mul3A_34 : vector<5000x128xf32>
    %max3A_36 = arith.constant 1.000000e-15 : f32
    %max3A_37 = vector.broadcast %max3A_36 : f32 to vector<5000x128xf32>
    %max3A_38 = arith.maximumf %sub3A_35, %max3A_37 : vector<5000x128xf32>
    %sqrt3A = math.sqrt %max3A_27 : vector<5000x128xf32>
    %div3A = arith.divf %sqrt3A, %max3A_38 : vector<5000x128xf32>
    %jit3A = arith.constant -0.99999988 : f32
    %jit3A_39 = arith.constant 0.99999988 : f32
    %max3A_40 = vector.broadcast %jit3A : f32 to vector<5000x128xf32>
    %max3A_41 = arith.maximumf %max3A_40, %div3A : vector<5000x128xf32>
    %min3A = vector.broadcast %jit3A_39 : f32 to vector<5000x128xf32>
    %min3A_42 = arith.minimumf %min3A, %max3A_41 : vector<5000x128xf32>
    %log1p3A = math.log1p %min3A_42 : vector<5000x128xf32>
    %neg3A = arith.constant 0.000000e+00 : f32
    %neg3A_43 = vector.broadcast %neg3A : f32 to vector<5000x128xf32>
    %neg3A_44 = arith.subf %neg3A_43, %min3A_42 : vector<5000x128xf32>
    %log1p3A_45 = math.log1p %neg3A_44 : vector<5000x128xf32>
    %sub3A_46 = arith.subf %log1p3A, %log1p3A_45 : vector<5000x128xf32>
    %mul3A_47 = arith.mulf %sub3A_46, %sub3A_46 : vector<5000x128xf32>
    %sub3A_48 = arith.constant 2.000000e+00 : f32
    %sub3A_49 = vector.broadcast %sub3A_48 : f32 to vector<5000x128xf32>
    %sub3A_50 = arith.subf %mul3A_47, %sub3A_49 : vector<5000x128xf32>
    %div3A_51 = arith.constant 1.000000e+00 : f32
    %div3A_52 = vector.broadcast %div3A_51 : f32 to vector<5000x128xf32>
    %div3A_53 = arith.divf %sub3A_50, %div3A_52 : vector<5000x128xf32>
    %exp3A = math.exp %div3A_53 : vector<5000x128xf32>
    %add3A_54 = arith.constant 1.000000e+00 : f32
    %add3A_55 = vector.broadcast %add3A_54 : f32 to vector<5000x128xf32>
    %add3A_56 = arith.addf %exp3A, %add3A_55 : vector<5000x128xf32>
    %div3A_57 = arith.constant 1.000000e+00 : f32
    %div3A_58 = vector.broadcast %div3A_57 : f32 to vector<5000x128xf32>
    %div3A_59 = arith.divf %div3A_58, %add3A_56 : vector<5000x128xf32>
    %add3A_60 = arith.constant 1.000000e-15 : f32
    %add3A_61 = vector.broadcast %add3A_60 : f32 to vector<5000x128xf32>
    %add3A_62 = arith.addf %div3A_59, %add3A_61 : vector<5000x128xf32>
    %log3A = math.log %add3A_62 : vector<5000x128xf32>
    %neg3A_63 = arith.constant 0.000000e+00 : f32
    %neg3A_64 = vector.broadcast %neg3A_63 : f32 to vector<5000x128xf32>
    %neg3A_65 = arith.subf %neg3A_64, %log3A : vector<5000x128xf32>
    %sub3A_66 = arith.constant 1.000000e+00 : f32
    %sub3A_67 = vector.broadcast %sub3A_66 : f32 to vector<5000x128xf32>
    %sub3A_68 = arith.subf %sub3A_67, %div3A_59 : vector<5000x128xf32>
    %add3A_69 = arith.constant 1.000000e-15 : f32
    %add3A_70 = vector.broadcast %add3A_69 : f32 to vector<5000x128xf32>
    %add3A_71 = arith.addf %sub3A_68, %add3A_70 : vector<5000x128xf32>
    %log3A_72 = math.log %add3A_71 : vector<5000x128xf32>
    %neg3A_73 = arith.constant 0.000000e+00 : f32
    %neg3A_74 = vector.broadcast %neg3A_73 : f32 to vector<5000x128xf32>
    %neg3A_75 = arith.subf %neg3A_74, %log3A_72 : vector<5000x128xf32>
    %slice3A = vector.extract_strided_slice %neg3A_65 {offsets = [0, 0], sizes = [2500, 128], strides = [1, 1]} : vector<5000x128xf32> to vector<2500x128xf32>
    %reduce_sum3A = vector.shape_cast %slice3A : vector<2500x128xf32> to vector<1x2500x128xf32>
    %reduce_sum3A_76 = arith.constant dense<0.000000e+00> : vector<1xf32>
    %reduce_sum3A_77 = vector.multi_reduction <add>, %reduce_sum3A, %reduce_sum3A_76 [1, 2] : vector<1x2500x128xf32> to vector<1xf32>
    %reduce_sum3A_78 = vector.shape_cast %reduce_sum3A_77 : vector<1xf32> to vector<1x1x1xf32>
    %reduce_sum3A_79 = vector.extract %reduce_sum3A_78[0, 0, 0] : f32 from vector<1x1x1xf32>
    %slice3A_80 = vector.extract_strided_slice %neg3A_75 {offsets = [2500, 0], sizes = [2500, 128], strides = [1, 1]} : vector<5000x128xf32> to vector<2500x128xf32>
    %reduce_sum3A_81 = vector.shape_cast %slice3A_80 : vector<2500x128xf32> to vector<1x2500x128xf32>
    %reduce_sum3A_82 = arith.constant dense<0.000000e+00> : vector<1xf32>
    %reduce_sum3A_83 = vector.multi_reduction <add>, %reduce_sum3A_81, %reduce_sum3A_82 [1, 2] : vector<1x2500x128xf32> to vector<1xf32>
    %reduce_sum3A_84 = vector.shape_cast %reduce_sum3A_83 : vector<1xf32> to vector<1x1x1xf32>
    %reduce_sum3A_85 = vector.extract %reduce_sum3A_84[0, 0, 0] : f32 from vector<1x1x1xf32>
    %mul3A_86 = arith.constant 3.125000e-06 : f32
    %mul3A_87 = arith.mulf %reduce_sum3A_79, %mul3A_86 : f32
    %div3A_88 = arith.constant 3.200000e+05 : f32
    %div3A_89 = arith.divf %reduce_sum3A_85, %div3A_88 : f32
    %add3A_90 = arith.addf %mul3A_87, %div3A_89 : f32
    %swap3A = arith.constant 0 : index
    %swap3A_91 = arith.constant 0 : index
    %swap3A_92 = memref.load %arg3[%swap3A, %swap3A_91] : memref<1x1xf32, #tpu.memory_space<smem>>
    memref.store %add3A_90, %arg3[%swap3A, %swap3A_91] : memref<1x1xf32, #tpu.memory_space<smem>>
    return
  }
}

</mosaic_0001>

<sc_bundles>
// kernel: kernel.4.cloned.1.call-start
scs
__scs_entry_jumppad:
0x0: {  	(pc) =	sbr.rel $0x88, $3  }
0x1: {  	(tag) =	ssettag $0x0;
	lr =	simm.s32 $0x1  }
0x2: {  	[smem:$0x3F9E] =	sst lr;
	_ =	strace $0xD0000000  }
0x3: {  	_ = 	snop  }
0x4: {  	_ = 	snop  }
0x5: {  	_ = 	snop  }
0x6: {  	_ = 	snop  }
0x7: {  	_ = 	snop  }
__scs_overlays_trampoline_lowered:
0x8: {  	[smem:$0x3FAD] =	sst s0  }
0x9: {  	[smem:$0x3FAE] =	sst s1  }
0xa: {  	[smem:$0x3FAF] =	sst s2  }
0xb: {  	[smem:$0x3FB0] =	sst s3  }
0xc: {  	[smem:$0x3FB1] =	sst s4  }
0xd: {  	[smem:$0x3FB2] =	sst s5  }
0xe: {  	[smem:$0x3FB3] =	sst s6  }
0xf: {  	[smem:$0x3FB4] =	sst s7  }
0x10: {  	[smem:$0x3FB5] =	sst s8  }
0x11: {  	[smem:$0x3FB6] =	sst s9;
	s0 =	simm.s32 @!p0 $0x0  }
0x12: {  	s1 =	sld [smem:$0x3F9C];
	s0 =	simm.s32 @p0 $0x1  }
0x13: {  	[smem:$0x3FB7] =	sst s0;
	s0 =	simm.s32 @!p1 $0x0  }
0x14: {  	s2 =	sld [smem:$0x3F9B];
	s0 =	simm.s32 @p1 $0x1  }
0x15: {  	[smem:$0x3FB8] =	sst s0;
	s0 =	simm.s32 @!p2 $0x0  }
0x16: {  	s3 =	sld [smem:$0x3FDB];
	s0 =	simm.s32 @p2 $0x1  }
0x17: {  	s4 =	simm.s32 $0x1BF5;
	[smem:$0x3FBA] =	sst s0  }
0x18: {  	s0 =	sld [smem:$0x3F9D];
	_ =	swait.ge [sflag:s4], $0x0  }
0x19: {  	s7 =	sld [smem:$0x3F9E]  }
0x1a: {  	s8 =	sadd.s32 $0xFFFFE003, lr  }
0x1b: {  	s9 =	sadd.s32 $0xFFFFFEF7, lr;
	s5 =	simm.s32 $0xFFFFFFFF;
	p2 =	slt.u32 s8, $0xFFFFF086  }
0x1c: {  	p1 =	slt.u32 s9, $0xF7A;
	s5 =	simm.s32 @!p2 $0x0  }
0x1d: {  	s5 =	simm.s32 @p1 $0x1;
	p0 =	seq.s32 s7, s2  }
0x1e: {  	s7 =	smul.u32 @!p0 $0xF7A, s2;
	p2 =	seq.s32 @!p0 s5, $0x0  }
0x1f: {  	s9 =	smul.u32 $0xF7A, s1;
	s8 =	simm.s32 @!p0 $0x1BF5;
	p2 =	por !p2, p0  }
0x20: {  	[sflag:s8] =	ssyncset.s32 @!p0 $0xFFFFF086;
	s6 =	sadd.s32 @!p0 s3, s7;
	s7 =	simm.s32 @!p0 $0x108  }
0x21: {  	s3 =	sadd.s32 s3, s9;
	s6 =	sadd.s32 @!p0 $0x88, s6;
	s7 =	simm.s32 @p2 $0x1082  }
0x22: {  	[simem:s7], [sflag:s8] =	dma.local @!p0 [hbm:s6], $0xF7A  }
0x23: {  	s9 =	sor.u32 $0xD0000000, s2;
	s6 =	simm.s32 $0x108;
	_ =	swait.ge @!p0 [sflag:s8], $0x0  }
0x24: {  	s3 =	sadd.s32 $0x88, s3;
	s6 =	simm.s32 @!p1 $0x1082;
	[sflag:s4] =	ssyncset.s32 $0xFFFFF086  }
0x25: {  	[simem:s6], [sflag:s4] =	dma.local [hbm:s3], $0xF7A  }
0x26: {  	[smem:$0x3F9E] =	sst s1;
	(tag) =	ssettag s2;
	_ =	strace s9  }
0x27: {  	s1 =	sld [smem:$0x3FAE]  }
0x28: {  	s2 =	sld [smem:$0x3FAF]  }
0x29: {  	s4 =	sld [smem:$0x3FB1]  }
0x2a: {  	p0 =	seq.s32 s5, $0x0;
	s5 =	sld [smem:$0x3FB2]  }
0x2b: {  	s6 =	sld [smem:$0x3FB3]  }
0x2c: {  	s7 =	sld [smem:$0x3FB4]  }
0x2d: {  	s3 =	simm.s32 $0x108;
	s8 =	sld [smem:$0x3FB5]  }
0x2e: {  	s3 =	simm.s32 @!p0 $0x1082;
	s9 =	sld [smem:$0x3FB6]  }
0x2f: {  	lr =	sadd.s32 s0, s3;
	s0 =	sld [smem:$0x3FAD]  }
0x30: {  	s3 =	sld [smem:$0x3FB0]  }
0x31: {  	[smem:$0x3FB9] =	sst s10  }
0x32: {  	s10 =	sld [smem:$0x3FB7];
	_ =	sdelay $0x3  }
0x33: {  	p0 =	seq.s32 s10, $0x1;
	s10 =	sld [smem:$0x3FB9];
	_ =	sdelay $0x3  }
0x34: {  	[smem:$0x3FB9] =	sst s10  }
0x35: {  	s10 =	sld [smem:$0x3FB8];
	_ =	sdelay $0x3  }
0x36: {  	p1 =	seq.s32 s10, $0x1;
	s10 =	sld [smem:$0x3FB9];
	_ =	sdelay $0x3  }
0x37: {  	[smem:$0x3FB9] =	sst s10  }
0x38: {  	s10 =	sld [smem:$0x3FBA]  }
0x39: {  	_ = 	snop;
	(pc) =	sbr.ind lr, $3  }
0x3a: {  	_ = 	snop  }
0x3b: {  	_ = 	snop  }
0x3c: {  	p2 =	seq.s32 s10, $0x1;
	s10 =	sld [smem:$0x3FB9]  }
0x3d: {  	_ =	shalt  }
0x3e: {  	_ =	shalt  }
0x3f: {  	_ =	shalt  }
0x40: {  	_ =	shalt  }
0x41: {  	_ =	shalt  }
0x42: {  	_ =	shalt  }
0x43: {  	_ =	shalt  }
0x44: {  	_ =	shalt  }
0x45: {  	_ =	shalt  }
0x46: {  	_ =	shalt  }
0x47: {  	_ =	shalt  }
0x48: {  	_ =	shalt  }
0x49: {  	_ =	shalt  }
0x4a: {  	_ =	shalt  }
0x4b: {  	_ =	shalt  }
0x4c: {  	_ =	shalt  }
0x4d: {  	_ =	shalt  }
0x4e: {  	_ =	shalt  }
0x4f: {  	_ =	shalt  }
0x50: {  	_ =	shalt  }
0x51: {  	_ =	shalt  }
0x52: {  	_ =	shalt  }
0x53: {  	_ =	shalt  }
0x54: {  	_ =	shalt  }
0x55: {  	_ =	shalt  }
0x56: {  	_ =	shalt  }
0x57: {  	_ =	shalt  }
0x58: {  	_ =	shalt  }
0x59: {  	_ =	shalt  }
0x5a: {  	_ =	shalt  }
0x5b: {  	_ =	shalt  }
0x5c: {  	_ =	shalt  }
0x5d: {  	_ =	shalt  }
0x5e: {  	_ =	shalt  }
0x5f: {  	_ =	shalt  }
0x60: {  	_ =	shalt  }
0x61: {  	_ =	shalt  }
0x62: {  	_ =	shalt  }
0x63: {  	_ =	shalt  }
0x64: {  	_ =	shalt  }
0x65: {  	_ =	shalt  }
0x66: {  	_ =	shalt  }
0x67: {  	_ =	shalt  }
0x68: {  	_ =	shalt  }
0x69: {  	_ =	shalt  }
0x6a: {  	_ =	shalt  }
0x6b: {  	_ =	shalt  }
0x6c: {  	_ =	shalt  }
0x6d: {  	_ =	shalt  }
0x6e: {  	_ =	shalt  }
0x6f: {  	_ =	shalt  }
0x70: {  	_ =	shalt  }
0x71: {  	_ =	shalt  }
0x72: {  	_ =	shalt  }
0x73: {  	_ =	shalt  }
0x74: {  	_ =	shalt  }
0x75: {  	_ =	shalt  }
0x76: {  	_ =	shalt  }
0x77: {  	_ =	shalt  }
0x78: {  	_ =	shalt  }
0x79: {  	_ =	shalt  }
0x7a: {  	_ =	shalt  }
0x7b: {  	_ =	shalt  }
0x7c: {  	_ =	shalt  }
0x7d: {  	_ =	shalt  }
0x7e: {  	_ =	shalt  }
0x7f: {  	_ =	shalt  }
0x80: {  	_ =	shalt  }
0x81: {  	_ =	shalt  }
0x82: {  	_ =	shalt  }
0x83: {  	_ =	shalt  }
0x84: {  	_ =	shalt  }
0x85: {  	_ =	shalt  }
0x86: {  	_ =	shalt  }
0x87: {  	_ =	shalt  }
.Lfunc_end0:
.L_simem_size_0:
called_computation_lowered:
.L_overlay_start_0:
0x88: {  	s2 =	sld [smem:$0x3FD9]  }
0x89: {  	s3 =	sld [smem:$0x3FFE];
	_ =	sdelay $0x1  }
0x8a: {  	s1 =	srdreg.scid  }
0x8b: {  	s0 =	sand.u32 $0x1, s1  }
0x8c: {  	s17 =	sshll.u32 s0, $0xA;
	s2 =	sadd.s32 s3, s2  }
0x8d: {  	s2 =	sadd.s32 s2, s17  }
0x8e: {  	[smem:$0x3FC5] =	sst s2  }
0x8f: {  	_ = 	snop  }
0x90: {  	s2 =	sld [smem:$0x3FC9];
	(tm) =	ssettm $0x1  }
0x91: {  	s18 =	sld [smem:$0x3FFB];
	_ =	sdelay $0x3  }
0x92: {  	_ =	strace s18  }
0x93: {  	s3 =	sld [smem:$0x3FFC];
	_ =	sdelay $0x3  }
0x94: {  	_ =	strace s3  }
0x95: {  	s3 =	sld [smem:$0x3FFD];
	_ =	sdelay $0x3  }
0x96: {  	_ =	strace s3  }
0x97: {  	_ =	strace $0x8FFFFFFF  }
0x98: {  	s19 =	sld [smem:$0x3FDB];
	_ =	sdelay $0x1  }
0x99: {  	s4 =	simm.s32 $_scs_section_size  }
0x9a: {  	s5 =	simm.s32 $_size__tile_overlayer_lowered;
	s6 =	simm.s32 $_tile_overlayer_lowered  }
0x9b: {  	s22 =	simm.s32 $0x1BFF;
	s21 =	sshll.u32 s6, $0x1;
	s3 =	sadd.s32 s4, s19  }
0x9c: {  	s7 =	simm.s32 $0x0;
	s20 =	sshll.u32 s5, $0x1;
	s5 =	sadd.s32 s21, s3  }
0x9d: {  	[timem:s7], [sflag:s22] =	dma.local [hbm:s5], s20  }
0x9e: {  	_ =	swait.ge [sflag:s22], s20  }
0x9f: {  	s4 =	ssub.s32 $0x0, s20;
	[sflag:s22] =	ssyncset.done $0x0  }
0xa0: {  	[sflag:s22] =	ssyncadd.s32 s4;
	_ =	sdelay $0x1  }
0xa1: {  	s23 =	simm.s32 $0x1B8B  }
0xa2: {  	_ =	swait.ge [sflag:s23], $0x1  }
0xa3: {  	[sflag:s23] =	ssyncset.done $0x0  }
0xa4: {  	s25 =	simm.s32 $0x1B8E;
	s24 =	sld [smem:$0x3FFE];
	[sflag:s23] =	ssyncadd.s32 $0xFFFFFFFF  }
0xa5: {  	s26 =	simm.s32 $execute0_lowered;
	[smem:$0x3FD2] =	sst s25  }
0xa6: {  	s5 =	sshll.u32 s26, $0x1;
	_ =	strace $0x80000046;
	[dreg:$0x1] =	wrdreg $0xFFFFFFFF  }
0xa7: {  	s28 =	simm.s32 $_size_execute0_lowered;
	s3 =	sadd.s32 s3, s5;
	[dreg:$0x0] =	wrdreg $0x0  }
0xa8: {  	s5 =	sshll.u32 s28, $0x1;
	[dreg:$0x2] =	wrdreg s3  }
0xa9: {  	[dreg:$0x3] =	wrdreg s5  }
0xaa: {  	[dreg:$0x4] =	wrdreg $0xC0  }
0xab: {  	_ =	task [dreg:s7], $0x5FFFF  }
0xac: {  	[dreg:$0x1] =	wrdreg $0xFFFFFFFF  }
0xad: {  	[dreg:$0x0] =	wrdreg $0x60  }
0xae: {  	[dreg:$0x2] =	wrdreg s2  }
0xaf: {  	[dreg:$0x3] =	wrdreg s24  }
0xb0: {  	[dreg:$0x4] =	wrdreg $0x9  }
0xb1: {  	_ =	task.clear_ibuf [dreg:s7], $0x5FFFF;
	_ =	strace $0x90000046  }
0xb2: {  	s29 =	simm.s32 $0x9;
	_ =	strace $0x80000048  }
0xb3: {  	_ =	swait.ge [sflag:s29], $0x1  }
0xb4: {  	[sflag:s29] =	ssyncadd.s32 $0xFFFFFFFF  }
0xb5: {  	_ =	strace $0x90000048  }
0xb6: {  	_ =	sfence  }
0xb7: {  	s30 =	sld [smem:$0x0];
	_ =	sdelay $0x2  }
0xb8: {  	s31 =	sshll.u32 s1, $0xD;
	s1 =	sshrl.u32 s1, $0x2  }
0xb9: {  	s3 =	sand.u32 $0x4000, s31;
	s1 =	sadd.s32 s1, s30  }
0xba: {  	s0 =	sor.u32 s3, s0;
	s1 =	sshll.u32 s1, $0x11  }
0xbb: {  	s0 =	sor.u32 s1, s0  }
0xbc: {  	s0 =	sadd.s32 $0x8F2B, s0  }
0xbd: {  	[sflag:s0] =	ssyncadd.remote.s32 $0x1  }
0xbe: {  	_ =	sfence.sel $0xFFFF  }
0xbf: {  	[dreg:$0x0] =	wrdreg $0xFFFFFFFF;
	(pc) =	sbr.abs _section_cstart, $3  }
0xc0: {  	[dreg:$0x1] =	wrdreg $0xFFFFFFFF  }
0xc1: {  	_ =	task.clear_ibuf [dreg:s7], $0x2FFFF;
	_ =	strace $0x9FFFFFFF  }
0xc2: {  	(tm) =	ssettm $0x7FFFFFFF  }
0xc3: {  	_ =	shalt  }
tec
execute0_lowered:
.L_overlay_start_1:
0x0: {  	(tag) =	ssettag $0x1  }
0x1: {  	v0 =	vimm.s32 $0xFEDCBA9;
	v1 =	vimm.s32 $0x87654321  }
0x2: {  	v2 =	vimm.s32 $0x10FEDCBA;
	v3 =	vimm.s32 $0x98765432;
	v4 =	vimm.s32 $0x210FEDCB  }
0x3: {  	v5 =	vimm.s32 $0xA9876543;
	v9 =	vimm.s32 $0x3210FEDC;
	v10 =	vimm.s32 $0xBA987654  }
0x4: {  	v41 =	vimm.s32 $0x43210FED;
	v42 =	vimm.s32 $0xCBA98765;
	v43 =	vimm.s32 $0x543210FE  }
0x5: {  	v11 =	vimm.s32 $0xDCBA9876;
	v4 =	vunpack.c.l.s4.s8 v4;
	v5 =	vunpack.c.l.s4.s8 v5  }
0x6: {  	v22 =	vimm.s32 $0x1C1B1A19;
	v23 =	vimm.s32 $0x101F1E1D;
	vm0 =	vcmask $0x1F10  }
0x7: {  	v32 =	vimm.s32 $0x14131211;
	v4 =	vunpack.c.0.s8.s32 v4;
	v5 =	vunpack.c.0.s8.s32 v5  }
0x8: {  	v33 =	vimm.s32 $0x18171615;
	v0 =	vunpack.c.l.s4.s8 v0;
	v9 =	vunpack.c.l.s4.s8 v9  }
0x9: {  	v1 =	vunpack.c.l.s4.s8 v1;
	v2 =	vunpack.c.l.s4.s8 v2;
	v8 =	vcombine.low v5, v4  }
0xa: {  	v3 =	vunpack.c.l.s4.s8 v3;
	v10 =	vunpack.c.l.s4.s8 v10;
	v39 =	vunpack.c.0.s8.s32 v9  }
0xb: {  	v9 =	vunpack.c.l.s4.s8 v42;
	v63 =	vand.u32 $0xF, v8;
	v8 =	vunpack.c.l.s4.s8 v41  }
0xc: {  	v11 =	vunpack.c.l.s4.s8 v11;
	v0 =	vunpack.c.0.s8.s32 v0;
	v1 =	vunpack.c.0.s8.s32 v1  }
0xd: {  	v2 =	vunpack.c.0.s8.s32 v2;
	v9 =	vunpack.c.0.s8.s32 v9;
	v8 =	vunpack.c.0.s8.s32 v8  }
0xe: {  	v3 =	vunpack.c.0.s8.s32 v3;
	v40 =	vunpack.c.0.s8.s32 v10;
	v10 =	vunpack.c.l.s4.s8 v43  }
0xf: {  	v11 =	vunpack.c.0.s8.s32 v11;
	v6 =	vcombine.low v1, v0;
	v15 =	vcombine.low v9, v8  }
0x10: {  	v7 =	vcombine.low v3, v2;
	v10 =	vunpack.c.0.s8.s32 v10;
	v0 =	vcombine.low v0, v1  }
0x11: {  	v48 =	vcombine.low v2, v3;
	v44 =	vand.u32 $0xF, v15;
	v15 =	vcombine.low v8, v9  }
0x12: {  	v50 =	vcombine.low v4, v5;
	v2 =	vunpack.c.0.s8.s32 v22;
	v3 =	vunpack.c.0.s8.s32 v23  }
0x13: {  	v1 =	vunpack.c.0.s8.s32 v33;
	v54 =	vand.u32 $0xF, v0;
	v0 =	vand.u32 $0xF, v15  }
0x14: {  	v16 =	vcombine.low v11, v10;
	v58 =	vand.u32 $0xF, v48;
	[tilespmem:$0x1F7B0] =	vst v0;
	v0 =	vunpack.c.0.s8.s32 v32  }
0x15: {  	v21 =	vcombine.low v10, v11;
	v48 =	vimm.s32 $0x2C2B2A29;
	v9 =	vsel vm0, v3, v2  }
0x16: {  	v10 =	vsel vm0, v1, v0;
	v3 =	vsel vm0, v0, v3;
	v0 =	vunpack.c.0.s8.s32 v48  }
0x17: {  	v59 =	vand.u32 $0xF, v50;
	v50 =	vimm.s32 $0x202F2E2D  }
0x18: {  	[tilespmem:$0x1F810] =	vst v0;
	v0 =	vunpack.c.0.s8.s32 v50  }
0x19: {  	v51 =	vimm.s32 $0x24232221  }
0x1a: {  	[tilespmem:$0x1F820] =	vst v0;
	v0 =	vunpack.c.0.s8.s32 v51  }
0x1b: {  	v56 =	vimm.s32 $0x2D2C2B2A  }
0x1c: {  	[tilespmem:$0x1F830] =	vst v0;
	v0 =	vunpack.c.0.s8.s32 v56  }
0x1d: {  	v12 =	vimm.s32 $0x6543210F;
	v13 =	vimm.s32 $0xEDCBA987;
	v57 =	vimm.s32 $0x21202F2E  }
0x1e: {  	v12 =	vunpack.c.l.s4.s8 v12;
	v13 =	vunpack.c.l.s4.s8 v13;
	[tilespmem:$0x1F850] =	vst v0;
	v0 =	vunpack.c.0.s8.s32 v57  }
0x1f: {  	v25 =	vand.u32 $0xF, v21;
	v21 =	vimm.s32 $0x29282726  }
0x20: {  	v12 =	vunpack.c.0.s8.s32 v12;
	v13 =	vunpack.c.0.s8.s32 v13;
	[tilespmem:$0x1F860] =	vst v0;
	v0 =	vunpack.c.0.s8.s32 v21  }
0x21: {  	v22 =	vimm.s32 $0x2E2D2C2B  }
0x22: {  	v24 =	vcombine.low v12, v13;
	[tilespmem:$0x1F880] =	vst v0;
	v0 =	vunpack.c.0.s8.s32 v22  }
0x23: {  	[tilespmem:$0x1F7C0] =	vst v25;
	v25 =	vimm.s32 $0x26252423  }
0x24: {  	v26 =	vand.u32 $0xF, v24;
	[tilespmem:$0x1F890] =	vst v0;
	v0 =	vunpack.c.0.s8.s32 v25  }
0x25: {  	[tilespmem:$0x1F7D0] =	vst v26;
	v26 =	vimm.s32 $0x2A292827  }
0x26: {  	v34 =	vimm.s32 $0x1D1C1B1A;
	v36 =	vimm.s32 $0x11101F1E;
	[tilespmem:$0x1F8B0] =	vst v0;
	v0 =	vunpack.c.0.s8.s32 v26  }
0x27: {  	v35 =	vunpack.c.0.s8.s32 v34;
	v34 =	vimm.s32 $0x23222120;
	v4 =	vunpack.c.0.s8.s32 v36  }
0x28: {  	v37 =	vimm.s32 $0x15141312;
	[tilespmem:$0x1F8C0] =	vst v0;
	v0 =	vunpack.c.0.s8.s32 v34  }
0x29: {  	v38 =	vimm.s32 $0x19181716;
	[tilespmem:$0x1F7E0] =	vst v35;
	v11 =	vsel vm0, v4, v35;
	v35 =	vimm.s32 $0x27262524  }
0x2a: {  	v14 =	vcombine.low v40, v39;
	v60 =	vcombine.low v39, v40;
	[tilespmem:$0x1F8E0] =	vst v0;
	v0 =	vunpack.c.0.s8.s32 v35  }
0x2b: {  	v5 =	vunpack.c.0.s8.s32 v37;
	v39 =	vunpack.c.0.s8.s32 v38;
	v38 =	vimm.s32 $0x3C3B3A39  }
0x2c: {  	[tilespmem:$0x1F8F0] =	vst v0;
	v0 =	vunpack.c.0.s8.s32 v38  }
0x2d: {  	v18 =	vcombine.low v13, v12;
	[tilespmem:$0x1F7F0] =	vst v39;
	v12 =	vsel vm0, v39, v5;
	v39 =	vimm.s32 $0x303F3E3D  }
0x2e: {  	v17 =	vimm.s32 $0xFEDCBA98;
	v42 =	vimm.s32 $0x16151413;
	[tilespmem:$0x1F910] =	vst v0;
	v0 =	vunpack.c.0.s8.s32 v39  }
0x2f: {  	v17 =	vunpack.c.l.s4.s8 v17;
	v15 =	vunpack.c.0.s8.s32 v42;
	v42 =	vimm.s32 $0x38373635  }
0x30: {  	v43 =	vimm.s32 $0x1A191817;
	v46 =	vand.u32 $0xF, v16;
	[tilespmem:$0x1F920] =	vst v0;
	v0 =	vunpack.c.0.s8.s32 v42  }
0x31: {  	v16 =	vunpack.c.0.s8.s32 v43;
	v43 =	vimm.s32 $0x3D3C3B3A;
	[tilespmem:$0x1F7A0] =	vst v46  }
0x32: {  	v47 =	vunpack.c.0.s8.s32 v17;
	v46 =	vimm.s32 $0x17161514;
	[tilespmem:$0x1F940] =	vst v0;
	v0 =	vunpack.c.0.s8.s32 v43  }
0x33: {  	v62 =	vand.u32 $0xF, v7;
	v7 =	vunpack.c.0.s8.s32 v46;
	v46 =	vimm.s32 $0x35343332  }
0x34: {  	v49 =	vand.u32 $0xF, v47;
	v47 =	vimm.s32 $0x1B1A1918;
	[tilespmem:$0x1F950] =	vst v0;
	v0 =	vunpack.c.0.s8.s32 v46  }
0x35: {  	v8 =	vunpack.c.0.s8.s32 v47;
	v47 =	vimm.s32 $0x39383736  }
0x36: {  	[tilespmem:$0x1F970] =	vst v0;
	v0 =	vunpack.c.0.s8.s32 v47  }
0x37: {  	v50 =	vimm.s32 $0x3231303F  }
0x38: {  	[tilespmem:$0x1F980] =	vst v0;
	v0 =	vunpack.c.0.s8.s32 v50  }
0x39: {  	v51 =	vimm.s32 $0x36353433  }
0x3a: {  	[tilespmem:$0x1F9A0] =	vst v0;
	v0 =	vunpack.c.0.s8.s32 v51  }
0x3b: {  	v56 =	vimm.s32 $0x3F3E3D3C  }
0x3c: {  	[tilespmem:$0x1F9B0] =	vst v0;
	v0 =	vunpack.c.0.s8.s32 v56  }
0x3d: {  	v57 =	vimm.s32 $0x33323130  }
0x3e: {  	[tilespmem:$0x1F9D0] =	vst v0;
	v0 =	vunpack.c.0.s8.s32 v57  }
0x3f: {  	v21 =	vimm.s32 $0x3B3A3938  }
0x40: {  	[tilespmem:$0x1F9E0] =	vst v0;
	v0 =	vunpack.c.0.s8.s32 v21  }
0x41: {  	v22 =	vimm.s32 $0x4C4B4A49  }
0x42: {  	[tilespmem:$0x1FA00] =	vst v0;
	v0 =	vunpack.c.0.s8.s32 v22  }
0x43: {  	v25 =	vimm.s32 $0x44434241  }
0x44: {  	[tilespmem:$0x1FA10] =	vst v0;
	v0 =	vunpack.c.0.s8.s32 v25  }
0x45: {  	v26 =	vimm.s32 $0x48474645  }
0x46: {  	[tilespmem:$0x1FA30] =	vst v0;
	v0 =	vunpack.c.0.s8.s32 v26  }
0x47: {  	v34 =	vimm.s32 $0x41404F4E  }
0x48: {  	[tilespmem:$0x1FA40] =	vst v0;
	v0 =	vunpack.c.0.s8.s32 v34  }
0x49: {  	v35 =	vimm.s32 $0x45444342  }
0x4a: {  	v52 =	vimm.s32 $0x28272625;
	[tilespmem:$0x1FA60] =	vst v0;
	v0 =	vunpack.c.0.s8.s32 v35  }
0x4b: {  	v55 =	vunpack.c.0.s8.s32 v52;
	v38 =	vimm.s32 $0x4E4D4C4B  }
0x4c: {  	v52 =	vimm.s32 $0x3A393837;
	[tilespmem:$0x1FA70] =	vst v0;
	v0 =	vunpack.c.0.s8.s32 v38  }
0x4d: {  	[tilespmem:$0x1F840] =	vst v55;
	v55 =	vunpack.c.0.s8.s32 v52;
	v39 =	vimm.s32 $0x4241404F  }
0x4e: {  	v52 =	vimm.s32 $0x58575655;
	[tilespmem:$0x1FA90] =	vst v0;
	v0 =	vunpack.c.0.s8.s32 v39  }
0x4f: {  	[tilespmem:$0x1F9C0] =	vst v55;
	v55 =	vunpack.c.0.s8.s32 v52;
	v42 =	vimm.s32 $0x4A494847  }
0x50: {  	[tilespmem:$0x1FAA0] =	vst v0;
	v0 =	vunpack.c.0.s8.s32 v42  }
0x51: {  	[tilespmem:$0x1FB40] =	vst v55;
	v43 =	vimm.s32 $0x4F4E4D4C  }
0x52: {  	v36 =	vimm.s32 $0x2B2A2928;
	v14 =	vand.u32 $0xF, v14;
	[tilespmem:$0x1FAC0] =	vst v0;
	v0 =	vunpack.c.0.s8.s32 v43  }
0x53: {  	v37 =	vunpack.c.0.s8.s32 v36;
	[tilespmem:$0x1F780] =	vst v14;
	v46 =	vimm.s32 $0x47464544  }
0x54: {  	v23 =	vimm.s32 $0x2221202F;
	[tilespmem:$0x1FAD0] =	vst v0;
	v0 =	vunpack.c.0.s8.s32 v46  }
0x55: {  	v24 =	vunpack.c.0.s8.s32 v23;
	[tilespmem:$0x1F900] =	vst v37;
	v47 =	vimm.s32 $0x4B4A4948  }
0x56: {  	v52 =	vimm.s32 $0x6A696867;
	[tilespmem:$0x1FAF0] =	vst v0;
	v0 =	vunpack.c.0.s8.s32 v47  }
0x57: {  	v19 =	vimm.s32 $0x76543210;
	v55 =	vunpack.c.0.s8.s32 v52;
	[tilespmem:$0x1F8A0] =	vst v24;
	v50 =	vimm.s32 $0x505F5E5D  }
0x58: {  	v45 =	vunpack.c.l.s4.s8 v19;
	v36 =	vimm.s32 $0x49484746;
	[tilespmem:$0x1FB00] =	vst v0;
	v0 =	vunpack.c.0.s8.s32 v50  }
0x59: {  	v37 =	vunpack.c.0.s8.s32 v36;
	[tilespmem:$0x1FCC0] =	vst v55;
	v51 =	vimm.s32 $0x54535251  }
0x5a: {  	v40 =	vimm.s32 $0x1E1D1C1B;
	v14 =	vunpack.c.0.s8.s32 v45;
	[tilespmem:$0x1FB20] =	vst v0;
	v0 =	vunpack.c.0.s8.s32 v51  }
0x5b: {  	v23 =	vimm.s32 $0x404F4E4D;
	[tilespmem:$0x1FA80] =	vst v37;
	v56 =	vimm.s32 $0x5D5C5B5A  }
0x5c: {  	v53 =	vcombine.low v49, v14;
	v49 =	vsel vm0, v5, v4;
	[tilespmem:$0x1FB30] =	vst v0;
	v0 =	vunpack.c.0.s8.s32 v56  }
0x5d: {  	v13 =	vunpack.c.0.s8.s32 v40;
	v24 =	vunpack.c.0.s8.s32 v23;
	[tilespmem:$0x1F800] =	vst v49;
	v57 =	vimm.s32 $0x51505F5E  }
0x5e: {  	v40 =	vimm.s32 $0x34333231;
	v41 =	vimm.s32 $0x1211101F;
	[tilespmem:$0x1FB50] =	vst v0;
	v0 =	vunpack.c.0.s8.s32 v57  }
0x5f: {  	v14 =	vunpack.c.0.s8.s32 v41;
	v41 =	vunpack.c.0.s8.s32 v40;
	[tilespmem:$0x1FA20] =	vst v24;
	v21 =	vimm.s32 $0x59585756  }
0x60: {  	v36 =	vimm.s32 $0x5B5A5958;
	[tilespmem:$0x1FB60] =	vst v0;
	v0 =	vunpack.c.0.s8.s32 v21  }
0x61: {  	v37 =	vunpack.c.0.s8.s32 v36;
	[tilespmem:$0x1F930] =	vst v41;
	v22 =	vimm.s32 $0x5E5D5C5B  }
0x62: {  	v4 =	vimm.s32 $0x25242322;
	[tilespmem:$0x1FB80] =	vst v0;
	v0 =	vunpack.c.0.s8.s32 v22  }
0x63: {  	v5 =	vunpack.c.0.s8.s32 v4;
	[tilespmem:$0x1FC00] =	vst v37;
	v25 =	vimm.s32 $0x56555453  }
0x64: {  	v23 =	vimm.s32 $0x5251505F;
	[tilespmem:$0x1FB90] =	vst v0;
	v0 =	vunpack.c.0.s8.s32 v25  }
0x65: {  	v24 =	vunpack.c.0.s8.s32 v23;
	[tilespmem:$0x1F870] =	vst v5;
	v26 =	vimm.s32 $0x5A595857  }
0x66: {  	[tilespmem:$0x1FBB0] =	vst v0;
	v0 =	vunpack.c.0.s8.s32 v26  }
0x67: {  	[tilespmem:$0x1FBA0] =	vst v24;
	v34 =	vimm.s32 $0x53525150  }
0x68: {  	v40 =	vimm.s32 $0x46454443;
	[tilespmem:$0x1FBC0] =	vst v0;
	v0 =	vunpack.c.0.s8.s32 v34  }
0x69: {  	v41 =	vunpack.c.0.s8.s32 v40;
	[tilespmem:$0x1F790] =	vst v44;
	v35 =	vimm.s32 $0x57565554  }
0x6a: {  	v4 =	vimm.s32 $0x37363534;
	[tilespmem:$0x1FBE0] =	vst v0;
	v0 =	vunpack.c.0.s8.s32 v35  }
0x6b: {  	v5 =	vunpack.c.0.s8.s32 v4;
	[tilespmem:$0x1FAB0] =	vst v41;
	v38 =	vimm.s32 $0x6C6B6A69  }
0x6c: {  	v23 =	vimm.s32 $0x707F7E7D;
	[tilespmem:$0x1FBF0] =	vst v0;
	v0 =	vunpack.c.0.s8.s32 v38  }
0x6d: {  	v24 =	vunpack.c.0.s8.s32 v23;
	[tilespmem:$0x1F9F0] =	vst v5;
	v39 =	vimm.s32 $0x606F6E6D  }
0x6e: {  	v40 =	vimm.s32 $0x64636261;
	[tilespmem:$0x1FC10] =	vst v0;
	v0 =	vunpack.c.0.s8.s32 v39  }
0x6f: {  	v61 =	vand.u32 $0xF, v6;
	v41 =	vunpack.c.0.s8.s32 v40;
	[tilespmem:$0x1FD20] =	vst v24;
	v42 =	vimm.s32 $0x68676665  }
0x70: {  	v45 =	vimm.s32 $0x13121110;
	v4 =	vimm.s32 $0x55545352;
	[tilespmem:$0x1FC20] =	vst v0;
	v0 =	vunpack.c.0.s8.s32 v42  }
0x71: {  	v44 =	vimm.s32 $0x1F1E1D1C;
	v5 =	vunpack.c.0.s8.s32 v4;
	[tilespmem:$0x1FC30] =	vst v41;
	v43 =	vimm.s32 $0x6D6C6B6A  }
0x72: {  	v17 =	vunpack.c.0.s8.s32 v44;
	v44 =	vimm.s32 $0x31303F3E;
	[tilespmem:$0x1FC40] =	vst v0;
	v0 =	vunpack.c.0.s8.s32 v43  }
0x73: {  	v6 =	vunpack.c.0.s8.s32 v45;
	v45 =	vunpack.c.0.s8.s32 v44;
	[tilespmem:$0x1FB70] =	vst v5;
	v46 =	vimm.s32 $0x65646362  }
0x74: {  	v32 =	vimm.s32 $0x2F2E2D2C;
	[tilespmem:$0x1FC50] =	vst v0;
	v0 =	vunpack.c.0.s8.s32 v46  }
0x75: {  	v33 =	vunpack.c.0.s8.s32 v32;
	[tilespmem:$0x1F960] =	vst v45;
	v47 =	vimm.s32 $0x69686766  }
0x76: {  	v4 =	vimm.s32 $0x67666564;
	[tilespmem:$0x1FC70] =	vst v0;
	v0 =	vunpack.c.0.s8.s32 v47  }
0x77: {  	v5 =	vunpack.c.0.s8.s32 v4;
	[tilespmem:$0x1F8D0] =	vst v33;
	v50 =	vimm.s32 $0x6261606F  }
0x78: {  	v44 =	vimm.s32 $0x43424140;
	[tilespmem:$0x1FC80] =	vst v0;
	v0 =	vunpack.c.0.s8.s32 v50  }
0x79: {  	v45 =	vunpack.c.0.s8.s32 v44;
	[tilespmem:$0x1FCF0] =	vst v5;
	v51 =	vimm.s32 $0x66656463  }
0x7a: {  	v48 =	vimm.s32 $0x3E3D3C3B;
	[tilespmem:$0x1FCA0] =	vst v0;
	v0 =	vunpack.c.0.s8.s32 v51  }
0x7b: {  	v49 =	vunpack.c.0.s8.s32 v48;
	[tilespmem:$0x1FAE0] =	vst v45;
	v56 =	vimm.s32 $0x6F6E6D6C  }
0x7c: {  	v32 =	vimm.s32 $0x4D4C4B4A;
	[tilespmem:$0x1FCB0] =	vst v0;
	v0 =	vunpack.c.0.s8.s32 v56  }
0x7d: {  	v33 =	vunpack.c.0.s8.s32 v32;
	[tilespmem:$0x1F990] =	vst v49;
	v57 =	vimm.s32 $0x63626160  }
0x7e: {  	v44 =	vimm.s32 $0x61606F6E;
	[tilespmem:$0x1FCD0] =	vst v0;
	v0 =	vunpack.c.0.s8.s32 v57  }
0x7f: {  	v45 =	vunpack.c.0.s8.s32 v44;
	[tilespmem:$0x1FA50] =	vst v33;
	v21 =	vimm.s32 $0x6B6A6968  }
0x80: {  	v48 =	vimm.s32 $0x5C5B5A59;
	[tilespmem:$0x1FCE0] =	vst v0;
	v0 =	vunpack.c.0.s8.s32 v21  }
0x81: {  	v49 =	vunpack.c.0.s8.s32 v48;
	[tilespmem:$0x1FC60] =	vst v45;
	v22 =	vimm.s32 $0x7C7B7A79  }
0x82: {  	v32 =	vimm.s32 $0x5F5E5D5C;
	[tilespmem:$0x1FD00] =	vst v0;
	v0 =	vunpack.c.0.s8.s32 v22  }
0x83: {  	v33 =	vunpack.c.0.s8.s32 v32;
	[tilespmem:$0x1FB10] =	vst v49;
	v25 =	vimm.s32 $0x74737271  }
0x84: {  	v48 =	vimm.s32 $0x6E6D6C6B;
	[tilespmem:$0x1FD10] =	vst v0;
	v0 =	vunpack.c.0.s8.s32 v25  }
0x85: {  	[tilespmem:$0x1FBD0] =	vst v33;
	v49 =	vunpack.c.0.s8.s32 v48;
	v26 =	vimm.s32 $0x78777675  }
0x86: {  	v32 =	vimm.s32 $0x7D7C7B7A;
	[tilespmem:$0x1FD30] =	vst v0;
	v0 =	vunpack.c.0.s8.s32 v26  }
0x87: {  	v33 =	vunpack.c.0.s8.s32 v32;
	[tilespmem:$0x1FC90] =	vst v49;
	v34 =	vimm.s32 $0x71707F7E  }
0x88: {  	v36 =	vimm.s32 $0x79787776;
	[tilespmem:$0x1FD40] =	vst v0;
	v0 =	vunpack.c.0.s8.s32 v34  }
0x89: {  	s0 =	rddreg [dreg:$0x0];
	s3 =	simm.s32 $0x0;
	v37 =	vunpack.c.0.s8.s32 v36;
	v40 =	vimm.s32 $0x76757473;
	[tilespmem:$0x1FD50] =	vst v33  }
0x8a: {  	[smem:$0x7FF] =	sst s3;
	v41 =	vunpack.c.0.s8.s32 v40;
	v44 =	vimm.s32 $0x73727170;
	[tilespmem:$0x1FD60] =	vst v0  }
0x8b: {  	s8 =	rddreg [dreg:$0x1];
	v45 =	vunpack.c.0.s8.s32 v44;
	_ =	strace $0x80000047;
	[tilespmem:$0x1FD80] =	vst v37  }
0x8c: {  	[tilespmem:$0x1FDB0] =	vst v41  }
0x8d: {  	[tilespmem:$0x1FDE0] =	vst v45  }
0x8e: {  	v48 =	vcombine.low v10, v9;
	[tilespmem:$0x1FE10] =	vst v9  }
0x8f: {  	[tilespmem:$0x1FE20] =	vst v10  }
0x90: {  	[tilespmem:$0x1FE30] =	vst v48  }
0x91: {  	v49 =	vcombine.low v12, v11;
	[tilespmem:$0x1FE40] =	vst v11  }
0x92: {  	[tilespmem:$0x1FE50] =	vst v12  }
0x93: {  	[tilespmem:$0x1FE60] =	vst v49  }
0x94: {  	[tilespmem:$0x1FE70] =	vst v13  }
0x95: {  	[tilespmem:$0x1FE80] =	vst v14  }
0x96: {  	[tilespmem:$0x1FE90] =	vst v15  }
0x97: {  	v50 =	vsel vm0, v14, v13;
	[tilespmem:$0x1FEA0] =	vst v16  }
0x98: {  	v51 =	vsel vm0, v16, v15;
	[tilespmem:$0x1FEB0] =	vst v50  }
0x99: {  	[tilespmem:$0x1FEC0] =	vst v51  }
0x9a: {  	[tilespmem:$0x1FEE0] =	vst v17  }
0x9b: {  	[tilespmem:$0x1FEF0] =	vst v6  }
0x9c: {  	v29 =	vand.u32 $0xF, v18;
	v18 =	vlaneseq.u32;
	[tilespmem:$0x1FF00] =	vst v7  }
0x9d: {  	v56 =	vor.u32 $0x10, v18;
	[tilespmem:$0x1FF10] =	vst v8  }
0x9e: {  	v52 =	vsel vm0, v6, v17;
	[tilespmem:$0x1FF20] =	vst v56  }
0x9f: {  	v55 =	vsel vm0, v8, v7;
	[tilespmem:$0x1FF30] =	vst v52  }
0xa0: {  	v35 =	vimm.s32 $0x75747372;
	[tilespmem:$0x1FF40] =	vst v55  }
0xa1: {  	v2 =	vsel vm0, v2, v1;
	v0 =	vunpack.c.0.s8.s32 v35;
	[tilespmem:$0x1FF60] =	vst v3  }
0xa2: {  	v38 =	vimm.s32 $0x7E7D7C7B;
	v57 =	vcombine.low v2, v3;
	[tilespmem:$0x1FF70] =	vst v2  }
0xa3: {  	[tilespmem:$0x1FD70] =	vst v0;
	v0 =	vunpack.c.0.s8.s32 v38  }
0xa4: {  	v39 =	vimm.s32 $0x7271707F;
	[tilespmem:$0x1FF80] =	vst v57  }
0xa5: {  	[tilespmem:$0x1FD90] =	vst v0;
	v0 =	vunpack.c.0.s8.s32 v39  }
0xa6: {  	v19 =	vmul.u32 $0x80, v18;
	v42 =	vimm.s32 $0x7A797877;
	[tilespmem:$0x1FF90] =	vst v29  }
0xa7: {  	[tilespmem:$0x1FDA0] =	vst v0;
	v0 =	vunpack.c.0.s8.s32 v42  }
0xa8: {  	v43 =	vimm.s32 $0x7F7E7D7C;
	[tilespmem:$0x1FFA0] =	vst v19  }
0xa9: {  	[tilespmem:$0x1FDC0] =	vst v0;
	v0 =	vunpack.c.0.s8.s32 v43  }
0xaa: {  	v46 =	vimm.s32 $0x77767574;
	[tilespmem:$0x1FFB0] =	vst v59  }
0xab: {  	s1 =	srdreg.scid;
	s9 =	stileid.u32;
	v60 =	vand.u32 $0xF, v60;
	[tilespmem:$0x1FDD0] =	vst v0;
	v0 =	vunpack.c.0.s8.s32 v46  }
0xac: {  	s11 =	simm.s32 $0x3;
	s12 =	simm.s32 $0x1000;
	s13 =	simm.s32 $0x50;
	v47 =	vimm.s32 $0x7B7A7978;
	[tilespmem:$0x1FFC0] =	vst v60  }
0xad: {  	s14 =	simm.s32 $0x2000;
	s15 =	simm.s32 $0x7000;
	s16 =	simm.s32 $0x4800;
	[tilespmem:$0x1FDF0] =	vst v0;
	v0 =	vunpack.c.0.s8.s32 v47  }
0xae: {  	s17 =	simm.s32 $0x9800;
	s18 =	simm.s32 $0x1;
	s1 =	sand.u32 $0x1, s1;
	[tilespmem:$0x1FFD0] =	vst v53  }
0xaf: {  	s19 =	simm.s32 $0x2;
	s22 =	simm.s32 $0xE000;
	s2 =	ssub.s32 $0x2, s1;
	[tilespmem:$0x1FE00] =	vst v0;
	v0 =	vcombine.low v51, v50  }
0xb0: {  	s4 =	sadd.s32 $0x13A00, s8;
	s6 =	sadd.s32 $0x27400, s8;
	s5 =	sshrl.u32 s2, $0x1;
	[tilespmem:$0x1FFE0] =	vst v54  }
0xb1: {  	s7 =	sadd.s32 $0x3AE00, s8;
	s9 =	sshll.u32 s9, $0x1;
	s2 =	ssub.s32 s2, s5;
	[tilespmem:$0x1FED0] =	vst v0;
	v0 =	vcombine.low v55, v52  }
0xb2: {  	s8 =	sadd.s32 $0x4E800, s8;
	s1 =	sor.u32 s1, s9;
	s31 =	smax.u32 s2, $0x1;
	[tilespmem:$0x1FFF0] =	vst v63  }
0xb3: {  	s9 =	smul.u32 $0x4E20, s1;
	s2 =	simm.s32 $0x0;
	[dreg:$0x3] =	wrdreg s31;
	[tilespmem:$0x1FF50] =	vst v0  }
.LBB2_1:
0xb4: {  	[dreg:$0x4] =	wrdreg s2;
	s24 =	simm.s32 $0x0  }
.LBB2_2:
0xb5: {  	s1 =	smul.u32 $0xFA0, s24;
	_ =	sdelay $0x1  }
0xb6: {  	s1 =	sadd.s32 s9, s1  }
0xb7: {  	s29 =	rddreg [dreg:$0x1];
	s25 =	sshrl.u32 s1, $0x3  }
0xb8: {  	s26 =	simm.s32 $0x0;
	s1 =	sadd.s32 s29, s25  }
0xb9: {  	[tilespmem:s26], [sflag:$0x3] =	stream.linear.gather [hbm4b:s1+s26], $0xFA0, $0x38;
	[tilespmem:$0xF000] =	vst v63  }
0xba: {  	_ =	swait.ge [sflag:s11], $0xFA0  }
0xbb: {  	[sflag:s11] =	ssyncset.done $0x0  }
0xbc: {  	s30 =	sadd.s32 s4, s25;
	[sflag:s11] =	ssyncadd.s32 $0xFFFFF060  }
0xbd: {  	[tilespmem:s12], [sflag:$0x3] =	stream.linear.gather [hbm4b:s30+s26], $0xFA0, $0x38;
	[tilespmem:$0xF000] =	vst v63  }
0xbe: {  	_ =	swait.ge [sflag:s11], $0xFA0  }
0xbf: {  	s20 =	simm.s32 $0xE000;
	[sflag:s11] =	ssyncset.done $0x0  }
0xc0: {  	s2 =	simm.s32 $0xC000;
	s23 =	simm.s32 $0xD000;
	[sflag:s11] =	ssyncadd.s32 $0xFFFFF060  }
0xc1: {  	[tilespmem:s14], [sflag:$0x1] =	stream.indirect.gather [hbm4b:s0+s13], $0x80, s26, s13, $0xb8;
	[tilespmem:$0xF000] =	vst v63  }
0xc2: {  	s31 =	simm.s32 $0xE050;
	s5 =	simm.s32 $0xD050;
	s1 =	simm.s32 $0xC050  }
0xc3: {  	[tilespmem:s15], [sflag:$0x1] =	stream.indirect.gather [hbm4b:s0+s13], $0x80, s12, s13, $0xb8;
	[tilespmem:$0xF000] =	vst v63  }
.LBB2_3:
0xc4: {  	s10 =	smul.u32 $0xA0, s26;
	_ =	sdelay $0x1  }
0xc5: {  	s21 =	sadd.s32 $0x50, s10  }
0xc6: {  	[tilespmem:s16], [sflag:$0x2] =	stream.indirect.gather [hbm4b:s0+s13], $0x80, s21, s13, $0xb8;
	[tilespmem:$0xF000] =	vst v63  }
0xc7: {  	s21 =	sadd.s32 $0x1050, s10  }
0xc8: {  	[tilespmem:s17], [sflag:$0x2] =	stream.indirect.gather [hbm4b:s0+s13], $0x80, s21, s13, $0xb8;
	[tilespmem:$0xF000] =	vst v63  }
0xc9: {  	_ =	swait.ge [sflag:s18], $0x2800  }
0xca: {  	[sflag:s18] =	ssyncset.done $0x0  }
0xcb: {  	[sflag:s18] =	ssyncadd.s32 $0xFFFFD800  }
0xcc: {  	_ =	swait.ge [sflag:s18], $0x2800  }
0xcd: {  	s30 =	smov.u32 s23;
	s29 =	smov.u32 s2;
	[sflag:s18] =	ssyncset.done $0x0  }
0xce: {  	s28 =	smov.u32 s20;
	s21 =	simm.s32 $0x0;
	[sflag:s18] =	ssyncadd.s32 $0xFFFFD800  }
.LBB2_4:
0xcf: {  	_ =	sdelay $0x1  }
0xd0: {  	v0 =	vmov s21  }
0xd1: {  	v0 =	vshll.u32 v0, $0x7  }
0xd2: {  	v6 =	vld [tilespmem:$0x1F780];
	v45 =	vor.u32 v19, v0  }
0xd3: {  	v9 =	vld [tilespmem:$0x1F790];
	v0 =	vor.u32 v18, v45  }
0xd4: {  	v11 =	vld [tilespmem:$0x1F7A0]  }
0xd5: {  	v55 =	vld [tilespmem:$0x1FF20];
	v1 =	vor.u32 v61, v45  }
0xd6: {  	v24 =	vld [tilespmem:$0x1FE30]  }
0xd7: {  	v28 =	vld [tilespmem:$0x1F800];
	v2 =	vor.u32 v62, v45  }
0xd8: {  	v3 =	vld.idx.msk [tilespmem:v0+s14+$0x0], $0xffff  }
0xd9: {  	v4 =	vor.u32 v63, v45;
	v0 =	vld.idx.msk [tilespmem:v0+s15+$0x0], $0xffff  }
0xda: {  	v5 =	vld.idx.msk [tilespmem:v1+s14+$0x0], $0xffff  }
0xdb: {  	v6 =	vor.u32 v6, v45;
	v1 =	vld.idx.msk [tilespmem:v1+s15+$0x0], $0xffff  }
0xdc: {  	v7 =	vld.idx.msk [tilespmem:v2+s14+$0x0], $0xffff  }
0xdd: {  	v2 =	vld.idx.msk [tilespmem:v2+s15+$0x0], $0xffff  }
0xde: {  	v9 =	vor.u32 v9, v45;
	v8 =	vld.idx.msk [tilespmem:v4+s14+$0x0], $0xffff  }
0xdf: {  	v4 =	vld.idx.msk [tilespmem:v4+s15+$0x0], $0xffff  }
0xe0: {  	v11 =	vor.u32 v11, v45;
	v10 =	vld.idx.msk [tilespmem:v6+s14+$0x0], $0xffff  }
0xe1: {  	v6 =	vld.idx.msk [tilespmem:v6+s15+$0x0], $0xffff;
	v12 =	vmul.f32 v0, v3  }
0xe2: {  	v25 =	vld [tilespmem:$0x1FE80];
	v14 =	vor.u32 v29, v45;
	v3 =	vmul.f32 v3, v3;
	v0 =	vmul.f32 v0, v0  }
0xe3: {  	v19 =	vor.u32 v53, v45;
	v16 =	vld.idx.msk [tilespmem:v9+s14+$0x0], $0xffff;
	v13 =	vmul.f32 v1, v5;
	v5 =	vmul.f32 v5, v5  }
0xe4: {  	v22 =	vor.u32 v54, v45;
	v9 =	vld.idx.msk [tilespmem:v9+s15+$0x0], $0xffff;
	v15 =	vmul.f32 v2, v7;
	v1 =	vmul.f32 v1, v1  }
0xe5: {  	v23 =	vor.u32 v59, v45;
	v18 =	vld.idx.msk [tilespmem:v11+s14+$0x0], $0xffff;
	v17 =	vmul.f32 v4, v8;
	v7 =	vmul.f32 v7, v7  }
0xe6: {  	v52 =	vor.u32 v60, v45;
	v11 =	vld.idx.msk [tilespmem:v11+s15+$0x0], $0xffff;
	v2 =	vmul.f32 v2, v2;
	v20 =	vmul.f32 v6, v10  }
0xe7: {  	v26 =	vld [tilespmem:$0x1FE90];
	v8 =	vmul.f32 v8, v8;
	v10 =	vmul.f32 v10, v10;
	v12 =	vadd.f32 $0.0e+00, v12  }
0xe8: {  	v21 =	vld.idx.msk [tilespmem:v14+s14+$0x0], $0xffff;
	v6 =	vmul.f32 v6, v6;
	v13 =	vadd.f32 $0.0e+00, v13;
	v15 =	vadd.f32 $0.0e+00, v15  }
0xe9: {  	v14 =	vld.idx.msk [tilespmem:v14+s15+$0x0], $0xffff;
	v17 =	vadd.f32 $0.0e+00, v17;
	v3 =	vadd.f32 v10, v3;
	v10 =	vmul.f32 v9, v16  }
0xea: {  	v0 =	vadd.f32 v6, v0;
	v6 =	vmul.f32 v16, v16;
	v9 =	vmul.f32 v9, v9;
	v16 =	vld.idx.msk [tilespmem:v19+s14+$0x0], $0xffff  }
0xeb: {  	v19 =	vld.idx.msk [tilespmem:v19+s15+$0x0], $0xffff;
	v12 =	vadd.f32 v20, v12;
	v10 =	vadd.f32 v10, v13;
	v13 =	vmul.f32 v11, v18  }
0xec: {  	v32 =	vld [tilespmem:$0x1FE70];
	v20 =	vor.u32 v58, v45;
	v5 =	vadd.f32 v6, v5;
	v6 =	vmul.f32 v18, v18  }
0xed: {  	v53 =	vld [tilespmem:$0x1F7C0];
	v1 =	vadd.f32 v9, v1;
	v11 =	vmul.f32 v11, v11;
	v13 =	vadd.f32 v13, v15  }
0xee: {  	v9 =	vld.idx.msk [tilespmem:v22+s14+$0x0], $0xffff;
	v15 =	vmul.f32 v14, v21;
	v6 =	vadd.f32 v6, v7;
	v7 =	vmul.f32 v21, v21  }
0xef: {  	v4 =	vmul.f32 v4, v4;
	v18 =	vld.idx.msk [tilespmem:v22+s15+$0x0], $0xffff;
	v2 =	vadd.f32 v11, v2;
	v14 =	vmul.f32 v14, v14  }
0xf0: {  	v11 =	vadd.f32 v15, v17;
	v7 =	vadd.f32 v7, v8;
	v8 =	vmul.f32 v19, v16;
	v17 =	vld.idx.msk [tilespmem:v23+s14+$0x0], $0xffff  }
0xf1: {  	v4 =	vadd.f32 v14, v4;
	v14 =	vmul.f32 v16, v16;
	v16 =	vmul.f32 v19, v19;
	v19 =	vld.idx.msk [tilespmem:v23+s15+$0x0], $0xffff  }
0xf2: {  	v51 =	vld.idx.msk [tilespmem:v20+s14+$0x0], $0xffff  }
0xf3: {  	v15 =	vld.idx.msk [tilespmem:v20+s15+$0x0], $0xffff  }
0xf4: {  	v20 =	vld [tilespmem:$0x1F7B0];
	v8 =	vadd.f32 v8, v12;
	v12 =	vmul.f32 v18, v9  }
0xf5: {  	v3 =	vadd.f32 v14, v3;
	v14 =	vld.idx.msk [tilespmem:v52+s14+$0x0], $0xffff  }
0xf6: {  	v0 =	vadd.f32 v16, v0;
	v16 =	vld.idx.msk [tilespmem:v52+s15+$0x0], $0xffff;
	v10 =	vadd.f32 v12, v10;
	v12 =	vmul.f32 v18, v18  }
0xf7: {  	v34 =	vld [tilespmem:$0x1FEF0];
	v23 =	vor.u32 v53, v45;
	v9 =	vmul.f32 v9, v9  }
0xf8: {  	v18 =	vld [tilespmem:$0x1F7D0];
	v1 =	vadd.f32 v12, v1;
	v12 =	vmul.f32 v15, v15  }
0xf9: {  	v35 =	vld [tilespmem:$0x1FEE0];
	v5 =	vadd.f32 v9, v5;
	v20 =	vor.u32 v20, v45;
	v9 =	vmul.f32 v15, v51  }
0xfa: {  	v27 =	vld [tilespmem:$0x1FF10];
	v15 =	vmul.f32 v19, v17;
	v2 =	vadd.f32 v12, v2;
	v12 =	vmul.f32 v17, v17  }
0xfb: {  	v39 =	vld [tilespmem:$0x1FE40];
	v17 =	vmul.f32 v19, v19;
	v19 =	vmul.f32 v16, v14  }
0xfc: {  	v9 =	vadd.f32 v9, v13;
	v13 =	vld.idx.msk [tilespmem:v23+s14+$0x0], $0xffff  }
0xfd: {  	v21 =	vmul.f32 v51, v51;
	v18 =	vor.u32 v18, v45;
	v8 =	vadd.f32 v19, v8;
	v19 =	vld [tilespmem:$0x1FE60]  }
0xfe: {  	v54 =	vld.idx.msk [tilespmem:v20+s14+$0x0], $0xffff  }
0xff: {  	v6 =	vadd.f32 v21, v6;
	v21 =	vor.u32 v55, v45;
	v20 =	vld.idx.msk [tilespmem:v20+s15+$0x0], $0xffff  }
0x100: {  	v11 =	vadd.f32 v15, v11;
	v15 =	vld.idx.msk [tilespmem:v23+s15+$0x0], $0xffff  }
0x101: {  	v40 =	vld [tilespmem:$0x1FEB0];
	v24 =	vor.u32 v24, v45;
	v7 =	vadd.f32 v12, v7;
	v12 =	vmul.f32 v14, v14  }
0x102: {  	v14 =	vmul.f32 v16, v16;
	v56 =	vld.idx.msk [tilespmem:v18+s14+$0x0], $0xffff  }
0x103: {  	v4 =	vadd.f32 v17, v4;
	v3 =	vadd.f32 v12, v3;
	v16 =	vld.idx.msk [tilespmem:v18+s15+$0x0], $0xffff;
	v12 =	vmul.f32 v54, v54  }
0x104: {  	v0 =	vadd.f32 v14, v0;
	v14 =	vld.idx.msk [tilespmem:v21+s14+$0x0], $0xffff;
	v19 =	vor.u32 v19, v45;
	v17 =	vmul.f32 v20, v54  }
0x105: {  	v18 =	vld.idx.msk [tilespmem:v21+s15+$0x0], $0xffff;
	v5 =	vadd.f32 v12, v5;
	v12 =	vmul.f32 v15, v13  }
0x106: {  	v57 =	vld.idx.msk [tilespmem:v24+s15+$0x0], $0xffff;
	v10 =	vadd.f32 v17, v10;
	v17 =	vmul.f32 v20, v20;
	v13 =	vmul.f32 v13, v13  }
0x107: {  	v20 =	vld.idx.msk [tilespmem:v24+s14+$0x0], $0xffff;
	v15 =	vmul.f32 v15, v15;
	v9 =	vadd.f32 v12, v9;
	v12 =	vmul.f32 v56, v56  }
0x108: {  	v1 =	vadd.f32 v17, v1;
	v17 =	vmul.f32 v16, v56;
	v6 =	vadd.f32 v13, v6;
	v13 =	vld [tilespmem:$0x1FED0]  }
0x109: {  	v2 =	vadd.f32 v15, v2;
	v7 =	vadd.f32 v12, v7;
	v12 =	vmul.f32 v16, v16;
	v16 =	vld.idx.msk [tilespmem:v19+s14+$0x0], $0xffff  }
0x10a: {  	v15 =	vmul.f32 v18, v14;
	v11 =	vadd.f32 v17, v11;
	v17 =	vmul.f32 v18, v18;
	v18 =	vld.idx.msk [tilespmem:v19+s15+$0x0], $0xffff  }
0x10b: {  	v14 =	vmul.f32 v14, v14;
	v19 =	vld [tilespmem:$0x1FF50]  }
0x10c: {  	v41 =	vld [tilespmem:$0x1FEC0]  }
0x10d: {  	v3 =	vadd.f32 v14, v3;
	v14 =	vmul.f32 v20, v20;
	v0 =	vadd.f32 v17, v0;
	v17 =	vld [tilespmem:$0x1F7E0]  }
0x10e: {  	v4 =	vadd.f32 v12, v4;
	v12 =	vmul.f32 v57, v20;
	v20 =	vld [tilespmem:$0x1F7F0];
	v13 =	vor.u32 v13, v45  }
0x10f: {  	v8 =	vadd.f32 v15, v8;
	v15 =	vld [tilespmem:$0x1FF80]  }
0x110: {  	v42 =	vld [tilespmem:$0x1FF40];
	v19 =	vor.u32 v19, v45  }
0x111: {  	v22 =	vsel vm0, v26, v25;
	v25 =	vld [tilespmem:$0x1FEA0]  }
0x112: {  	v26 =	vld [tilespmem:$0x1FF00]  }
0x113: {  	v5 =	vadd.f32 v14, v5;
	v10 =	vadd.f32 v12, v10;
	v17 =	vsel vm0, v17, v20;
	v12 =	vld.idx.msk [tilespmem:v13+s14+$0x0], $0xffff  }
0x114: {  	v14 =	vmul.f32 v57, v57;
	v15 =	vor.u32 v15, v45;
	v13 =	vld.idx.msk [tilespmem:v13+s15+$0x0], $0xffff;
	v59 =	vcombine.low v17, v28  }
0x115: {  	v60 =	vld.idx.msk [tilespmem:v19+s14+$0x0], $0xffff  }
0x116: {  	v1 =	vadd.f32 v14, v1;
	v14 =	vld.idx.msk [tilespmem:v19+s15+$0x0], $0xffff;
	v19 =	vor.u32 v59, v45  }
0x117: {  	v31 =	vld [tilespmem:$0x1F830];
	v23 =	vsel vm0, v32, v25;
	v20 =	vmul.f32 v18, v16  }
0x118: {  	v25 =	vsel vm0, v26, v34;
	v26 =	vsel vm0, v35, v27;
	v27 =	vld [tilespmem:$0x1FE50];
	v16 =	vmul.f32 v16, v16  }
0x119: {  	v18 =	vmul.f32 v18, v18;
	v9 =	vadd.f32 v20, v9;
	v20 =	vld.idx.msk [tilespmem:v15+s14+$0x0], $0xffff  }
0x11a: {  	v6 =	vadd.f32 v16, v6;
	v15 =	vld.idx.msk [tilespmem:v15+s15+$0x0], $0xffff;
	v16 =	vmul.f32 v13, v12;
	v12 =	vmul.f32 v12, v12  }
0x11b: {  	v2 =	vadd.f32 v18, v2;
	v13 =	vmul.f32 v13, v13;
	v18 =	vld.idx.msk [tilespmem:v19+s14+$0x0], $0xffff  }
0x11c: {  	v33 =	vcombine.low v23, v22;
	v7 =	vadd.f32 v12, v7;
	v12 =	vld.idx.msk [tilespmem:v19+s15+$0x0], $0xffff  }
0x11d: {  	v25 =	vcombine.low v26, v25;
	v4 =	vadd.f32 v13, v4;
	v13 =	vld [tilespmem:$0x1FE10]  }
0x11e: {  	v24 =	vor.u32 v33, v45;
	v19 =	vld [tilespmem:$0x1FE20]  }
0x11f: {  	v32 =	vld [tilespmem:$0x1F840];
	[tilespmem:$0x1F2A0] =	vst v25;
	v25 =	vor.u32 v25, v45  }
0x120: {  	v34 =	vld [tilespmem:$0x1F860];
	v11 =	vadd.f32 v16, v11;
	v16 =	vmul.f32 v14, v60;
	v14 =	vmul.f32 v14, v14  }
0x121: {  	v35 =	vld [tilespmem:$0x1F870]  }
0x122: {  	v26 =	vcombine.low v39, v27;
	v39 =	vld [tilespmem:$0x1F8B0];
	v0 =	vadd.f32 v14, v0;
	v14 =	vmul.f32 v15, v15  }
0x123: {  	v37 =	vld.idx.msk [tilespmem:v24+s15+$0x0], $0xffff;
	v36 =	vcombine.low v13, v19  }
0x124: {  	v8 =	vadd.f32 v16, v8;
	v16 =	vld.idx.msk [tilespmem:v24+s14+$0x0], $0xffff;
	v1 =	vadd.f32 v14, v1;
	v13 =	vmul.f32 v60, v60  }
0x125: {  	v19 =	vmul.f32 v15, v20;
	v15 =	vld.idx.msk [tilespmem:v25+s14+$0x0], $0xffff;
	v14 =	vmul.f32 v18, v18;
	v38 =	vor.u32 v36, v45  }
0x126: {  	v3 =	vadd.f32 v13, v3;
	v13 =	vmul.f32 v20, v20;
	v20 =	vld.idx.msk [tilespmem:v25+s15+$0x0], $0xffff  }
0x127: {  	v6 =	vadd.f32 v14, v6;
	v14 =	vld [tilespmem:$0x1FF30]  }
0x128: {  	v25 =	vcombine.low v40, v41;
	v40 =	vld [tilespmem:$0x1F8C0]  }
0x129: {  	v41 =	vld [tilespmem:$0x1F8D0];
	v5 =	vadd.f32 v13, v5;
	v13 =	vmul.f32 v12, v18;
	v12 =	vmul.f32 v12, v12  }
0x12a: {  	v10 =	vadd.f32 v19, v10;
	v18 =	vld.idx.msk [tilespmem:v38+s14+$0x0], $0xffff  }
0x12b: {  	v9 =	vadd.f32 v13, v9;
	v13 =	vmul.f32 v37, v16;
	v2 =	vadd.f32 v12, v2;
	v12 =	vld.idx.msk [tilespmem:v38+s15+$0x0], $0xffff  }
0x12c: {  	v19 =	vor.u32 v26, v45;
	v24 =	vcombine.low v14, v42;
	v14 =	vmul.f32 v37, v37;
	v37 =	vld [tilespmem:$0x1F890]  }
0x12d: {  	v38 =	vld [tilespmem:$0x1F8A0];
	v11 =	vadd.f32 v13, v11;
	v13 =	vmul.f32 v16, v16  }
0x12e: {  	v4 =	vadd.f32 v14, v4;
	v14 =	vld [tilespmem:$0x1FF70]  }
0x12f: {  	v63 =	vlaneseq.u32;
	v22 =	vcombine.low v22, v23;
	v7 =	vadd.f32 v13, v7;
	v13 =	vld [tilespmem:$0x1FF60]  }
0x130: {  	v55 =	vsel vm0, v35, v34;
	v47 =	vcombine.low v28, v17;
	[tilespmem:$0x1F2D0] =	vst v25;
	v25 =	vor.u32 v25, v45;
	v42 =	vld [tilespmem:$0x1F8E0]  }
0x131: {  	v21 =	vsel vm0, v32, v31;
	v43 =	vmul.f32 v20, v15;
	v15 =	vmul.f32 v15, v15;
	v16 =	vld.idx.msk [tilespmem:v19+s14+$0x0], $0xffff  }
0x132: {  	v48 =	vor.u32 $0x20, v63;
	v53 =	vsel vm0, v40, v39;
	v19 =	vld.idx.msk [tilespmem:v19+s15+$0x0], $0xffff;
	[tilespmem:$0x1F2E0] =	vst v24;
	v24 =	vor.u32 v24, v45  }
0x133: {  	v8 =	vadd.f32 v43, v8;
	v3 =	vadd.f32 v15, v3;
	v15 =	vmul.f32 v12, v18  }
0x134: {  	v30 =	vld [tilespmem:$0x1F810];
	v12 =	vmul.f32 v12, v12;
	v52 =	vsel vm0, v38, v37;
	v44 =	vcombine.low v13, v14  }
0x135: {  	v54 =	vsel vm0, v42, v41;
	v56 =	vsel vm0, v39, v38;
	v13 =	vmul.f32 v20, v20;
	v14 =	vld.idx.msk [tilespmem:v25+s14+$0x0], $0xffff  }
0x136: {  	v57 =	vsel vm0, v37, v40;
	v10 =	vadd.f32 v15, v10;
	v20 =	vld.idx.msk [tilespmem:v25+s15+$0x0], $0xffff;
	v46 =	vor.u32 v44, v45  }
0x137: {  	v29 =	vld [tilespmem:$0x1F820];
	[tilespmem:$0x1F290] =	vst v33;
	v15 =	vmul.f32 v19, v16;
	v0 =	vadd.f32 v13, v0;
	v13 =	vmul.f32 v18, v18  }
0x138: {  	v17 =	vld.idx.msk [tilespmem:v24+s14+$0x0], $0xffff;
	v1 =	vadd.f32 v12, v1;
	v12 =	vmul.f32 v16, v16;
	v18 =	vor.u32 v47, v45  }
0x139: {  	v9 =	vadd.f32 v15, v9;
	v15 =	vmul.f32 v19, v19;
	v5 =	vadd.f32 v13, v5;
	v13 =	vld.idx.msk [tilespmem:v24+s15+$0x0], $0xffff  }
0x13a: {  	v33 =	vld [tilespmem:$0x1F850];
	[tilespmem:$0x1F280] =	vst v59;
	v27 =	vcombine.low v53, v52;
	v59 =	vcombine.low v57, v56;
	v6 =	vadd.f32 v12, v6  }
0x13b: {  	v2 =	vadd.f32 v15, v2;
	v12 =	vmul.f32 v20, v14;
	v14 =	vmul.f32 v14, v14;
	v16 =	vld.idx.msk [tilespmem:v46+s14+$0x0], $0xffff  }
0x13c: {  	v24 =	vcombine.low v52, v53;
	v15 =	vmul.f32 v20, v20;
	v20 =	vor.u32 v22, v45;
	v19 =	vld.idx.msk [tilespmem:v46+s15+$0x0], $0xffff  }
0x13d: {  	v52 =	vcombine.low v56, v57;
	v11 =	vadd.f32 v12, v11;
	v7 =	vadd.f32 v14, v7;
	v12 =	vld.idx.msk [tilespmem:v18+s14+$0x0], $0xffff  }
0x13e: {  	v4 =	vadd.f32 v15, v4;
	v15 =	vmul.f32 v17, v17;
	v14 =	vmul.f32 v13, v17;
	v17 =	vld.idx.msk [tilespmem:v18+s15+$0x0], $0xffff  }
0x13f: {  	[tilespmem:$0x1F2B0] =	vst v36;
	v36 =	vld [tilespmem:$0x1F880];
	v18 =	vsel vm0, v29, v30;
	v13 =	vmul.f32 v13, v13;
	v29 =	vsel vm0, v31, v29  }
0x140: {  	v43 =	vld [tilespmem:$0x1F8F0];
	[tilespmem:$0x1F3D0] =	vst v24;
	v30 =	vsel vm0, v30, v32;
	v8 =	vadd.f32 v14, v8;
	v14 =	vor.u32 v48, v45  }
0x141: {  	v24 =	vor.u32 v24, v45;
	v49 =	vcombine.low v21, v18;
	v50 =	vld.idx.msk [tilespmem:v20+s14+$0x0], $0xffff;
	v31 =	vcombine.low v30, v29  }
0x142: {  	v3 =	vadd.f32 v15, v3;
	v20 =	vld.idx.msk [tilespmem:v20+s15+$0x0], $0xffff;
	v15 =	vmul.f32 v19, v16;
	v16 =	vmul.f32 v16, v16  }
0x143: {  	[tilespmem:$0x1F2F0] =	vst v44;
	v44 =	vld [tilespmem:$0x1F900];
	v0 =	vadd.f32 v13, v0;
	v23 =	vor.u32 v49, v45;
	v13 =	vmul.f32 v17, v12  }
0x144: {  	[tilespmem:$0x1F310] =	vst v22;
	v57 =	vld [tilespmem:$0x1F990];
	v10 =	vadd.f32 v15, v10;
	v5 =	vadd.f32 v16, v5;
	v12 =	vmul.f32 v12, v12  }
0x145: {  	v15 =	vsel vm0, v34, v33;
	v16 =	vsel vm0, v36, v35;
	v9 =	vadd.f32 v13, v9;
	v13 =	vld.idx.msk [tilespmem:v14+s14+$0x0], $0xffff  }
0x146: {  	v46 =	vsel vm0, v43, v42;
	v19 =	vmul.f32 v19, v19;
	v51 =	vcombine.low v16, v15;
	v14 =	vld.idx.msk [tilespmem:v14+s15+$0x0], $0xffff  }
0x147: {  	[tilespmem:$0x1F2C0] =	vst v26;
	v32 =	vld [tilespmem:$0x1F940];
	v6 =	vadd.f32 v12, v6;
	v12 =	vmul.f32 v17, v17;
	v17 =	vmul.f32 v20, v50  }
0x148: {  	v1 =	vadd.f32 v19, v1;
	v22 =	vmul.f32 v50, v50;
	v19 =	vld.idx.msk [tilespmem:v23+s14+$0x0], $0xffff;
	v26 =	vor.u32 v51, v45  }
0x149: {  	v50 =	vcombine.low v29, v30;
	v23 =	vld.idx.msk [tilespmem:v23+s15+$0x0], $0xffff;
	v2 =	vadd.f32 v12, v2;
	v11 =	vadd.f32 v17, v11  }
0x14a: {  	[tilespmem:$0x1F350] =	vst v27;
	v35 =	vld [tilespmem:$0x1F970];
	v12 =	vmul.f32 v20, v20;
	v17 =	vor.u32 v27, v45;
	v27 =	vsel vm0, v44, v43  }
0x14b: {  	[tilespmem:$0x1F300] =	vst v47;
	v47 =	vsel vm0, v41, v44;
	v29 =	vld [tilespmem:$0x1F910];
	v28 =	vcombine.low v27, v54;
	v20 =	vmul.f32 v14, v13  }
0x14c: {  	[tilespmem:$0x1F370] =	vst v31;
	v30 =	vld [tilespmem:$0x1F920];
	v4 =	vadd.f32 v12, v4;
	v12 =	vmul.f32 v13, v13;
	v13 =	vmul.f32 v14, v14  }
0x14d: {  	[tilespmem:$0x1F360] =	vst v28;
	v28 =	vor.u32 v28, v45;
	v8 =	vadd.f32 v20, v8;
	v20 =	vld.idx.msk [tilespmem:v26+s14+$0x0], $0xffff  }
0x14e: {  	[tilespmem:$0x1F340] =	vst v51;
	v14 =	vmul.f32 v23, v19;
	v26 =	vld.idx.msk [tilespmem:v26+s15+$0x0], $0xffff;
	v3 =	vadd.f32 v12, v3  }
0x14f: {  	v51 =	vld.idx.msk [tilespmem:v24+s15+$0x0], $0xffff;
	v0 =	vadd.f32 v13, v0;
	v13 =	vmul.f32 v19, v19;
	v19 =	vor.u32 v31, v45  }
0x150: {  	v12 =	vld.idx.msk [tilespmem:v17+s14+$0x0], $0xffff;
	v31 =	vsel vm0, v33, v36;
	v10 =	vadd.f32 v14, v10;
	v14 =	vmul.f32 v23, v23  }
0x151: {  	[tilespmem:$0x1F320] =	vst v48;
	v37 =	vcombine.low v47, v46;
	v17 =	vld.idx.msk [tilespmem:v17+s15+$0x0], $0xffff;
	v34 =	vcombine.low v31, v55  }
0x152: {  	v21 =	vcombine.low v18, v21;
	v5 =	vadd.f32 v13, v5;
	v1 =	vadd.f32 v14, v1;
	v14 =	vld.idx.msk [tilespmem:v28+s14+$0x0], $0xffff  }
0x153: {  	v28 =	vld.idx.msk [tilespmem:v28+s15+$0x0], $0xffff;
	[tilespmem:$0x1F380] =	vst v34;
	v34 =	vor.u32 v34, v45;
	v13 =	vmul.f32 v26, v20  }
0x154: {  	[tilespmem:$0x1F390] =	vst v59;
	v48 =	vor.u32 v37, v45;
	v16 =	vcombine.low v15, v16;
	v36 =	vor.u32 v59, v45;
	v33 =	vld [tilespmem:$0x1F950]  }
0x155: {  	[tilespmem:$0x1F330] =	vst v49;
	v23 =	vcombine.low v55, v31;
	v55 =	vld [tilespmem:$0x1F980];
	v9 =	vadd.f32 v13, v9;
	v13 =	vmul.f32 v26, v26  }
0x156: {  	v7 =	vadd.f32 v22, v7;
	[tilespmem:$0x1F3C0] =	vst v16;
	v20 =	vmul.f32 v20, v20;
	v40 =	vld.idx.msk [tilespmem:v19+s14+$0x0], $0xffff  }
0x157: {  	v60 =	vmul.f32 v17, v12;
	v12 =	vmul.f32 v12, v12;
	v2 =	vadd.f32 v13, v2;
	v13 =	vld.idx.msk [tilespmem:v19+s15+$0x0], $0xffff  }
0x158: {  	v16 =	vor.u32 v16, v45;
	v6 =	vadd.f32 v20, v6;
	v20 =	vld.idx.msk [tilespmem:v34+s14+$0x0], $0xffff;
	v19 =	vmul.f32 v28, v14  }
0x159: {  	v17 =	vmul.f32 v17, v17;
	v7 =	vadd.f32 v12, v7;
	v12 =	vmul.f32 v14, v14;
	v14 =	vld.idx.msk [tilespmem:v34+s15+$0x0], $0xffff  }
0x15a: {  	v22 =	vcombine.low v54, v27;
	v18 =	vld.idx.msk [tilespmem:v36+s14+$0x0], $0xffff;
	v8 =	vadd.f32 v19, v8;
	v19 =	vor.u32 v21, v45  }
0x15b: {  	v49 =	vld.idx.msk [tilespmem:v36+s15+$0x0], $0xffff;
	v4 =	vadd.f32 v17, v4;
	v17 =	vmul.f32 v28, v28;
	v15 =	vmul.f32 v40, v40  }
0x15c: {  	[tilespmem:$0x1F3B0] =	vst v21;
	v34 =	vld [tilespmem:$0x1F960];
	v3 =	vadd.f32 v12, v3;
	v12 =	vmul.f32 v13, v40;
	v13 =	vmul.f32 v13, v13  }
0x15d: {  	v0 =	vadd.f32 v17, v0;
	v5 =	vadd.f32 v15, v5;
	v15 =	vld.idx.msk [tilespmem:v48+s15+$0x0], $0xffff;
	v17 =	vmul.f32 v20, v20  }
0x15e: {  	v10 =	vadd.f32 v12, v10;
	v12 =	vld.idx.msk [tilespmem:v48+s14+$0x0], $0xffff;
	v1 =	vadd.f32 v13, v1;
	v13 =	vmul.f32 v14, v20  }
0x15f: {  	v11 =	vadd.f32 v60, v11;
	v6 =	vadd.f32 v17, v6;
	v17 =	vmul.f32 v18, v18;
	v20 =	vld.idx.msk [tilespmem:v19+s14+$0x0], $0xffff  }
0x160: {  	v19 =	vld.idx.msk [tilespmem:v19+s15+$0x0], $0xffff;
	v9 =	vadd.f32 v13, v9;
	v13 =	vmul.f32 v14, v14;
	v14 =	vmul.f32 v49, v18  }
0x161: {  	[tilespmem:$0x1F3E0] =	vst v22;
	v31 =	vld [tilespmem:$0x1F930];
	v21 =	vsel vm0, v34, v33;
	v7 =	vadd.f32 v17, v7;
	v18 =	vor.u32 v22, v45  }
0x162: {  	v2 =	vadd.f32 v13, v2;
	v11 =	vadd.f32 v14, v11;
	v13 =	vmul.f32 v49, v49;
	v14 =	vld.idx.msk [tilespmem:v16+s14+$0x0], $0xffff  }
0x163: {  	v22 =	vor.u32 v50, v45;
	v16 =	vld.idx.msk [tilespmem:v16+s15+$0x0], $0xffff;
	v17 =	vmul.f32 v15, v12;
	v12 =	vmul.f32 v12, v12  }
0x164: {  	v4 =	vadd.f32 v13, v4;
	v13 =	vmul.f32 v15, v15;
	v15 =	vld.idx.msk [tilespmem:v24+s14+$0x0], $0xffff;
	v24 =	vsel vm0, v55, v35  }
0x165: {  	[tilespmem:$0x1F3F0] =	vst v50;
	v59 =	vld [tilespmem:$0x1F9A0];
	v8 =	vadd.f32 v17, v8;
	v17 =	vmul.f32 v19, v20;
	v3 =	vadd.f32 v12, v3  }
0x166: {  	[tilespmem:$0x1F400] =	vst v23;
	v50 =	vld [tilespmem:$0x1F9E0];
	v56 =	vcombine.low v24, v21;
	v0 =	vadd.f32 v13, v0;
	v13 =	vmul.f32 v20, v20  }
0x167: {  	v12 =	vld.idx.msk [tilespmem:v18+s14+$0x0], $0xffff;
	v20 =	vor.u32 v23, v45;
	v10 =	vadd.f32 v17, v10;
	v17 =	vmul.f32 v19, v19  }
0x168: {  	v18 =	vld.idx.msk [tilespmem:v18+s15+$0x0], $0xffff;
	v23 =	vsel vm0, v32, v31;
	v19 =	vmul.f32 v16, v14;
	v5 =	vadd.f32 v13, v5  }
0x169: {  	v13 =	vmul.f32 v14, v14;
	v14 =	vmul.f32 v16, v16;
	v16 =	vld.idx.msk [tilespmem:v22+s14+$0x0], $0xffff;
	v1 =	vadd.f32 v17, v1  }
0x16a: {  	v9 =	vadd.f32 v19, v9;
	v17 =	vor.u32 v52, v45;
	v19 =	vld.idx.msk [tilespmem:v22+s15+$0x0], $0xffff;
	v22 =	vsel vm0, v30, v29  }
0x16b: {  	v49 =	vld [tilespmem:$0x1F9D0];
	v29 =	vsel vm0, v29, v32;
	v6 =	vadd.f32 v13, v6;
	v13 =	vmul.f32 v51, v15  }
0x16c: {  	[tilespmem:$0x1F410] =	vst v52;
	v52 =	vld [tilespmem:$0x1F9F0];
	v15 =	vmul.f32 v15, v15;
	v2 =	vadd.f32 v14, v2;
	v14 =	vmul.f32 v51, v51  }
0x16d: {  	v53 =	vmul.f32 v18, v12;
	v12 =	vmul.f32 v12, v12;
	v11 =	vadd.f32 v13, v11;
	v13 =	vld.idx.msk [tilespmem:v20+s14+$0x0], $0xffff  }
0x16e: {  	v7 =	vadd.f32 v15, v7;
	v4 =	vadd.f32 v14, v4;
	v14 =	vld.idx.msk [tilespmem:v20+s15+$0x0], $0xffff;
	v20 =	vor.u32 $0x30, v63  }
0x16f: {  	v8 =	vadd.f32 v53, v8;
	v15 =	vmul.f32 v18, v18;
	v53 =	vld [tilespmem:$0x1FA00];
	[tilespmem:$0x1F420] =	vst v20;
	v20 =	vor.u32 v20, v45  }
0x170: {  	v3 =	vadd.f32 v12, v3;
	v12 =	vmul.f32 v16, v16;
	v18 =	vld.idx.msk [tilespmem:v17+s14+$0x0], $0xffff;
	v54 =	vmul.f32 v19, v16  }
0x171: {  	v17 =	vld.idx.msk [tilespmem:v17+s15+$0x0], $0xffff;
	v16 =	vcombine.low v23, v22;
	v0 =	vadd.f32 v15, v0;
	v15 =	vmul.f32 v19, v19  }
0x172: {  	v60 =	vld [tilespmem:$0x1F9B0];
	v51 =	vsel vm0, v50, v49;
	v22 =	vcombine.low v22, v23;
	v5 =	vadd.f32 v12, v5  }
0x173: {  	v48 =	vld [tilespmem:$0x1F9C0];
	v10 =	vadd.f32 v54, v10;
	[tilespmem:$0x1F430] =	vst v16;
	v16 =	vor.u32 v16, v45;
	v1 =	vadd.f32 v15, v1  }
0x174: {  	v12 =	vmul.f32 v14, v13;
	v13 =	vmul.f32 v13, v13;
	v54 =	vsel vm0, v53, v52;
	v15 =	vld.idx.msk [tilespmem:v20+s14+$0x0], $0xffff  }
0x175: {  	v44 =	vor.u32 v22, v45;
	v14 =	vmul.f32 v14, v14;
	v20 =	vld.idx.msk [tilespmem:v20+s15+$0x0], $0xffff;
	v28 =	vcombine.low v54, v51  }
0x176: {  	v25 =	vcombine.low v51, v54;
	v19 =	vmul.f32 v17, v18;
	v9 =	vadd.f32 v12, v9  }
0x177: {  	[tilespmem:$0x1F440] =	vst v56;
	v6 =	vadd.f32 v13, v6;
	v2 =	vadd.f32 v14, v2;
	v12 =	vmul.f32 v18, v18  }
0x178: {  	v14 =	vor.u32 v56, v45;
	v18 =	vsel vm0, v59, v57;
	v11 =	vadd.f32 v19, v11;
	v13 =	vld.idx.msk [tilespmem:v16+s14+$0x0], $0xffff  }
0x179: {  	v19 =	vsel vm0, v48, v60;
	v7 =	vadd.f32 v12, v7;
	v12 =	vmul.f32 v17, v17;
	v16 =	vld.idx.msk [tilespmem:v16+s15+$0x0], $0xffff  }
0x17a: {  	v38 =	vld [tilespmem:$0x1FA90];
	v56 =	vsel vm0, v57, v48;
	[tilespmem:$0x1F460] =	vst v28;
	v27 =	vcombine.low v19, v18;
	v17 =	vmul.f32 v20, v15  }
0x17b: {  	v47 =	vcombine.low v18, v19;
	v19 =	vld.idx.msk [tilespmem:v44+s14+$0x0], $0xffff;
	v15 =	vmul.f32 v15, v15;
	v4 =	vadd.f32 v12, v4  }
0x17c: {  	v32 =	vld [tilespmem:$0x1FA30];
	v12 =	vmul.f32 v20, v20;
	[tilespmem:$0x1F450] =	vst v27;
	v27 =	vor.u32 v27, v45;
	v8 =	vadd.f32 v17, v8  }
0x17d: {  	v3 =	vadd.f32 v15, v3;
	v15 =	vld.idx.msk [tilespmem:v14+s14+$0x0], $0xffff;
	v17 =	vor.u32 v28, v45;
	v28 =	vsel vm0, v31, v30  }
0x17e: {  	v14 =	vld.idx.msk [tilespmem:v14+s15+$0x0], $0xffff;
	v0 =	vadd.f32 v12, v0;
	v30 =	vsel vm0, v33, v55;
	v20 =	vmul.f32 v16, v13  }
0x17f: {  	v55 =	vsel vm0, v60, v59;
	v33 =	vld [tilespmem:$0x1FA40];
	v12 =	vmul.f32 v13, v13;
	v31 =	vcombine.low v29, v28  }
0x180: {  	v40 =	vsel vm0, v49, v53;
	v59 =	vcombine.low v56, v55;
	v51 =	vcombine.low v55, v56;
	v56 =	vld [tilespmem:$0x1FA70]  }
0x181: {  	v60 =	vsel vm0, v52, v50;
	v10 =	vadd.f32 v20, v10;
	v20 =	vsel vm0, v35, v34;
	v13 =	vld.idx.msk [tilespmem:v27+s14+$0x0], $0xffff  }
0x182: {  	v5 =	vadd.f32 v12, v5;
	v12 =	vld.idx.msk [tilespmem:v27+s15+$0x0], $0xffff;
	v27 =	vor.u32 v31, v45;
	v35 =	vcombine.low v30, v20  }
0x183: {  	[tilespmem:$0x1F3A0] =	vst v37;
	v37 =	vcombine.low v40, v60;
	v60 =	vld [tilespmem:$0x1FAA0]  }
0x184: {  	v43 =	vcombine.low v21, v24;
	v16 =	vmul.f32 v16, v16;
	v34 =	vld [tilespmem:$0x1FA50];
	[tilespmem:$0x1F480] =	vst v35;
	v35 =	vor.u32 v35, v45  }
0x185: {  	[tilespmem:$0x1F470] =	vst v31;
	v31 =	vld.idx.msk [tilespmem:v17+s14+$0x0], $0xffff;
	v57 =	vmul.f32 v14, v15;
	v15 =	vmul.f32 v15, v15  }
0x186: {  	v1 =	vadd.f32 v16, v1;
	v16 =	vor.u32 v59, v45;
	v17 =	vld.idx.msk [tilespmem:v17+s15+$0x0], $0xffff;
	v14 =	vmul.f32 v14, v14  }
0x187: {  	v23 =	vor.u32 v43, v45;
	v6 =	vadd.f32 v15, v6;
	v15 =	vld.idx.msk [tilespmem:v27+s14+$0x0], $0xffff  }
0x188: {  	v2 =	vadd.f32 v14, v2;
	v14 =	vmul.f32 v12, v13;
	v13 =	vmul.f32 v13, v13;
	v27 =	vld.idx.msk [tilespmem:v27+s15+$0x0], $0xffff  }
0x189: {  	v48 =	vor.u32 v25, v45;
	v24 =	vor.u32 v47, v45;
	v12 =	vmul.f32 v12, v12;
	v42 =	vld.idx.msk [tilespmem:v35+s14+$0x0], $0xffff  }
0x18a: {  	[tilespmem:$0x1F4A0] =	vst v37;
	v37 =	vor.u32 v37, v45;
	v7 =	vadd.f32 v13, v7;
	v13 =	vld.idx.msk [tilespmem:v35+s15+$0x0], $0xffff  }
0x18b: {  	v11 =	vadd.f32 v14, v11;
	v4 =	vadd.f32 v12, v4;
	v12 =	vmul.f32 v31, v31;
	v14 =	vld.idx.msk [tilespmem:v16+s14+$0x0], $0xffff  }
0x18c: {  	v52 =	vor.u32 $0x40, v63;
	v21 =	vor.u32 v51, v45;
	v41 =	vmul.f32 v17, v31;
	v16 =	vld.idx.msk [tilespmem:v16+s15+$0x0], $0xffff  }
0x18d: {  	[tilespmem:$0x1F510] =	vst v51;
	v51 =	vld [tilespmem:$0x1FAD0];
	v17 =	vmul.f32 v17, v17;
	v3 =	vadd.f32 v12, v3;
	v12 =	vmul.f32 v27, v15  }
0x18e: {  	v20 =	vcombine.low v20, v30;
	v30 =	vld [tilespmem:$0x1FA20];
	v9 =	vadd.f32 v57, v9;
	v15 =	vmul.f32 v15, v15  }
0x18f: {  	v46 =	vld.idx.msk [tilespmem:v37+s14+$0x0], $0xffff;
	v0 =	vadd.f32 v17, v0;
	v17 =	vmul.f32 v27, v27;
	v10 =	vadd.f32 v12, v10  }
0x190: {  	v5 =	vadd.f32 v15, v5;
	v12 =	vld.idx.msk [tilespmem:v37+s15+$0x0], $0xffff;
	v15 =	vmul.f32 v13, v42;
	v13 =	vmul.f32 v13, v13  }
0x191: {  	v57 =	vld [tilespmem:$0x1FA80];
	v1 =	vadd.f32 v17, v1;
	v17 =	vmul.f32 v42, v42;
	v18 =	vmul.f32 v16, v14  }
0x192: {  	v9 =	vadd.f32 v15, v9;
	v15 =	vld.idx.msk [tilespmem:v44+s15+$0x0], $0xffff;
	v2 =	vadd.f32 v13, v2;
	v13 =	vmul.f32 v14, v14  }
0x193: {  	v49 =	vcombine.low v28, v29;
	v16 =	vmul.f32 v16, v16;
	v6 =	vadd.f32 v17, v6;
	v14 =	vld.idx.msk [tilespmem:v23+s14+$0x0], $0xffff  }
0x194: {  	v11 =	vadd.f32 v18, v11;
	v17 =	vld.idx.msk [tilespmem:v23+s15+$0x0], $0xffff;
	v7 =	vadd.f32 v13, v7;
	v13 =	vmul.f32 v46, v46  }
0x195: {  	v4 =	vadd.f32 v16, v4;
	v16 =	vld.idx.msk [tilespmem:v24+s14+$0x0], $0xffff;
	v18 =	vmul.f32 v12, v46;
	v12 =	vmul.f32 v12, v12  }
0x196: {  	v50 =	vor.u32 v49, v45;
	v8 =	vadd.f32 v41, v8;
	v3 =	vadd.f32 v13, v3;
	v13 =	vld.idx.msk [tilespmem:v24+s15+$0x0], $0xffff  }
0x197: {  	[tilespmem:$0x1F4B0] =	vst v22;
	v22 =	vor.u32 v52, v45;
	v31 =	vld [tilespmem:$0x1FA10];
	v0 =	vadd.f32 v12, v0;
	v12 =	vmul.f32 v19, v19  }
0x198: {  	[tilespmem:$0x1F500] =	vst v20;
	v46 =	vld [tilespmem:$0x1FB00];
	v8 =	vadd.f32 v18, v8;
	v18 =	vmul.f32 v15, v19;
	v15 =	vmul.f32 v15, v15  }
0x199: {  	v20 =	vor.u32 v20, v45;
	v19 =	vld.idx.msk [tilespmem:v48+s14+$0x0], $0xffff;
	v5 =	vadd.f32 v12, v5;
	v12 =	vmul.f32 v14, v14  }
0x19a: {  	v10 =	vadd.f32 v18, v10;
	v18 =	vmul.f32 v17, v14;
	v14 =	vld.idx.msk [tilespmem:v48+s15+$0x0], $0xffff;
	v1 =	vadd.f32 v15, v1  }
0x19b: {  	v6 =	vadd.f32 v12, v6;
	v12 =	vmul.f32 v17, v17;
	v15 =	vmul.f32 v13, v16;
	v17 =	vld.idx.msk [tilespmem:v50+s14+$0x0], $0xffff  }
0x19c: {  	v9 =	vadd.f32 v18, v9;
	v16 =	vmul.f32 v16, v16;
	v13 =	vmul.f32 v13, v13;
	v18 =	vld.idx.msk [tilespmem:v50+s15+$0x0], $0xffff  }
0x19d: {  	[tilespmem:$0x1F4F0] =	vst v49;
	v49 =	vld [tilespmem:$0x1FAC0];
	v24 =	vsel vm0, v57, v56;
	v2 =	vadd.f32 v12, v2;
	v11 =	vadd.f32 v15, v11  }
0x19e: {  	v41 =	vsel vm0, v51, v46;
	v7 =	vadd.f32 v16, v7;
	v4 =	vadd.f32 v13, v4;
	v13 =	vld.idx.msk [tilespmem:v20+s14+$0x0], $0xffff  }
0x19f: {  	v15 =	vld.idx.msk [tilespmem:v20+s15+$0x0], $0xffff;
	v16 =	vsel vm0, v30, v31;
	v20 =	vsel vm0, v33, v32;
	v12 =	vmul.f32 v14, v19  }
0x1a0: {  	[tilespmem:$0x1F4C0] =	vst v43;
	v35 =	vld [tilespmem:$0x1FA60];
	v30 =	vsel vm0, v32, v30;
	v19 =	vmul.f32 v19, v19;
	v53 =	vcombine.low v20, v16  }
0x1a1: {  	v54 =	vld.idx.msk [tilespmem:v21+s14+$0x0], $0xffff;
	v8 =	vadd.f32 v12, v8;
	v12 =	vmul.f32 v14, v14;
	v14 =	vmul.f32 v18, v17  }
0x1a2: {  	v3 =	vadd.f32 v19, v3;
	v17 =	vmul.f32 v17, v17;
	v19 =	vld.idx.msk [tilespmem:v21+s15+$0x0], $0xffff;
	v55 =	vor.u32 v53, v45  }
0x1a3: {  	[tilespmem:$0x1F520] =	vst v52;
	v48 =	vld [tilespmem:$0x1FAB0];
	v0 =	vadd.f32 v12, v0;
	v10 =	vadd.f32 v14, v10;
	v12 =	vmul.f32 v18, v18  }
0x1a4: {  	v52 =	vld [tilespmem:$0x1FAE0];
	[tilespmem:$0x1F490] =	vst v59;
	v5 =	vadd.f32 v17, v5;
	v14 =	vmul.f32 v15, v13;
	v13 =	vmul.f32 v13, v13  }
0x1a5: {  	v17 =	vld.idx.msk [tilespmem:v22+s14+$0x0], $0xffff;
	v18 =	vsel vm0, v35, v34;
	v1 =	vadd.f32 v12, v1;
	v12 =	vmul.f32 v15, v15  }
0x1a6: {  	v31 =	vsel vm0, v31, v33;
	v59 =	vcombine.low v24, v18;
	v15 =	vld.idx.msk [tilespmem:v22+s15+$0x0], $0xffff;
	v6 =	vadd.f32 v13, v6  }
0x1a7: {  	[tilespmem:$0x1F4E0] =	vst v25;
	v13 =	vmul.f32 v19, v54;
	v2 =	vadd.f32 v12, v2;
	v12 =	vmul.f32 v54, v54;
	v54 =	vld [tilespmem:$0x1FAF0]  }
0x1a8: {  	v50 =	vsel vm0, v49, v48;
	v9 =	vadd.f32 v14, v9;
	v14 =	vld.idx.msk [tilespmem:v55+s14+$0x0], $0xffff;
	v22 =	vor.u32 v59, v45  }
0x1a9: {  	v43 =	vcombine.low v16, v20;
	v21 =	vld.idx.msk [tilespmem:v55+s15+$0x0], $0xffff;
	v11 =	vadd.f32 v13, v11;
	v13 =	vsel vm0, v60, v38  }
0x1aa: {  	[tilespmem:$0x1F530] =	vst v53;
	v53 =	vsel vm0, v52, v51;
	v24 =	vcombine.low v18, v24;
	v27 =	vcombine.low v50, v13  }
0x1ab: {  	[tilespmem:$0x1F4D0] =	vst v47;
	v7 =	vadd.f32 v12, v7;
	v12 =	vmul.f32 v19, v19;
	v19 =	vmul.f32 v15, v17  }
0x1ac: {  	v17 =	vmul.f32 v17, v17;
	[tilespmem:$0x1F550] =	vst v27;
	v27 =	vor.u32 v27, v45;
	v55 =	vsel vm0, v46, v54  }
0x1ad: {  	v4 =	vadd.f32 v12, v4;
	v12 =	vmul.f32 v15, v15;
	v28 =	vld.idx.msk [tilespmem:v22+s14+$0x0], $0xffff;
	v29 =	vcombine.low v55, v53  }
0x1ae: {  	v15 =	vmul.f32 v21, v14;
	v22 =	vld.idx.msk [tilespmem:v22+s15+$0x0], $0xffff;
	v8 =	vadd.f32 v19, v8;
	v3 =	vadd.f32 v17, v3  }
0x1af: {  	v17 =	vcombine.low v31, v30;
	v19 =	vsel vm0, v34, v57;
	[tilespmem:$0x1F560] =	vst v29;
	v29 =	vor.u32 v29, v45  }
0x1b0: {  	[tilespmem:$0x1F5B0] =	vst v43;
	v40 =	vsel vm0, v54, v52;
	v46 =	vor.u32 v43, v45;
	v43 =	vld [tilespmem:$0x1FB90];
	v0 =	vadd.f32 v12, v0  }
0x1b1: {  	[tilespmem:$0x1F540] =	vst v59;
	v10 =	vadd.f32 v15, v10;
	v12 =	vmul.f32 v14, v14;
	v36 =	vcombine.low v41, v40;
	v40 =	vld [tilespmem:$0x1FB70]  }
0x1b2: {  	[tilespmem:$0x1F570] =	vst v17;
	v15 =	vor.u32 v17, v45;
	v17 =	vsel vm0, v56, v35;
	v14 =	vld.idx.msk [tilespmem:v27+s14+$0x0], $0xffff  }
0x1b3: {  	v5 =	vadd.f32 v12, v5;
	v12 =	vmul.f32 v21, v21;
	v35 =	vcombine.low v19, v17;
	v56 =	vld.idx.msk [tilespmem:v27+s15+$0x0], $0xffff  }
0x1b4: {  	v59 =	vsel vm0, v48, v60;
	v60 =	vsel vm0, v38, v49;
	v27 =	vmul.f32 v22, v28;
	v57 =	vld.idx.msk [tilespmem:v29+s14+$0x0], $0xffff  }
0x1b5: {  	v39 =	vcombine.low v60, v59;
	v1 =	vadd.f32 v12, v1;
	v12 =	vld.idx.msk [tilespmem:v29+s15+$0x0], $0xffff;
	v29 =	vor.u32 v35, v45  }
0x1b6: {  	[tilespmem:$0x1F5C0] =	vst v24;
	v41 =	vld [tilespmem:$0x1FB80];
	v9 =	vadd.f32 v27, v9;
	v27 =	vmul.f32 v28, v28  }
0x1b7: {  	[tilespmem:$0x1F580] =	vst v35;
	v49 =	vld.idx.msk [tilespmem:v46+s14+$0x0], $0xffff;
	v35 =	vor.u32 v39, v45  }
0x1b8: {  	v25 =	vcombine.low v53, v55;
	v28 =	vld.idx.msk [tilespmem:v15+s14+$0x0], $0xffff;
	v6 =	vadd.f32 v27, v6;
	v27 =	vmul.f32 v56, v14  }
0x1b9: {  	[tilespmem:$0x1F5A0] =	vst v36;
	v36 =	vor.u32 v36, v45;
	v15 =	vld.idx.msk [tilespmem:v15+s15+$0x0], $0xffff;
	v14 =	vmul.f32 v14, v14  }
0x1ba: {  	v48 =	vcombine.low v13, v50;
	v50 =	vor.u32 v25, v45;
	v11 =	vadd.f32 v27, v11;
	v27 =	vld.idx.msk [tilespmem:v29+s14+$0x0], $0xffff  }
0x1bb: {  	v7 =	vadd.f32 v14, v7;
	v42 =	vmul.f32 v12, v57;
	v14 =	vld.idx.msk [tilespmem:v29+s15+$0x0], $0xffff;
	v12 =	vmul.f32 v12, v12  }
0x1bc: {  	v47 =	vor.u32 v24, v45;
	v24 =	vor.u32 v48, v45;
	v16 =	vmul.f32 v57, v57;
	v20 =	vld.idx.msk [tilespmem:v35+s14+$0x0], $0xffff  }
0x1bd: {  	v22 =	vmul.f32 v22, v22;
	v18 =	vld.idx.msk [tilespmem:v35+s15+$0x0], $0xffff;
	v0 =	vadd.f32 v12, v0;
	v12 =	vmul.f32 v28, v28  }
0x1be: {  	v21 =	vmul.f32 v56, v56;
	v44 =	vmul.f32 v15, v28;
	v3 =	vadd.f32 v16, v3;
	v16 =	vld.idx.msk [tilespmem:v36+s14+$0x0], $0xffff  }
0x1bf: {  	v2 =	vadd.f32 v22, v2;
	v15 =	vmul.f32 v15, v15;
	v5 =	vadd.f32 v12, v5;
	v12 =	vld.idx.msk [tilespmem:v36+s15+$0x0], $0xffff  }
0x1c0: {  	v51 =	vld.idx.msk [tilespmem:v50+s14+$0x0], $0xffff;
	v4 =	vadd.f32 v21, v4;
	v10 =	vadd.f32 v44, v10;
	v13 =	vmul.f32 v14, v27  }
0x1c1: {  	v21 =	vld.idx.msk [tilespmem:v47+s15+$0x0], $0xffff;
	v1 =	vadd.f32 v15, v1;
	v15 =	vmul.f32 v27, v27;
	v14 =	vmul.f32 v14, v14  }
0x1c2: {  	v44 =	vld [tilespmem:$0x1FBB0];
	v8 =	vadd.f32 v42, v8;
	v9 =	vadd.f32 v13, v9;
	v13 =	vmul.f32 v18, v20  }
0x1c3: {  	v42 =	vld [tilespmem:$0x1FBA0];
	v6 =	vadd.f32 v15, v6;
	v2 =	vadd.f32 v14, v2;
	v15 =	vmul.f32 v18, v18  }
0x1c4: {  	v14 =	vld.idx.msk [tilespmem:v46+s15+$0x0], $0xffff;
	v11 =	vadd.f32 v13, v11;
	v13 =	vmul.f32 v20, v20;
	v20 =	vmul.f32 v12, v16  }
0x1c5: {  	v18 =	vld.idx.msk [tilespmem:v47+s14+$0x0], $0xffff;
	v16 =	vmul.f32 v16, v16;
	v4 =	vadd.f32 v15, v4;
	v15 =	vcombine.low v30, v31  }
0x1c6: {  	v12 =	vmul.f32 v12, v12;
	v7 =	vadd.f32 v13, v7;
	v8 =	vadd.f32 v20, v8;
	v13 =	vld.idx.msk [tilespmem:v24+s14+$0x0], $0xffff  }
0x1c7: {  	v3 =	vadd.f32 v16, v3;
	v16 =	vcombine.low v17, v19;
	v19 =	vld.idx.msk [tilespmem:v24+s15+$0x0], $0xffff;
	v20 =	vor.u32 v15, v45  }
0x1c8: {  	[tilespmem:$0x1F5F0] =	vst v15;
	v0 =	vadd.f32 v12, v0;
	v12 =	vmul.f32 v49, v49;
	v15 =	vcombine.low v59, v60;
	v60 =	vld [tilespmem:$0x1FBC0]  }
0x1c9: {  	v17 =	vmul.f32 v14, v49;
	v14 =	vmul.f32 v14, v14;
	v49 =	vld [tilespmem:$0x1FBF0]  }
0x1ca: {  	[tilespmem:$0x1F600] =	vst v16;
	v52 =	vor.u32 v16, v45;
	v16 =	vld [tilespmem:$0x1FB10]  }
0x1cb: {  	v1 =	vadd.f32 v14, v1;
	v14 =	vld.idx.msk [tilespmem:v50+s15+$0x0], $0xffff  }
0x1cc: {  	v5 =	vadd.f32 v12, v5;
	v12 =	vmul.f32 v18, v18;
	v50 =	vld [tilespmem:$0x1FC00]  }
0x1cd: {  	v10 =	vadd.f32 v17, v10;
	v17 =	vmul.f32 v21, v18;
	v18 =	vmul.f32 v21, v21;
	v53 =	vld.idx.msk [tilespmem:v20+s14+$0x0], $0xffff  }
0x1ce: {  	v23 =	vmul.f32 v51, v51;
	v30 =	vsel vm0, v41, v40;
	v54 =	vor.u32 v15, v45;
	v20 =	vld.idx.msk [tilespmem:v20+s15+$0x0], $0xffff  }
0x1cf: {  	v9 =	vadd.f32 v17, v9;
	v2 =	vadd.f32 v18, v2;
	v18 =	vmul.f32 v19, v19;
	v17 =	vld [tilespmem:$0x1FB20]  }
0x1d0: {  	v31 =	vsel vm0, v42, v43;
	v6 =	vadd.f32 v12, v6;
	v12 =	vmul.f32 v19, v13;
	v19 =	vld [tilespmem:$0x1FB40]  }
0x1d1: {  	v42 =	vsel vm0, v44, v42;
	v13 =	vmul.f32 v13, v13;
	v4 =	vadd.f32 v18, v4;
	v18 =	vld [tilespmem:$0x1FB30]  }
0x1d2: {  	[tilespmem:$0x1F610] =	vst v15;
	v15 =	vor.u32 $0x50, v63;
	v3 =	vadd.f32 v23, v3;
	v11 =	vadd.f32 v12, v11;
	v12 =	vld.idx.msk [tilespmem:v52+s14+$0x0], $0xffff  }
0x1d3: {  	v7 =	vadd.f32 v13, v7;
	v24 =	vld.idx.msk [tilespmem:v52+s15+$0x0], $0xffff;
	v13 =	vmul.f32 v14, v51;
	v14 =	vmul.f32 v14, v14  }
0x1d4: {  	v32 =	vsel vm0, v60, v44;
	v56 =	vld.idx.msk [tilespmem:v54+s14+$0x0], $0xffff;
	v55 =	vmul.f32 v20, v53;
	v20 =	vmul.f32 v20, v20  }
0x1d5: {  	v22 =	vld.idx.msk [tilespmem:v54+s15+$0x0], $0xffff;
	v8 =	vadd.f32 v13, v8;
	v13 =	vor.u32 v15, v45;
	v21 =	vmul.f32 v53, v53  }
0x1d6: {  	v26 =	vsel vm0, v17, v16;
	v27 =	vsel vm0, v19, v18;
	v1 =	vadd.f32 v20, v1;
	v20 =	vld [tilespmem:$0x1FB50]  }
0x1d7: {  	[tilespmem:$0x1F620] =	vst v15;
	v43 =	vsel vm0, v43, v60;
	v5 =	vadd.f32 v21, v5;
	v21 =	vld [tilespmem:$0x1FB60];
	v15 =	vcombine.low v27, v26  }
0x1d8: {  	[tilespmem:$0x1F5D0] =	vst v48;
	v48 =	vld [tilespmem:$0x1FBE0];
	v35 =	vsel vm0, v50, v49;
	v0 =	vadd.f32 v14, v0;
	v14 =	vmul.f32 v24, v12  }
0x1d9: {  	[tilespmem:$0x1F5E0] =	vst v25;
	v38 =	vsel vm0, v16, v19;
	v10 =	vadd.f32 v55, v10;
	v55 =	vld [tilespmem:$0x1FBD0];
	v28 =	vor.u32 v15, v45  }
0x1da: {  	v12 =	vmul.f32 v12, v12;
	v57 =	vmul.f32 v22, v56;
	v9 =	vadd.f32 v14, v9;
	v14 =	vld.idx.msk [tilespmem:v13+s14+$0x0], $0xffff  }
0x1db: {  	v25 =	vmul.f32 v56, v56;
	v37 =	vsel vm0, v18, v17;
	v16 =	vcombine.low v26, v27;
	v13 =	vld.idx.msk [tilespmem:v13+s15+$0x0], $0xffff  }
0x1dc: {  	v6 =	vadd.f32 v12, v6;
	v12 =	vmul.f32 v24, v24;
	v29 =	vsel vm0, v21, v20  }
0x1dd: {  	v11 =	vadd.f32 v57, v11;
	v7 =	vadd.f32 v25, v7;
	[tilespmem:$0x1F630] =	vst v15;
	v15 =	vcombine.low v30, v29  }
0x1de: {  	v2 =	vadd.f32 v12, v2;
	v12 =	vmul.f32 v22, v22;
	v34 =	vsel vm0, v48, v55;
	v59 =	vld.idx.msk [tilespmem:v28+s14+$0x0], $0xffff  }
0x1df: {  	v28 =	vld.idx.msk [tilespmem:v28+s15+$0x0], $0xffff;
	[tilespmem:$0x1F640] =	vst v15;
	v52 =	vor.u32 v15, v45;
	v15 =	vcombine.low v32, v31  }
0x1e0: {  	v17 =	vld [tilespmem:$0x1FC50];
	v40 =	vsel vm0, v40, v21;
	v4 =	vadd.f32 v12, v4;
	v54 =	vmul.f32 v13, v14  }
0x1e1: {  	v18 =	vld [tilespmem:$0x1FC70];
	v12 =	vmul.f32 v14, v14;
	[tilespmem:$0x1F650] =	vst v15;
	v53 =	vor.u32 v15, v45;
	v15 =	vcombine.low v35, v34  }
0x1e2: {  	v19 =	vld [tilespmem:$0x1FC80];
	v41 =	vsel vm0, v20, v41;
	v13 =	vmul.f32 v13, v13;
	v8 =	vadd.f32 v54, v8  }
0x1e3: {  	v20 =	vld [tilespmem:$0x1FC90];
	v3 =	vadd.f32 v12, v3;
	[tilespmem:$0x1F660] =	vst v15;
	v57 =	vor.u32 v15, v45;
	v15 =	vcombine.low v38, v37  }
0x1e4: {  	v0 =	vadd.f32 v13, v0;
	v54 =	vor.u32 v16, v45;
	v14 =	vmul.f32 v28, v59;
	v56 =	vld.idx.msk [tilespmem:v52+s14+$0x0], $0xffff  }
0x1e5: {  	v33 =	vld.idx.msk [tilespmem:v52+s15+$0x0], $0xffff;
	v13 =	vmul.f32 v59, v59;
	[tilespmem:$0x1F670] =	vst v15;
	v59 =	vor.u32 v15, v45  }
0x1e6: {  	v15 =	vcombine.low v41, v40;
	v12 =	vld.idx.msk [tilespmem:v53+s14+$0x0], $0xffff;
	v10 =	vadd.f32 v14, v10;
	v14 =	vmul.f32 v28, v28  }
0x1e7: {  	[tilespmem:$0x1F6B0] =	vst v16;
	v48 =	vsel vm0, v49, v48;
	v24 =	vsel vm0, v55, v50;
	v28 =	vld.idx.msk [tilespmem:v53+s15+$0x0], $0xffff  }
0x1e8: {  	v16 =	vcombine.low v31, v32;
	v60 =	vor.u32 v15, v45;
	v1 =	vadd.f32 v14, v1;
	v14 =	vld.idx.msk [tilespmem:v57+s14+$0x0], $0xffff  }
0x1e9: {  	v5 =	vadd.f32 v13, v5;
	[tilespmem:$0x1F680] =	vst v15;
	v15 =	vcombine.low v43, v42;
	v36 =	vld.idx.msk [tilespmem:v57+s15+$0x0], $0xffff  }
0x1ea: {  	[tilespmem:$0x1F6D0] =	vst v16;
	v57 =	vor.u32 v16, v45;
	v16 =	vld [tilespmem:$0x1FC40];
	v13 =	vmul.f32 v33, v56;
	v25 =	vmul.f32 v56, v56  }
0x1eb: {  	[tilespmem:$0x1F690] =	vst v15;
	v47 =	vor.u32 v15, v45;
	v15 =	vcombine.low v24, v48;
	v56 =	vld.idx.msk [tilespmem:v54+s14+$0x0], $0xffff  }
0x1ec: {  	v23 =	vld.idx.msk [tilespmem:v59+s14+$0x0], $0xffff;
	v9 =	vadd.f32 v13, v9;
	v13 =	vmul.f32 v33, v33  }
0x1ed: {  	v21 =	vmul.f32 v28, v12;
	v12 =	vmul.f32 v12, v12;
	[tilespmem:$0x1F6A0] =	vst v15;
	v51 =	vld.idx.msk [tilespmem:v60+s14+$0x0], $0xffff  }
0x1ee: {  	v52 =	vor.u32 v15, v45;
	v15 =	vcombine.low v29, v30;
	v2 =	vadd.f32 v13, v2;
	v13 =	vld.idx.msk [tilespmem:v59+s15+$0x0], $0xffff  }
0x1ef: {  	v27 =	vmul.f32 v36, v14;
	v7 =	vadd.f32 v12, v7;
	v12 =	vmul.f32 v14, v14;
	v14 =	vld.idx.msk [tilespmem:v60+s15+$0x0], $0xffff  }
0x1f0: {  	v59 =	vld.idx.msk [tilespmem:v54+s15+$0x0], $0xffff  }
0x1f1: {  	[tilespmem:$0x1F6C0] =	vst v15;
	v55 =	vor.u32 v15, v45;
	v15 =	vcombine.low v34, v35;
	v53 =	vld.idx.msk [tilespmem:v47+s14+$0x0], $0xffff  }
0x1f2: {  	v28 =	vmul.f32 v28, v28;
	v11 =	vadd.f32 v21, v11;
	v3 =	vadd.f32 v12, v3;
	v12 =	vld.idx.msk [tilespmem:v47+s15+$0x0], $0xffff  }
0x1f3: {  	v8 =	vadd.f32 v27, v8;
	[tilespmem:$0x1F6E0] =	vst v15;
	v21 =	vor.u32 v15, v45;
	v15 =	vcombine.low v37, v38;
	v27 =	vld [tilespmem:$0x1FD00]  }
0x1f4: {  	v4 =	vadd.f32 v28, v4;
	v31 =	vld.idx.msk [tilespmem:v52+s14+$0x0], $0xffff  }
0x1f5: {  	v28 =	vmul.f32 v36, v36;
	v30 =	vmul.f32 v23, v23;
	[tilespmem:$0x1F6F0] =	vst v15;
	v37 =	vor.u32 v15, v45;
	v15 =	vld [tilespmem:$0x1FC30]  }
0x1f6: {  	v29 =	vmul.f32 v13, v23;
	v13 =	vmul.f32 v13, v13;
	v32 =	vld.idx.msk [tilespmem:v55+s15+$0x0], $0xffff  }
0x1f7: {  	v5 =	vadd.f32 v30, v5;
	v30 =	vmul.f32 v14, v51;
	v14 =	vmul.f32 v14, v14;
	v23 =	vld.idx.msk [tilespmem:v57+s15+$0x0], $0xffff  }
0x1f8: {  	v6 =	vadd.f32 v25, v6;
	v13 =	vadd.f32 v13, v1;
	v1 =	vld.idx.msk [tilespmem:v52+s15+$0x0], $0xffff  }
0x1f9: {  	v0 =	vadd.f32 v28, v0;
	v33 =	vmul.f32 v51, v51;
	v2 =	vadd.f32 v14, v2;
	v14 =	vld.idx.msk [tilespmem:v55+s14+$0x0], $0xffff  }
0x1fa: {  	v9 =	vadd.f32 v30, v9;
	v30 =	vmul.f32 v12, v53;
	v12 =	vmul.f32 v12, v12;
	v25 =	vld.idx.msk [tilespmem:v21+s14+$0x0], $0xffff  }
0x1fb: {  	v24 =	vmul.f32 v59, v56;
	v6 =	vadd.f32 v33, v6;
	v60 =	vmul.f32 v53, v53;
	v36 =	vld.idx.msk [tilespmem:v21+s15+$0x0], $0xffff  }
0x1fc: {  	v10 =	vadd.f32 v29, v10;
	v21 =	vld [tilespmem:$0x1FCA0];
	v4 =	vadd.f32 v12, v4;
	v12 =	vmul.f32 v31, v31  }
0x1fd: {  	v7 =	vadd.f32 v60, v7;
	v46 =	vld.idx.msk [tilespmem:v37+s14+$0x0], $0xffff;
	v22 =	vmul.f32 v1, v31;
	v1 =	vmul.f32 v1, v1  }
0x1fe: {  	v3 =	vadd.f32 v12, v3;
	v31 =	vld.idx.msk [tilespmem:v57+s14+$0x0], $0xffff;
	v44 =	vmul.f32 v32, v14;
	v14 =	vmul.f32 v14, v14  }
0x1ff: {  	v37 =	vld.idx.msk [tilespmem:v37+s15+$0x0], $0xffff;
	v32 =	vmul.f32 v32, v32;
	v12 =	vadd.f32 v1, v0;
	v0 =	vcombine.low v40, v41  }
0x200: {  	v10 =	vadd.f32 v24, v10;
	v24 =	vld [tilespmem:$0x1FCD0];
	v48 =	vmul.f32 v36, v25;
	v49 =	vmul.f32 v25, v25  }
0x201: {  	v25 =	vld [tilespmem:$0x1FCE0];
	v8 =	vadd.f32 v22, v8;
	v1 =	vcombine.low v42, v43;
	v40 =	vor.u32 v0, v45  }
0x202: {  	v6 =	vadd.f32 v14, v6;
	v32 =	vadd.f32 v32, v2;
	v2 =	vmul.f32 v23, v23;
	v22 =	vld [tilespmem:$0x1FCB0]  }
0x203: {  	[tilespmem:$0x1F710] =	vst v1;
	v47 =	vor.u32 v1, v45;
	v1 =	vld [tilespmem:$0x1FC10];
	v14 =	vmul.f32 v23, v31;
	v31 =	vmul.f32 v31, v31  }
0x204: {  	v34 =	vmul.f32 v56, v56;
	v11 =	vadd.f32 v30, v11;
	[tilespmem:$0x1F700] =	vst v0;
	v0 =	vor.u32 $0x60, v63;
	v23 =	vld [tilespmem:$0x1FCC0]  }
0x205: {  	v51 =	vor.u32 v0, v45;
	v7 =	vadd.f32 v31, v7;
	v31 =	vadd.f32 v2, v4;
	v2 =	vld [tilespmem:$0x1FC20]  }
0x206: {  	v26 =	vmul.f32 v59, v59;
	v11 =	vadd.f32 v14, v11;
	v14 =	vld.idx.msk [tilespmem:v40+s14+$0x0], $0xffff  }
0x207: {  	[tilespmem:$0x1F590] =	vst v39;
	v5 =	vadd.f32 v34, v5;
	v4 =	vld.idx.msk [tilespmem:v40+s15+$0x0], $0xffff  }
0x208: {  	v13 =	vadd.f32 v26, v13;
	v36 =	vmul.f32 v36, v36;
	v38 =	vsel vm0, v21, v20;
	v50 =	vld.idx.msk [tilespmem:v47+s14+$0x0], $0xffff  }
0x209: {  	v9 =	vadd.f32 v44, v9;
	v52 =	vmul.f32 v37, v46;
	v34 =	vmul.f32 v46, v46;
	v35 =	vld.idx.msk [tilespmem:v47+s15+$0x0], $0xffff  }
0x20a: {  	v42 =	vsel vm0, v16, v15;
	v33 =	vadd.f32 v49, v3;
	v53 =	vmul.f32 v37, v37;
	v56 =	vld.idx.msk [tilespmem:v51+s14+$0x0], $0xffff  }
0x20b: {  	v46 =	vsel vm0, v19, v18;
	v8 =	vadd.f32 v48, v8;
	v34 =	vadd.f32 v34, v5;
	v39 =	vld.idx.msk [tilespmem:v51+s15+$0x0], $0xffff  }
0x20c: {  	v41 =	vsel vm0, v2, v1;
	v5 =	vmul.f32 v4, v14;
	v55 =	vmul.f32 v4, v4;
	v4 =	vld [tilespmem:$0x1FC60]  }
0x20d: {  	v12 =	vadd.f32 v36, v12;
	v10 =	vadd.f32 v52, v10;
	[tilespmem:$0x1F720] =	vst v0;
	v0 =	vcombine.low v42, v41  }
0x20e: {  	v26 =	vld [tilespmem:$0x1FCF0];
	v13 =	vadd.f32 v53, v13;
	v49 =	vsel vm0, v25, v24;
	v53 =	vsel vm0, v1, v16  }
0x20f: {  	v16 =	vsel vm0, v24, v27;
	v43 =	vsel vm0, v23, v22;
	v54 =	vor.u32 v0, v45  }
0x210: {  	v52 =	vsel vm0, v15, v2;
	v14 =	vmul.f32 v14, v14;
	v57 =	vmul.f32 v35, v50  }
0x211: {  	v60 =	vmul.f32 v39, v56;
	v40 =	vmul.f32 v56, v56;
	v44 =	vsel vm0, v4, v17  }
0x212: {  	[tilespmem:$0x1F730] =	vst v0;
	v47 =	vadd.f32 v5, v9;
	v14 =	vadd.f32 v14, v6;
	v0 =	vcombine.low v46, v44  }
0x213: {  	v11 =	vadd.f32 v57, v11;
	v5 =	vmul.f32 v50, v50;
	v50 =	vsel vm0, v27, v26  }
0x214: {  	v9 =	vld.idx.msk [tilespmem:v54+s14+$0x0], $0xffff;
	[tilespmem:$0x1F740] =	vst v0;
	v59 =	vor.u32 v0, v45;
	v0 =	vcombine.low v43, v38  }
0x215: {  	v57 =	vsel vm0, v17, v19;
	v48 =	vadd.f32 v5, v7;
	v7 =	vmul.f32 v35, v35;
	v35 =	vld.idx.msk [tilespmem:v54+s15+$0x0], $0xffff  }
0x216: {  	v37 =	vadd.f32 v60, v8;
	[tilespmem:$0x1F750] =	vst v0;
	v51 =	vor.u32 v0, v45;
	v0 =	vcombine.low v50, v49  }
0x217: {  	v33 =	vadd.f32 v40, v33;
	v60 =	vsel vm0, v20, v23;
	v23 =	vsel vm0, v26, v25  }
0x218: {  	v28 =	vld [tilespmem:$0x1FDA0];
	v6 =	vcombine.low v16, v23;
	[tilespmem:$0x1F760] =	vst v0;
	v40 =	vor.u32 v0, v45;
	v0 =	vcombine.low v53, v52  }
0x219: {  	v56 =	vsel vm0, v18, v4;
	v31 =	vadd.f32 v7, v31;
	v7 =	vmul.f32 v39, v39;
	v39 =	vld.idx.msk [tilespmem:v59+s14+$0x0], $0xffff  }
0x21a: {  	v5 =	vmov v58;
	v8 =	vmul.f32 v35, v9;
	v36 =	vld.idx.msk [tilespmem:v59+s15+$0x0], $0xffff;
	v58 =	vor.u32 v0, v45  }
0x21b: {  	v32 =	vadd.f32 v55, v32;
	v3 =	vcombine.low v57, v56;
	v54 =	vadd.f32 v7, v12;
	v12 =	vld.idx.msk [tilespmem:v51+s14+$0x0], $0xffff  }
0x21c: {  	v17 =	vor.u32 v6, v45;
	v9 =	vmul.f32 v9, v9;
	v55 =	vadd.f32 v8, v10;
	v51 =	vld.idx.msk [tilespmem:v51+s15+$0x0], $0xffff  }
0x21d: {  	v10 =	vmul.f32 v35, v35;
	v59 =	vsel vm0, v22, v21;
	v22 =	vor.u32 v3, v45;
	v35 =	vld.idx.msk [tilespmem:v40+s14+$0x0], $0xffff  }
0x21e: {  	v1 =	vmov v62;
	v34 =	vadd.f32 v9, v34;
	v9 =	vcombine.low v60, v59;
	v40 =	vld.idx.msk [tilespmem:v40+s15+$0x0], $0xffff  }
0x21f: {  	v4 =	vcombine.low v44, v46;
	v15 =	vadd.f32 v10, v13;
	v13 =	vmul.f32 v36, v36;
	v16 =	vld.idx.msk [tilespmem:v58+s14+$0x0], $0xffff  }
0x220: {  	v7 =	vcombine.low v41, v42;
	v21 =	vmul.f32 v36, v39;
	v36 =	vor.u32 v9, v45;
	v24 =	vld.idx.msk [tilespmem:v58+s15+$0x0], $0xffff  }
0x221: {  	v46 =	vor.u32 v4, v45;
	v44 =	vld.idx.msk [tilespmem:v17+s14+$0x0], $0xffff;
	v32 =	vadd.f32 v13, v32;
	v13 =	vmul.f32 v51, v12  }
0x222: {  	v23 =	vor.u32 v7, v45;
	v10 =	vmul.f32 v39, v39;
	v26 =	vld.idx.msk [tilespmem:v22+s14+$0x0], $0xffff;
	v47 =	vadd.f32 v21, v47  }
0x223: {  	v2 =	vld [tilespmem:$0x1FD10];
	[tilespmem:$0x1F770] =	vst v0;
	v51 =	vmul.f32 v51, v51;
	v18 =	vadd.f32 v13, v11;
	v13 =	vmul.f32 v35, v35  }
0x224: {  	v14 =	vadd.f32 v10, v14;
	v12 =	vmul.f32 v12, v12;
	v21 =	vld.idx.msk [tilespmem:v22+s15+$0x0], $0xffff;
	v25 =	vmul.f32 v40, v35  }
0x225: {  	v42 =	vadd.f32 v51, v31;
	v31 =	vld.idx.msk [tilespmem:v36+s14+$0x0], $0xffff;
	v33 =	vadd.f32 v13, v33;
	v13 =	vmul.f32 v24, v16  }
0x226: {  	v48 =	vadd.f32 v12, v48;
	v22 =	vmul.f32 v40, v40;
	v36 =	vld.idx.msk [tilespmem:v36+s15+$0x0], $0xffff;
	v37 =	vadd.f32 v25, v37  }
0x227: {  	v27 =	vld [tilespmem:$0x1FD90];
	v0 =	vmovc v61;
	v25 =	vmul.f32 v26, v26;
	v51 =	vadd.f32 v13, v55;
	v13 =	vcombine.low v38, v43  }
0x228: {  	v61 =	vld.idx.msk [tilespmem:v23+s14+$0x0], $0xffff;
	v16 =	vmul.f32 v16, v16;
	v35 =	vadd.f32 v22, v54;
	v39 =	vmul.f32 v24, v24  }
0x229: {  	v40 =	vld.idx.msk [tilespmem:v23+s15+$0x0], $0xffff;
	v38 =	vadd.f32 v25, v14;
	v14 =	vcombine.low v49, v50;
	v62 =	vor.u32 v13, v45  }
0x22a: {  	v23 =	vld.idx.msk [tilespmem:v46+s15+$0x0], $0xffff;
	v24 =	vmul.f32 v21, v26;
	v26 =	vmul.f32 v21, v21;
	v15 =	vadd.f32 v39, v15  }
0x22b: {  	v21 =	vld.idx.msk [tilespmem:v46+s14+$0x0], $0xffff;
	v58 =	vmul.f32 v36, v31;
	v31 =	vmul.f32 v31, v31;
	v25 =	vor.u32 v14, v45  }
0x22c: {  	v17 =	vld.idx.msk [tilespmem:v17+s15+$0x0], $0xffff;
	v39 =	vadd.f32 v26, v32;
	v32 =	vcombine.low v56, v57;
	v22 =	vmul.f32 v36, v36  }
0x22d: {  	v20 =	vld [tilespmem:$0x1FD20];
	v48 =	vadd.f32 v31, v48;
	v31 =	vcombine.low v52, v53  }
0x22e: {  	v16 =	vadd.f32 v16, v34;
	v42 =	vadd.f32 v22, v42;
	v22 =	vor.u32 v32, v45;
	v46 =	vld.idx.msk [tilespmem:v62+s14+$0x0], $0xffff  }
0x22f: {  	v54 =	vmul.f32 v40, v61;
	v56 =	vmul.f32 v61, v61;
	v55 =	vor.u32 v31, v45;
	v26 =	vld.idx.msk [tilespmem:v62+s15+$0x0], $0xffff  }
0x230: {  	v18 =	vadd.f32 v58, v18;
	v58 =	vmul.f32 v23, v21;
	v23 =	vmul.f32 v23, v23;
	v61 =	vld.idx.msk [tilespmem:v25+s14+$0x0], $0xffff  }
0x231: {  	v34 =	vadd.f32 v24, v47;
	v24 =	vmul.f32 v17, v44;
	v62 =	vmul.f32 v21, v21;
	v21 =	vld.idx.msk [tilespmem:v25+s15+$0x0], $0xffff  }
0x232: {  	v44 =	vmul.f32 v44, v44;
	v39 =	vadd.f32 v23, v39;
	v23 =	vld [tilespmem:$0x1FD50]  }
0x233: {  	v37 =	vadd.f32 v24, v37;
	v47 =	vld.idx.msk [tilespmem:v22+s15+$0x0], $0xffff  }
0x234: {  	v44 =	vadd.f32 v44, v33;
	v33 =	vcombine.low v59, v60;
	v25 =	vld.idx.msk [tilespmem:v55+s14+$0x0], $0xffff;
	v24 =	vmul.f32 v26, v46  }
0x235: {  	v50 =	vld.idx.msk [tilespmem:v55+s15+$0x0], $0xffff;
	v46 =	vmul.f32 v46, v46;
	v49 =	vmul.f32 v26, v26  }
0x236: {  	v26 =	vor.u32 v33, v45;
	v59 =	vmul.f32 v21, v61;
	v41 =	vmul.f32 v21, v21;
	v21 =	vld [tilespmem:$0x1FD30]  }
0x237: {  	v46 =	vadd.f32 v46, v48;
	v48 =	vld.idx.msk [tilespmem:v22+s14+$0x0], $0xffff  }
0x238: {  	v57 =	vmul.f32 v40, v40;
	v22 =	vld [tilespmem:$0x1FD40]  }
0x239: {  	v40 =	vadd.f32 v58, v34;
	v60 =	vmul.f32 v61, v61;
	v18 =	vadd.f32 v24, v18;
	v24 =	vld [tilespmem:$0x1FD60]  }
0x23a: {  	v34 =	vor.u32 $0x70, v63;
	v61 =	vmul.f32 v50, v25;
	v63 =	vmul.f32 v25, v25;
	v25 =	vld [tilespmem:$0x1FD70]  }
0x23b: {  	v38 =	vadd.f32 v62, v38;
	v62 =	vld.idx.msk [tilespmem:v26+s14+$0x0], $0xffff  }
0x23c: {  	v17 =	vmul.f32 v17, v17;
	v52 =	vld.idx.msk [tilespmem:v26+s15+$0x0], $0xffff  }
0x23d: {  	v26 =	vld [tilespmem:$0x1FD80]  }
0x23e: {  	v17 =	vadd.f32 v17, v35;
	v43 =	vadd.f32 v54, v51  }
0x23f: {  	v29 =	vld [tilespmem:$0x1FDB0];
	v16 =	vadd.f32 v56, v16;
	v15 =	vadd.f32 v57, v15;
	v51 =	vor.u32 v34, v45  }
0x240: {  	v30 =	vld [tilespmem:$0x1FDC0];
	v56 =	vsel vm0, v28, v27;
	v53 =	vsel vm0, v20, v2;
	v54 =	vsel vm0, v22, v21  }
0x241: {  	v8 =	vld [tilespmem:$0x1FDD0];
	v55 =	vadd.f32 v59, v37;
	v44 =	vadd.f32 v60, v44;
	v35 =	vcombine.low v54, v53  }
0x242: {  	v10 =	vld [tilespmem:$0x1FDE0];
	v17 =	vadd.f32 v41, v17;
	v58 =	vsel vm0, v24, v23;
	v59 =	vsel vm0, v26, v25  }
0x243: {  	v11 =	vld [tilespmem:$0x1FDF0];
	v50 =	vmul.f32 v50, v50;
	v57 =	vor.u32 v35, v45;
	v36 =	vcombine.low v59, v58  }
0x244: {  	v41 =	vld.idx.msk [tilespmem:v51+s15+$0x0], $0xffff;
	v43 =	vadd.f32 v61, v43;
	v60 =	vmul.f32 v47, v48;
	v61 =	vmul.f32 v48, v48  }
0x245: {  	v42 =	vadd.f32 v49, v42;
	v15 =	vadd.f32 v50, v15;
	v48 =	vld.idx.msk [tilespmem:v51+s14+$0x0], $0xffff;
	v49 =	vor.u32 v36, v45  }
0x246: {  	v12 =	vld [tilespmem:$0x1FE00];
	v37 =	vmul.f32 v47, v47;
	v40 =	vadd.f32 v60, v40;
	v50 =	vadd.f32 v61, v38  }
0x247: {  	v60 =	vsel vm0, v30, v29;
	v38 =	vmul.f32 v52, v62;
	v47 =	vmul.f32 v62, v62  }
0x248: {  	v61 =	vadd.f32 v37, v39;
	v62 =	vmul.f32 v52, v52;
	v37 =	vcombine.low v60, v56;
	v51 =	vld.idx.msk [tilespmem:v57+s14+$0x0], $0xffff  }
0x249: {  	v20 =	vsel vm0, v21, v20;
	v18 =	vadd.f32 v38, v18;
	v46 =	vadd.f32 v47, v46;
	v52 =	vld.idx.msk [tilespmem:v57+s15+$0x0], $0xffff  }
0x24a: {  	v47 =	vadd.f32 v62, v42;
	v38 =	vmul.f32 v41, v48;
	v57 =	vor.u32 v37, v45;
	v42 =	vld.idx.msk [tilespmem:v49+s14+$0x0], $0xffff  }
0x24b: {  	v39 =	vmul.f32 v48, v48;
	v62 =	vsel vm0, v12, v11;
	v48 =	vld.idx.msk [tilespmem:v49+s15+$0x0], $0xffff;
	v49 =	vsel vm0, v10, v8  }
0x24c: {  	v16 =	vadd.f32 v63, v16;
	v55 =	vadd.f32 v38, v55;
	v38 =	vcombine.low v62, v49  }
0x24d: {  	v21 =	vsel vm0, v2, v22;
	v41 =	vmul.f32 v41, v41;
	v19 =	vadd.f32 v39, v44  }
0x24e: {  	v39 =	vmul.f32 v52, v51;
	v63 =	vmul.f32 v51, v51;
	v51 =	vor.u32 v38, v45  }
0x24f: {  	v23 =	vsel vm0, v23, v26;
	v17 =	vadd.f32 v41, v17;
	v41 =	vmul.f32 v52, v52;
	v44 =	vld.idx.msk [tilespmem:v57+s15+$0x0], $0xffff  }
0x250: {  	v22 =	vadd.f32 v39, v43;
	v43 =	vld.idx.msk [tilespmem:v57+s14+$0x0], $0xffff;
	v39 =	vcombine.low v21, v20;
	v52 =	vmul.f32 v48, v42  }
0x251: {  	v26 =	vsel vm0, v27, v30;
	v16 =	vadd.f32 v63, v16;
	v63 =	vsel vm0, v25, v24  }
0x252: {  	v57 =	vor.u32 v39, v45;
	v52 =	vadd.f32 v52, v40;
	v40 =	vcombine.low v23, v63  }
0x253: {  	v30 =	vsel vm0, v8, v12;
	v15 =	vadd.f32 v41, v15;
	v25 =	vsel vm0, v29, v28;
	v24 =	vld.idx.msk [tilespmem:v51+s14+$0x0], $0xffff  }
0x254: {  	v42 =	vmul.f32 v42, v42;
	v41 =	vcombine.low v26, v25;
	v51 =	vld.idx.msk [tilespmem:v51+s15+$0x0], $0xffff;
	v27 =	vor.u32 v40, v45  }
0x255: {  	v29 =	vsel vm0, v11, v10;
	v48 =	vmul.f32 v48, v48;
	v28 =	vmul.f32 v44, v43  }
0x256: {  	v50 =	vadd.f32 v42, v50;
	v42 =	vcombine.low v30, v29;
	v30 =	vor.u32 v41, v45  }
0x257: {  	v61 =	vadd.f32 v48, v61;
	v29 =	vld.idx.msk [tilespmem:v57+s14+$0x0], $0xffff;
	v18 =	vadd.f32 v28, v18;
	v28 =	vmul.f32 v43, v43  }
0x258: {  	v44 =	vmul.f32 v44, v44;
	v48 =	vld.idx.msk [tilespmem:v57+s15+$0x0], $0xffff;
	v43 =	vcombine.low v53, v54;
	v53 =	vor.u32 v42, v45  }
0x259: {  	v28 =	vadd.f32 v28, v46;
	v46 =	vmul.f32 v51, v24;
	v24 =	vmul.f32 v24, v24;
	v54 =	vld.idx.msk [tilespmem:v27+s14+$0x0], $0xffff  }
0x25a: {  	v57 =	vadd.f32 v44, v47;
	v44 =	vcombine.low v58, v59;
	v58 =	vor.u32 v43, v45;
	v27 =	vld.idx.msk [tilespmem:v27+s15+$0x0], $0xffff  }
0x25b: {  	v47 =	vcombine.low v49, v62;
	v19 =	vadd.f32 v24, v19;
	v24 =	vmul.f32 v51, v51;
	v51 =	vld.idx.msk [tilespmem:v30+s14+$0x0], $0xffff  }
0x25c: {  	v55 =	vadd.f32 v46, v55;
	v46 =	vcombine.low v56, v60;
	v30 =	vld.idx.msk [tilespmem:v30+s15+$0x0], $0xffff;
	v56 =	vor.u32 v44, v45  }
0x25d: {  	v49 =	vcombine.low v63, v23;
	v60 =	vmul.f32 v48, v29;
	v59 =	vld.idx.msk [tilespmem:v53+s14+$0x0], $0xffff  }
0x25e: {  	v53 =	vld.idx.msk [tilespmem:v53+s15+$0x0], $0xffff;
	v17 =	vadd.f32 v24, v17;
	v24 =	vmul.f32 v29, v29;
	v29 =	vmul.f32 v48, v48  }
0x25f: {  	v48 =	vcombine.low v20, v21;
	v22 =	vadd.f32 v60, v22;
	v60 =	vor.u32 v46, v45;
	v21 =	vld.idx.msk [tilespmem:v58+s15+$0x0], $0xffff  }
0x260: {  	v16 =	vadd.f32 v24, v16;
	v15 =	vadd.f32 v29, v15;
	v24 =	vmul.f32 v27, v54;
	v29 =	vld.idx.msk [tilespmem:v58+s14+$0x0], $0xffff  }
0x261: {  	v20 =	vmul.f32 v54, v54;
	v54 =	vor.u32 v47, v45;
	v27 =	vmul.f32 v27, v27;
	v58 =	vld.idx.msk [tilespmem:v56+s14+$0x0], $0xffff  }
0x262: {  	v23 =	vld.idx.msk [tilespmem:v56+s15+$0x0], $0xffff;
	v56 =	vor.u32 v48, v45;
	v24 =	vadd.f32 v24, v52;
	v52 =	vmul.f32 v30, v51  }
0x263: {  	v20 =	vadd.f32 v20, v50;
	v27 =	vadd.f32 v27, v61;
	v51 =	vmul.f32 v51, v51  }
0x264: {  	v50 =	vcombine.low v25, v26;
	v25 =	vmul.f32 v30, v30;
	v18 =	vadd.f32 v52, v18;
	v52 =	vld.idx.msk [tilespmem:v60+s14+$0x0], $0xffff  }
0x265: {  	v30 =	vor.u32 v49, v45;
	v26 =	vld.idx.msk [tilespmem:v60+s15+$0x0], $0xffff;
	v28 =	vadd.f32 v51, v28;
	v51 =	vmul.f32 v53, v59  }
0x266: {  	v59 =	vmul.f32 v59, v59;
	v25 =	vadd.f32 v25, v57;
	v53 =	vmul.f32 v53, v53;
	v60 =	vld.idx.msk [tilespmem:v54+s14+$0x0], $0xffff  }
0x267: {  	v45 =	vor.u32 v50, v45;
	v54 =	vld.idx.msk [tilespmem:v54+s15+$0x0], $0xffff;
	v51 =	vadd.f32 v51, v55;
	v55 =	vmul.f32 v21, v29  }
0x268: {  	v19 =	vadd.f32 v59, v19;
	v57 =	vld.idx.msk [tilespmem:v56+s14+$0x0], $0xffff;
	v17 =	vadd.f32 v53, v17;
	v21 =	vmul.f32 v21, v21  }
0x269: {  	v29 =	vmul.f32 v29, v29;
	v53 =	vld.idx.msk [tilespmem:v56+s15+$0x0], $0xffff;
	v56 =	vmul.f32 v58, v58;
	v22 =	vadd.f32 v55, v22  }
0x26a: {  	v55 =	vmul.f32 v23, v58;
	v58 =	vld.idx.msk [tilespmem:v30+s14+$0x0], $0xffff;
	v15 =	vadd.f32 v21, v15;
	v21 =	vmul.f32 v23, v23  }
0x26b: {  	v16 =	vadd.f32 v29, v16;
	v23 =	vld.idx.msk [tilespmem:v30+s15+$0x0], $0xffff;
	v20 =	vadd.f32 v56, v20;
	v29 =	vmul.f32 v26, v52  }
0x26c: {  	v30 =	vld.idx.msk [tilespmem:v45+s14+$0x0], $0xffff;
	v26 =	vmul.f32 v26, v26;
	v21 =	vadd.f32 v21, v27;
	v27 =	vmul.f32 v52, v52  }
0x26d: {  	v45 =	vld.idx.msk [tilespmem:v45+s15+$0x0], $0xffff;
	v24 =	vadd.f32 v55, v24;
	v52 =	vmul.f32 v60, v60;
	v56 =	vmul.f32 v54, v54  }
0x26e: {  	v18 =	vadd.f32 v29, v18;
	v29 =	vmul.f32 v54, v60;
	v25 =	vadd.f32 v26, v25  }
0x26f: {  	v26 =	vmul.f32 v57, v57;
	v27 =	vadd.f32 v27, v28;
	v19 =	vadd.f32 v52, v19  }
0x270: {  	v17 =	vadd.f32 v56, v17;
	v28 =	vadd.f32 v29, v51;
	v29 =	vmul.f32 v53, v57  }
0x271: {  	v57 =	vmul.f32 v53, v53;
	v16 =	vadd.f32 v26, v16;
	v51 =	vmul.f32 v58, v58  }
0x272: {  	v52 =	vmul.f32 v45, v30;
	v55 =	vmul.f32 v30, v30;
	v22 =	vadd.f32 v29, v22  }
0x273: {  	v29 =	vmul.f32 v23, v58;
	v15 =	vadd.f32 v57, v15;
	v20 =	vadd.f32 v51, v20  }
0x274: {  	v23 =	vmul.f32 v23, v23;
	v16 =	vadd.f32 v16, v19;
	v18 =	vadd.f32 v52, v18  }
0x275: {  	v56 =	vmul.f32 v45, v45;
	v57 =	vadd.f32 v55, v27;
	v24 =	vadd.f32 v29, v24  }
0x276: {  	v22 =	vadd.f32 v22, v28;
	v21 =	vadd.f32 v23, v21  }
0x277: {  	v63 =	vld [tilespmem:$0x1FFF0];
	v18 =	vadd.f32 v18, v24;
	v24 =	vadd.f32 v56, v25  }
0x278: {  	p0 =	sne.s32 s21, $0x40;
	v59 =	vld [tilespmem:$0x1FFB0];
	v15 =	vadd.f32 v15, v17;
	v19 =	vadd.f32 v57, v20  }
.Ltmp0:
0x279: {  	v60 =	vld [tilespmem:$0x1FFC0];
	v18 =	vadd.f32 v18, v22;
	v17 =	vadd.f32 v24, v21;
	(pc) =	sbr.rel @p0 .LBB2_4-.Ltmp0, $4  }
0x27a: {  	v54 =	vld [tilespmem:$0x1FFE0];
	v16 =	vadd.f32 v19, v16  }
0x27b: {  	v53 =	vld [tilespmem:$0x1FFD0];
	[tilespmem:s28+$0x0] =	vst v18;
	v15 =	vadd.f32 v17, v15  }
0x27c: {  	s21 =	sadd.s32 $0x10, s21;
	v29 =	vld [tilespmem:$0x1FF90];
	[tilespmem:s29+$0x0] =	vst v16  }
0x27d: {  	v62 =	vmovc v1;
	v61 =	vmov v0;
	v58 =	vmov v5;
	v19 =	vld [tilespmem:$0x1FFA0];
	v18 =	vlaneseq.u32;
	s28 =	sadd.s32 $0x10, s28;
	s29 =	sadd.s32 $0x10, s29;
	[tilespmem:s30+$0x0] =	vst v15;
	s30 =	sadd.s32 $0x10, s30  }
0x27e: {  	p0 =	seq.s32 s26, $0x18  }
0x27f: {  	s21 =	sadd.s32 @!p0 $0xA0, s10;
	s28 =	simm.s32 @!p0 $0x50;
	s29 =	simm.s32 @!p0 $0x2000  }
0x280: {  	[tilespmem:s29], [sflag:$0x1] =	stream.indirect.gather @!p0 [hbm4b:s0+s28], $0x80, s21, s28, $0xb8;
	[tilespmem:$0xF000] =	vst v63  }
0x281: {  	s10 =	sadd.s32 @!p0 $0x10A0, s10;
	s21 =	simm.s32 @!p0 $0x7000  }
0x282: {  	[tilespmem:s21], [sflag:$0x1] =	stream.indirect.gather @!p0 [hbm4b:s0+s28], $0x80, s10, s28, $0xb8;
	[tilespmem:$0xF000] =	vst v63  }
0x283: {  	_ =	swait.ge [sflag:s19], $0x2800  }
0x284: {  	[sflag:s19] =	ssyncset.done $0x0  }
0x285: {  	[sflag:s19] =	ssyncadd.s32 $0xFFFFD800  }
0x286: {  	_ =	swait.ge [sflag:s19], $0x2800  }
0x287: {  	v0 =	vld [tilespmem:$0x1F780]  }
0x288: {  	s29 =	smov.u32 s31;
	s10 =	simm.s32 $0x0;
	[sflag:s19] =	ssyncset.done $0x0;
	v1 =	vld [tilespmem:$0x1F790]  }
0x289: {  	v8 =	vmov v3;
	s21 =	smov.u32 s5;
	s28 =	smov.u32 s1;
	v2 =	vld [tilespmem:$0x1F7A0];
	[sflag:s19] =	ssyncadd.s32 $0xFFFFD800  }
.LBB2_6:
0x28a: {  	_ =	sdelay $0x1  }
0x28b: {  	v15 =	vmov s10  }
0x28c: {  	v15 =	vshll.u32 v15, $0x7  }
0x28d: {  	v3 =	vld [tilespmem:$0x1FFD0];
	v45 =	vor.u32 v19, v15  }
0x28e: {  	v15 =	vor.u32 v18, v45;
	_ =	sdelay $0x1  }
0x28f: {  	v16 =	vor.u32 v61, v45  }
0x290: {  	v30 =	vld [tilespmem:$0x1FF90]  }
0x291: {  	v17 =	vor.u32 v62, v45;
	v53 =	vor.u32 v3, v45;
	v3 =	vld [tilespmem:$0x1FFE0]  }
0x292: {  	v18 =	vld.idx.msk [tilespmem:v15+s16+$0x0], $0xffff  }
0x293: {  	v21 =	vor.u32 v0, v45;
	v15 =	vld.idx.msk [tilespmem:v15+s17+$0x0], $0xffff  }
0x294: {  	v20 =	vld.idx.msk [tilespmem:v16+s16+$0x0], $0xffff  }
0x295: {  	v23 =	vor.u32 v1, v45;
	v16 =	vld.idx.msk [tilespmem:v16+s17+$0x0], $0xffff  }
0x296: {  	v22 =	vld.idx.msk [tilespmem:v17+s16+$0x0], $0xffff  }
0x297: {  	v17 =	vld.idx.msk [tilespmem:v17+s17+$0x0], $0xffff  }
0x298: {  	v27 =	vor.u32 v2, v45;
	v26 =	vld.idx.msk [tilespmem:v21+s16+$0x0], $0xffff  }
0x299: {  	v21 =	vld.idx.msk [tilespmem:v21+s17+$0x0], $0xffff  }
0x29a: {  	v30 =	vor.u32 v30, v45;
	v29 =	vld.idx.msk [tilespmem:v23+s16+$0x0], $0xffff;
	v25 =	vmul.f32 v15, v18  }
0x29b: {  	v23 =	vld.idx.msk [tilespmem:v23+s17+$0x0], $0xffff;
	v28 =	vmul.f32 v16, v20;
	v18 =	vmul.f32 v18, v18  }
0x29c: {  	v19 =	vor.u32 v63, v45;
	v15 =	vmul.f32 v15, v15;
	v20 =	vmul.f32 v20, v20  }
0x29d: {  	v58 =	vor.u32 v5, v45;
	v54 =	vld.idx.msk [tilespmem:v27+s16+$0x0], $0xffff;
	v51 =	vmul.f32 v17, v22;
	v16 =	vmul.f32 v16, v16  }
0x29e: {  	v27 =	vld.idx.msk [tilespmem:v27+s17+$0x0], $0xffff;
	v22 =	vmul.f32 v22, v22;
	v55 =	vmul.f32 v21, v26;
	v25 =	vadd.f32 $0.0e+00, v25  }
0x29f: {  	v56 =	vld.idx.msk [tilespmem:v30+s16+$0x0], $0xffff;
	v57 =	vor.u32 v3, v45;
	v26 =	vmul.f32 v26, v26;
	v21 =	vmul.f32 v21, v21  }
0x2a0: {  	v30 =	vld.idx.msk [tilespmem:v30+s17+$0x0], $0xffff;
	v28 =	vadd.f32 $0.0e+00, v28;
	v25 =	vadd.f32 v55, v25;
	v55 =	vmul.f32 v23, v29  }
0x2a1: {  	v17 =	vmul.f32 v17, v17;
	v18 =	vadd.f32 v26, v18;
	v26 =	vmul.f32 v29, v29;
	v29 =	vld.idx.msk [tilespmem:v53+s16+$0x0], $0xffff  }
0x2a2: {  	v15 =	vadd.f32 v21, v15;
	v23 =	vmul.f32 v23, v23;
	v21 =	vadd.f32 v55, v28;
	v28 =	vld.idx.msk [tilespmem:v53+s17+$0x0], $0xffff  }
0x2a3: {  	v24 =	vld.idx.msk [tilespmem:v19+s16+$0x0], $0xffff;
	v51 =	vadd.f32 $0.0e+00, v51;
	v20 =	vadd.f32 v26, v20;
	v26 =	vmul.f32 v27, v54  }
0x2a4: {  	v19 =	vld.idx.msk [tilespmem:v19+s17+$0x0], $0xffff;
	v53 =	vmul.f32 v54, v54;
	v16 =	vadd.f32 v23, v16;
	v23 =	vmul.f32 v27, v27  }
0x2a5: {  	v27 =	vld.idx.msk [tilespmem:v57+s16+$0x0], $0xffff;
	v26 =	vadd.f32 v26, v51  }
0x2a6: {  	v51 =	vmul.f32 v30, v56;
	v55 =	vld.idx.msk [tilespmem:v58+s16+$0x0], $0xffff;
	v22 =	vadd.f32 v53, v22;
	v17 =	vadd.f32 v23, v17  }
0x2a7: {  	v53 =	vld.idx.msk [tilespmem:v57+s17+$0x0], $0xffff;
	v23 =	vmul.f32 v56, v56;
	v56 =	vor.u32 v60, v45;
	v60 =	vmul.f32 v28, v29  }
0x2a8: {  	v57 =	vld.idx.msk [tilespmem:v58+s17+$0x0], $0xffff  }
0x2a9: {  	v54 =	vor.u32 v59, v45;
	v25 =	vadd.f32 v60, v25;
	v60 =	vld [tilespmem:$0x1F7C0]  }
0x2aa: {  	v52 =	vmul.f32 v19, v24;
	v24 =	vmul.f32 v24, v24  }
0x2ab: {  	v19 =	vmul.f32 v19, v19;
	v30 =	vmul.f32 v30, v30;
	_ =	sdelay $0x1  }
0x2ac: {  	v19 =	vadd.f32 v30, v19;
	v59 =	vmul.f32 v29, v29;
	v23 =	vadd.f32 v23, v24;
	v29 =	vld [tilespmem:$0x1F7B0]  }
0x2ad: {  	v30 =	vld.idx.msk [tilespmem:v54+s16+$0x0], $0xffff;
	v24 =	vmul.f32 v28, v28;
	v58 =	vor.u32 v60, v45;
	v60 =	vmul.f32 v57, v55  }
0x2ae: {  	v52 =	vadd.f32 $0.0e+00, v52;
	v18 =	vadd.f32 v59, v18;
	v59 =	vld [tilespmem:$0x1F7D0]  }
0x2af: {  	v15 =	vadd.f32 v24, v15;
	v24 =	vadd.f32 v60, v26;
	v60 =	vld [tilespmem:$0x1FF20]  }
0x2b0: {  	v51 =	vadd.f32 v51, v52;
	v52 =	vld.idx.msk [tilespmem:v54+s17+$0x0], $0xffff  }
0x2b1: {  	v28 =	vmul.f32 v53, v27;
	v53 =	vmul.f32 v53, v53;
	v29 =	vor.u32 v29, v45  }
0x2b2: {  	v27 =	vmul.f32 v27, v27;
	v54 =	vld.idx.msk [tilespmem:v56+s16+$0x0], $0xffff  }
0x2b3: {  	v21 =	vadd.f32 v28, v21;
	v28 =	vld.idx.msk [tilespmem:v56+s17+$0x0], $0xffff;
	v16 =	vadd.f32 v53, v16;
	v53 =	vor.u32 v59, v45  }
0x2b4: {  	v26 =	vmul.f32 v55, v55;
	v55 =	vmul.f32 v57, v57;
	v57 =	vor.u32 v60, v45;
	v60 =	vld [tilespmem:$0x1FE30]  }
0x2b5: {  	v56 =	vmul.f32 v52, v30;
	v30 =	vmul.f32 v30, v30  }
0x2b6: {  	v20 =	vadd.f32 v27, v20;
	v27 =	vld.idx.msk [tilespmem:v29+s16+$0x0], $0xffff  }
0x2b7: {  	v23 =	vadd.f32 v30, v23;
	v29 =	vld.idx.msk [tilespmem:v29+s17+$0x0], $0xffff  }
0x2b8: {  	v30 =	vmul.f32 v28, v54;
	v22 =	vadd.f32 v26, v22;
	v26 =	vmul.f32 v54, v54;
	v54 =	vld.idx.msk [tilespmem:v53+s16+$0x0], $0xffff  }
0x2b9: {  	v51 =	vadd.f32 v56, v51;
	v56 =	vor.u32 v60, v45;
	v60 =	vld [tilespmem:$0x1FE60]  }
0x2ba: {  	v59 =	vmul.f32 v52, v52;
	v52 =	vld.idx.msk [tilespmem:v58+s16+$0x0], $0xffff  }
0x2bb: {  	v28 =	vmul.f32 v28, v28;
	v17 =	vadd.f32 v55, v17;
	v25 =	vadd.f32 v30, v25;
	v55 =	vld.idx.msk [tilespmem:v58+s17+$0x0], $0xffff  }
0x2bc: {  	v18 =	vadd.f32 v26, v18;
	v30 =	vmul.f32 v29, v27;
	v26 =	vmul.f32 v27, v27;
	v27 =	vld.idx.msk [tilespmem:v57+s16+$0x0], $0xffff  }
0x2bd: {  	v15 =	vadd.f32 v28, v15;
	v28 =	vmul.f32 v29, v29;
	v29 =	vld.idx.msk [tilespmem:v57+s17+$0x0], $0xffff  }
0x2be: {  	v58 =	vor.u32 v60, v45;
	v60 =	vld [tilespmem:$0x1FF50]  }
0x2bf: {  	v19 =	vadd.f32 v59, v19;
	v59 =	vld [tilespmem:$0x1FED0]  }
0x2c0: {  	v53 =	vld.idx.msk [tilespmem:v53+s17+$0x0], $0xffff;
	v16 =	vadd.f32 v28, v16;
	v28 =	vmul.f32 v55, v55  }
0x2c1: {  	v21 =	vadd.f32 v30, v21;
	v30 =	vmul.f32 v52, v52  }
0x2c2: {  	v57 =	vmul.f32 v55, v52;
	v17 =	vadd.f32 v28, v17;
	v28 =	vmul.f32 v54, v54;
	v52 =	vld.idx.msk [tilespmem:v56+s16+$0x0], $0xffff  }
0x2c3: {  	v22 =	vadd.f32 v30, v22;
	v30 =	vld.idx.msk [tilespmem:v56+s17+$0x0], $0xffff;
	v56 =	vor.u32 v60, v45;
	v60 =	vmul.f32 v29, v27  }
0x2c4: {  	v55 =	vor.u32 v59, v45;
	v23 =	vadd.f32 v28, v23;
	v28 =	vld [tilespmem:$0x1FF80]  }
0x2c5: {  	v20 =	vadd.f32 v26, v20;
	v26 =	vmul.f32 v53, v54;
	v25 =	vadd.f32 v60, v25;
	v60 =	vld [tilespmem:$0x1F280]  }
0x2c6: {  	v54 =	vld.idx.msk [tilespmem:v58+s16+$0x0], $0xffff  }
0x2c7: {  	v26 =	vadd.f32 v26, v51;
	v51 =	vmul.f32 v53, v53;
	v24 =	vadd.f32 v57, v24;
	v57 =	vld.idx.msk [tilespmem:v58+s17+$0x0], $0xffff  }
0x2c8: {  	v59 =	vld [tilespmem:$0x1F290];
	v27 =	vmul.f32 v27, v27  }
0x2c9: {  	v19 =	vadd.f32 v51, v19;
	v51 =	vld.idx.msk [tilespmem:v55+s16+$0x0], $0xffff  }
0x2ca: {  	v18 =	vadd.f32 v27, v18;
	v27 =	vmul.f32 v29, v29;
	v58 =	vor.u32 v60, v45;
	v60 =	vld [tilespmem:$0x1F2A0]  }
0x2cb: {  	v53 =	vld.idx.msk [tilespmem:v55+s17+$0x0], $0xffff;
	v28 =	vor.u32 v28, v45;
	v29 =	vmul.f32 v30, v52  }
0x2cc: {  	v52 =	vmul.f32 v52, v52;
	v15 =	vadd.f32 v27, v15;
	v27 =	vmul.f32 v57, v54  }
0x2cd: {  	v30 =	vmul.f32 v30, v30;
	v21 =	vadd.f32 v29, v21;
	v55 =	vld.idx.msk [tilespmem:v56+s16+$0x0], $0xffff  }
0x2ce: {  	v20 =	vadd.f32 v52, v20;
	v52 =	vor.u32 v59, v45;
	v29 =	vld.idx.msk [tilespmem:v56+s17+$0x0], $0xffff;
	v24 =	vadd.f32 v27, v24  }
0x2cf: {  	v27 =	vmul.f32 v54, v54;
	v54 =	vmul.f32 v57, v57;
	v57 =	vor.u32 v60, v45;
	v60 =	vld [tilespmem:$0x1F2B0]  }
0x2d0: {  	v56 =	vmul.f32 v53, v51;
	v51 =	vmul.f32 v51, v51  }
0x2d1: {  	v16 =	vadd.f32 v30, v16;
	v30 =	vld.idx.msk [tilespmem:v28+s16+$0x0], $0xffff;
	v22 =	vadd.f32 v27, v22;
	v27 =	vmul.f32 v53, v53  }
0x2d2: {  	v28 =	vld.idx.msk [tilespmem:v28+s17+$0x0], $0xffff;
	v23 =	vadd.f32 v51, v23  }
0x2d3: {  	v51 =	vmul.f32 v29, v55;
	v19 =	vadd.f32 v27, v19;
	v27 =	vmul.f32 v55, v55;
	v55 =	vld.idx.msk [tilespmem:v52+s16+$0x0], $0xffff  }
0x2d4: {  	v26 =	vadd.f32 v56, v26;
	v56 =	vor.u32 v60, v45;
	v60 =	vld [tilespmem:$0x1F2C0]  }
0x2d5: {  	v53 =	vld.idx.msk [tilespmem:v58+s16+$0x0], $0xffff  }
0x2d6: {  	v17 =	vadd.f32 v54, v17;
	v29 =	vmul.f32 v29, v29;
	v54 =	vld.idx.msk [tilespmem:v58+s17+$0x0], $0xffff;
	v25 =	vadd.f32 v51, v25  }
0x2d7: {  	v51 =	vmul.f32 v28, v30;
	v18 =	vadd.f32 v27, v18;
	v27 =	vmul.f32 v30, v30;
	v30 =	vld.idx.msk [tilespmem:v57+s16+$0x0], $0xffff  }
0x2d8: {  	v15 =	vadd.f32 v29, v15;
	v29 =	vld.idx.msk [tilespmem:v57+s17+$0x0], $0xffff  }
0x2d9: {  	v58 =	vor.u32 v60, v45;
	v60 =	vld [tilespmem:$0x1F2E0]  }
0x2da: {  	v52 =	vld.idx.msk [tilespmem:v52+s17+$0x0], $0xffff  }
0x2db: {  	v28 =	vmul.f32 v28, v28  }
0x2dc: {  	v59 =	vld [tilespmem:$0x1F2D0];
	v21 =	vadd.f32 v51, v21;
	v20 =	vadd.f32 v27, v20;
	v27 =	vmul.f32 v54, v53  }
0x2dd: {  	v16 =	vadd.f32 v28, v16;
	v57 =	vmul.f32 v53, v53;
	v28 =	vmul.f32 v54, v54;
	v53 =	vld.idx.msk [tilespmem:v56+s16+$0x0], $0xffff  }
0x2de: {  	v24 =	vadd.f32 v27, v24;
	v51 =	vld.idx.msk [tilespmem:v56+s17+$0x0], $0xffff;
	v56 =	vor.u32 v60, v45;
	v60 =	vmul.f32 v29, v30  }
0x2df: {  	v27 =	vmul.f32 v52, v55;
	v17 =	vadd.f32 v28, v17;
	v28 =	vmul.f32 v55, v55;
	v55 =	vld.idx.msk [tilespmem:v58+s16+$0x0], $0xffff  }
0x2e0: {  	v25 =	vadd.f32 v60, v25;
	v60 =	vld [tilespmem:$0x1F300]  }
0x2e1: {  	v54 =	vor.u32 v59, v45;
	v23 =	vadd.f32 v28, v23;
	v28 =	vmul.f32 v30, v30;
	v30 =	vld [tilespmem:$0x1F2F0]  }
0x2e2: {  	v22 =	vadd.f32 v57, v22;
	v57 =	vld.idx.msk [tilespmem:v58+s17+$0x0], $0xffff;
	_ =	sdelay $0x1  }
0x2e3: {  	v59 =	vld [tilespmem:$0x1F310];
	v26 =	vadd.f32 v27, v26;
	v27 =	vmul.f32 v52, v52  }
0x2e4: {  	v18 =	vadd.f32 v28, v18;
	v28 =	vmul.f32 v29, v29;
	v58 =	vor.u32 v60, v45;
	v60 =	vld [tilespmem:$0x1F320]  }
0x2e5: {  	v52 =	vld.idx.msk [tilespmem:v54+s17+$0x0], $0xffff;
	v19 =	vadd.f32 v27, v19;
	v30 =	vor.u32 v30, v45  }
0x2e6: {  	v27 =	vld.idx.msk [tilespmem:v54+s16+$0x0], $0xffff;
	v15 =	vadd.f32 v28, v15;
	v29 =	vmul.f32 v51, v53;
	v28 =	vmul.f32 v57, v55  }
0x2e7: {  	v54 =	vld.idx.msk [tilespmem:v56+s16+$0x0], $0xffff  }
0x2e8: {  	v51 =	vmul.f32 v51, v51;
	v21 =	vadd.f32 v29, v21;
	v29 =	vld.idx.msk [tilespmem:v56+s17+$0x0], $0xffff;
	v24 =	vadd.f32 v28, v24  }
0x2e9: {  	v28 =	vmul.f32 v55, v55;
	v55 =	vmul.f32 v57, v57;
	v57 =	vor.u32 v60, v45;
	v60 =	vld [tilespmem:$0x1F330]  }
0x2ea: {  	v53 =	vmul.f32 v53, v53;
	v16 =	vadd.f32 v51, v16;
	v51 =	vld.idx.msk [tilespmem:v30+s16+$0x0], $0xffff  }
0x2eb: {  	v56 =	vmul.f32 v52, v27;
	v30 =	vld.idx.msk [tilespmem:v30+s17+$0x0], $0xffff  }
0x2ec: {  	v20 =	vadd.f32 v53, v20;
	v53 =	vor.u32 v59, v45;
	v27 =	vmul.f32 v27, v27  }
0x2ed: {  	v59 =	vld [tilespmem:$0x1F350];
	v26 =	vadd.f32 v56, v26;
	v22 =	vadd.f32 v28, v22;
	v28 =	vmul.f32 v52, v52  }
0x2ee: {  	v23 =	vadd.f32 v27, v23;
	v27 =	vmul.f32 v29, v54;
	v56 =	vor.u32 v60, v45;
	v60 =	vld [tilespmem:$0x1F340]  }
0x2ef: {  	v17 =	vadd.f32 v55, v17;
	v19 =	vadd.f32 v28, v19;
	v28 =	vmul.f32 v54, v54;
	v52 =	vld.idx.msk [tilespmem:v58+s16+$0x0], $0xffff  }
0x2f0: {  	v55 =	vld.idx.msk [tilespmem:v58+s17+$0x0], $0xffff;
	v25 =	vadd.f32 v27, v25;
	v27 =	vmul.f32 v29, v29;
	v29 =	vmul.f32 v30, v51  }
0x2f1: {  	v18 =	vadd.f32 v28, v18;
	v28 =	vmul.f32 v51, v51;
	v51 =	vld.idx.msk [tilespmem:v57+s16+$0x0], $0xffff  }
0x2f2: {  	v21 =	vadd.f32 v29, v21;
	v29 =	vld.idx.msk [tilespmem:v57+s17+$0x0], $0xffff  }
0x2f3: {  	v58 =	vor.u32 v60, v45;
	v60 =	vld [tilespmem:$0x1F360]  }
0x2f4: {  	v54 =	vld.idx.msk [tilespmem:v53+s16+$0x0], $0xffff  }
0x2f5: {  	v53 =	vld.idx.msk [tilespmem:v53+s17+$0x0], $0xffff;
	v15 =	vadd.f32 v27, v15;
	v27 =	vmul.f32 v30, v30  }
0x2f6: {  	v20 =	vadd.f32 v28, v20;
	v28 =	vmul.f32 v55, v52;
	v30 =	vmul.f32 v52, v52  }
0x2f7: {  	v16 =	vadd.f32 v27, v16;
	v27 =	vmul.f32 v55, v55;
	v55 =	vor.u32 v59, v45;
	v52 =	vld.idx.msk [tilespmem:v56+s16+$0x0], $0xffff  }
0x2f8: {  	v22 =	vadd.f32 v30, v22;
	v30 =	vld.idx.msk [tilespmem:v56+s17+$0x0], $0xffff;
	v56 =	vor.u32 v60, v45;
	v60 =	vmul.f32 v29, v51  }
0x2f9: {  	v59 =	vld [tilespmem:$0x1F370]  }
0x2fa: {  	v24 =	vadd.f32 v28, v24;
	v28 =	vmul.f32 v53, v54;
	v25 =	vadd.f32 v60, v25;
	v60 =	vld [tilespmem:$0x1F380]  }
0x2fb: {  	v17 =	vadd.f32 v27, v17;
	v27 =	vmul.f32 v54, v54;
	v54 =	vld.idx.msk [tilespmem:v58+s16+$0x0], $0xffff  }
0x2fc: {  	v26 =	vadd.f32 v28, v26;
	v57 =	vld.idx.msk [tilespmem:v58+s17+$0x0], $0xffff  }
0x2fd: {  	v28 =	vmul.f32 v53, v53;
	v23 =	vadd.f32 v27, v23;
	v27 =	vmul.f32 v51, v51;
	v53 =	vld.idx.msk [tilespmem:v55+s17+$0x0], $0xffff  }
0x2fe: {  	v51 =	vor.u32 v59, v45;
	v59 =	vld [tilespmem:$0x1F390]  }
0x2ff: {  	v18 =	vadd.f32 v27, v18;
	v27 =	vmul.f32 v29, v29;
	v58 =	vor.u32 v60, v45;
	v60 =	vld [tilespmem:$0x1F3A0]  }
0x300: {  	v19 =	vadd.f32 v28, v19;
	v28 =	vld.idx.msk [tilespmem:v55+s16+$0x0], $0xffff;
	v29 =	vmul.f32 v30, v52  }
0x301: {  	v15 =	vadd.f32 v27, v15;
	v52 =	vmul.f32 v52, v52;
	v27 =	vmul.f32 v57, v54  }
0x302: {  	v30 =	vmul.f32 v30, v30;
	v21 =	vadd.f32 v29, v21;
	v55 =	vld.idx.msk [tilespmem:v56+s16+$0x0], $0xffff  }
0x303: {  	v20 =	vadd.f32 v52, v20;
	v29 =	vld.idx.msk [tilespmem:v56+s17+$0x0], $0xffff;
	v52 =	vor.u32 v59, v45;
	v24 =	vadd.f32 v27, v24  }
0x304: {  	v27 =	vmul.f32 v54, v54;
	v54 =	vmul.f32 v57, v57;
	v57 =	vor.u32 v60, v45;
	v60 =	vld [tilespmem:$0x1F3B0]  }
0x305: {  	v16 =	vadd.f32 v30, v16;
	v30 =	vld.idx.msk [tilespmem:v51+s16+$0x0], $0xffff;
	v56 =	vmul.f32 v53, v28;
	v28 =	vmul.f32 v28, v28  }
0x306: {  	v51 =	vld.idx.msk [tilespmem:v51+s17+$0x0], $0xffff;
	v22 =	vadd.f32 v27, v22;
	v27 =	vmul.f32 v53, v53  }
0x307: {  	v23 =	vadd.f32 v28, v23  }
0x308: {  	v28 =	vmul.f32 v29, v55;
	v19 =	vadd.f32 v27, v19;
	v27 =	vmul.f32 v55, v55;
	v55 =	vld.idx.msk [tilespmem:v52+s16+$0x0], $0xffff  }
0x309: {  	v26 =	vadd.f32 v56, v26;
	v56 =	vor.u32 v60, v45;
	v60 =	vld [tilespmem:$0x1F3C0]  }
0x30a: {  	v17 =	vadd.f32 v54, v17;
	v53 =	vld.idx.msk [tilespmem:v58+s16+$0x0], $0xffff  }
0x30b: {  	v54 =	vld.idx.msk [tilespmem:v58+s17+$0x0], $0xffff;
	v25 =	vadd.f32 v28, v25;
	v28 =	vmul.f32 v29, v29;
	v29 =	vmul.f32 v51, v30  }
0x30c: {  	v18 =	vadd.f32 v27, v18;
	v27 =	vmul.f32 v30, v30;
	v30 =	vld.idx.msk [tilespmem:v57+s16+$0x0], $0xffff  }
0x30d: {  	v21 =	vadd.f32 v29, v21;
	v29 =	vld.idx.msk [tilespmem:v57+s17+$0x0], $0xffff  }
0x30e: {  	v58 =	vor.u32 v60, v45;
	v60 =	vld [tilespmem:$0x1F3E0]  }
0x30f: {  	v52 =	vld.idx.msk [tilespmem:v52+s17+$0x0], $0xffff  }
0x310: {  	v15 =	vadd.f32 v28, v15;
	v28 =	vmul.f32 v51, v51  }
0x311: {  	v59 =	vld [tilespmem:$0x1F3D0];
	v20 =	vadd.f32 v27, v20;
	v27 =	vmul.f32 v54, v53  }
0x312: {  	v16 =	vadd.f32 v28, v16;
	v57 =	vmul.f32 v53, v53;
	v28 =	vmul.f32 v54, v54;
	v53 =	vld.idx.msk [tilespmem:v56+s16+$0x0], $0xffff  }
0x313: {  	v24 =	vadd.f32 v27, v24;
	v51 =	vld.idx.msk [tilespmem:v56+s17+$0x0], $0xffff;
	v56 =	vor.u32 v60, v45;
	v60 =	vmul.f32 v29, v30  }
0x314: {  	v27 =	vmul.f32 v52, v55;
	v17 =	vadd.f32 v28, v17;
	v28 =	vmul.f32 v55, v55;
	v55 =	vld.idx.msk [tilespmem:v58+s16+$0x0], $0xffff  }
0x315: {  	v25 =	vadd.f32 v60, v25;
	v60 =	vld [tilespmem:$0x1F400]  }
0x316: {  	v54 =	vor.u32 v59, v45;
	v23 =	vadd.f32 v28, v23;
	v28 =	vmul.f32 v30, v30;
	v30 =	vld [tilespmem:$0x1F3F0]  }
0x317: {  	v22 =	vadd.f32 v57, v22;
	v57 =	vld.idx.msk [tilespmem:v58+s17+$0x0], $0xffff;
	_ =	sdelay $0x1  }
0x318: {  	v59 =	vld [tilespmem:$0x1F410];
	v26 =	vadd.f32 v27, v26;
	v27 =	vmul.f32 v52, v52  }
0x319: {  	v18 =	vadd.f32 v28, v18;
	v28 =	vmul.f32 v29, v29;
	v58 =	vor.u32 v60, v45;
	v60 =	vld [tilespmem:$0x1F420]  }
0x31a: {  	v52 =	vld.idx.msk [tilespmem:v54+s17+$0x0], $0xffff;
	v19 =	vadd.f32 v27, v19;
	v30 =	vor.u32 v30, v45  }
0x31b: {  	v27 =	vld.idx.msk [tilespmem:v54+s16+$0x0], $0xffff;
	v15 =	vadd.f32 v28, v15;
	v29 =	vmul.f32 v51, v53;
	v28 =	vmul.f32 v57, v55  }
0x31c: {  	v54 =	vld.idx.msk [tilespmem:v56+s16+$0x0], $0xffff  }
0x31d: {  	v51 =	vmul.f32 v51, v51;
	v21 =	vadd.f32 v29, v21;
	v29 =	vld.idx.msk [tilespmem:v56+s17+$0x0], $0xffff;
	v24 =	vadd.f32 v28, v24  }
0x31e: {  	v28 =	vmul.f32 v55, v55;
	v55 =	vmul.f32 v57, v57;
	v57 =	vor.u32 v60, v45;
	v60 =	vld [tilespmem:$0x1F430]  }
0x31f: {  	v53 =	vmul.f32 v53, v53;
	v16 =	vadd.f32 v51, v16;
	v51 =	vld.idx.msk [tilespmem:v30+s16+$0x0], $0xffff  }
0x320: {  	v56 =	vmul.f32 v52, v27;
	v30 =	vld.idx.msk [tilespmem:v30+s17+$0x0], $0xffff  }
0x321: {  	v20 =	vadd.f32 v53, v20;
	v53 =	vor.u32 v59, v45;
	v27 =	vmul.f32 v27, v27  }
0x322: {  	v59 =	vld [tilespmem:$0x1F450];
	v26 =	vadd.f32 v56, v26;
	v22 =	vadd.f32 v28, v22;
	v28 =	vmul.f32 v52, v52  }
0x323: {  	v23 =	vadd.f32 v27, v23;
	v27 =	vmul.f32 v29, v54;
	v56 =	vor.u32 v60, v45;
	v60 =	vld [tilespmem:$0x1F440]  }
0x324: {  	v17 =	vadd.f32 v55, v17;
	v19 =	vadd.f32 v28, v19;
	v28 =	vmul.f32 v54, v54;
	v52 =	vld.idx.msk [tilespmem:v58+s16+$0x0], $0xffff  }
0x325: {  	v55 =	vld.idx.msk [tilespmem:v58+s17+$0x0], $0xffff;
	v25 =	vadd.f32 v27, v25;
	v27 =	vmul.f32 v29, v29;
	v29 =	vmul.f32 v30, v51  }
0x326: {  	v18 =	vadd.f32 v28, v18;
	v28 =	vmul.f32 v51, v51;
	v51 =	vld.idx.msk [tilespmem:v57+s16+$0x0], $0xffff  }
0x327: {  	v21 =	vadd.f32 v29, v21;
	v29 =	vld.idx.msk [tilespmem:v57+s17+$0x0], $0xffff  }
0x328: {  	v58 =	vor.u32 v60, v45;
	v60 =	vld [tilespmem:$0x1F460]  }
0x329: {  	v54 =	vld.idx.msk [tilespmem:v53+s16+$0x0], $0xffff  }
0x32a: {  	v53 =	vld.idx.msk [tilespmem:v53+s17+$0x0], $0xffff;
	v15 =	vadd.f32 v27, v15;
	v27 =	vmul.f32 v30, v30  }
0x32b: {  	v20 =	vadd.f32 v28, v20;
	v28 =	vmul.f32 v55, v52;
	v30 =	vmul.f32 v52, v52  }
0x32c: {  	v16 =	vadd.f32 v27, v16;
	v27 =	vmul.f32 v55, v55;
	v55 =	vor.u32 v59, v45;
	v52 =	vld.idx.msk [tilespmem:v56+s16+$0x0], $0xffff  }
0x32d: {  	v22 =	vadd.f32 v30, v22;
	v30 =	vld.idx.msk [tilespmem:v56+s17+$0x0], $0xffff;
	v56 =	vor.u32 v60, v45;
	v60 =	vmul.f32 v29, v51  }
0x32e: {  	v59 =	vld [tilespmem:$0x1F470]  }
0x32f: {  	v24 =	vadd.f32 v28, v24;
	v28 =	vmul.f32 v53, v54;
	v25 =	vadd.f32 v60, v25;
	v60 =	vld [tilespmem:$0x1F480]  }
0x330: {  	v17 =	vadd.f32 v27, v17;
	v27 =	vmul.f32 v54, v54;
	v54 =	vld.idx.msk [tilespmem:v58+s16+$0x0], $0xffff  }
0x331: {  	v26 =	vadd.f32 v28, v26;
	v57 =	vld.idx.msk [tilespmem:v58+s17+$0x0], $0xffff  }
0x332: {  	v28 =	vmul.f32 v53, v53;
	v23 =	vadd.f32 v27, v23;
	v27 =	vmul.f32 v51, v51;
	v53 =	vld.idx.msk [tilespmem:v55+s17+$0x0], $0xffff  }
0x333: {  	v51 =	vor.u32 v59, v45;
	v59 =	vld [tilespmem:$0x1F490]  }
0x334: {  	v18 =	vadd.f32 v27, v18;
	v27 =	vmul.f32 v29, v29;
	v58 =	vor.u32 v60, v45;
	v60 =	vld [tilespmem:$0x1F4A0]  }
0x335: {  	v19 =	vadd.f32 v28, v19;
	v28 =	vld.idx.msk [tilespmem:v55+s16+$0x0], $0xffff;
	v29 =	vmul.f32 v30, v52  }
0x336: {  	v15 =	vadd.f32 v27, v15;
	v52 =	vmul.f32 v52, v52;
	v27 =	vmul.f32 v57, v54  }
0x337: {  	v30 =	vmul.f32 v30, v30;
	v21 =	vadd.f32 v29, v21;
	v55 =	vld.idx.msk [tilespmem:v56+s16+$0x0], $0xffff  }
0x338: {  	v20 =	vadd.f32 v52, v20;
	v29 =	vld.idx.msk [tilespmem:v56+s17+$0x0], $0xffff;
	v52 =	vor.u32 v59, v45;
	v24 =	vadd.f32 v27, v24  }
0x339: {  	v27 =	vmul.f32 v54, v54;
	v54 =	vmul.f32 v57, v57;
	v57 =	vor.u32 v60, v45;
	v60 =	vld [tilespmem:$0x1F4B0]  }
0x33a: {  	v16 =	vadd.f32 v30, v16;
	v30 =	vld.idx.msk [tilespmem:v51+s16+$0x0], $0xffff;
	v56 =	vmul.f32 v53, v28;
	v28 =	vmul.f32 v28, v28  }
0x33b: {  	v51 =	vld.idx.msk [tilespmem:v51+s17+$0x0], $0xffff;
	v22 =	vadd.f32 v27, v22;
	v27 =	vmul.f32 v53, v53  }
0x33c: {  	v23 =	vadd.f32 v28, v23  }
0x33d: {  	v28 =	vmul.f32 v29, v55;
	v19 =	vadd.f32 v27, v19;
	v27 =	vmul.f32 v55, v55;
	v55 =	vld.idx.msk [tilespmem:v52+s16+$0x0], $0xffff  }
0x33e: {  	v26 =	vadd.f32 v56, v26;
	v56 =	vor.u32 v60, v45;
	v60 =	vld [tilespmem:$0x1F4C0]  }
0x33f: {  	v17 =	vadd.f32 v54, v17;
	v53 =	vld.idx.msk [tilespmem:v58+s16+$0x0], $0xffff  }
0x340: {  	v54 =	vld.idx.msk [tilespmem:v58+s17+$0x0], $0xffff;
	v25 =	vadd.f32 v28, v25;
	v28 =	vmul.f32 v29, v29;
	v29 =	vmul.f32 v51, v30  }
0x341: {  	v18 =	vadd.f32 v27, v18;
	v27 =	vmul.f32 v30, v30;
	v30 =	vld.idx.msk [tilespmem:v57+s16+$0x0], $0xffff  }
0x342: {  	v21 =	vadd.f32 v29, v21;
	v29 =	vld.idx.msk [tilespmem:v57+s17+$0x0], $0xffff  }
0x343: {  	v58 =	vor.u32 v60, v45;
	v60 =	vld [tilespmem:$0x1F4E0]  }
0x344: {  	v52 =	vld.idx.msk [tilespmem:v52+s17+$0x0], $0xffff  }
0x345: {  	v15 =	vadd.f32 v28, v15;
	v28 =	vmul.f32 v51, v51  }
0x346: {  	v59 =	vld [tilespmem:$0x1F4D0];
	v20 =	vadd.f32 v27, v20;
	v27 =	vmul.f32 v54, v53  }
0x347: {  	v16 =	vadd.f32 v28, v16;
	v57 =	vmul.f32 v53, v53;
	v28 =	vmul.f32 v54, v54;
	v53 =	vld.idx.msk [tilespmem:v56+s16+$0x0], $0xffff  }
0x348: {  	v24 =	vadd.f32 v27, v24;
	v51 =	vld.idx.msk [tilespmem:v56+s17+$0x0], $0xffff;
	v56 =	vor.u32 v60, v45;
	v60 =	vmul.f32 v29, v30  }
0x349: {  	v27 =	vmul.f32 v52, v55;
	v17 =	vadd.f32 v28, v17;
	v28 =	vmul.f32 v55, v55;
	v55 =	vld.idx.msk [tilespmem:v58+s16+$0x0], $0xffff  }
0x34a: {  	v25 =	vadd.f32 v60, v25;
	v60 =	vld [tilespmem:$0x1F500]  }
0x34b: {  	v54 =	vor.u32 v59, v45;
	v23 =	vadd.f32 v28, v23;
	v28 =	vmul.f32 v30, v30;
	v30 =	vld [tilespmem:$0x1F4F0]  }
0x34c: {  	v22 =	vadd.f32 v57, v22;
	v57 =	vld.idx.msk [tilespmem:v58+s17+$0x0], $0xffff;
	_ =	sdelay $0x1  }
0x34d: {  	v59 =	vld [tilespmem:$0x1F510];
	v26 =	vadd.f32 v27, v26;
	v27 =	vmul.f32 v52, v52  }
0x34e: {  	v18 =	vadd.f32 v28, v18;
	v28 =	vmul.f32 v29, v29;
	v58 =	vor.u32 v60, v45;
	v60 =	vld [tilespmem:$0x1F520]  }
0x34f: {  	v52 =	vld.idx.msk [tilespmem:v54+s17+$0x0], $0xffff;
	v19 =	vadd.f32 v27, v19;
	v30 =	vor.u32 v30, v45  }
0x350: {  	v27 =	vld.idx.msk [tilespmem:v54+s16+$0x0], $0xffff;
	v15 =	vadd.f32 v28, v15;
	v29 =	vmul.f32 v51, v53;
	v28 =	vmul.f32 v57, v55  }
0x351: {  	v54 =	vld.idx.msk [tilespmem:v56+s16+$0x0], $0xffff  }
0x352: {  	v51 =	vmul.f32 v51, v51;
	v21 =	vadd.f32 v29, v21;
	v29 =	vld.idx.msk [tilespmem:v56+s17+$0x0], $0xffff;
	v24 =	vadd.f32 v28, v24  }
0x353: {  	v28 =	vmul.f32 v55, v55;
	v55 =	vmul.f32 v57, v57;
	v57 =	vor.u32 v60, v45;
	v60 =	vld [tilespmem:$0x1F530]  }
0x354: {  	v53 =	vmul.f32 v53, v53;
	v16 =	vadd.f32 v51, v16;
	v51 =	vld.idx.msk [tilespmem:v30+s16+$0x0], $0xffff  }
0x355: {  	v56 =	vmul.f32 v52, v27;
	v30 =	vld.idx.msk [tilespmem:v30+s17+$0x0], $0xffff  }
0x356: {  	v20 =	vadd.f32 v53, v20;
	v53 =	vor.u32 v59, v45;
	v27 =	vmul.f32 v27, v27  }
0x357: {  	v59 =	vld [tilespmem:$0x1F550];
	v26 =	vadd.f32 v56, v26;
	v22 =	vadd.f32 v28, v22;
	v28 =	vmul.f32 v52, v52  }
0x358: {  	v23 =	vadd.f32 v27, v23;
	v27 =	vmul.f32 v29, v54;
	v56 =	vor.u32 v60, v45;
	v60 =	vld [tilespmem:$0x1F540]  }
0x359: {  	v17 =	vadd.f32 v55, v17;
	v19 =	vadd.f32 v28, v19;
	v28 =	vmul.f32 v54, v54;
	v52 =	vld.idx.msk [tilespmem:v58+s16+$0x0], $0xffff  }
0x35a: {  	v55 =	vld.idx.msk [tilespmem:v58+s17+$0x0], $0xffff;
	v25 =	vadd.f32 v27, v25;
	v27 =	vmul.f32 v29, v29;
	v29 =	vmul.f32 v30, v51  }
0x35b: {  	v18 =	vadd.f32 v28, v18;
	v28 =	vmul.f32 v51, v51;
	v51 =	vld.idx.msk [tilespmem:v57+s16+$0x0], $0xffff  }
0x35c: {  	v21 =	vadd.f32 v29, v21;
	v29 =	vld.idx.msk [tilespmem:v57+s17+$0x0], $0xffff  }
0x35d: {  	v58 =	vor.u32 v60, v45;
	v60 =	vld [tilespmem:$0x1F560]  }
0x35e: {  	v54 =	vld.idx.msk [tilespmem:v53+s16+$0x0], $0xffff  }
0x35f: {  	v53 =	vld.idx.msk [tilespmem:v53+s17+$0x0], $0xffff;
	v15 =	vadd.f32 v27, v15;
	v27 =	vmul.f32 v30, v30  }
0x360: {  	v20 =	vadd.f32 v28, v20;
	v28 =	vmul.f32 v55, v52;
	v30 =	vmul.f32 v52, v52  }
0x361: {  	v16 =	vadd.f32 v27, v16;
	v27 =	vmul.f32 v55, v55;
	v55 =	vor.u32 v59, v45;
	v52 =	vld.idx.msk [tilespmem:v56+s16+$0x0], $0xffff  }
0x362: {  	v22 =	vadd.f32 v30, v22;
	v30 =	vld.idx.msk [tilespmem:v56+s17+$0x0], $0xffff;
	v56 =	vor.u32 v60, v45;
	v60 =	vmul.f32 v29, v51  }
0x363: {  	v59 =	vld [tilespmem:$0x1F570]  }
0x364: {  	v24 =	vadd.f32 v28, v24;
	v28 =	vmul.f32 v53, v54;
	v25 =	vadd.f32 v60, v25;
	v60 =	vld [tilespmem:$0x1F580]  }
0x365: {  	v17 =	vadd.f32 v27, v17;
	v27 =	vmul.f32 v54, v54;
	v54 =	vld.idx.msk [tilespmem:v58+s16+$0x0], $0xffff  }
0x366: {  	v26 =	vadd.f32 v28, v26;
	v57 =	vld.idx.msk [tilespmem:v58+s17+$0x0], $0xffff  }
0x367: {  	v28 =	vmul.f32 v53, v53;
	v23 =	vadd.f32 v27, v23;
	v27 =	vmul.f32 v51, v51;
	v53 =	vld.idx.msk [tilespmem:v55+s17+$0x0], $0xffff  }
0x368: {  	v51 =	vor.u32 v59, v45;
	v59 =	vld [tilespmem:$0x1F590]  }
0x369: {  	v18 =	vadd.f32 v27, v18;
	v27 =	vmul.f32 v29, v29;
	v58 =	vor.u32 v60, v45;
	v60 =	vld [tilespmem:$0x1F5A0]  }
0x36a: {  	v19 =	vadd.f32 v28, v19;
	v28 =	vld.idx.msk [tilespmem:v55+s16+$0x0], $0xffff;
	v29 =	vmul.f32 v30, v52  }
0x36b: {  	v15 =	vadd.f32 v27, v15;
	v52 =	vmul.f32 v52, v52;
	v27 =	vmul.f32 v57, v54  }
0x36c: {  	v30 =	vmul.f32 v30, v30;
	v21 =	vadd.f32 v29, v21;
	v55 =	vld.idx.msk [tilespmem:v56+s16+$0x0], $0xffff  }
0x36d: {  	v20 =	vadd.f32 v52, v20;
	v29 =	vld.idx.msk [tilespmem:v56+s17+$0x0], $0xffff;
	v52 =	vor.u32 v59, v45;
	v24 =	vadd.f32 v27, v24  }
0x36e: {  	v27 =	vmul.f32 v54, v54;
	v54 =	vmul.f32 v57, v57;
	v57 =	vor.u32 v60, v45;
	v60 =	vld [tilespmem:$0x1F5B0]  }
0x36f: {  	v16 =	vadd.f32 v30, v16;
	v30 =	vld.idx.msk [tilespmem:v51+s16+$0x0], $0xffff;
	v56 =	vmul.f32 v53, v28;
	v28 =	vmul.f32 v28, v28  }
0x370: {  	v51 =	vld.idx.msk [tilespmem:v51+s17+$0x0], $0xffff;
	v22 =	vadd.f32 v27, v22;
	v27 =	vmul.f32 v53, v53  }
0x371: {  	v23 =	vadd.f32 v28, v23  }
0x372: {  	v28 =	vmul.f32 v29, v55;
	v19 =	vadd.f32 v27, v19;
	v27 =	vmul.f32 v55, v55;
	v55 =	vld.idx.msk [tilespmem:v52+s16+$0x0], $0xffff  }
0x373: {  	v26 =	vadd.f32 v56, v26;
	v56 =	vor.u32 v60, v45;
	v60 =	vld [tilespmem:$0x1F5C0]  }
0x374: {  	v17 =	vadd.f32 v54, v17;
	v53 =	vld.idx.msk [tilespmem:v58+s16+$0x0], $0xffff  }
0x375: {  	v54 =	vld.idx.msk [tilespmem:v58+s17+$0x0], $0xffff;
	v25 =	vadd.f32 v28, v25;
	v28 =	vmul.f32 v29, v29;
	v29 =	vmul.f32 v51, v30  }
0x376: {  	v18 =	vadd.f32 v27, v18;
	v27 =	vmul.f32 v30, v30;
	v30 =	vld.idx.msk [tilespmem:v57+s16+$0x0], $0xffff  }
0x377: {  	v21 =	vadd.f32 v29, v21;
	v29 =	vld.idx.msk [tilespmem:v57+s17+$0x0], $0xffff  }
0x378: {  	v58 =	vor.u32 v60, v45;
	v60 =	vld [tilespmem:$0x1F5E0]  }
0x379: {  	v52 =	vld.idx.msk [tilespmem:v52+s17+$0x0], $0xffff  }
0x37a: {  	v15 =	vadd.f32 v28, v15;
	v28 =	vmul.f32 v51, v51  }
0x37b: {  	v59 =	vld [tilespmem:$0x1F5D0];
	v20 =	vadd.f32 v27, v20;
	v27 =	vmul.f32 v54, v53  }
0x37c: {  	v16 =	vadd.f32 v28, v16;
	v57 =	vmul.f32 v53, v53;
	v28 =	vmul.f32 v54, v54;
	v53 =	vld.idx.msk [tilespmem:v56+s16+$0x0], $0xffff  }
0x37d: {  	v24 =	vadd.f32 v27, v24;
	v51 =	vld.idx.msk [tilespmem:v56+s17+$0x0], $0xffff;
	v56 =	vor.u32 v60, v45;
	v60 =	vmul.f32 v29, v30  }
0x37e: {  	v27 =	vmul.f32 v52, v55;
	v17 =	vadd.f32 v28, v17;
	v28 =	vmul.f32 v55, v55;
	v55 =	vld.idx.msk [tilespmem:v58+s16+$0x0], $0xffff  }
0x37f: {  	v25 =	vadd.f32 v60, v25;
	v60 =	vld [tilespmem:$0x1F600]  }
0x380: {  	v54 =	vor.u32 v59, v45;
	v23 =	vadd.f32 v28, v23;
	v28 =	vmul.f32 v30, v30;
	v30 =	vld [tilespmem:$0x1F5F0]  }
0x381: {  	v22 =	vadd.f32 v57, v22;
	v57 =	vld.idx.msk [tilespmem:v58+s17+$0x0], $0xffff;
	_ =	sdelay $0x1  }
0x382: {  	v59 =	vld [tilespmem:$0x1F610];
	v26 =	vadd.f32 v27, v26;
	v27 =	vmul.f32 v52, v52  }
0x383: {  	v18 =	vadd.f32 v28, v18;
	v28 =	vmul.f32 v29, v29;
	v58 =	vor.u32 v60, v45;
	v60 =	vld [tilespmem:$0x1F620]  }
0x384: {  	v52 =	vld.idx.msk [tilespmem:v54+s17+$0x0], $0xffff;
	v19 =	vadd.f32 v27, v19;
	v30 =	vor.u32 v30, v45  }
0x385: {  	v27 =	vld.idx.msk [tilespmem:v54+s16+$0x0], $0xffff;
	v15 =	vadd.f32 v28, v15;
	v29 =	vmul.f32 v51, v53;
	v28 =	vmul.f32 v57, v55  }
0x386: {  	v54 =	vld.idx.msk [tilespmem:v56+s16+$0x0], $0xffff  }
0x387: {  	v51 =	vmul.f32 v51, v51;
	v21 =	vadd.f32 v29, v21;
	v29 =	vld.idx.msk [tilespmem:v56+s17+$0x0], $0xffff;
	v24 =	vadd.f32 v28, v24  }
0x388: {  	v28 =	vmul.f32 v55, v55;
	v55 =	vmul.f32 v57, v57;
	v57 =	vor.u32 v60, v45;
	v60 =	vld [tilespmem:$0x1F630]  }
0x389: {  	v53 =	vmul.f32 v53, v53;
	v16 =	vadd.f32 v51, v16;
	v51 =	vld.idx.msk [tilespmem:v30+s16+$0x0], $0xffff  }
0x38a: {  	v56 =	vmul.f32 v52, v27;
	v30 =	vld.idx.msk [tilespmem:v30+s17+$0x0], $0xffff  }
0x38b: {  	v20 =	vadd.f32 v53, v20;
	v53 =	vor.u32 v59, v45;
	v27 =	vmul.f32 v27, v27  }
0x38c: {  	v59 =	vld [tilespmem:$0x1F650];
	v26 =	vadd.f32 v56, v26;
	v22 =	vadd.f32 v28, v22;
	v28 =	vmul.f32 v52, v52  }
0x38d: {  	v23 =	vadd.f32 v27, v23;
	v27 =	vmul.f32 v29, v54;
	v56 =	vor.u32 v60, v45;
	v60 =	vld [tilespmem:$0x1F640]  }
0x38e: {  	v17 =	vadd.f32 v55, v17;
	v19 =	vadd.f32 v28, v19;
	v28 =	vmul.f32 v54, v54;
	v52 =	vld.idx.msk [tilespmem:v58+s16+$0x0], $0xffff  }
0x38f: {  	v55 =	vld.idx.msk [tilespmem:v58+s17+$0x0], $0xffff;
	v25 =	vadd.f32 v27, v25;
	v27 =	vmul.f32 v29, v29;
	v29 =	vmul.f32 v30, v51  }
0x390: {  	v18 =	vadd.f32 v28, v18;
	v28 =	vmul.f32 v51, v51;
	v51 =	vld.idx.msk [tilespmem:v57+s16+$0x0], $0xffff  }
0x391: {  	v21 =	vadd.f32 v29, v21;
	v29 =	vld.idx.msk [tilespmem:v57+s17+$0x0], $0xffff  }
0x392: {  	v58 =	vor.u32 v60, v45;
	v60 =	vld [tilespmem:$0x1F660]  }
0x393: {  	v54 =	vld.idx.msk [tilespmem:v53+s16+$0x0], $0xffff  }
0x394: {  	v53 =	vld.idx.msk [tilespmem:v53+s17+$0x0], $0xffff;
	v15 =	vadd.f32 v27, v15;
	v27 =	vmul.f32 v30, v30  }
0x395: {  	v20 =	vadd.f32 v28, v20;
	v28 =	vmul.f32 v55, v52;
	v30 =	vmul.f32 v52, v52  }
0x396: {  	v16 =	vadd.f32 v27, v16;
	v27 =	vmul.f32 v55, v55;
	v55 =	vor.u32 v59, v45;
	v52 =	vld.idx.msk [tilespmem:v56+s16+$0x0], $0xffff  }
0x397: {  	v22 =	vadd.f32 v30, v22;
	v30 =	vld.idx.msk [tilespmem:v56+s17+$0x0], $0xffff;
	v56 =	vor.u32 v60, v45;
	v60 =	vmul.f32 v29, v51  }
0x398: {  	v59 =	vld [tilespmem:$0x1F670]  }
0x399: {  	v24 =	vadd.f32 v28, v24;
	v28 =	vmul.f32 v53, v54;
	v25 =	vadd.f32 v60, v25;
	v60 =	vld [tilespmem:$0x1F680]  }
0x39a: {  	v17 =	vadd.f32 v27, v17;
	v27 =	vmul.f32 v54, v54;
	v54 =	vld.idx.msk [tilespmem:v58+s16+$0x0], $0xffff  }
0x39b: {  	v26 =	vadd.f32 v28, v26;
	v57 =	vld.idx.msk [tilespmem:v58+s17+$0x0], $0xffff  }
0x39c: {  	v28 =	vmul.f32 v53, v53;
	v23 =	vadd.f32 v27, v23;
	v27 =	vmul.f32 v51, v51;
	v53 =	vld.idx.msk [tilespmem:v55+s17+$0x0], $0xffff  }
0x39d: {  	v51 =	vor.u32 v59, v45;
	v59 =	vld [tilespmem:$0x1F690]  }
0x39e: {  	v18 =	vadd.f32 v27, v18;
	v27 =	vmul.f32 v29, v29;
	v58 =	vor.u32 v60, v45;
	v60 =	vld [tilespmem:$0x1F6A0]  }
0x39f: {  	v19 =	vadd.f32 v28, v19;
	v28 =	vld.idx.msk [tilespmem:v55+s16+$0x0], $0xffff;
	v29 =	vmul.f32 v30, v52  }
0x3a0: {  	v15 =	vadd.f32 v27, v15;
	v52 =	vmul.f32 v52, v52;
	v27 =	vmul.f32 v57, v54  }
0x3a1: {  	v30 =	vmul.f32 v30, v30;
	v21 =	vadd.f32 v29, v21;
	v55 =	vld.idx.msk [tilespmem:v56+s16+$0x0], $0xffff  }
0x3a2: {  	v20 =	vadd.f32 v52, v20;
	v29 =	vld.idx.msk [tilespmem:v56+s17+$0x0], $0xffff;
	v52 =	vor.u32 v59, v45;
	v24 =	vadd.f32 v27, v24  }
0x3a3: {  	v27 =	vmul.f32 v54, v54;
	v54 =	vmul.f32 v57, v57;
	v57 =	vor.u32 v60, v45;
	v60 =	vld [tilespmem:$0x1F6B0]  }
0x3a4: {  	v16 =	vadd.f32 v30, v16;
	v30 =	vld.idx.msk [tilespmem:v51+s16+$0x0], $0xffff;
	v56 =	vmul.f32 v53, v28;
	v28 =	vmul.f32 v28, v28  }
0x3a5: {  	v51 =	vld.idx.msk [tilespmem:v51+s17+$0x0], $0xffff;
	v22 =	vadd.f32 v27, v22;
	v27 =	vmul.f32 v53, v53  }
0x3a6: {  	v23 =	vadd.f32 v28, v23  }
0x3a7: {  	v28 =	vmul.f32 v29, v55;
	v19 =	vadd.f32 v27, v19;
	v27 =	vmul.f32 v55, v55;
	v55 =	vld.idx.msk [tilespmem:v52+s16+$0x0], $0xffff  }
0x3a8: {  	v26 =	vadd.f32 v56, v26;
	v56 =	vor.u32 v60, v45;
	v60 =	vld [tilespmem:$0x1F6C0]  }
0x3a9: {  	v17 =	vadd.f32 v54, v17;
	v53 =	vld.idx.msk [tilespmem:v58+s16+$0x0], $0xffff  }
0x3aa: {  	v54 =	vld.idx.msk [tilespmem:v58+s17+$0x0], $0xffff;
	v25 =	vadd.f32 v28, v25;
	v28 =	vmul.f32 v29, v29;
	v29 =	vmul.f32 v51, v30  }
0x3ab: {  	v18 =	vadd.f32 v27, v18;
	v27 =	vmul.f32 v30, v30;
	v30 =	vld.idx.msk [tilespmem:v57+s16+$0x0], $0xffff  }
0x3ac: {  	v21 =	vadd.f32 v29, v21;
	v29 =	vld.idx.msk [tilespmem:v57+s17+$0x0], $0xffff  }
0x3ad: {  	v58 =	vor.u32 v60, v45;
	v60 =	vld [tilespmem:$0x1F6E0]  }
0x3ae: {  	v52 =	vld.idx.msk [tilespmem:v52+s17+$0x0], $0xffff  }
0x3af: {  	v15 =	vadd.f32 v28, v15;
	v28 =	vmul.f32 v51, v51  }
0x3b0: {  	v59 =	vld [tilespmem:$0x1F6D0];
	v20 =	vadd.f32 v27, v20;
	v27 =	vmul.f32 v54, v53  }
0x3b1: {  	v16 =	vadd.f32 v28, v16;
	v57 =	vmul.f32 v53, v53;
	v28 =	vmul.f32 v54, v54;
	v53 =	vld.idx.msk [tilespmem:v56+s16+$0x0], $0xffff  }
0x3b2: {  	v24 =	vadd.f32 v27, v24;
	v51 =	vld.idx.msk [tilespmem:v56+s17+$0x0], $0xffff;
	v56 =	vor.u32 v60, v45;
	v60 =	vmul.f32 v29, v30  }
0x3b3: {  	v27 =	vmul.f32 v52, v55;
	v17 =	vadd.f32 v28, v17;
	v28 =	vmul.f32 v55, v55;
	v55 =	vld.idx.msk [tilespmem:v58+s16+$0x0], $0xffff  }
0x3b4: {  	v25 =	vadd.f32 v60, v25;
	v60 =	vld [tilespmem:$0x1F700]  }
0x3b5: {  	v54 =	vor.u32 v59, v45;
	v22 =	vadd.f32 v57, v22;
	v57 =	vld.idx.msk [tilespmem:v58+s17+$0x0], $0xffff  }
0x3b6: {  	v23 =	vadd.f32 v28, v23;
	v28 =	vmul.f32 v30, v30;
	v30 =	vld [tilespmem:$0x1F6F0]  }
0x3b7: {  	v26 =	vadd.f32 v27, v26  }
0x3b8: {  	v59 =	vld [tilespmem:$0x1F710];
	v27 =	vmul.f32 v52, v52;
	v18 =	vadd.f32 v28, v18;
	v28 =	vmul.f32 v29, v29  }
0x3b9: {  	v58 =	vor.u32 v60, v45;
	v60 =	vld [tilespmem:$0x1F720]  }
0x3ba: {  	v52 =	vld.idx.msk [tilespmem:v54+s17+$0x0], $0xffff;
	v19 =	vadd.f32 v27, v19;
	v15 =	vadd.f32 v28, v15  }
0x3bb: {  	v27 =	vld.idx.msk [tilespmem:v54+s16+$0x0], $0xffff;
	v29 =	vmul.f32 v51, v53;
	v30 =	vor.u32 v30, v45;
	v28 =	vmul.f32 v57, v55  }
0x3bc: {  	v53 =	vmul.f32 v53, v53;
	v54 =	vld.idx.msk [tilespmem:v56+s16+$0x0], $0xffff  }
0x3bd: {  	v51 =	vmul.f32 v51, v51;
	v21 =	vadd.f32 v29, v21;
	v29 =	vld.idx.msk [tilespmem:v56+s17+$0x0], $0xffff;
	v24 =	vadd.f32 v28, v24  }
0x3be: {  	v28 =	vmul.f32 v55, v55;
	v55 =	vmul.f32 v57, v57;
	v57 =	vor.u32 v60, v45;
	v60 =	vld [tilespmem:$0x1F730]  }
0x3bf: {  	v20 =	vadd.f32 v53, v20;
	v53 =	vor.u32 v59, v45;
	v59 =	vld [tilespmem:$0x1F750]  }
0x3c0: {  	v16 =	vadd.f32 v51, v16;
	v56 =	vmul.f32 v52, v27;
	v51 =	vld.idx.msk [tilespmem:v30+s16+$0x0], $0xffff  }
0x3c1: {  	v27 =	vmul.f32 v27, v27;
	v30 =	vld.idx.msk [tilespmem:v30+s17+$0x0], $0xffff  }
0x3c2: {  	v26 =	vadd.f32 v56, v26;
	v22 =	vadd.f32 v28, v22;
	v28 =	vmul.f32 v52, v52;
	v52 =	vld.idx.msk [tilespmem:v58+s16+$0x0], $0xffff  }
0x3c3: {  	v23 =	vadd.f32 v27, v23;
	v27 =	vmul.f32 v29, v54;
	v56 =	vor.u32 v60, v45;
	v60 =	vld [tilespmem:$0x1F740]  }
0x3c4: {  	v17 =	vadd.f32 v55, v17;
	v19 =	vadd.f32 v28, v19;
	v55 =	vld.idx.msk [tilespmem:v58+s17+$0x0], $0xffff  }
0x3c5: {  	v28 =	vmul.f32 v54, v54;
	v54 =	vld.idx.msk [tilespmem:v53+s16+$0x0], $0xffff;
	v25 =	vadd.f32 v27, v25;
	v27 =	vmul.f32 v29, v29  }
0x3c6: {  	v53 =	vld.idx.msk [tilespmem:v53+s17+$0x0], $0xffff;
	v29 =	vmul.f32 v30, v51  }
0x3c7: {  	v18 =	vadd.f32 v28, v18;
	v15 =	vadd.f32 v27, v15;
	v28 =	vmul.f32 v51, v51;
	v51 =	vld.idx.msk [tilespmem:v57+s16+$0x0], $0xffff  }
0x3c8: {  	v27 =	vmul.f32 v30, v30;
	v21 =	vadd.f32 v29, v21;
	v58 =	vor.u32 v60, v45;
	v60 =	vld [tilespmem:$0x1F760]  }
0x3c9: {  	v29 =	vld.idx.msk [tilespmem:v57+s17+$0x0], $0xffff;
	v20 =	vadd.f32 v28, v20;
	v28 =	vmul.f32 v55, v52;
	v30 =	vmul.f32 v52, v52  }
0x3ca: {  	v16 =	vadd.f32 v27, v16;
	v27 =	vmul.f32 v55, v55;
	v55 =	vor.u32 v59, v45;
	v59 =	vld [tilespmem:$0x1F770]  }
0x3cb: {  	v52 =	vld.idx.msk [tilespmem:v56+s16+$0x0], $0xffff  }
0x3cc: {  	v24 =	vadd.f32 v28, v24;
	v22 =	vadd.f32 v30, v22;
	v28 =	vmul.f32 v53, v54;
	v30 =	vld.idx.msk [tilespmem:v56+s17+$0x0], $0xffff  }
0x3cd: {  	v17 =	vadd.f32 v27, v17;
	v27 =	vmul.f32 v54, v54;
	v54 =	vld.idx.msk [tilespmem:v58+s16+$0x0], $0xffff;
	v56 =	vor.u32 v60, v45  }
0x3ce: {  	v26 =	vadd.f32 v28, v26;
	v28 =	vmul.f32 v53, v53;
	v53 =	vmul.f32 v29, v51;
	v60 =	vld.idx.msk [tilespmem:v58+s17+$0x0], $0xffff  }
0x3cf: {  	v23 =	vadd.f32 v27, v23;
	v27 =	vmul.f32 v51, v51;
	v51 =	vor.u32 v59, v45  }
0x3d0: {  	v19 =	vadd.f32 v28, v19;
	v28 =	vld.idx.msk [tilespmem:v55+s16+$0x0], $0xffff;
	v25 =	vadd.f32 v53, v25  }
0x3d1: {  	v18 =	vadd.f32 v27, v18;
	v27 =	vmul.f32 v29, v29;
	v53 =	vld.idx.msk [tilespmem:v55+s17+$0x0], $0xffff;
	v29 =	vmul.f32 v30, v52  }
0x3d2: {  	v52 =	vmul.f32 v52, v52;
	v30 =	vmul.f32 v30, v30;
	v58 =	vor.u32 v8, v45;
	v55 =	vld.idx.msk [tilespmem:v56+s16+$0x0], $0xffff  }
0x3d3: {  	v15 =	vadd.f32 v27, v15;
	v21 =	vadd.f32 v29, v21;
	v27 =	vmul.f32 v60, v54;
	v29 =	vld.idx.msk [tilespmem:v56+s17+$0x0], $0xffff  }
0x3d4: {  	v20 =	vadd.f32 v52, v20;
	v16 =	vadd.f32 v30, v16;
	v30 =	vld.idx.msk [tilespmem:v51+s16+$0x0], $0xffff;
	v52 =	vor.u32 v9, v45  }
0x3d5: {  	v51 =	vld.idx.msk [tilespmem:v51+s17+$0x0], $0xffff;
	v24 =	vadd.f32 v27, v24;
	v27 =	vmul.f32 v54, v54;
	v54 =	vmul.f32 v60, v60  }
0x3d6: {  	v57 =	vor.u32 v6, v45;
	v60 =	vmul.f32 v53, v28;
	v28 =	vmul.f32 v28, v28  }
0x3d7: {  	v56 =	vor.u32 v7, v45;
	v22 =	vadd.f32 v27, v22;
	v27 =	vmul.f32 v53, v53;
	v53 =	vld.idx.msk [tilespmem:v58+s16+$0x0], $0xffff  }
0x3d8: {  	v17 =	vadd.f32 v54, v17;
	v23 =	vadd.f32 v28, v23;
	v54 =	vld.idx.msk [tilespmem:v58+s17+$0x0], $0xffff;
	v28 =	vmul.f32 v29, v55  }
0x3d9: {  	v26 =	vadd.f32 v60, v26;
	v19 =	vadd.f32 v27, v19;
	v27 =	vmul.f32 v55, v55;
	v55 =	vld.idx.msk [tilespmem:v52+s16+$0x0], $0xffff  }
0x3da: {  	v52 =	vld.idx.msk [tilespmem:v52+s17+$0x0], $0xffff;
	v25 =	vadd.f32 v28, v25;
	v28 =	vmul.f32 v29, v29;
	v29 =	vmul.f32 v51, v30  }
0x3db: {  	v60 =	vor.u32 v4, v45;
	v18 =	vadd.f32 v27, v18;
	v27 =	vmul.f32 v30, v30;
	v30 =	vld.idx.msk [tilespmem:v57+s16+$0x0], $0xffff  }
0x3dc: {  	v15 =	vadd.f32 v28, v15;
	v21 =	vadd.f32 v29, v21;
	v28 =	vmul.f32 v51, v51;
	v29 =	vld.idx.msk [tilespmem:v57+s17+$0x0], $0xffff  }
0x3dd: {  	v20 =	vadd.f32 v27, v20;
	v27 =	vmul.f32 v54, v53  }
0x3de: {  	v51 =	vld.idx.msk [tilespmem:v56+s17+$0x0], $0xffff;
	v16 =	vadd.f32 v28, v16;
	v28 =	vmul.f32 v54, v54;
	v54 =	vor.u32 v13, v45  }
0x3df: {  	v59 =	vmul.f32 v53, v53;
	v53 =	vld.idx.msk [tilespmem:v56+s16+$0x0], $0xffff;
	v24 =	vadd.f32 v27, v24;
	v27 =	vmul.f32 v52, v55  }
0x3e0: {  	v56 =	vor.u32 v14, v45;
	v17 =	vadd.f32 v28, v17;
	v28 =	vmul.f32 v55, v55;
	v55 =	vld.idx.msk [tilespmem:v60+s16+$0x0], $0xffff  }
0x3e1: {  	v60 =	vld.idx.msk [tilespmem:v60+s17+$0x0], $0xffff;
	v26 =	vadd.f32 v27, v26;
	v27 =	vmul.f32 v52, v52;
	v52 =	vmul.f32 v29, v30  }
0x3e2: {  	v23 =	vadd.f32 v28, v23;
	v28 =	vmul.f32 v30, v30;
	v30 =	vor.u32 v31, v45  }
0x3e3: {  	v58 =	vor.u32 v32, v45;
	v19 =	vadd.f32 v27, v19;
	v25 =	vadd.f32 v52, v25;
	v27 =	vld.idx.msk [tilespmem:v54+s16+$0x0], $0xffff  }
0x3e4: {  	v52 =	vld.idx.msk [tilespmem:v54+s17+$0x0], $0xffff;
	v18 =	vadd.f32 v28, v18;
	v28 =	vmul.f32 v29, v29;
	v29 =	vmul.f32 v51, v53  }
0x3e5: {  	v22 =	vadd.f32 v59, v22;
	v54 =	vld.idx.msk [tilespmem:v56+s16+$0x0], $0xffff;
	v53 =	vmul.f32 v53, v53;
	v51 =	vmul.f32 v51, v51  }
0x3e6: {  	v15 =	vadd.f32 v28, v15;
	v21 =	vadd.f32 v29, v21;
	v28 =	vmul.f32 v60, v55;
	v29 =	vld.idx.msk [tilespmem:v56+s17+$0x0], $0xffff  }
0x3e7: {  	v20 =	vadd.f32 v53, v20;
	v16 =	vadd.f32 v51, v16;
	v53 =	vor.u32 v33, v45;
	v51 =	vld.idx.msk [tilespmem:v30+s16+$0x0], $0xffff  }
0x3e8: {  	v30 =	vld.idx.msk [tilespmem:v30+s17+$0x0], $0xffff;
	v24 =	vadd.f32 v28, v24;
	v28 =	vmul.f32 v55, v55;
	v55 =	vmul.f32 v60, v60  }
0x3e9: {  	v57 =	vor.u32 v34, v45;
	v60 =	vmul.f32 v52, v27;
	v27 =	vmul.f32 v27, v27  }
0x3ea: {  	v22 =	vadd.f32 v28, v22;
	v17 =	vadd.f32 v55, v17;
	v28 =	vmul.f32 v52, v52;
	v52 =	vld.idx.msk [tilespmem:v58+s16+$0x0], $0xffff  }
0x3eb: {  	v26 =	vadd.f32 v60, v26;
	v23 =	vadd.f32 v27, v23;
	v55 =	vld.idx.msk [tilespmem:v58+s17+$0x0], $0xffff;
	v27 =	vmul.f32 v29, v54  }
0x3ec: {  	v60 =	vor.u32 v35, v45;
	v19 =	vadd.f32 v28, v19;
	v28 =	vmul.f32 v54, v54;
	v54 =	vld.idx.msk [tilespmem:v53+s16+$0x0], $0xffff  }
0x3ed: {  	v53 =	vld.idx.msk [tilespmem:v53+s17+$0x0], $0xffff;
	v25 =	vadd.f32 v27, v25;
	v27 =	vmul.f32 v29, v29;
	v29 =	vmul.f32 v30, v51  }
0x3ee: {  	v58 =	vor.u32 v36, v45;
	v18 =	vadd.f32 v28, v18;
	v28 =	vmul.f32 v51, v51;
	v51 =	vld.idx.msk [tilespmem:v57+s16+$0x0], $0xffff  }
0x3ef: {  	v15 =	vadd.f32 v27, v15;
	v21 =	vadd.f32 v29, v21;
	v27 =	vmul.f32 v30, v30;
	v29 =	vld.idx.msk [tilespmem:v57+s17+$0x0], $0xffff  }
0x3f0: {  	v30 =	vmul.f32 v52, v52;
	v20 =	vadd.f32 v28, v20;
	v28 =	vmul.f32 v55, v52  }
0x3f1: {  	v52 =	vld.idx.msk [tilespmem:v60+s16+$0x0], $0xffff;
	v16 =	vadd.f32 v27, v16;
	v27 =	vmul.f32 v55, v55;
	v55 =	vor.u32 v37, v45  }
0x3f2: {  	v22 =	vadd.f32 v30, v22;
	v30 =	vld.idx.msk [tilespmem:v60+s17+$0x0], $0xffff;
	v24 =	vadd.f32 v28, v24;
	v28 =	vmul.f32 v53, v54  }
0x3f3: {  	v56 =	vor.u32 v38, v45;
	v57 =	vld.idx.msk [tilespmem:v58+s17+$0x0], $0xffff;
	v17 =	vadd.f32 v27, v17;
	v27 =	vmul.f32 v54, v54  }
0x3f4: {  	v54 =	vld.idx.msk [tilespmem:v58+s16+$0x0], $0xffff;
	v26 =	vadd.f32 v28, v26;
	v28 =	vmul.f32 v53, v53;
	v60 =	vmul.f32 v29, v51  }
0x3f5: {  	v23 =	vadd.f32 v27, v23;
	v27 =	vmul.f32 v51, v51;
	v51 =	vor.u32 v39, v45  }
0x3f6: {  	v19 =	vadd.f32 v28, v19;
	v25 =	vadd.f32 v60, v25;
	v28 =	vmul.f32 v29, v29;
	v29 =	vld.idx.msk [tilespmem:v55+s16+$0x0], $0xffff  }
0x3f7: {  	v53 =	vld.idx.msk [tilespmem:v55+s17+$0x0], $0xffff;
	v55 =	vor.u32 v40, v45;
	v18 =	vadd.f32 v27, v18;
	v27 =	vmul.f32 v30, v52  }
0x3f8: {  	v30 =	vmul.f32 v30, v30;
	v15 =	vadd.f32 v28, v15;
	v28 =	vmul.f32 v52, v52;
	v52 =	vld.idx.msk [tilespmem:v56+s16+$0x0], $0xffff  }
0x3f9: {  	v60 =	vor.u32 v41, v45;
	v56 =	vld.idx.msk [tilespmem:v56+s17+$0x0], $0xffff;
	v21 =	vadd.f32 v27, v21;
	v27 =	vmul.f32 v57, v54  }
0x3fa: {  	v16 =	vadd.f32 v30, v16;
	v20 =	vadd.f32 v28, v20;
	v28 =	vmul.f32 v54, v54;
	v30 =	vld.idx.msk [tilespmem:v51+s16+$0x0], $0xffff  }
0x3fb: {  	v51 =	vld.idx.msk [tilespmem:v51+s17+$0x0], $0xffff;
	v54 =	vor.u32 v42, v45;
	v24 =	vadd.f32 v27, v24;
	v27 =	vmul.f32 v57, v57  }
0x3fc: {  	v57 =	vld.idx.msk [tilespmem:v55+s16+$0x0], $0xffff;
	v22 =	vadd.f32 v28, v22;
	v28 =	vmul.f32 v53, v29;
	v29 =	vmul.f32 v29, v29  }
0x3fd: {  	v17 =	vadd.f32 v27, v17;
	v27 =	vmul.f32 v53, v53;
	v53 =	vld.idx.msk [tilespmem:v55+s17+$0x0], $0xffff;
	v55 =	vor.u32 v43, v45  }
0x3fe: {  	v26 =	vadd.f32 v28, v26;
	v23 =	vadd.f32 v29, v23;
	v28 =	vmul.f32 v56, v52;
	v29 =	vld.idx.msk [tilespmem:v60+s16+$0x0], $0xffff  }
0x3ff: {  	v58 =	vor.u32 v44, v45;
	v19 =	vadd.f32 v27, v19;
	v27 =	vmul.f32 v52, v52;
	v52 =	vld.idx.msk [tilespmem:v60+s17+$0x0], $0xffff  }
0x400: {  	v60 =	vmul.f32 v51, v30;
	v59 =	vld.idx.msk [tilespmem:v54+s16+$0x0], $0xffff;
	v25 =	vadd.f32 v28, v25;
	v28 =	vmul.f32 v56, v56  }
0x401: {  	v18 =	vadd.f32 v27, v18;
	v27 =	vmul.f32 v30, v30;
	v30 =	vld.idx.msk [tilespmem:v54+s17+$0x0], $0xffff;
	v54 =	vor.u32 v46, v45  }
0x402: {  	v56 =	vor.u32 v47, v45;
	v15 =	vadd.f32 v28, v15;
	v28 =	vmul.f32 v51, v51;
	v51 =	vld.idx.msk [tilespmem:v55+s16+$0x0], $0xffff  }
0x403: {  	v21 =	vadd.f32 v60, v21;
	v55 =	vld.idx.msk [tilespmem:v55+s17+$0x0], $0xffff;
	v20 =	vadd.f32 v27, v20;
	v27 =	vmul.f32 v53, v57  }
0x404: {  	v53 =	vmul.f32 v53, v53;
	v16 =	vadd.f32 v28, v16;
	v28 =	vmul.f32 v57, v57;
	v57 =	vld.idx.msk [tilespmem:v58+s16+$0x0], $0xffff  }
0x405: {  	v60 =	vor.u32 v48, v45;
	v58 =	vld.idx.msk [tilespmem:v58+s17+$0x0], $0xffff;
	v24 =	vadd.f32 v27, v24;
	v27 =	vmul.f32 v52, v29  }
0x406: {  	v17 =	vadd.f32 v53, v17;
	v22 =	vadd.f32 v28, v22;
	v28 =	vmul.f32 v29, v29;
	v29 =	vld.idx.msk [tilespmem:v54+s16+$0x0], $0xffff  }
0x407: {  	v53 =	vor.u32 v49, v45;
	v26 =	vadd.f32 v27, v26;
	v27 =	vmul.f32 v52, v52;
	v52 =	vld.idx.msk [tilespmem:v54+s17+$0x0], $0xffff  }
0x408: {  	v54 =	vmul.f32 v59, v59;
	v23 =	vadd.f32 v28, v23;
	v28 =	vmul.f32 v30, v59;
	v59 =	vld.idx.msk [tilespmem:v56+s16+$0x0], $0xffff  }
0x409: {  	v45 =	vor.u32 v50, v45;
	v19 =	vadd.f32 v27, v19;
	v27 =	vmul.f32 v30, v30;
	v30 =	vld.idx.msk [tilespmem:v56+s17+$0x0], $0xffff  }
0x40a: {  	v18 =	vadd.f32 v54, v18;
	v54 =	vld.idx.msk [tilespmem:v60+s16+$0x0], $0xffff;
	v25 =	vadd.f32 v28, v25;
	v28 =	vmul.f32 v55, v51  }
0x40b: {  	v15 =	vadd.f32 v27, v15;
	v27 =	vmul.f32 v51, v51;
	v51 =	vmul.f32 v55, v55;
	v55 =	vld.idx.msk [tilespmem:v60+s17+$0x0], $0xffff  }
0x40c: {  	v56 =	vmul.f32 v57, v57;
	v21 =	vadd.f32 v28, v21;
	v28 =	vmul.f32 v58, v57;
	v57 =	vld.idx.msk [tilespmem:v53+s16+$0x0], $0xffff  }
0x40d: {  	v16 =	vadd.f32 v51, v16;
	v51 =	vld.idx.msk [tilespmem:v53+s17+$0x0], $0xffff  }
0x40e: {  	v20 =	vadd.f32 v27, v20;
	v27 =	vmul.f32 v58, v58;
	v53 =	vld.idx.msk [tilespmem:v45+s16+$0x0], $0xffff  }
0x40f: {  	v45 =	vld.idx.msk [tilespmem:v45+s17+$0x0], $0xffff;
	v24 =	vadd.f32 v28, v24;
	v28 =	vmul.f32 v52, v29  }
0x410: {  	v17 =	vadd.f32 v27, v17;
	v27 =	vmul.f32 v29, v29;
	v29 =	vmul.f32 v52, v52  }
0x411: {  	v22 =	vadd.f32 v56, v22;
	v52 =	vmul.f32 v59, v59;
	v26 =	vadd.f32 v28, v26  }
0x412: {  	v28 =	vmul.f32 v30, v59;
	v23 =	vadd.f32 v27, v23;
	v19 =	vadd.f32 v29, v19  }
0x413: {  	v27 =	vmul.f32 v30, v30;
	v18 =	vadd.f32 v52, v18;
	v29 =	vmul.f32 v55, v55  }
0x414: {  	v25 =	vadd.f32 v28, v25;
	v28 =	vmul.f32 v55, v54;
	v30 =	vmul.f32 v45, v53  }
0x415: {  	v58 =	vmul.f32 v45, v45;
	v15 =	vadd.f32 v27, v15;
	v27 =	vmul.f32 v54, v54  }
0x416: {  	v16 =	vadd.f32 v29, v16;
	v21 =	vadd.f32 v28, v21;
	v28 =	vmul.f32 v51, v57  }
0x417: {  	v26 =	vadd.f32 v30, v26;
	v20 =	vadd.f32 v27, v20;
	v27 =	vmul.f32 v57, v57  }
0x418: {  	v19 =	vadd.f32 v58, v19;
	v24 =	vadd.f32 v28, v24;
	v28 =	vmul.f32 v53, v53  }
0x419: {  	v15 =	vadd.f32 v16, v15;
	v22 =	vadd.f32 v27, v22;
	v27 =	vmul.f32 v51, v51  }
0x41a: {  	v21 =	vadd.f32 v21, v25;
	v23 =	vadd.f32 v28, v23  }
0x41b: {  	v24 =	vadd.f32 v26, v24;
	v17 =	vadd.f32 v27, v17  }
0x41c: {  	p0 =	sne.s32 s10, $0x40;
	v60 =	vld [tilespmem:$0x1FFC0];
	v18 =	vadd.f32 v20, v18;
	v20 =	vadd.f32 v23, v22  }
.Ltmp1:
0x41d: {  	v59 =	vld [tilespmem:$0x1FFB0];
	v21 =	vadd.f32 v24, v21;
	v16 =	vadd.f32 v19, v17;
	(pc) =	sbr.rel @p0 .LBB2_6-.Ltmp1, $4  }
0x41e: {  	v54 =	vld [tilespmem:$0x1FFE0];
	v17 =	vadd.f32 v20, v18  }
0x41f: {  	v29 =	vld [tilespmem:$0x1FF90];
	[tilespmem:s29+$0x0] =	vst v21;
	v15 =	vadd.f32 v16, v15  }
0x420: {  	s10 =	sadd.s32 $0x10, s10;
	v53 =	vld [tilespmem:$0x1FFD0];
	[tilespmem:s28+$0x0] =	vst v17  }
0x421: {  	v19 =	vld [tilespmem:$0x1FFA0];
	v18 =	vlaneseq.u32;
	s29 =	sadd.s32 $0x10, s29;
	s28 =	sadd.s32 $0x10, s28;
	[tilespmem:s21+$0x0] =	vst v15;
	s21 =	sadd.s32 $0x10, s21  }
0x422: {  	s26 =	sadd.s32 $0x1, s26  }
0x423: {  	p0 =	sne.s32 s26, $0x19  }
.Ltmp2:
0x424: {  	_ = 	snop;
	(pc) =	sbr.rel @p0 .LBB2_3-.Ltmp2, $3  }
0x425: {  	_ =	sdelay $0x1  }
0x426: {  	s20 =	sadd.s32 $0xA0, s20;
	s2 =	sadd.s32 $0xA0, s2;
	s23 =	sadd.s32 $0xA0, s23  }
0x427: {  	v58 =	vmov v5;
	s31 =	sadd.s32 $0xA0, s31;
	s1 =	sadd.s32 $0xA0, s1;
	s5 =	sadd.s32 $0xA0, s5  }
0x428: {  	s1 =	sadd.s32 s6, s25;
	s2 =	simm.s32 $0xC000  }
0x429: {  	[hbm4b:s1+s3] =	stream.linear.scatter [tilespmem:s2], [sflag:$0x3], $0xFA0, $0x38;
	[tilespmem:$0xF000] =	vst v63  }
0x42a: {  	_ =	swait.ge [sflag:s11], $0xFA0  }
0x42b: {  	[sflag:s11] =	ssyncset.done $0x0  }
0x42c: {  	s29 =	sadd.s32 s7, s25;
	s30 =	simm.s32 $0xD000;
	[sflag:s11] =	ssyncadd.s32 $0xFFFFF060  }
0x42d: {  	[hbm4b:s29+s3] =	stream.linear.scatter [tilespmem:s30], [sflag:$0x3], $0xFA0, $0x38;
	[tilespmem:$0xF000] =	vst v63  }
0x42e: {  	s24 =	sadd.s32 $0x1, s24;
	_ =	swait.ge [sflag:s11], $0xFA0  }
0x42f: {  	p0 =	sne.s32 s24, $0x5;
	[sflag:s11] =	ssyncset.done $0x0  }
.Ltmp3:
0x430: {  	s31 =	sadd.s32 s8, s25;
	[sflag:s11] =	ssyncadd.s32 $0xFFFFF060;
	(pc) =	sbr.rel @p0 .LBB2_2-.Ltmp3, $4  }
0x431: {  	[hbm4b:s31+s3] =	stream.linear.scatter [tilespmem:s22], [sflag:$0x3], $0xFA0, $0x38;
	[tilespmem:$0xF000] =	vst v63  }
0x432: {  	_ =	swait.ge [sflag:s11], $0xFA0  }
0x433: {  	[sflag:s11] =	ssyncset.done $0x0  }
0x434: {  	[sflag:s11] =	ssyncadd.s32 $0xFFFFF060  }
0x435: {  	s2 =	rddreg [dreg:$0x4]  }
0x436: {  	s1 =	rddreg [dreg:$0x3];
	s2 =	sadd.s32 $0x1, s2  }
0x437: {  	p0 =	sne.s32 s2, s1  }
.Ltmp4:
0x438: {  	_ = 	snop;
	(pc) =	sbr.rel @p0 .LBB2_1-.Ltmp4, $1  }
0x439: {  	_ =	sdelay $0x3  }
0x43a: {  	_ =	sfence.sel $0x180000  }
0x43b: {  	[bflag:$0x0] =	sbarrier.arrive $0xFFFF  }
0x43c: {  	_ =	strace $0x90000047  }
0x43d: {  	s0 =	stileid.u32;
	[bflag:$0x2] =	sbarrier.arrive $0xFFFF  }
0x43e: {  	p0 =	sne.s32 s0, $0x0;
	s0 =	rddreg [dreg:$0x2]  }
0x43f: {  	s0 =	sadd.s32 @!p0 $0x100000, s0  }
0x440: {  	[sflag:s0] =	ssyncadd.tile.s32 @!p0 $0x1;
	_ =	shalt  }
.Lfunc_end2:
_tile_overlayer_lowered:
.L_overlay_start_2:
0x441: {  	(tag) =	ssettag $0x2  }
0x442: {  	s0 =	rddreg [dreg:$0x0];
	s2 =	stileid.u32  }
0x443: {  	s1 =	rddreg [dreg:$0x1];
	p0 =	sne.s32 s2, $0x0  }
0x444: {  	s3 =	rddreg [dreg:$0x2];
	[bflag:$0x3] =	sbarrier.arrive $0xFFFF;
	s2 =	simm.s32 @!p0 $0x1C03  }
0x445: {  	[timem:s3], [sflag:s2] =	dma.local @!p0 [hbm:s0], s1  }
0x446: {  	s0 =	simm.s32 @!p0 $0x3  }
0x447: {  	_ =	swait.ge @!p0 [sflag:s0], s1  }
0x448: {  	s1 =	ssub.s32 @!p0 $0x0, s1;
	[sflag:s0] =	ssyncset.done @!p0 $0x0  }
0x449: {  	[sflag:s0] =	ssyncadd.s32 @!p0 s1  }
0x44a: {  	[bflag:$0x3] =	sbarrier.arrive $0xFFFF  }
0x44b: {  	_ =	shalt  }

</sc_bundles>
